<compile_context>
chip_gen: v7x
topology: tpu7x:2x2x1
jax: 0.10.2.dev20260603
libtpu: 0.0.44.dev20260713+nightly
codegen_flags: <defaults>
</compile_context>

<pallas_src>
import functools

import jax
import jax.numpy as jnp
from jax import lax
from jax.experimental import pallas as pl
from jax.experimental.pallas import tpu as pltpu
from jax.experimental.pallas import tpu_sc as plsc

NUM_EMB = 1000000
D = 32
BATCH = 16384
SEQ = 50
N = BATCH * SEQ

NC = 2
NS = 16
NW = NC * NS
ROWS_PER_W = N // NW
BAGS_PER_CHUNK = 2
CHUNK = BAGS_PER_CHUNK * SEQ
NCHUNK = ROWS_PER_W // CHUNK
BAGS_PER_W = BATCH // NW
NBUF = 2
INV_SEQ = 1.0 / SEQ
PACKW = 112
TBLK = 16
CH_PER_BLK = TBLK // BAGS_PER_CHUNK
NBLKW = BAGS_PER_W // TBLK


def _sc_body(idx_hbm, table_hbm, emb_hbm, bag_hbm, idx_v, packed_v, rows_v,
             stg_v, bag_v, *sems):
  sem_g = sems[:NBUF]
  sem_o = sems[NBUF:]
  wid = lax.axis_index("s") * NC + lax.axis_index("c")
  row_base = wid * ROWS_PER_W
  bag_base = wid * BAGS_PER_W
  lane = lax.iota(jnp.int32, 16)

  def gather_start(chunk, buf):
    pltpu.make_async_copy(
        table_hbm.at[packed_v.at[pl.ds(chunk * PACKW, CHUNK)]],
        rows_v.at[buf], sem_g[buf]).start()

  def gather_wait(chunk, buf):
    pltpu.make_async_copy(
        table_hbm.at[packed_v.at[pl.ds(chunk * PACKW, CHUNK)]],
        rows_v.at[buf], sem_g[buf]).wait()

  def block_copy(blk, sb):
    return pltpu.make_async_copy(
        stg_v.at[sb],
        emb_hbm.at[:, :, pl.ds((wid * NBLKW + blk) * TBLK, TBLK)],
        sem_o[sb])

  def compute(chunk, buf, sb):
    stg = stg_v.at[sb]
    zeros = lane - lane
    d0 = lane
    d1 = lane + 16
    for t in range(BAGS_PER_CHUNK):
      tl = (BAGS_PER_CHUNK * chunk + t) % TBLK
      t_id = jnp.broadcast_to(tl, (16,)).astype(jnp.int32)
      base = t * SEQ
      acc0 = rows_v[buf, base, 0:16]
      acc1 = rows_v[buf, base, 16:32]
      plsc.store_scatter(stg, [zeros, d0, t_id], acc0)
      plsc.store_scatter(stg, [zeros, d1, t_id], acc1)

      @pl.loop(1, SEQ, init_carry=(zeros + 1, acc0, acc1), unroll=7)
      def _rows(r, carry):
        s_id, a0, a1 = carry
        v0 = rows_v[buf, base + r, 0:16]
        v1 = rows_v[buf, base + r, 16:32]
        plsc.store_scatter(stg, [s_id, d0, t_id], v0)
        plsc.store_scatter(stg, [s_id, d1, t_id], v1)
        return (s_id + 1, a0 + v0, a1 + v1)

      _, acc0, acc1 = _rows
      bb = BAGS_PER_CHUNK * chunk + t
      bag_v[bb, 0:16] = acc0 * INV_SEQ
      bag_v[bb, 16:32] = acc1 * INV_SEQ

  pltpu.sync_copy(idx_hbm.at[pl.ds(row_base, ROWS_PER_W)], idx_v)

  @pl.loop(0, NCHUNK)
  def _repack(j):
    src_base = j * CHUNK
    for m in range(PACKW // 16):
      src = jnp.minimum(src_base + m * 16 + lane, ROWS_PER_W - 1)
      packed_v[pl.ds(j * PACKW + m * 16, 16)] = plsc.load_gather(
          idx_v, [src])

  for b in range(NBUF):
    gather_start(b, b)

  @pl.loop(0, NBLKW // 2)
  def _main(g):
    for sb in range(2):
      blk = 2 * g + sb

      @pl.when(blk >= 2)
      def _drain():
        block_copy(blk - 2, sb).wait()

      @pl.loop(0, CH_PER_BLK // 2)
      def _chunks(cp):
        for b in range(2):
          c = 2 * cp + b
          j = blk * CH_PER_BLK + c
          gather_wait(j, b)
          compute(j, b, sb)

          @pl.when(j + NBUF < NCHUNK)
          def _next():
            gather_start(j + NBUF, b)

      block_copy(blk, sb).start()

  block_copy(NBLKW - 2, (NBLKW - 2) % 2).wait()
  block_copy(NBLKW - 1, (NBLKW - 1) % 2).wait()

  pltpu.sync_copy(bag_v, bag_hbm.at[pl.ds(bag_base, BAGS_PER_W)])


@jax.jit
def _run(flat_idx, table):
  mesh = plsc.VectorSubcoreMesh(core_axis_name="c", subcore_axis_name="s")
  scratch = [
      pltpu.VMEM((ROWS_PER_W,), jnp.int32),
      pltpu.VMEM((NCHUNK * PACKW,), jnp.int32),
      pltpu.VMEM((NBUF, CHUNK, D), jnp.float32),
      pltpu.VMEM((2, SEQ, D, TBLK), jnp.float32),
      pltpu.VMEM((BAGS_PER_W, D), jnp.float32),
  ] + [pltpu.SemaphoreType.DMA] * (NBUF + 2)
  f = pl.kernel(
      _sc_body,
      out_type=(
          jax.ShapeDtypeStruct((SEQ, D, BATCH), jnp.float32),
          jax.ShapeDtypeStruct((BATCH, D), jnp.float32),
      ),
      mesh=mesh,
      scratch_types=scratch,
      compiler_params=pltpu.CompilerParams(
          use_tc_tiling_on_sc=False, needs_layout_passes=False),
  )
  return f(flat_idx, table)


def kernel(indices, flat_indices, offsets, table):
  del indices, offsets
  emb3, bag = _run(flat_indices, table)
  emb = jnp.transpose(emb3, (2, 0, 1))
  onehot = jax.nn.one_hot(jnp.arange(5) % 3, 5, dtype=jnp.int32)
  return (emb, bag, onehot)

# --- scband reference (transcript-rebuilt; emitter-appended) ---
"""Pipeline reference for scband-nnsparse-module-16286515986464 (READ-ONLY COPY).

The authoritative reference and input builder live on the scoring server;
editing this copy changes nothing except your own understanding.
"""

import jax, jax.numpy as jnp
import numpy as np

NUM_EMBEDDINGS = 1000000
EMBED_DIM = 32
BATCH = 16384
SEQ = 50


def setup_inputs(seed: int = 0) -> dict:
    key = jax.random.key(seed)
    k1, k2 = jax.random.split(key, 2)
    # indices for F.embedding: [B, L] token ids into the table
    indices = jax.random.randint(k1, (BATCH, SEQ), 0, NUM_EMBEDDINGS, dtype=jnp.int32)
    # flat indices for F.embedding_bag (original module uses the flattened version of `input`)
    flat_indices = indices.reshape(-1)
    # bag start offsets: uniform bags of length SEQ (arange scaled by bag size)
    offsets = jnp.arange(BATCH, dtype=jnp.int32) * SEQ
    # learned embedding table (torch.rand -> uniform[0,1))
    table = jax.random.uniform(k2, (NUM_EMBEDDINGS, EMBED_DIM), dtype=jnp.float32)
    return {"indices": indices, "flat_indices": flat_indices, "offsets": offsets, "table": table}


def reference(indices, flat_indices, offsets, table):
    # F.embedding: pure gather
    emb = jnp.take(table, indices, axis=0)  # [B, L, D]

    # F.embedding_bag with default mode='mean': gather + segment mean over bags
    n = flat_indices.shape[0]
    num_bags = offsets.shape[0]
    gathered = jnp.take(table, flat_indices, axis=0)  # [N, D]
    positions = jnp.arange(n, dtype=offsets.dtype)
    segment_ids = jnp.searchsorted(offsets, positions, side='right') - 1  # [N]
    sums = jax.ops.segment_sum(gathered, segment_ids, num_segments=num_bags)  # [B, D]
    ends = jnp.concatenate([offsets[1:], jnp.array([n], dtype=offsets.dtype)])
    bag_sizes = (ends - offsets).astype(jnp.float32)
    bag = sums / jnp.maximum(bag_sizes, 1.0)[:, None]  # [B, D]

    # F.one_hot(arange(0,5) % 3, num_classes=5) as in the original forward
    onehot = jax.nn.one_hot(jnp.arange(5) % 3, 5, dtype=jnp.int32)

    return (emb, bag, onehot)

if __name__ == "__main__":
    import jax
    _d = setup_inputs()
    print(jax.jit(kernel)(*tuple(_d.values())))

</pallas_src>

<mosaic_0001>
#map = affine_map<(d0, d1) -> (0)>
#map1 = affine_map<(d0, d1) -> (0, 0)>
#map2 = affine_map<(d0, d1) -> (0, 0, 0)>
module attributes {stable_mosaic.version = 14 : i64} {
  func.func @_sc_body(%arg0: i32, %arg1: i32, %arg2: memref<819200xi32, #tpu.memory_space<hbm>>, %arg3: memref<1000000x32xf32, #tpu.memory_space<hbm>>, %arg4: memref<50x32x16384xf32, #tpu.memory_space<hbm>>, %arg5: memref<16384x32xf32, #tpu.memory_space<hbm>>, %arg6: memref<25600xi32, #tpu.memory_space<vmem>>, %arg7: memref<28672xi32, #tpu.memory_space<vmem>>, %arg8: memref<2x100x32xf32, #tpu.memory_space<vmem>>, %arg9: memref<2x50x32x16xf32, #tpu.memory_space<vmem>>, %arg10: memref<512x32xf32, #tpu.memory_space<vmem>>, %arg11: memref<!tpu.dma_semaphore, #tpu.memory_space<semaphore_mem>>, %arg12: memref<!tpu.dma_semaphore, #tpu.memory_space<semaphore_mem>>, %arg13: memref<!tpu.dma_semaphore, #tpu.memory_space<semaphore_mem>>, %arg14: memref<!tpu.dma_semaphore, #tpu.memory_space<semaphore_mem>>) attributes {dimension_semantics = [#tpu.dimension_semantics<core_parallel>, #tpu.dimension_semantics<subcore_parallel>], iteration_bounds = array<i64: 2, 16>, scalar_prefetch = 0 : i64, scratch_operands = 9 : i64, tpu.core_type = #tpu.core_type<sc_vector_subcore>, window_params = [{transform_indices = #map}, {transform_indices = #map1}, {transform_indices = #map2}, {transform_indices = #map1}]} {
    %mul3A = arith.constant 2 : i32
    %mul3A_0 = arith.muli %arg1, %mul3A : i32
    %add3A = arith.addi %mul3A_0, %arg0 : i32
    %mul3A_1 = arith.constant 25600 : i32
    %mul3A_2 = arith.muli %add3A, %mul3A_1 : i32
    %mul3A_3 = arith.constant 512 : i32
    %mul3A_4 = arith.muli %add3A, %mul3A_3 : i32
    %iota3A = tpu.iota {dimensions = array<i32: 0>} : vector<16xi32>
    "tpu.region"() ({
      %run_scoped3A = tpu.sem_alloc : memref<!tpu.dma_semaphore, #tpu.memory_space<semaphore_mem>>
      %dma_start3A_78 = tpu.memref_slice %arg2[%mul3A_2] : memref<819200xi32, #tpu.memory_space<hbm>> -> memref<25600xi32, #tpu.memory_space<hbm>>
      %dma_start3A_79 = tpu.memref_slice %arg2[%mul3A_2] : memref<819200xi32, #tpu.memory_space<hbm>> -> memref<25600xi32, #tpu.memory_space<hbm>>
      tpu.enqueue_dma source(%dma_start3A_79 : memref<25600xi32, #tpu.memory_space<hbm>>) target(%arg6 : memref<25600xi32, #tpu.memory_space<vmem>>) target_semaphore(%run_scoped3A : memref<!tpu.dma_semaphore, #tpu.memory_space<semaphore_mem>>)
      %dma_wait3A_80 = tpu.memref_slice %arg2[%mul3A_2] : memref<819200xi32, #tpu.memory_space<hbm>> -> memref<25600xi32, #tpu.memory_space<hbm>>
      %dma_wait3A_81 = tpu.memref_slice %arg2[%mul3A_2] : memref<819200xi32, #tpu.memory_space<hbm>> -> memref<25600xi32, #tpu.memory_space<hbm>>
      tpu.wait_dma2 semaphore(%run_scoped3A : memref<!tpu.dma_semaphore, #tpu.memory_space<semaphore_mem>>) src(%dma_wait3A_81 : memref<25600xi32, #tpu.memory_space<hbm>>) dst(%arg6 : memref<25600xi32, #tpu.memory_space<vmem>>)
      tpu.yield
    }) : () -> ()
    %scan3A = arith.constant 0 : i32
    %scan3A_5 = arith.constant 256 : i32
    %scan3A_6 = arith.addi %scan3A, %scan3A_5 : i32
    %scan3A_7 = arith.constant 1 : i32
    scf.for %scan3A_78 = %scan3A to %scan3A_6 step %scan3A_7  : i32 {
      %mul3A_79 = arith.constant 1 : i32
      %mul3A_80 = arith.muli %scan3A_78, %mul3A_79 : i32
      %add3A_81 = arith.constant 0 : i32
      %add3A_82 = arith.addi %add3A_81, %mul3A_80 : i32
      %mul3A_83 = arith.constant 100 : i32
      %mul3A_84 = arith.muli %add3A_82, %mul3A_83 : i32
      %add3A_85 = arith.constant 0 : i32
      %add3A_86 = arith.addi %mul3A_84, %add3A_85 : i32
      %add3A_87 = vector.broadcast %add3A_86 : i32 to vector<16xi32>
      %add3A_88 = arith.addi %add3A_87, %iota3A : vector<16xi32>
      %min3A = arith.constant 25599 : i32
      %min3A_89 = vector.broadcast %min3A : i32 to vector<16xi32>
      %min3A_90 = arith.minsi %add3A_88, %min3A_89 : vector<16xi32>
      %gather3A = tpu.vector_load_idx %arg6[%min3A_90] : memref<25600xi32, #tpu.memory_space<vmem>>[vector<16xi32>], vector<16xi32>,
      %mul3A_91 = arith.constant 112 : i32
      %mul3A_92 = arith.muli %add3A_82, %mul3A_91 : i32
      %add3A_93 = arith.constant 0 : i32
      %add3A_94 = arith.addi %mul3A_92, %add3A_93 : i32
      %swap3A = arith.index_cast %add3A_94 : i32 to index
      %swap3A_95 = tpu.vector_load %arg7[%swap3A] {strides = array<i32>} : memref<28672xi32, #tpu.memory_space<vmem>>, vector<16xi32>,
      tpu.vector_store %arg7[%swap3A], %gather3A {strides = array<i32>} : memref<28672xi32, #tpu.memory_space<vmem>>, vector<16xi32>,
      %add3A_96 = arith.constant 16 : i32
      %add3A_97 = arith.addi %mul3A_84, %add3A_96 : i32
      %add3A_98 = vector.broadcast %add3A_97 : i32 to vector<16xi32>
      %add3A_99 = arith.addi %add3A_98, %iota3A : vector<16xi32>
      %min3A_100 = arith.constant 25599 : i32
      %min3A_101 = vector.broadcast %min3A_100 : i32 to vector<16xi32>
      %min3A_102 = arith.minsi %add3A_99, %min3A_101 : vector<16xi32>
      %gather3A_103 = tpu.vector_load_idx %arg6[%min3A_102] : memref<25600xi32, #tpu.memory_space<vmem>>[vector<16xi32>], vector<16xi32>,
      %mul3A_104 = arith.constant 112 : i32
      %mul3A_105 = arith.muli %add3A_82, %mul3A_104 : i32
      %add3A_106 = arith.constant 16 : i32
      %add3A_107 = arith.addi %mul3A_105, %add3A_106 : i32
      %swap3A_108 = arith.index_cast %add3A_107 : i32 to index
      %swap3A_109 = tpu.vector_load %arg7[%swap3A_108] {strides = array<i32>} : memref<28672xi32, #tpu.memory_space<vmem>>, vector<16xi32>,
      tpu.vector_store %arg7[%swap3A_108], %gather3A_103 {strides = array<i32>} : memref<28672xi32, #tpu.memory_space<vmem>>, vector<16xi32>,
      %add3A_110 = arith.constant 32 : i32
      %add3A_111 = arith.addi %mul3A_84, %add3A_110 : i32
      %add3A_112 = vector.broadcast %add3A_111 : i32 to vector<16xi32>
      %add3A_113 = arith.addi %add3A_112, %iota3A : vector<16xi32>
      %min3A_114 = arith.constant 25599 : i32
      %min3A_115 = vector.broadcast %min3A_114 : i32 to vector<16xi32>
      %min3A_116 = arith.minsi %add3A_113, %min3A_115 : vector<16xi32>
      %gather3A_117 = tpu.vector_load_idx %arg6[%min3A_116] : memref<25600xi32, #tpu.memory_space<vmem>>[vector<16xi32>], vector<16xi32>,
      %mul3A_118 = arith.constant 112 : i32
      %mul3A_119 = arith.muli %add3A_82, %mul3A_118 : i32
      %add3A_120 = arith.constant 32 : i32
      %add3A_121 = arith.addi %mul3A_119, %add3A_120 : i32
      %swap3A_122 = arith.index_cast %add3A_121 : i32 to index
      %swap3A_123 = tpu.vector_load %arg7[%swap3A_122] {strides = array<i32>} : memref<28672xi32, #tpu.memory_space<vmem>>, vector<16xi32>,
      tpu.vector_store %arg7[%swap3A_122], %gather3A_117 {strides = array<i32>} : memref<28672xi32, #tpu.memory_space<vmem>>, vector<16xi32>,
      %add3A_124 = arith.constant 48 : i32
      %add3A_125 = arith.addi %mul3A_84, %add3A_124 : i32
      %add3A_126 = vector.broadcast %add3A_125 : i32 to vector<16xi32>
      %add3A_127 = arith.addi %add3A_126, %iota3A : vector<16xi32>
      %min3A_128 = arith.constant 25599 : i32
      %min3A_129 = vector.broadcast %min3A_128 : i32 to vector<16xi32>
      %min3A_130 = arith.minsi %add3A_127, %min3A_129 : vector<16xi32>
      %gather3A_131 = tpu.vector_load_idx %arg6[%min3A_130] : memref<25600xi32, #tpu.memory_space<vmem>>[vector<16xi32>], vector<16xi32>,
      %mul3A_132 = arith.constant 112 : i32
      %mul3A_133 = arith.muli %add3A_82, %mul3A_132 : i32
      %add3A_134 = arith.constant 48 : i32
      %add3A_135 = arith.addi %mul3A_133, %add3A_134 : i32
      %swap3A_136 = arith.index_cast %add3A_135 : i32 to index
      %swap3A_137 = tpu.vector_load %arg7[%swap3A_136] {strides = array<i32>} : memref<28672xi32, #tpu.memory_space<vmem>>, vector<16xi32>,
      tpu.vector_store %arg7[%swap3A_136], %gather3A_131 {strides = array<i32>} : memref<28672xi32, #tpu.memory_space<vmem>>, vector<16xi32>,
      %add3A_138 = arith.constant 64 : i32
      %add3A_139 = arith.addi %mul3A_84, %add3A_138 : i32
      %add3A_140 = vector.broadcast %add3A_139 : i32 to vector<16xi32>
      %add3A_141 = arith.addi %add3A_140, %iota3A : vector<16xi32>
      %min3A_142 = arith.constant 25599 : i32
      %min3A_143 = vector.broadcast %min3A_142 : i32 to vector<16xi32>
      %min3A_144 = arith.minsi %add3A_141, %min3A_143 : vector<16xi32>
      %gather3A_145 = tpu.vector_load_idx %arg6[%min3A_144] : memref<25600xi32, #tpu.memory_space<vmem>>[vector<16xi32>], vector<16xi32>,
      %mul3A_146 = arith.constant 112 : i32
      %mul3A_147 = arith.muli %add3A_82, %mul3A_146 : i32
      %add3A_148 = arith.constant 64 : i32
      %add3A_149 = arith.addi %mul3A_147, %add3A_148 : i32
      %swap3A_150 = arith.index_cast %add3A_149 : i32 to index
      %swap3A_151 = tpu.vector_load %arg7[%swap3A_150] {strides = array<i32>} : memref<28672xi32, #tpu.memory_space<vmem>>, vector<16xi32>,
      tpu.vector_store %arg7[%swap3A_150], %gather3A_145 {strides = array<i32>} : memref<28672xi32, #tpu.memory_space<vmem>>, vector<16xi32>,
      %add3A_152 = arith.constant 80 : i32
      %add3A_153 = arith.addi %mul3A_84, %add3A_152 : i32
      %add3A_154 = vector.broadcast %add3A_153 : i32 to vector<16xi32>
      %add3A_155 = arith.addi %add3A_154, %iota3A : vector<16xi32>
      %min3A_156 = arith.constant 25599 : i32
      %min3A_157 = vector.broadcast %min3A_156 : i32 to vector<16xi32>
      %min3A_158 = arith.minsi %add3A_155, %min3A_157 : vector<16xi32>
      %gather3A_159 = tpu.vector_load_idx %arg6[%min3A_158] : memref<25600xi32, #tpu.memory_space<vmem>>[vector<16xi32>], vector<16xi32>,
      %mul3A_160 = arith.constant 112 : i32
      %mul3A_161 = arith.muli %add3A_82, %mul3A_160 : i32
      %add3A_162 = arith.constant 80 : i32
      %add3A_163 = arith.addi %mul3A_161, %add3A_162 : i32
      %swap3A_164 = arith.index_cast %add3A_163 : i32 to index
      %swap3A_165 = tpu.vector_load %arg7[%swap3A_164] {strides = array<i32>} : memref<28672xi32, #tpu.memory_space<vmem>>, vector<16xi32>,
      tpu.vector_store %arg7[%swap3A_164], %gather3A_159 {strides = array<i32>} : memref<28672xi32, #tpu.memory_space<vmem>>, vector<16xi32>,
      %add3A_166 = arith.constant 96 : i32
      %add3A_167 = arith.addi %mul3A_84, %add3A_166 : i32
      %add3A_168 = vector.broadcast %add3A_167 : i32 to vector<16xi32>
      %add3A_169 = arith.addi %add3A_168, %iota3A : vector<16xi32>
      %min3A_170 = arith.constant 25599 : i32
      %min3A_171 = vector.broadcast %min3A_170 : i32 to vector<16xi32>
      %min3A_172 = arith.minsi %add3A_169, %min3A_171 : vector<16xi32>
      %gather3A_173 = tpu.vector_load_idx %arg6[%min3A_172] : memref<25600xi32, #tpu.memory_space<vmem>>[vector<16xi32>], vector<16xi32>,
      %mul3A_174 = arith.constant 112 : i32
      %mul3A_175 = arith.muli %add3A_82, %mul3A_174 : i32
      %add3A_176 = arith.constant 96 : i32
      %add3A_177 = arith.addi %mul3A_175, %add3A_176 : i32
      %swap3A_178 = arith.index_cast %add3A_177 : i32 to index
      %swap3A_179 = tpu.vector_load %arg7[%swap3A_178] {strides = array<i32>} : memref<28672xi32, #tpu.memory_space<vmem>>, vector<16xi32>,
      tpu.vector_store %arg7[%swap3A_178], %gather3A_173 {strides = array<i32>} : memref<28672xi32, #tpu.memory_space<vmem>>, vector<16xi32>,
    }
    %scan3A_8 = arith.constant 256 : i32
    %dma_start3A = arith.constant 0 : i32
    %dma_start3A_9 = arith.constant 0 : i32
    %dma_start3A_10 = arith.constant 0 : i32
    %dma_start3A_11 = tpu.memref_slice %arg8[%dma_start3A, %dma_start3A_9, %dma_start3A_10] : memref<2x100x32xf32, #tpu.memory_space<vmem>> -> memref<1x100x32xf32, #tpu.memory_space<vmem>>
    %dma_start3A_12 = tpu.memref_squeeze %dma_start3A_11 : memref<1x100x32xf32, #tpu.memory_space<vmem>> -> memref<100x32xf32, #tpu.memory_space<vmem>>
    %dma_start3A_13 = arith.constant 0 : i32
    %dma_start3A_14 = tpu.memref_slice %arg7[%dma_start3A_13] : memref<28672xi32, #tpu.memory_space<vmem>> -> memref<100xi32, #tpu.memory_space<vmem>>
    %dma_start3A_15 = arith.constant 0 : i32
    %dma_start3A_16 = arith.constant 0 : i32
    %dma_start3A_17 = tpu.memref_slice %arg3[%dma_start3A_15, %dma_start3A_16] : memref<1000000x32xf32, #tpu.memory_space<hbm>> -> memref<1000000x32xf32, #tpu.memory_space<hbm>>
    tpu.enqueue_indirect_dma source(%dma_start3A_17 : memref<1000000x32xf32, #tpu.memory_space<hbm>>) target(%dma_start3A_12 : memref<100x32xf32, #tpu.memory_space<vmem>>) offsets(%dma_start3A_14 : memref<100xi32, #tpu.memory_space<vmem>>) semaphore(%arg11 : memref<!tpu.dma_semaphore, #tpu.memory_space<semaphore_mem>>)
    %dma_start3A_18 = arith.constant 1 : i32
    %dma_start3A_19 = arith.constant 0 : i32
    %dma_start3A_20 = arith.constant 0 : i32
    %dma_start3A_21 = tpu.memref_slice %arg8[%dma_start3A_18, %dma_start3A_19, %dma_start3A_20] : memref<2x100x32xf32, #tpu.memory_space<vmem>> -> memref<1x100x32xf32, #tpu.memory_space<vmem>>
    %dma_start3A_22 = tpu.memref_squeeze %dma_start3A_21 : memref<1x100x32xf32, #tpu.memory_space<vmem>> -> memref<100x32xf32, #tpu.memory_space<vmem>>
    %dma_start3A_23 = arith.constant 112 : i32
    %dma_start3A_24 = tpu.memref_slice %arg7[%dma_start3A_23] : memref<28672xi32, #tpu.memory_space<vmem>> -> memref<100xi32, #tpu.memory_space<vmem>>
    %dma_start3A_25 = arith.constant 0 : i32
    %dma_start3A_26 = arith.constant 0 : i32
    %dma_start3A_27 = tpu.memref_slice %arg3[%dma_start3A_25, %dma_start3A_26] : memref<1000000x32xf32, #tpu.memory_space<hbm>> -> memref<1000000x32xf32, #tpu.memory_space<hbm>>
    tpu.enqueue_indirect_dma source(%dma_start3A_27 : memref<1000000x32xf32, #tpu.memory_space<hbm>>) target(%dma_start3A_22 : memref<100x32xf32, #tpu.memory_space<vmem>>) offsets(%dma_start3A_24 : memref<100xi32, #tpu.memory_space<vmem>>) semaphore(%arg12 : memref<!tpu.dma_semaphore, #tpu.memory_space<semaphore_mem>>)
    %scan3A_28 = arith.constant 0 : i32
    %scan3A_29 = arith.constant 16 : i32
    %scan3A_30 = arith.addi %scan3A_28, %scan3A_29 : i32
    %scan3A_31 = arith.constant 1 : i32
    scf.for %scan3A_78 = %scan3A_28 to %scan3A_30 step %scan3A_31  : i32 {
      %mul3A_79 = arith.constant 1 : i32
      %mul3A_80 = arith.muli %scan3A_78, %mul3A_79 : i32
      %add3A_81 = arith.constant 0 : i32
      %add3A_82 = arith.addi %add3A_81, %mul3A_80 : i32
      %mul3A_83 = arith.constant 2 : i32
      %mul3A_84 = arith.muli %mul3A_83, %add3A_82 : i32
      %add3A_85 = arith.constant 0 : i32
      %add3A_86 = arith.addi %mul3A_84, %add3A_85 : i32
      %ge3A = arith.constant 2 : i32
      %ge3A_87 = arith.cmpi sge, %add3A_86, %ge3A : i32
      %convert_element_type3A = arith.extui %ge3A_87 : i1 to i32
      %cond3A = arith.constant 0 : i32
      %cond3A_88 = arith.cmpi ne, %convert_element_type3A, %cond3A : i32
      scf.if %cond3A_88 {
        %sub3A = arith.constant 2 : i32
        %sub3A_152 = arith.subi %add3A_86, %sub3A : i32
        %mul3A_153 = arith.constant 32 : i32
        %mul3A_154 = arith.muli %add3A, %mul3A_153 : i32
        %add3A_155 = arith.addi %mul3A_154, %sub3A_152 : i32
        %mul3A_156 = arith.constant 16 : i32
        %mul3A_157 = arith.muli %add3A_155, %mul3A_156 : i32
        %dma_wait3A_158 = arith.constant 0 : i32
        %dma_wait3A_159 = arith.constant 0 : i32
        %dma_wait3A_160 = arith.constant 0 : i32
        %dma_wait3A_161 = arith.constant 0 : i32
        %dma_wait3A_162 = tpu.memref_slice %arg9[%dma_wait3A_158, %dma_wait3A_159, %dma_wait3A_160, %dma_wait3A_161] : memref<2x50x32x16xf32, #tpu.memory_space<vmem>> -> memref<1x50x32x16xf32, #tpu.memory_space<vmem>>
        %dma_wait3A_163 = tpu.memref_squeeze %dma_wait3A_162 : memref<1x50x32x16xf32, #tpu.memory_space<vmem>> -> memref<50x32x16xf32, #tpu.memory_space<vmem>>
        %dma_wait3A_164 = arith.constant 0 : i32
        %dma_wait3A_165 = arith.constant 0 : i32
        %dma_wait3A_166 = tpu.memref_slice %arg4[%dma_wait3A_164, %dma_wait3A_165, %mul3A_157] : memref<50x32x16384xf32, #tpu.memory_space<hbm>> -> memref<50x32x16xf32, #tpu.memory_space<hbm>>
        %dma_wait3A_167 = arith.constant 0 : i32
        %dma_wait3A_168 = arith.constant 0 : i32
        %dma_wait3A_169 = tpu.memref_slice %arg4[%dma_wait3A_167, %dma_wait3A_168, %mul3A_157] : memref<50x32x16384xf32, #tpu.memory_space<hbm>> -> memref<50x32x16xf32, #tpu.memory_space<hbm>>
        %dma_wait3A_170 = arith.constant 0 : i32
        %dma_wait3A_171 = arith.constant 0 : i32
        %dma_wait3A_172 = arith.constant 0 : i32
        %dma_wait3A_173 = tpu.memref_slice %arg9[%dma_wait3A_158, %dma_wait3A_170, %dma_wait3A_171, %dma_wait3A_172] : memref<2x50x32x16xf32, #tpu.memory_space<vmem>> -> memref<1x50x32x16xf32, #tpu.memory_space<vmem>>
        %dma_wait3A_174 = tpu.memref_squeeze %dma_wait3A_173 : memref<1x50x32x16xf32, #tpu.memory_space<vmem>> -> memref<50x32x16xf32, #tpu.memory_space<vmem>>
        tpu.wait_dma2 semaphore(%arg13 : memref<!tpu.dma_semaphore, #tpu.memory_space<semaphore_mem>>) src(%dma_wait3A_174 : memref<50x32x16xf32, #tpu.memory_space<vmem>>) dst(%dma_wait3A_169 : memref<50x32x16xf32, #tpu.memory_space<hbm>>)
      } else {
      }
      %scan3A_89 = arith.constant 0 : i32
      %scan3A_90 = arith.constant 4 : i32
      %scan3A_91 = arith.addi %scan3A_89, %scan3A_90 : i32
      %scan3A_92 = arith.constant 1 : i32
      scf.for %scan3A_152 = %scan3A_89 to %scan3A_91 step %scan3A_92  : i32 {
        %mul3A_153 = arith.constant 1 : i32
        %mul3A_154 = arith.muli %scan3A_152, %mul3A_153 : i32
        %add3A_155 = arith.constant 0 : i32
        %add3A_156 = arith.addi %add3A_155, %mul3A_154 : i32
        %mul3A_157 = arith.constant 2 : i32
        %mul3A_158 = arith.muli %mul3A_157, %add3A_156 : i32
        %add3A_159 = arith.constant 0 : i32
        %add3A_160 = arith.addi %mul3A_158, %add3A_159 : i32
        %mul3A_161 = arith.constant 8 : i32
        %mul3A_162 = arith.muli %add3A_86, %mul3A_161 : i32
        %add3A_163 = arith.addi %mul3A_162, %add3A_160 : i32
        %mul3A_164 = arith.constant 112 : i32
        %mul3A_165 = arith.muli %add3A_163, %mul3A_164 : i32
        %dma_wait3A_166 = arith.constant 0 : i32
        %dma_wait3A_167 = arith.constant 0 : i32
        %dma_wait3A_168 = arith.constant 0 : i32
        %dma_wait3A_169 = tpu.memref_slice %arg8[%dma_wait3A_166, %dma_wait3A_167, %dma_wait3A_168] : memref<2x100x32xf32, #tpu.memory_space<vmem>> -> memref<1x100x32xf32, #tpu.memory_space<vmem>>
        %dma_wait3A_170 = tpu.memref_squeeze %dma_wait3A_169 : memref<1x100x32xf32, #tpu.memory_space<vmem>> -> memref<100x32xf32, #tpu.memory_space<vmem>>
        %dma_wait3A_171 = tpu.memref_slice %arg7[%mul3A_165] : memref<28672xi32, #tpu.memory_space<vmem>> -> memref<100xi32, #tpu.memory_space<vmem>>
        %dma_wait3A_172 = arith.constant 0 : i32
        %dma_wait3A_173 = arith.constant 0 : i32
        %dma_wait3A_174 = tpu.memref_slice %arg3[%dma_wait3A_172, %dma_wait3A_173] : memref<1000000x32xf32, #tpu.memory_space<hbm>> -> memref<1000000x32xf32, #tpu.memory_space<hbm>>
        tpu.wait_indirect_dma semaphore(%arg11 : memref<!tpu.dma_semaphore, #tpu.memory_space<semaphore_mem>>) src(%dma_wait3A_174 : memref<1000000x32xf32, #tpu.memory_space<hbm>>) dst(%dma_wait3A_170 : memref<100x32xf32, #tpu.memory_space<vmem>>)
        %sub3A = arith.subi %iota3A, %iota3A : vector<16xi32>
        %add3A_175 = arith.constant 16 : i32
        %add3A_176 = vector.broadcast %add3A_175 : i32 to vector<16xi32>
        %add3A_177 = arith.addi %iota3A, %add3A_176 : vector<16xi32>
        %mul3A_178 = arith.constant 2 : i32
        %mul3A_179 = arith.muli %mul3A_178, %add3A_163 : i32
        %add3A_180 = arith.constant 0 : i32
        %add3A_181 = arith.addi %mul3A_179, %add3A_180 : i32
        %jit3A = arith.constant 16 : i32
        %eq3A = arith.constant 0 : i32
        %eq3A_182 = arith.cmpi eq, %jit3A, %eq3A : i32
        %jit3A_183 = arith.constant 1 : i32
        %select_n3A = arith.select %eq3A_182, %jit3A_183, %jit3A : i32
        %rem3A = arith.remsi %add3A_181, %select_n3A : i32
        %ne3A = arith.constant 0 : i32
        %ne3A_184 = arith.cmpi ne, %rem3A, %ne3A : i32
        %lt3A = arith.constant 0 : i32
        %lt3A_185 = arith.cmpi slt, %rem3A, %lt3A : i32
        %lt3A_186 = arith.constant 0 : i32
        %lt3A_187 = arith.cmpi slt, %select_n3A, %lt3A_186 : i32
        %ne3A_188 = arith.xori %lt3A_185, %lt3A_187 : i1
        %and3A = arith.andi %ne3A_188, %ne3A_184 : i1
        %add3A_189 = arith.addi %rem3A, %select_n3A : i32
        %select_n3A_190 = arith.select %and3A, %add3A_189, %rem3A : i32
        %broadcast_in_dim3A = vector.broadcast %select_n3A_190 : i32 to vector<16xi32>
        %get3A = arith.constant 0 : i32
        %get3A_191 = arith.constant 0 : i32
        %get3A_192 = arith.index_cast %get3A : i32 to index
        %get3A_193 = arith.index_cast %get3A_191 : i32 to index
        %get3A_194 = arith.constant 0 : index
        %get3A_195 = tpu.vector_load %arg8[%get3A_192, %get3A_193, %get3A_194] {strides = array<i32>} : memref<2x100x32xf32, #tpu.memory_space<vmem>>, vector<16xf32>,
        %get3A_196 = arith.constant 0 : i32
        %get3A_197 = arith.constant 0 : i32
        %get3A_198 = arith.index_cast %get3A_196 : i32 to index
        %get3A_199 = arith.index_cast %get3A_197 : i32 to index
        %get3A_200 = arith.constant 16 : index
        %get3A_201 = tpu.vector_load %arg8[%get3A_198, %get3A_199, %get3A_200] {strides = array<i32>} : memref<2x100x32xf32, #tpu.memory_space<vmem>>, vector<16xf32>,
        %scatter3A = arith.constant 0 : i32
        %scatter3A_202 = arith.constant 0 : i32
        %scatter3A_203 = arith.constant 0 : i32
        %scatter3A_204 = arith.constant 0 : i32
        %scatter3A_205 = tpu.memref_slice %arg9[%scatter3A, %scatter3A_202, %scatter3A_203, %scatter3A_204] : memref<2x50x32x16xf32, #tpu.memory_space<vmem>> -> memref<1x50x32x16xf32, #tpu.memory_space<vmem>>
        %scatter3A_206 = tpu.memref_squeeze %scatter3A_205 : memref<1x50x32x16xf32, #tpu.memory_space<vmem>> -> memref<50x32x16xf32, #tpu.memory_space<vmem>>
        tpu.vector_store_idx %scatter3A_206[%sub3A, %iota3A, %broadcast_in_dim3A], %get3A_195 : memref<50x32x16xf32, #tpu.memory_space<vmem>>[vector<16xi32>, vector<16xi32>, vector<16xi32>], vector<16xf32>,
        %scatter3A_207 = arith.constant 0 : i32
        %scatter3A_208 = arith.constant 0 : i32
        %scatter3A_209 = arith.constant 0 : i32
        %scatter3A_210 = arith.constant 0 : i32
        %scatter3A_211 = tpu.memref_slice %arg9[%scatter3A_207, %scatter3A_208, %scatter3A_209, %scatter3A_210] : memref<2x50x32x16xf32, #tpu.memory_space<vmem>> -> memref<1x50x32x16xf32, #tpu.memory_space<vmem>>
        %scatter3A_212 = tpu.memref_squeeze %scatter3A_211 : memref<1x50x32x16xf32, #tpu.memory_space<vmem>> -> memref<50x32x16xf32, #tpu.memory_space<vmem>>
        tpu.vector_store_idx %scatter3A_212[%sub3A, %add3A_177, %broadcast_in_dim3A], %get3A_201 : memref<50x32x16xf32, #tpu.memory_space<vmem>>[vector<16xi32>, vector<16xi32>, vector<16xi32>], vector<16xf32>,
        %add3A_213 = arith.constant 1 : i32
        %add3A_214 = vector.broadcast %add3A_213 : i32 to vector<16xi32>
        %add3A_215 = arith.addi %sub3A, %add3A_214 : vector<16xi32>
        %scan3A_216 = arith.constant 0 : i32
        %scan3A_217 = arith.constant 0 : i32
        %scan3A_218 = arith.constant 49 : i32
        %scan3A_219 = arith.addi %scan3A_217, %scan3A_218 : i32
        %scan3A_220 = arith.constant 7 : i32
        %scan3A_221:3 = scf.for %scan3A_487 = %scan3A_217 to %scan3A_219 step %scan3A_220 iter_args(%scan3A_488 = %add3A_215, %scan3A_489 = %get3A_195, %scan3A_490 = %get3A_201) -> (vector<16xi32>, vector<16xf32>, vector<16xf32>)  : i32 {
          %mul3A_491 = arith.constant 1 : i32
          %mul3A_492 = arith.muli %scan3A_487, %mul3A_491 : i32
          %add3A_493 = arith.constant 1 : i32
          %add3A_494 = arith.addi %add3A_493, %mul3A_492 : i32
          %add3A_495 = arith.constant 0 : i32
          %add3A_496 = arith.addi %add3A_495, %add3A_494 : i32
          %get3A_497 = arith.constant 0 : i32
          %get3A_498 = arith.index_cast %get3A_497 : i32 to index
          %get3A_499 = arith.index_cast %add3A_496 : i32 to index
          %get3A_500 = arith.constant 0 : index
          %get3A_501 = tpu.vector_load %arg8[%get3A_498, %get3A_499, %get3A_500] {strides = array<i32>} : memref<2x100x32xf32, #tpu.memory_space<vmem>>, vector<16xf32>,
          %add3A_502 = arith.constant 0 : i32
          %add3A_503 = arith.addi %add3A_502, %add3A_494 : i32
          %get3A_504 = arith.constant 0 : i32
          %get3A_505 = arith.index_cast %get3A_504 : i32 to index
          %get3A_506 = arith.index_cast %add3A_503 : i32 to index
          %get3A_507 = arith.constant 16 : index
          %get3A_508 = tpu.vector_load %arg8[%get3A_505, %get3A_506, %get3A_507] {strides = array<i32>} : memref<2x100x32xf32, #tpu.memory_space<vmem>>, vector<16xf32>,
          %scatter3A_509 = arith.constant 0 : i32
          %scatter3A_510 = arith.constant 0 : i32
          %scatter3A_511 = arith.constant 0 : i32
          %scatter3A_512 = tpu.memref_slice %arg9[%scan3A_216, %scatter3A_509, %scatter3A_510, %scatter3A_511] : memref<2x50x32x16xf32, #tpu.memory_space<vmem>> -> memref<1x50x32x16xf32, #tpu.memory_space<vmem>>
          %scatter3A_513 = tpu.memref_squeeze %scatter3A_512 : memref<1x50x32x16xf32, #tpu.memory_space<vmem>> -> memref<50x32x16xf32, #tpu.memory_space<vmem>>
          tpu.vector_store_idx %scatter3A_513[%scan3A_488, %iota3A, %broadcast_in_dim3A], %get3A_501 : memref<50x32x16xf32, #tpu.memory_space<vmem>>[vector<16xi32>, vector<16xi32>, vector<16xi32>], vector<16xf32>,
          %scatter3A_514 = arith.constant 0 : i32
          %scatter3A_515 = arith.constant 0 : i32
          %scatter3A_516 = arith.constant 0 : i32
          %scatter3A_517 = tpu.memref_slice %arg9[%scan3A_216, %scatter3A_514, %scatter3A_515, %scatter3A_516] : memref<2x50x32x16xf32, #tpu.memory_space<vmem>> -> memref<1x50x32x16xf32, #tpu.memory_space<vmem>>
          %scatter3A_518 = tpu.memref_squeeze %scatter3A_517 : memref<1x50x32x16xf32, #tpu.memory_space<vmem>> -> memref<50x32x16xf32, #tpu.memory_space<vmem>>
          tpu.vector_store_idx %scatter3A_518[%scan3A_488, %add3A_177, %broadcast_in_dim3A], %get3A_508 : memref<50x32x16xf32, #tpu.memory_space<vmem>>[vector<16xi32>, vector<16xi32>, vector<16xi32>], vector<16xf32>,
          %add3A_519 = arith.constant 1 : i32
          %add3A_520 = vector.broadcast %add3A_519 : i32 to vector<16xi32>
          %add3A_521 = arith.addi %scan3A_488, %add3A_520 : vector<16xi32>
          %add3A_522 = arith.addf %scan3A_489, %get3A_501 : vector<16xf32>
          %add3A_523 = arith.addf %scan3A_490, %get3A_508 : vector<16xf32>
          %scan3A_524 = arith.constant 1 : i32
          %scan3A_525 = arith.addi %scan3A_487, %scan3A_524 : i32
          %mul3A_526 = arith.constant 1 : i32
          %mul3A_527 = arith.muli %scan3A_525, %mul3A_526 : i32
          %add3A_528 = arith.constant 1 : i32
          %add3A_529 = arith.addi %add3A_528, %mul3A_527 : i32
          %add3A_530 = arith.constant 0 : i32
          %add3A_531 = arith.addi %add3A_530, %add3A_529 : i32
          %get3A_532 = arith.constant 0 : i32
          %get3A_533 = arith.index_cast %get3A_532 : i32 to index
          %get3A_534 = arith.index_cast %add3A_531 : i32 to index
          %get3A_535 = arith.constant 0 : index
          %get3A_536 = tpu.vector_load %arg8[%get3A_533, %get3A_534, %get3A_535] {strides = array<i32>} : memref<2x100x32xf32, #tpu.memory_space<vmem>>, vector<16xf32>,
          %add3A_537 = arith.constant 0 : i32
          %add3A_538 = arith.addi %add3A_537, %add3A_529 : i32
          %get3A_539 = arith.constant 0 : i32
          %get3A_540 = arith.index_cast %get3A_539 : i32 to index
          %get3A_541 = arith.index_cast %add3A_538 : i32 to index
          %get3A_542 = arith.constant 16 : index
          %get3A_543 = tpu.vector_load %arg8[%get3A_540, %get3A_541, %get3A_542] {strides = array<i32>} : memref<2x100x32xf32, #tpu.memory_space<vmem>>, vector<16xf32>,
          %scatter3A_544 = arith.constant 0 : i32
          %scatter3A_545 = arith.constant 0 : i32
          %scatter3A_546 = arith.constant 0 : i32
          %scatter3A_547 = tpu.memref_slice %arg9[%scan3A_216, %scatter3A_544, %scatter3A_545, %scatter3A_546] : memref<2x50x32x16xf32, #tpu.memory_space<vmem>> -> memref<1x50x32x16xf32, #tpu.memory_space<vmem>>
          %scatter3A_548 = tpu.memref_squeeze %scatter3A_547 : memref<1x50x32x16xf32, #tpu.memory_space<vmem>> -> memref<50x32x16xf32, #tpu.memory_space<vmem>>
          tpu.vector_store_idx %scatter3A_548[%add3A_521, %iota3A, %broadcast_in_dim3A], %get3A_536 : memref<50x32x16xf32, #tpu.memory_space<vmem>>[vector<16xi32>, vector<16xi32>, vector<16xi32>], vector<16xf32>,
          %scatter3A_549 = arith.constant 0 : i32
          %scatter3A_550 = arith.constant 0 : i32
          %scatter3A_551 = arith.constant 0 : i32
          %scatter3A_552 = tpu.memref_slice %arg9[%scan3A_216, %scatter3A_549, %scatter3A_550, %scatter3A_551] : memref<2x50x32x16xf32, #tpu.memory_space<vmem>> -> memref<1x50x32x16xf32, #tpu.memory_space<vmem>>
          %scatter3A_553 = tpu.memref_squeeze %scatter3A_552 : memref<1x50x32x16xf32, #tpu.memory_space<vmem>> -> memref<50x32x16xf32, #tpu.memory_space<vmem>>
          tpu.vector_store_idx %scatter3A_553[%add3A_521, %add3A_177, %broadcast_in_dim3A], %get3A_543 : memref<50x32x16xf32, #tpu.memory_space<vmem>>[vector<16xi32>, vector<16xi32>, vector<16xi32>], vector<16xf32>,
          %add3A_554 = arith.constant 1 : i32
          %add3A_555 = vector.broadcast %add3A_554 : i32 to vector<16xi32>
          %add3A_556 = arith.addi %add3A_521, %add3A_555 : vector<16xi32>
          %add3A_557 = arith.addf %add3A_522, %get3A_536 : vector<16xf32>
          %add3A_558 = arith.addf %add3A_523, %get3A_543 : vector<16xf32>
          %scan3A_559 = arith.constant 2 : i32
          %scan3A_560 = arith.addi %scan3A_487, %scan3A_559 : i32
          %mul3A_561 = arith.constant 1 : i32
          %mul3A_562 = arith.muli %scan3A_560, %mul3A_561 : i32
          %add3A_563 = arith.constant 1 : i32
          %add3A_564 = arith.addi %add3A_563, %mul3A_562 : i32
          %add3A_565 = arith.constant 0 : i32
          %add3A_566 = arith.addi %add3A_565, %add3A_564 : i32
          %get3A_567 = arith.constant 0 : i32
          %get3A_568 = arith.index_cast %get3A_567 : i32 to index
          %get3A_569 = arith.index_cast %add3A_566 : i32 to index
          %get3A_570 = arith.constant 0 : index
          %get3A_571 = tpu.vector_load %arg8[%get3A_568, %get3A_569, %get3A_570] {strides = array<i32>} : memref<2x100x32xf32, #tpu.memory_space<vmem>>, vector<16xf32>,
          %add3A_572 = arith.constant 0 : i32
          %add3A_573 = arith.addi %add3A_572, %add3A_564 : i32
          %get3A_574 = arith.constant 0 : i32
          %get3A_575 = arith.index_cast %get3A_574 : i32 to index
          %get3A_576 = arith.index_cast %add3A_573 : i32 to index
          %get3A_577 = arith.constant 16 : index
          %get3A_578 = tpu.vector_load %arg8[%get3A_575, %get3A_576, %get3A_577] {strides = array<i32>} : memref<2x100x32xf32, #tpu.memory_space<vmem>>, vector<16xf32>,
          %scatter3A_579 = arith.constant 0 : i32
          %scatter3A_580 = arith.constant 0 : i32
          %scatter3A_581 = arith.constant 0 : i32
          %scatter3A_582 = tpu.memref_slice %arg9[%scan3A_216, %scatter3A_579, %scatter3A_580, %scatter3A_581] : memref<2x50x32x16xf32, #tpu.memory_space<vmem>> -> memref<1x50x32x16xf32, #tpu.memory_space<vmem>>
          %scatter3A_583 = tpu.memref_squeeze %scatter3A_582 : memref<1x50x32x16xf32, #tpu.memory_space<vmem>> -> memref<50x32x16xf32, #tpu.memory_space<vmem>>
          tpu.vector_store_idx %scatter3A_583[%add3A_556, %iota3A, %broadcast_in_dim3A], %get3A_571 : memref<50x32x16xf32, #tpu.memory_space<vmem>>[vector<16xi32>, vector<16xi32>, vector<16xi32>], vector<16xf32>,
          %scatter3A_584 = arith.constant 0 : i32
          %scatter3A_585 = arith.constant 0 : i32
          %scatter3A_586 = arith.constant 0 : i32
          %scatter3A_587 = tpu.memref_slice %arg9[%scan3A_216, %scatter3A_584, %scatter3A_585, %scatter3A_586] : memref<2x50x32x16xf32, #tpu.memory_space<vmem>> -> memref<1x50x32x16xf32, #tpu.memory_space<vmem>>
          %scatter3A_588 = tpu.memref_squeeze %scatter3A_587 : memref<1x50x32x16xf32, #tpu.memory_space<vmem>> -> memref<50x32x16xf32, #tpu.memory_space<vmem>>
          tpu.vector_store_idx %scatter3A_588[%add3A_556, %add3A_177, %broadcast_in_dim3A], %get3A_578 : memref<50x32x16xf32, #tpu.memory_space<vmem>>[vector<16xi32>, vector<16xi32>, vector<16xi32>], vector<16xf32>,
          %add3A_589 = arith.constant 1 : i32
          %add3A_590 = vector.broadcast %add3A_589 : i32 to vector<16xi32>
          %add3A_591 = arith.addi %add3A_556, %add3A_590 : vector<16xi32>
          %add3A_592 = arith.addf %add3A_557, %get3A_571 : vector<16xf32>
          %add3A_593 = arith.addf %add3A_558, %get3A_578 : vector<16xf32>
          %scan3A_594 = arith.constant 3 : i32
          %scan3A_595 = arith.addi %scan3A_487, %scan3A_594 : i32
          %mul3A_596 = arith.constant 1 : i32
          %mul3A_597 = arith.muli %scan3A_595, %mul3A_596 : i32
          %add3A_598 = arith.constant 1 : i32
          %add3A_599 = arith.addi %add3A_598, %mul3A_597 : i32
          %add3A_600 = arith.constant 0 : i32
          %add3A_601 = arith.addi %add3A_600, %add3A_599 : i32
          %get3A_602 = arith.constant 0 : i32
          %get3A_603 = arith.index_cast %get3A_602 : i32 to index
          %get3A_604 = arith.index_cast %add3A_601 : i32 to index
          %get3A_605 = arith.constant 0 : index
          %get3A_606 = tpu.vector_load %arg8[%get3A_603, %get3A_604, %get3A_605] {strides = array<i32>} : memref<2x100x32xf32, #tpu.memory_space<vmem>>, vector<16xf32>,
          %add3A_607 = arith.constant 0 : i32
          %add3A_608 = arith.addi %add3A_607, %add3A_599 : i32
          %get3A_609 = arith.constant 0 : i32
          %get3A_610 = arith.index_cast %get3A_609 : i32 to index
          %get3A_611 = arith.index_cast %add3A_608 : i32 to index
          %get3A_612 = arith.constant 16 : index
          %get3A_613 = tpu.vector_load %arg8[%get3A_610, %get3A_611, %get3A_612] {strides = array<i32>} : memref<2x100x32xf32, #tpu.memory_space<vmem>>, vector<16xf32>,
          %scatter3A_614 = arith.constant 0 : i32
          %scatter3A_615 = arith.constant 0 : i32
          %scatter3A_616 = arith.constant 0 : i32
          %scatter3A_617 = tpu.memref_slice %arg9[%scan3A_216, %scatter3A_614, %scatter3A_615, %scatter3A_616] : memref<2x50x32x16xf32, #tpu.memory_space<vmem>> -> memref<1x50x32x16xf32, #tpu.memory_space<vmem>>
          %scatter3A_618 = tpu.memref_squeeze %scatter3A_617 : memref<1x50x32x16xf32, #tpu.memory_space<vmem>> -> memref<50x32x16xf32, #tpu.memory_space<vmem>>
          tpu.vector_store_idx %scatter3A_618[%add3A_591, %iota3A, %broadcast_in_dim3A], %get3A_606 : memref<50x32x16xf32, #tpu.memory_space<vmem>>[vector<16xi32>, vector<16xi32>, vector<16xi32>], vector<16xf32>,
          %scatter3A_619 = arith.constant 0 : i32
          %scatter3A_620 = arith.constant 0 : i32
          %scatter3A_621 = arith.constant 0 : i32
          %scatter3A_622 = tpu.memref_slice %arg9[%scan3A_216, %scatter3A_619, %scatter3A_620, %scatter3A_621] : memref<2x50x32x16xf32, #tpu.memory_space<vmem>> -> memref<1x50x32x16xf32, #tpu.memory_space<vmem>>
          %scatter3A_623 = tpu.memref_squeeze %scatter3A_622 : memref<1x50x32x16xf32, #tpu.memory_space<vmem>> -> memref<50x32x16xf32, #tpu.memory_space<vmem>>
          tpu.vector_store_idx %scatter3A_623[%add3A_591, %add3A_177, %broadcast_in_dim3A], %get3A_613 : memref<50x32x16xf32, #tpu.memory_space<vmem>>[vector<16xi32>, vector<16xi32>, vector<16xi32>], vector<16xf32>,
          %add3A_624 = arith.constant 1 : i32
          %add3A_625 = vector.broadcast %add3A_624 : i32 to vector<16xi32>
          %add3A_626 = arith.addi %add3A_591, %add3A_625 : vector<16xi32>
          %add3A_627 = arith.addf %add3A_592, %get3A_606 : vector<16xf32>
          %add3A_628 = arith.addf %add3A_593, %get3A_613 : vector<16xf32>
          %scan3A_629 = arith.constant 4 : i32
          %scan3A_630 = arith.addi %scan3A_487, %scan3A_629 : i32
          %mul3A_631 = arith.constant 1 : i32
          %mul3A_632 = arith.muli %scan3A_630, %mul3A_631 : i32
          %add3A_633 = arith.constant 1 : i32
          %add3A_634 = arith.addi %add3A_633, %mul3A_632 : i32
          %add3A_635 = arith.constant 0 : i32
          %add3A_636 = arith.addi %add3A_635, %add3A_634 : i32
          %get3A_637 = arith.constant 0 : i32
          %get3A_638 = arith.index_cast %get3A_637 : i32 to index
          %get3A_639 = arith.index_cast %add3A_636 : i32 to index
          %get3A_640 = arith.constant 0 : index
          %get3A_641 = tpu.vector_load %arg8[%get3A_638, %get3A_639, %get3A_640] {strides = array<i32>} : memref<2x100x32xf32, #tpu.memory_space<vmem>>, vector<16xf32>,
          %add3A_642 = arith.constant 0 : i32
          %add3A_643 = arith.addi %add3A_642, %add3A_634 : i32
          %get3A_644 = arith.constant 0 : i32
          %get3A_645 = arith.index_cast %get3A_644 : i32 to index
          %get3A_646 = arith.index_cast %add3A_643 : i32 to index
          %get3A_647 = arith.constant 16 : index
          %get3A_648 = tpu.vector_load %arg8[%get3A_645, %get3A_646, %get3A_647] {strides = array<i32>} : memref<2x100x32xf32, #tpu.memory_space<vmem>>, vector<16xf32>,
          %scatter3A_649 = arith.constant 0 : i32
          %scatter3A_650 = arith.constant 0 : i32
          %scatter3A_651 = arith.constant 0 : i32
          %scatter3A_652 = tpu.memref_slice %arg9[%scan3A_216, %scatter3A_649, %scatter3A_650, %scatter3A_651] : memref<2x50x32x16xf32, #tpu.memory_space<vmem>> -> memref<1x50x32x16xf32, #tpu.memory_space<vmem>>
          %scatter3A_653 = tpu.memref_squeeze %scatter3A_652 : memref<1x50x32x16xf32, #tpu.memory_space<vmem>> -> memref<50x32x16xf32, #tpu.memory_space<vmem>>
          tpu.vector_store_idx %scatter3A_653[%add3A_626, %iota3A, %broadcast_in_dim3A], %get3A_641 : memref<50x32x16xf32, #tpu.memory_space<vmem>>[vector<16xi32>, vector<16xi32>, vector<16xi32>], vector<16xf32>,
          %scatter3A_654 = arith.constant 0 : i32
          %scatter3A_655 = arith.constant 0 : i32
          %scatter3A_656 = arith.constant 0 : i32
          %scatter3A_657 = tpu.memref_slice %arg9[%scan3A_216, %scatter3A_654, %scatter3A_655, %scatter3A_656] : memref<2x50x32x16xf32, #tpu.memory_space<vmem>> -> memref<1x50x32x16xf32, #tpu.memory_space<vmem>>
          %scatter3A_658 = tpu.memref_squeeze %scatter3A_657 : memref<1x50x32x16xf32, #tpu.memory_space<vmem>> -> memref<50x32x16xf32, #tpu.memory_space<vmem>>
          tpu.vector_store_idx %scatter3A_658[%add3A_626, %add3A_177, %broadcast_in_dim3A], %get3A_648 : memref<50x32x16xf32, #tpu.memory_space<vmem>>[vector<16xi32>, vector<16xi32>, vector<16xi32>], vector<16xf32>,
          %add3A_659 = arith.constant 1 : i32
          %add3A_660 = vector.broadcast %add3A_659 : i32 to vector<16xi32>
          %add3A_661 = arith.addi %add3A_626, %add3A_660 : vector<16xi32>
          %add3A_662 = arith.addf %add3A_627, %get3A_641 : vector<16xf32>
          %add3A_663 = arith.addf %add3A_628, %get3A_648 : vector<16xf32>
          %scan3A_664 = arith.constant 5 : i32
          %scan3A_665 = arith.addi %scan3A_487, %scan3A_664 : i32
          %mul3A_666 = arith.constant 1 : i32
          %mul3A_667 = arith.muli %scan3A_665, %mul3A_666 : i32
          %add3A_668 = arith.constant 1 : i32
          %add3A_669 = arith.addi %add3A_668, %mul3A_667 : i32
          %add3A_670 = arith.constant 0 : i32
          %add3A_671 = arith.addi %add3A_670, %add3A_669 : i32
          %get3A_672 = arith.constant 0 : i32
          %get3A_673 = arith.index_cast %get3A_672 : i32 to index
          %get3A_674 = arith.index_cast %add3A_671 : i32 to index
          %get3A_675 = arith.constant 0 : index
          %get3A_676 = tpu.vector_load %arg8[%get3A_673, %get3A_674, %get3A_675] {strides = array<i32>} : memref<2x100x32xf32, #tpu.memory_space<vmem>>, vector<16xf32>,
          %add3A_677 = arith.constant 0 : i32
          %add3A_678 = arith.addi %add3A_677, %add3A_669 : i32
          %get3A_679 = arith.constant 0 : i32
          %get3A_680 = arith.index_cast %get3A_679 : i32 to index
          %get3A_681 = arith.index_cast %add3A_678 : i32 to index
          %get3A_682 = arith.constant 16 : index
          %get3A_683 = tpu.vector_load %arg8[%get3A_680, %get3A_681, %get3A_682] {strides = array<i32>} : memref<2x100x32xf32, #tpu.memory_space<vmem>>, vector<16xf32>,
          %scatter3A_684 = arith.constant 0 : i32
          %scatter3A_685 = arith.constant 0 : i32
          %scatter3A_686 = arith.constant 0 : i32
          %scatter3A_687 = tpu.memref_slice %arg9[%scan3A_216, %scatter3A_684, %scatter3A_685, %scatter3A_686] : memref<2x50x32x16xf32, #tpu.memory_space<vmem>> -> memref<1x50x32x16xf32, #tpu.memory_space<vmem>>
          %scatter3A_688 = tpu.memref_squeeze %scatter3A_687 : memref<1x50x32x16xf32, #tpu.memory_space<vmem>> -> memref<50x32x16xf32, #tpu.memory_space<vmem>>
          tpu.vector_store_idx %scatter3A_688[%add3A_661, %iota3A, %broadcast_in_dim3A], %get3A_676 : memref<50x32x16xf32, #tpu.memory_space<vmem>>[vector<16xi32>, vector<16xi32>, vector<16xi32>], vector<16xf32>,
          %scatter3A_689 = arith.constant 0 : i32
          %scatter3A_690 = arith.constant 0 : i32
          %scatter3A_691 = arith.constant 0 : i32
          %scatter3A_692 = tpu.memref_slice %arg9[%scan3A_216, %scatter3A_689, %scatter3A_690, %scatter3A_691] : memref<2x50x32x16xf32, #tpu.memory_space<vmem>> -> memref<1x50x32x16xf32, #tpu.memory_space<vmem>>
          %scatter3A_693 = tpu.memref_squeeze %scatter3A_692 : memref<1x50x32x16xf32, #tpu.memory_space<vmem>> -> memref<50x32x16xf32, #tpu.memory_space<vmem>>
          tpu.vector_store_idx %scatter3A_693[%add3A_661, %add3A_177, %broadcast_in_dim3A], %get3A_683 : memref<50x32x16xf32, #tpu.memory_space<vmem>>[vector<16xi32>, vector<16xi32>, vector<16xi32>], vector<16xf32>,
          %add3A_694 = arith.constant 1 : i32
          %add3A_695 = vector.broadcast %add3A_694 : i32 to vector<16xi32>
          %add3A_696 = arith.addi %add3A_661, %add3A_695 : vector<16xi32>
          %add3A_697 = arith.addf %add3A_662, %get3A_676 : vector<16xf32>
          %add3A_698 = arith.addf %add3A_663, %get3A_683 : vector<16xf32>
          %scan3A_699 = arith.constant 6 : i32
          %scan3A_700 = arith.addi %scan3A_487, %scan3A_699 : i32
          %mul3A_701 = arith.constant 1 : i32
          %mul3A_702 = arith.muli %scan3A_700, %mul3A_701 : i32
          %add3A_703 = arith.constant 1 : i32
          %add3A_704 = arith.addi %add3A_703, %mul3A_702 : i32
          %add3A_705 = arith.constant 0 : i32
          %add3A_706 = arith.addi %add3A_705, %add3A_704 : i32
          %get3A_707 = arith.constant 0 : i32
          %get3A_708 = arith.index_cast %get3A_707 : i32 to index
          %get3A_709 = arith.index_cast %add3A_706 : i32 to index
          %get3A_710 = arith.constant 0 : index
          %get3A_711 = tpu.vector_load %arg8[%get3A_708, %get3A_709, %get3A_710] {strides = array<i32>} : memref<2x100x32xf32, #tpu.memory_space<vmem>>, vector<16xf32>,
          %add3A_712 = arith.constant 0 : i32
          %add3A_713 = arith.addi %add3A_712, %add3A_704 : i32
          %get3A_714 = arith.constant 0 : i32
          %get3A_715 = arith.index_cast %get3A_714 : i32 to index
          %get3A_716 = arith.index_cast %add3A_713 : i32 to index
          %get3A_717 = arith.constant 16 : index
          %get3A_718 = tpu.vector_load %arg8[%get3A_715, %get3A_716, %get3A_717] {strides = array<i32>} : memref<2x100x32xf32, #tpu.memory_space<vmem>>, vector<16xf32>,
          %scatter3A_719 = arith.constant 0 : i32
          %scatter3A_720 = arith.constant 0 : i32
          %scatter3A_721 = arith.constant 0 : i32
          %scatter3A_722 = tpu.memref_slice %arg9[%scan3A_216, %scatter3A_719, %scatter3A_720, %scatter3A_721] : memref<2x50x32x16xf32, #tpu.memory_space<vmem>> -> memref<1x50x32x16xf32, #tpu.memory_space<vmem>>
          %scatter3A_723 = tpu.memref_squeeze %scatter3A_722 : memref<1x50x32x16xf32, #tpu.memory_space<vmem>> -> memref<50x32x16xf32, #tpu.memory_space<vmem>>
          tpu.vector_store_idx %scatter3A_723[%add3A_696, %iota3A, %broadcast_in_dim3A], %get3A_711 : memref<50x32x16xf32, #tpu.memory_space<vmem>>[vector<16xi32>, vector<16xi32>, vector<16xi32>], vector<16xf32>,
          %scatter3A_724 = arith.constant 0 : i32
          %scatter3A_725 = arith.constant 0 : i32
          %scatter3A_726 = arith.constant 0 : i32
          %scatter3A_727 = tpu.memref_slice %arg9[%scan3A_216, %scatter3A_724, %scatter3A_725, %scatter3A_726] : memref<2x50x32x16xf32, #tpu.memory_space<vmem>> -> memref<1x50x32x16xf32, #tpu.memory_space<vmem>>
          %scatter3A_728 = tpu.memref_squeeze %scatter3A_727 : memref<1x50x32x16xf32, #tpu.memory_space<vmem>> -> memref<50x32x16xf32, #tpu.memory_space<vmem>>
          tpu.vector_store_idx %scatter3A_728[%add3A_696, %add3A_177, %broadcast_in_dim3A], %get3A_718 : memref<50x32x16xf32, #tpu.memory_space<vmem>>[vector<16xi32>, vector<16xi32>, vector<16xi32>], vector<16xf32>,
          %add3A_729 = arith.constant 1 : i32
          %add3A_730 = vector.broadcast %add3A_729 : i32 to vector<16xi32>
          %add3A_731 = arith.addi %add3A_696, %add3A_730 : vector<16xi32>
          %add3A_732 = arith.addf %add3A_697, %get3A_711 : vector<16xf32>
          %add3A_733 = arith.addf %add3A_698, %get3A_718 : vector<16xf32>
          scf.yield %add3A_731, %add3A_732, %add3A_733 : vector<16xi32>, vector<16xf32>, vector<16xf32>
        }
        %scan3A_222 = arith.constant 49 : i32
        %mul3A_223 = arith.constant 2 : i32
        %mul3A_224 = arith.muli %mul3A_223, %add3A_163 : i32
        %add3A_225 = arith.constant 0 : i32
        %add3A_226 = arith.addi %mul3A_224, %add3A_225 : i32
        %mul3A_227 = arith.constant 2.000000e-02 : f32
        %mul3A_228 = vector.broadcast %mul3A_227 : f32 to vector<16xf32>
        %mul3A_229 = arith.mulf %scan3A_221#1, %mul3A_228 : vector<16xf32>
        %swap3A = arith.index_cast %add3A_226 : i32 to index
        %swap3A_230 = arith.constant 0 : index
        %swap3A_231 = tpu.vector_load %arg10[%swap3A, %swap3A_230] {strides = array<i32>} : memref<512x32xf32, #tpu.memory_space<vmem>>, vector<16xf32>,
        tpu.vector_store %arg10[%swap3A, %swap3A_230], %mul3A_229 {strides = array<i32>} : memref<512x32xf32, #tpu.memory_space<vmem>>, vector<16xf32>,
        %mul3A_232 = arith.constant 2.000000e-02 : f32
        %mul3A_233 = vector.broadcast %mul3A_232 : f32 to vector<16xf32>
        %mul3A_234 = arith.mulf %scan3A_221#2, %mul3A_233 : vector<16xf32>
        %swap3A_235 = arith.index_cast %add3A_226 : i32 to index
        %swap3A_236 = arith.constant 16 : index
        %swap3A_237 = tpu.vector_load %arg10[%swap3A_235, %swap3A_236] {strides = array<i32>} : memref<512x32xf32, #tpu.memory_space<vmem>>, vector<16xf32>,
        tpu.vector_store %arg10[%swap3A_235, %swap3A_236], %mul3A_234 {strides = array<i32>} : memref<512x32xf32, #tpu.memory_space<vmem>>, vector<16xf32>,
        %mul3A_238 = arith.constant 2 : i32
        %mul3A_239 = arith.muli %mul3A_238, %add3A_163 : i32
        %add3A_240 = arith.constant 1 : i32
        %add3A_241 = arith.addi %mul3A_239, %add3A_240 : i32
        %jit3A_242 = arith.constant 16 : i32
        %eq3A_243 = arith.constant 0 : i32
        %eq3A_244 = arith.cmpi eq, %jit3A_242, %eq3A_243 : i32
        %jit3A_245 = arith.constant 1 : i32
        %select_n3A_246 = arith.select %eq3A_244, %jit3A_245, %jit3A_242 : i32
        %rem3A_247 = arith.remsi %add3A_241, %select_n3A_246 : i32
        %ne3A_248 = arith.constant 0 : i32
        %ne3A_249 = arith.cmpi ne, %rem3A_247, %ne3A_248 : i32
        %lt3A_250 = arith.constant 0 : i32
        %lt3A_251 = arith.cmpi slt, %rem3A_247, %lt3A_250 : i32
        %lt3A_252 = arith.constant 0 : i32
        %lt3A_253 = arith.cmpi slt, %select_n3A_246, %lt3A_252 : i32
        %ne3A_254 = arith.xori %lt3A_251, %lt3A_253 : i1
        %and3A_255 = arith.andi %ne3A_254, %ne3A_249 : i1
        %add3A_256 = arith.addi %rem3A_247, %select_n3A_246 : i32
        %select_n3A_257 = arith.select %and3A_255, %add3A_256, %rem3A_247 : i32
        %broadcast_in_dim3A_258 = vector.broadcast %select_n3A_257 : i32 to vector<16xi32>
        %get3A_259 = arith.constant 0 : i32
        %get3A_260 = arith.constant 50 : i32
        %get3A_261 = arith.index_cast %get3A_259 : i32 to index
        %get3A_262 = arith.index_cast %get3A_260 : i32 to index
        %get3A_263 = arith.constant 0 : index
        %get3A_264 = tpu.vector_load %arg8[%get3A_261, %get3A_262, %get3A_263] {strides = array<i32>} : memref<2x100x32xf32, #tpu.memory_space<vmem>>, vector<16xf32>,
        %get3A_265 = arith.constant 0 : i32
        %get3A_266 = arith.constant 50 : i32
        %get3A_267 = arith.index_cast %get3A_265 : i32 to index
        %get3A_268 = arith.index_cast %get3A_266 : i32 to index
        %get3A_269 = arith.constant 16 : index
        %get3A_270 = tpu.vector_load %arg8[%get3A_267, %get3A_268, %get3A_269] {strides = array<i32>} : memref<2x100x32xf32, #tpu.memory_space<vmem>>, vector<16xf32>,
        %scatter3A_271 = arith.constant 0 : i32
        %scatter3A_272 = arith.constant 0 : i32
        %scatter3A_273 = arith.constant 0 : i32
        %scatter3A_274 = arith.constant 0 : i32
        %scatter3A_275 = tpu.memref_slice %arg9[%scatter3A_271, %scatter3A_272, %scatter3A_273, %scatter3A_274] : memref<2x50x32x16xf32, #tpu.memory_space<vmem>> -> memref<1x50x32x16xf32, #tpu.memory_space<vmem>>
        %scatter3A_276 = tpu.memref_squeeze %scatter3A_275 : memref<1x50x32x16xf32, #tpu.memory_space<vmem>> -> memref<50x32x16xf32, #tpu.memory_space<vmem>>
        tpu.vector_store_idx %scatter3A_276[%sub3A, %iota3A, %broadcast_in_dim3A_258], %get3A_264 : memref<50x32x16xf32, #tpu.memory_space<vmem>>[vector<16xi32>, vector<16xi32>, vector<16xi32>], vector<16xf32>,
        %scatter3A_277 = arith.constant 0 : i32
        %scatter3A_278 = arith.constant 0 : i32
        %scatter3A_279 = arith.constant 0 : i32
        %scatter3A_280 = arith.constant 0 : i32
        %scatter3A_281 = tpu.memref_slice %arg9[%scatter3A_277, %scatter3A_278, %scatter3A_279, %scatter3A_280] : memref<2x50x32x16xf32, #tpu.memory_space<vmem>> -> memref<1x50x32x16xf32, #tpu.memory_space<vmem>>
        %scatter3A_282 = tpu.memref_squeeze %scatter3A_281 : memref<1x50x32x16xf32, #tpu.memory_space<vmem>> -> memref<50x32x16xf32, #tpu.memory_space<vmem>>
        tpu.vector_store_idx %scatter3A_282[%sub3A, %add3A_177, %broadcast_in_dim3A_258], %get3A_270 : memref<50x32x16xf32, #tpu.memory_space<vmem>>[vector<16xi32>, vector<16xi32>, vector<16xi32>], vector<16xf32>,
        %add3A_283 = arith.constant 1 : i32
        %add3A_284 = vector.broadcast %add3A_283 : i32 to vector<16xi32>
        %add3A_285 = arith.addi %sub3A, %add3A_284 : vector<16xi32>
        %scan3A_286 = arith.constant 0 : i32
        %scan3A_287 = arith.constant 0 : i32
        %scan3A_288 = arith.constant 49 : i32
        %scan3A_289 = arith.addi %scan3A_287, %scan3A_288 : i32
        %scan3A_290 = arith.constant 7 : i32
        %scan3A_291:3 = scf.for %scan3A_487 = %scan3A_287 to %scan3A_289 step %scan3A_290 iter_args(%scan3A_488 = %add3A_285, %scan3A_489 = %get3A_264, %scan3A_490 = %get3A_270) -> (vector<16xi32>, vector<16xf32>, vector<16xf32>)  : i32 {
          %mul3A_491 = arith.constant 1 : i32
          %mul3A_492 = arith.muli %scan3A_487, %mul3A_491 : i32
          %add3A_493 = arith.constant 1 : i32
          %add3A_494 = arith.addi %add3A_493, %mul3A_492 : i32
          %add3A_495 = arith.constant 50 : i32
          %add3A_496 = arith.addi %add3A_495, %add3A_494 : i32
          %get3A_497 = arith.constant 0 : i32
          %get3A_498 = arith.index_cast %get3A_497 : i32 to index
          %get3A_499 = arith.index_cast %add3A_496 : i32 to index
          %get3A_500 = arith.constant 0 : index
          %get3A_501 = tpu.vector_load %arg8[%get3A_498, %get3A_499, %get3A_500] {strides = array<i32>} : memref<2x100x32xf32, #tpu.memory_space<vmem>>, vector<16xf32>,
          %add3A_502 = arith.constant 50 : i32
          %add3A_503 = arith.addi %add3A_502, %add3A_494 : i32
          %get3A_504 = arith.constant 0 : i32
          %get3A_505 = arith.index_cast %get3A_504 : i32 to index
          %get3A_506 = arith.index_cast %add3A_503 : i32 to index
          %get3A_507 = arith.constant 16 : index
          %get3A_508 = tpu.vector_load %arg8[%get3A_505, %get3A_506, %get3A_507] {strides = array<i32>} : memref<2x100x32xf32, #tpu.memory_space<vmem>>, vector<16xf32>,
          %scatter3A_509 = arith.constant 0 : i32
          %scatter3A_510 = arith.constant 0 : i32
          %scatter3A_511 = arith.constant 0 : i32
          %scatter3A_512 = tpu.memref_slice %arg9[%scan3A_286, %scatter3A_509, %scatter3A_510, %scatter3A_511] : memref<2x50x32x16xf32, #tpu.memory_space<vmem>> -> memref<1x50x32x16xf32, #tpu.memory_space<vmem>>
          %scatter3A_513 = tpu.memref_squeeze %scatter3A_512 : memref<1x50x32x16xf32, #tpu.memory_space<vmem>> -> memref<50x32x16xf32, #tpu.memory_space<vmem>>
          tpu.vector_store_idx %scatter3A_513[%scan3A_488, %iota3A, %broadcast_in_dim3A_258], %get3A_501 : memref<50x32x16xf32, #tpu.memory_space<vmem>>[vector<16xi32>, vector<16xi32>, vector<16xi32>], vector<16xf32>,
          %scatter3A_514 = arith.constant 0 : i32
          %scatter3A_515 = arith.constant 0 : i32
          %scatter3A_516 = arith.constant 0 : i32
          %scatter3A_517 = tpu.memref_slice %arg9[%scan3A_286, %scatter3A_514, %scatter3A_515, %scatter3A_516] : memref<2x50x32x16xf32, #tpu.memory_space<vmem>> -> memref<1x50x32x16xf32, #tpu.memory_space<vmem>>
          %scatter3A_518 = tpu.memref_squeeze %scatter3A_517 : memref<1x50x32x16xf32, #tpu.memory_space<vmem>> -> memref<50x32x16xf32, #tpu.memory_space<vmem>>
          tpu.vector_store_idx %scatter3A_518[%scan3A_488, %add3A_177, %broadcast_in_dim3A_258], %get3A_508 : memref<50x32x16xf32, #tpu.memory_space<vmem>>[vector<16xi32>, vector<16xi32>, vector<16xi32>], vector<16xf32>,
          %add3A_519 = arith.constant 1 : i32
          %add3A_520 = vector.broadcast %add3A_519 : i32 to vector<16xi32>
          %add3A_521 = arith.addi %scan3A_488, %add3A_520 : vector<16xi32>
          %add3A_522 = arith.addf %scan3A_489, %get3A_501 : vector<16xf32>
          %add3A_523 = arith.addf %scan3A_490, %get3A_508 : vector<16xf32>
          %scan3A_524 = arith.constant 1 : i32
          %scan3A_525 = arith.addi %scan3A_487, %scan3A_524 : i32
          %mul3A_526 = arith.constant 1 : i32
          %mul3A_527 = arith.muli %scan3A_525, %mul3A_526 : i32
          %add3A_528 = arith.constant 1 : i32
          %add3A_529 = arith.addi %add3A_528, %mul3A_527 : i32
          %add3A_530 = arith.constant 50 : i32
          %add3A_531 = arith.addi %add3A_530, %add3A_529 : i32
          %get3A_532 = arith.constant 0 : i32
          %get3A_533 = arith.index_cast %get3A_532 : i32 to index
          %get3A_534 = arith.index_cast %add3A_531 : i32 to index
          %get3A_535 = arith.constant 0 : index
          %get3A_536 = tpu.vector_load %arg8[%get3A_533, %get3A_534, %get3A_535] {strides = array<i32>} : memref<2x100x32xf32, #tpu.memory_space<vmem>>, vector<16xf32>,
          %add3A_537 = arith.constant 50 : i32
          %add3A_538 = arith.addi %add3A_537, %add3A_529 : i32
          %get3A_539 = arith.constant 0 : i32
          %get3A_540 = arith.index_cast %get3A_539 : i32 to index
          %get3A_541 = arith.index_cast %add3A_538 : i32 to index
          %get3A_542 = arith.constant 16 : index
          %get3A_543 = tpu.vector_load %arg8[%get3A_540, %get3A_541, %get3A_542] {strides = array<i32>} : memref<2x100x32xf32, #tpu.memory_space<vmem>>, vector<16xf32>,
          %scatter3A_544 = arith.constant 0 : i32
          %scatter3A_545 = arith.constant 0 : i32
          %scatter3A_546 = arith.constant 0 : i32
          %scatter3A_547 = tpu.memref_slice %arg9[%scan3A_286, %scatter3A_544, %scatter3A_545, %scatter3A_546] : memref<2x50x32x16xf32, #tpu.memory_space<vmem>> -> memref<1x50x32x16xf32, #tpu.memory_space<vmem>>
          %scatter3A_548 = tpu.memref_squeeze %scatter3A_547 : memref<1x50x32x16xf32, #tpu.memory_space<vmem>> -> memref<50x32x16xf32, #tpu.memory_space<vmem>>
          tpu.vector_store_idx %scatter3A_548[%add3A_521, %iota3A, %broadcast_in_dim3A_258], %get3A_536 : memref<50x32x16xf32, #tpu.memory_space<vmem>>[vector<16xi32>, vector<16xi32>, vector<16xi32>], vector<16xf32>,
          %scatter3A_549 = arith.constant 0 : i32
          %scatter3A_550 = arith.constant 0 : i32
          %scatter3A_551 = arith.constant 0 : i32
          %scatter3A_552 = tpu.memref_slice %arg9[%scan3A_286, %scatter3A_549, %scatter3A_550, %scatter3A_551] : memref<2x50x32x16xf32, #tpu.memory_space<vmem>> -> memref<1x50x32x16xf32, #tpu.memory_space<vmem>>
          %scatter3A_553 = tpu.memref_squeeze %scatter3A_552 : memref<1x50x32x16xf32, #tpu.memory_space<vmem>> -> memref<50x32x16xf32, #tpu.memory_space<vmem>>
          tpu.vector_store_idx %scatter3A_553[%add3A_521, %add3A_177, %broadcast_in_dim3A_258], %get3A_543 : memref<50x32x16xf32, #tpu.memory_space<vmem>>[vector<16xi32>, vector<16xi32>, vector<16xi32>], vector<16xf32>,
          %add3A_554 = arith.constant 1 : i32
          %add3A_555 = vector.broadcast %add3A_554 : i32 to vector<16xi32>
          %add3A_556 = arith.addi %add3A_521, %add3A_555 : vector<16xi32>
          %add3A_557 = arith.addf %add3A_522, %get3A_536 : vector<16xf32>
          %add3A_558 = arith.addf %add3A_523, %get3A_543 : vector<16xf32>
          %scan3A_559 = arith.constant 2 : i32
          %scan3A_560 = arith.addi %scan3A_487, %scan3A_559 : i32
          %mul3A_561 = arith.constant 1 : i32
          %mul3A_562 = arith.muli %scan3A_560, %mul3A_561 : i32
          %add3A_563 = arith.constant 1 : i32
          %add3A_564 = arith.addi %add3A_563, %mul3A_562 : i32
          %add3A_565 = arith.constant 50 : i32
          %add3A_566 = arith.addi %add3A_565, %add3A_564 : i32
          %get3A_567 = arith.constant 0 : i32
          %get3A_568 = arith.index_cast %get3A_567 : i32 to index
          %get3A_569 = arith.index_cast %add3A_566 : i32 to index
          %get3A_570 = arith.constant 0 : index
          %get3A_571 = tpu.vector_load %arg8[%get3A_568, %get3A_569, %get3A_570] {strides = array<i32>} : memref<2x100x32xf32, #tpu.memory_space<vmem>>, vector<16xf32>,
          %add3A_572 = arith.constant 50 : i32
          %add3A_573 = arith.addi %add3A_572, %add3A_564 : i32
          %get3A_574 = arith.constant 0 : i32
          %get3A_575 = arith.index_cast %get3A_574 : i32 to index
          %get3A_576 = arith.index_cast %add3A_573 : i32 to index
          %get3A_577 = arith.constant 16 : index
          %get3A_578 = tpu.vector_load %arg8[%get3A_575, %get3A_576, %get3A_577] {strides = array<i32>} : memref<2x100x32xf32, #tpu.memory_space<vmem>>, vector<16xf32>,
          %scatter3A_579 = arith.constant 0 : i32
          %scatter3A_580 = arith.constant 0 : i32
          %scatter3A_581 = arith.constant 0 : i32
          %scatter3A_582 = tpu.memref_slice %arg9[%scan3A_286, %scatter3A_579, %scatter3A_580, %scatter3A_581] : memref<2x50x32x16xf32, #tpu.memory_space<vmem>> -> memref<1x50x32x16xf32, #tpu.memory_space<vmem>>
          %scatter3A_583 = tpu.memref_squeeze %scatter3A_582 : memref<1x50x32x16xf32, #tpu.memory_space<vmem>> -> memref<50x32x16xf32, #tpu.memory_space<vmem>>
          tpu.vector_store_idx %scatter3A_583[%add3A_556, %iota3A, %broadcast_in_dim3A_258], %get3A_571 : memref<50x32x16xf32, #tpu.memory_space<vmem>>[vector<16xi32>, vector<16xi32>, vector<16xi32>], vector<16xf32>,
          %scatter3A_584 = arith.constant 0 : i32
          %scatter3A_585 = arith.constant 0 : i32
          %scatter3A_586 = arith.constant 0 : i32
          %scatter3A_587 = tpu.memref_slice %arg9[%scan3A_286, %scatter3A_584, %scatter3A_585, %scatter3A_586] : memref<2x50x32x16xf32, #tpu.memory_space<vmem>> -> memref<1x50x32x16xf32, #tpu.memory_space<vmem>>
          %scatter3A_588 = tpu.memref_squeeze %scatter3A_587 : memref<1x50x32x16xf32, #tpu.memory_space<vmem>> -> memref<50x32x16xf32, #tpu.memory_space<vmem>>
          tpu.vector_store_idx %scatter3A_588[%add3A_556, %add3A_177, %broadcast_in_dim3A_258], %get3A_578 : memref<50x32x16xf32, #tpu.memory_space<vmem>>[vector<16xi32>, vector<16xi32>, vector<16xi32>], vector<16xf32>,
          %add3A_589 = arith.constant 1 : i32
          %add3A_590 = vector.broadcast %add3A_589 : i32 to vector<16xi32>
          %add3A_591 = arith.addi %add3A_556, %add3A_590 : vector<16xi32>
          %add3A_592 = arith.addf %add3A_557, %get3A_571 : vector<16xf32>
          %add3A_593 = arith.addf %add3A_558, %get3A_578 : vector<16xf32>
          %scan3A_594 = arith.constant 3 : i32
          %scan3A_595 = arith.addi %scan3A_487, %scan3A_594 : i32
          %mul3A_596 = arith.constant 1 : i32
          %mul3A_597 = arith.muli %scan3A_595, %mul3A_596 : i32
          %add3A_598 = arith.constant 1 : i32
          %add3A_599 = arith.addi %add3A_598, %mul3A_597 : i32
          %add3A_600 = arith.constant 50 : i32
          %add3A_601 = arith.addi %add3A_600, %add3A_599 : i32
          %get3A_602 = arith.constant 0 : i32
          %get3A_603 = arith.index_cast %get3A_602 : i32 to index
          %get3A_604 = arith.index_cast %add3A_601 : i32 to index
          %get3A_605 = arith.constant 0 : index
          %get3A_606 = tpu.vector_load %arg8[%get3A_603, %get3A_604, %get3A_605] {strides = array<i32>} : memref<2x100x32xf32, #tpu.memory_space<vmem>>, vector<16xf32>,
          %add3A_607 = arith.constant 50 : i32
          %add3A_608 = arith.addi %add3A_607, %add3A_599 : i32
          %get3A_609 = arith.constant 0 : i32
          %get3A_610 = arith.index_cast %get3A_609 : i32 to index
          %get3A_611 = arith.index_cast %add3A_608 : i32 to index
          %get3A_612 = arith.constant 16 : index
          %get3A_613 = tpu.vector_load %arg8[%get3A_610, %get3A_611, %get3A_612] {strides = array<i32>} : memref<2x100x32xf32, #tpu.memory_space<vmem>>, vector<16xf32>,
          %scatter3A_614 = arith.constant 0 : i32
          %scatter3A_615 = arith.constant 0 : i32
          %scatter3A_616 = arith.constant 0 : i32
          %scatter3A_617 = tpu.memref_slice %arg9[%scan3A_286, %scatter3A_614, %scatter3A_615, %scatter3A_616] : memref<2x50x32x16xf32, #tpu.memory_space<vmem>> -> memref<1x50x32x16xf32, #tpu.memory_space<vmem>>
          %scatter3A_618 = tpu.memref_squeeze %scatter3A_617 : memref<1x50x32x16xf32, #tpu.memory_space<vmem>> -> memref<50x32x16xf32, #tpu.memory_space<vmem>>
          tpu.vector_store_idx %scatter3A_618[%add3A_591, %iota3A, %broadcast_in_dim3A_258], %get3A_606 : memref<50x32x16xf32, #tpu.memory_space<vmem>>[vector<16xi32>, vector<16xi32>, vector<16xi32>], vector<16xf32>,
          %scatter3A_619 = arith.constant 0 : i32
          %scatter3A_620 = arith.constant 0 : i32
          %scatter3A_621 = arith.constant 0 : i32
          %scatter3A_622 = tpu.memref_slice %arg9[%scan3A_286, %scatter3A_619, %scatter3A_620, %scatter3A_621] : memref<2x50x32x16xf32, #tpu.memory_space<vmem>> -> memref<1x50x32x16xf32, #tpu.memory_space<vmem>>
          %scatter3A_623 = tpu.memref_squeeze %scatter3A_622 : memref<1x50x32x16xf32, #tpu.memory_space<vmem>> -> memref<50x32x16xf32, #tpu.memory_space<vmem>>
          tpu.vector_store_idx %scatter3A_623[%add3A_591, %add3A_177, %broadcast_in_dim3A_258], %get3A_613 : memref<50x32x16xf32, #tpu.memory_space<vmem>>[vector<16xi32>, vector<16xi32>, vector<16xi32>], vector<16xf32>,
          %add3A_624 = arith.constant 1 : i32
          %add3A_625 = vector.broadcast %add3A_624 : i32 to vector<16xi32>
          %add3A_626 = arith.addi %add3A_591, %add3A_625 : vector<16xi32>
          %add3A_627 = arith.addf %add3A_592, %get3A_606 : vector<16xf32>
          %add3A_628 = arith.addf %add3A_593, %get3A_613 : vector<16xf32>
          %scan3A_629 = arith.constant 4 : i32
          %scan3A_630 = arith.addi %scan3A_487, %scan3A_629 : i32
          %mul3A_631 = arith.constant 1 : i32
          %mul3A_632 = arith.muli %scan3A_630, %mul3A_631 : i32
          %add3A_633 = arith.constant 1 : i32
          %add3A_634 = arith.addi %add3A_633, %mul3A_632 : i32
          %add3A_635 = arith.constant 50 : i32
          %add3A_636 = arith.addi %add3A_635, %add3A_634 : i32
          %get3A_637 = arith.constant 0 : i32
          %get3A_638 = arith.index_cast %get3A_637 : i32 to index
          %get3A_639 = arith.index_cast %add3A_636 : i32 to index
          %get3A_640 = arith.constant 0 : index
          %get3A_641 = tpu.vector_load %arg8[%get3A_638, %get3A_639, %get3A_640] {strides = array<i32>} : memref<2x100x32xf32, #tpu.memory_space<vmem>>, vector<16xf32>,
          %add3A_642 = arith.constant 50 : i32
          %add3A_643 = arith.addi %add3A_642, %add3A_634 : i32
          %get3A_644 = arith.constant 0 : i32
          %get3A_645 = arith.index_cast %get3A_644 : i32 to index
          %get3A_646 = arith.index_cast %add3A_643 : i32 to index
          %get3A_647 = arith.constant 16 : index
          %get3A_648 = tpu.vector_load %arg8[%get3A_645, %get3A_646, %get3A_647] {strides = array<i32>} : memref<2x100x32xf32, #tpu.memory_space<vmem>>, vector<16xf32>,
          %scatter3A_649 = arith.constant 0 : i32
          %scatter3A_650 = arith.constant 0 : i32
          %scatter3A_651 = arith.constant 0 : i32
          %scatter3A_652 = tpu.memref_slice %arg9[%scan3A_286, %scatter3A_649, %scatter3A_650, %scatter3A_651] : memref<2x50x32x16xf32, #tpu.memory_space<vmem>> -> memref<1x50x32x16xf32, #tpu.memory_space<vmem>>
          %scatter3A_653 = tpu.memref_squeeze %scatter3A_652 : memref<1x50x32x16xf32, #tpu.memory_space<vmem>> -> memref<50x32x16xf32, #tpu.memory_space<vmem>>
          tpu.vector_store_idx %scatter3A_653[%add3A_626, %iota3A, %broadcast_in_dim3A_258], %get3A_641 : memref<50x32x16xf32, #tpu.memory_space<vmem>>[vector<16xi32>, vector<16xi32>, vector<16xi32>], vector<16xf32>,
          %scatter3A_654 = arith.constant 0 : i32
          %scatter3A_655 = arith.constant 0 : i32
          %scatter3A_656 = arith.constant 0 : i32
          %scatter3A_657 = tpu.memref_slice %arg9[%scan3A_286, %scatter3A_654, %scatter3A_655, %scatter3A_656] : memref<2x50x32x16xf32, #tpu.memory_space<vmem>> -> memref<1x50x32x16xf32, #tpu.memory_space<vmem>>
          %scatter3A_658 = tpu.memref_squeeze %scatter3A_657 : memref<1x50x32x16xf32, #tpu.memory_space<vmem>> -> memref<50x32x16xf32, #tpu.memory_space<vmem>>
          tpu.vector_store_idx %scatter3A_658[%add3A_626, %add3A_177, %broadcast_in_dim3A_258], %get3A_648 : memref<50x32x16xf32, #tpu.memory_space<vmem>>[vector<16xi32>, vector<16xi32>, vector<16xi32>], vector<16xf32>,
          %add3A_659 = arith.constant 1 : i32
          %add3A_660 = vector.broadcast %add3A_659 : i32 to vector<16xi32>
          %add3A_661 = arith.addi %add3A_626, %add3A_660 : vector<16xi32>
          %add3A_662 = arith.addf %add3A_627, %get3A_641 : vector<16xf32>
          %add3A_663 = arith.addf %add3A_628, %get3A_648 : vector<16xf32>
          %scan3A_664 = arith.constant 5 : i32
          %scan3A_665 = arith.addi %scan3A_487, %scan3A_664 : i32
          %mul3A_666 = arith.constant 1 : i32
          %mul3A_667 = arith.muli %scan3A_665, %mul3A_666 : i32
          %add3A_668 = arith.constant 1 : i32
          %add3A_669 = arith.addi %add3A_668, %mul3A_667 : i32
          %add3A_670 = arith.constant 50 : i32
          %add3A_671 = arith.addi %add3A_670, %add3A_669 : i32
          %get3A_672 = arith.constant 0 : i32
          %get3A_673 = arith.index_cast %get3A_672 : i32 to index
          %get3A_674 = arith.index_cast %add3A_671 : i32 to index
          %get3A_675 = arith.constant 0 : index
          %get3A_676 = tpu.vector_load %arg8[%get3A_673, %get3A_674, %get3A_675] {strides = array<i32>} : memref<2x100x32xf32, #tpu.memory_space<vmem>>, vector<16xf32>,
          %add3A_677 = arith.constant 50 : i32
          %add3A_678 = arith.addi %add3A_677, %add3A_669 : i32
          %get3A_679 = arith.constant 0 : i32
          %get3A_680 = arith.index_cast %get3A_679 : i32 to index
          %get3A_681 = arith.index_cast %add3A_678 : i32 to index
          %get3A_682 = arith.constant 16 : index
          %get3A_683 = tpu.vector_load %arg8[%get3A_680, %get3A_681, %get3A_682] {strides = array<i32>} : memref<2x100x32xf32, #tpu.memory_space<vmem>>, vector<16xf32>,
          %scatter3A_684 = arith.constant 0 : i32
          %scatter3A_685 = arith.constant 0 : i32
          %scatter3A_686 = arith.constant 0 : i32
          %scatter3A_687 = tpu.memref_slice %arg9[%scan3A_286, %scatter3A_684, %scatter3A_685, %scatter3A_686] : memref<2x50x32x16xf32, #tpu.memory_space<vmem>> -> memref<1x50x32x16xf32, #tpu.memory_space<vmem>>
          %scatter3A_688 = tpu.memref_squeeze %scatter3A_687 : memref<1x50x32x16xf32, #tpu.memory_space<vmem>> -> memref<50x32x16xf32, #tpu.memory_space<vmem>>
          tpu.vector_store_idx %scatter3A_688[%add3A_661, %iota3A, %broadcast_in_dim3A_258], %get3A_676 : memref<50x32x16xf32, #tpu.memory_space<vmem>>[vector<16xi32>, vector<16xi32>, vector<16xi32>], vector<16xf32>,
          %scatter3A_689 = arith.constant 0 : i32
          %scatter3A_690 = arith.constant 0 : i32
          %scatter3A_691 = arith.constant 0 : i32
          %scatter3A_692 = tpu.memref_slice %arg9[%scan3A_286, %scatter3A_689, %scatter3A_690, %scatter3A_691] : memref<2x50x32x16xf32, #tpu.memory_space<vmem>> -> memref<1x50x32x16xf32, #tpu.memory_space<vmem>>
          %scatter3A_693 = tpu.memref_squeeze %scatter3A_692 : memref<1x50x32x16xf32, #tpu.memory_space<vmem>> -> memref<50x32x16xf32, #tpu.memory_space<vmem>>
          tpu.vector_store_idx %scatter3A_693[%add3A_661, %add3A_177, %broadcast_in_dim3A_258], %get3A_683 : memref<50x32x16xf32, #tpu.memory_space<vmem>>[vector<16xi32>, vector<16xi32>, vector<16xi32>], vector<16xf32>,
          %add3A_694 = arith.constant 1 : i32
          %add3A_695 = vector.broadcast %add3A_694 : i32 to vector<16xi32>
          %add3A_696 = arith.addi %add3A_661, %add3A_695 : vector<16xi32>
          %add3A_697 = arith.addf %add3A_662, %get3A_676 : vector<16xf32>
          %add3A_698 = arith.addf %add3A_663, %get3A_683 : vector<16xf32>
          %scan3A_699 = arith.constant 6 : i32
          %scan3A_700 = arith.addi %scan3A_487, %scan3A_699 : i32
          %mul3A_701 = arith.constant 1 : i32
          %mul3A_702 = arith.muli %scan3A_700, %mul3A_701 : i32
          %add3A_703 = arith.constant 1 : i32
          %add3A_704 = arith.addi %add3A_703, %mul3A_702 : i32
          %add3A_705 = arith.constant 50 : i32
          %add3A_706 = arith.addi %add3A_705, %add3A_704 : i32
          %get3A_707 = arith.constant 0 : i32
          %get3A_708 = arith.index_cast %get3A_707 : i32 to index
          %get3A_709 = arith.index_cast %add3A_706 : i32 to index
          %get3A_710 = arith.constant 0 : index
          %get3A_711 = tpu.vector_load %arg8[%get3A_708, %get3A_709, %get3A_710] {strides = array<i32>} : memref<2x100x32xf32, #tpu.memory_space<vmem>>, vector<16xf32>,
          %add3A_712 = arith.constant 50 : i32
          %add3A_713 = arith.addi %add3A_712, %add3A_704 : i32
          %get3A_714 = arith.constant 0 : i32
          %get3A_715 = arith.index_cast %get3A_714 : i32 to index
          %get3A_716 = arith.index_cast %add3A_713 : i32 to index
          %get3A_717 = arith.constant 16 : index
          %get3A_718 = tpu.vector_load %arg8[%get3A_715, %get3A_716, %get3A_717] {strides = array<i32>} : memref<2x100x32xf32, #tpu.memory_space<vmem>>, vector<16xf32>,
          %scatter3A_719 = arith.constant 0 : i32
          %scatter3A_720 = arith.constant 0 : i32
          %scatter3A_721 = arith.constant 0 : i32
          %scatter3A_722 = tpu.memref_slice %arg9[%scan3A_286, %scatter3A_719, %scatter3A_720, %scatter3A_721] : memref<2x50x32x16xf32, #tpu.memory_space<vmem>> -> memref<1x50x32x16xf32, #tpu.memory_space<vmem>>
          %scatter3A_723 = tpu.memref_squeeze %scatter3A_722 : memref<1x50x32x16xf32, #tpu.memory_space<vmem>> -> memref<50x32x16xf32, #tpu.memory_space<vmem>>
          tpu.vector_store_idx %scatter3A_723[%add3A_696, %iota3A, %broadcast_in_dim3A_258], %get3A_711 : memref<50x32x16xf32, #tpu.memory_space<vmem>>[vector<16xi32>, vector<16xi32>, vector<16xi32>], vector<16xf32>,
          %scatter3A_724 = arith.constant 0 : i32
          %scatter3A_725 = arith.constant 0 : i32
          %scatter3A_726 = arith.constant 0 : i32
          %scatter3A_727 = tpu.memref_slice %arg9[%scan3A_286, %scatter3A_724, %scatter3A_725, %scatter3A_726] : memref<2x50x32x16xf32, #tpu.memory_space<vmem>> -> memref<1x50x32x16xf32, #tpu.memory_space<vmem>>
          %scatter3A_728 = tpu.memref_squeeze %scatter3A_727 : memref<1x50x32x16xf32, #tpu.memory_space<vmem>> -> memref<50x32x16xf32, #tpu.memory_space<vmem>>
          tpu.vector_store_idx %scatter3A_728[%add3A_696, %add3A_177, %broadcast_in_dim3A_258], %get3A_718 : memref<50x32x16xf32, #tpu.memory_space<vmem>>[vector<16xi32>, vector<16xi32>, vector<16xi32>], vector<16xf32>,
          %add3A_729 = arith.constant 1 : i32
          %add3A_730 = vector.broadcast %add3A_729 : i32 to vector<16xi32>
          %add3A_731 = arith.addi %add3A_696, %add3A_730 : vector<16xi32>
          %add3A_732 = arith.addf %add3A_697, %get3A_711 : vector<16xf32>
          %add3A_733 = arith.addf %add3A_698, %get3A_718 : vector<16xf32>
          scf.yield %add3A_731, %add3A_732, %add3A_733 : vector<16xi32>, vector<16xf32>, vector<16xf32>
        }
        %scan3A_292 = arith.constant 49 : i32
        %mul3A_293 = arith.constant 2 : i32
        %mul3A_294 = arith.muli %mul3A_293, %add3A_163 : i32
        %add3A_295 = arith.constant 1 : i32
        %add3A_296 = arith.addi %mul3A_294, %add3A_295 : i32
        %mul3A_297 = arith.constant 2.000000e-02 : f32
        %mul3A_298 = vector.broadcast %mul3A_297 : f32 to vector<16xf32>
        %mul3A_299 = arith.mulf %scan3A_291#1, %mul3A_298 : vector<16xf32>
        %swap3A_300 = arith.index_cast %add3A_296 : i32 to index
        %swap3A_301 = arith.constant 0 : index
        %swap3A_302 = tpu.vector_load %arg10[%swap3A_300, %swap3A_301] {strides = array<i32>} : memref<512x32xf32, #tpu.memory_space<vmem>>, vector<16xf32>,
        tpu.vector_store %arg10[%swap3A_300, %swap3A_301], %mul3A_299 {strides = array<i32>} : memref<512x32xf32, #tpu.memory_space<vmem>>, vector<16xf32>,
        %mul3A_303 = arith.constant 2.000000e-02 : f32
        %mul3A_304 = vector.broadcast %mul3A_303 : f32 to vector<16xf32>
        %mul3A_305 = arith.mulf %scan3A_291#2, %mul3A_304 : vector<16xf32>
        %swap3A_306 = arith.index_cast %add3A_296 : i32 to index
        %swap3A_307 = arith.constant 16 : index
        %swap3A_308 = tpu.vector_load %arg10[%swap3A_306, %swap3A_307] {strides = array<i32>} : memref<512x32xf32, #tpu.memory_space<vmem>>, vector<16xf32>,
        tpu.vector_store %arg10[%swap3A_306, %swap3A_307], %mul3A_305 {strides = array<i32>} : memref<512x32xf32, #tpu.memory_space<vmem>>, vector<16xf32>,
        %add3A_309 = arith.constant 2 : i32
        %add3A_310 = arith.addi %add3A_163, %add3A_309 : i32
        %lt3A_311 = arith.constant 256 : i32
        %lt3A_312 = arith.cmpi slt, %add3A_310, %lt3A_311 : i32
        %convert_element_type3A_313 = arith.extui %lt3A_312 : i1 to i32
        %cond3A_314 = arith.constant 0 : i32
        %cond3A_315 = arith.cmpi ne, %convert_element_type3A_313, %cond3A_314 : i32
        scf.if %cond3A_315 {
          %add3A_487 = arith.constant 2 : i32
          %add3A_488 = arith.addi %add3A_163, %add3A_487 : i32
          %mul3A_489 = arith.constant 112 : i32
          %mul3A_490 = arith.muli %add3A_488, %mul3A_489 : i32
          %dma_start3A_491 = arith.constant 0 : i32
          %dma_start3A_492 = arith.constant 0 : i32
          %dma_start3A_493 = arith.constant 0 : i32
          %dma_start3A_494 = tpu.memref_slice %arg8[%dma_start3A_491, %dma_start3A_492, %dma_start3A_493] : memref<2x100x32xf32, #tpu.memory_space<vmem>> -> memref<1x100x32xf32, #tpu.memory_space<vmem>>
          %dma_start3A_495 = tpu.memref_squeeze %dma_start3A_494 : memref<1x100x32xf32, #tpu.memory_space<vmem>> -> memref<100x32xf32, #tpu.memory_space<vmem>>
          %dma_start3A_496 = tpu.memref_slice %arg7[%mul3A_490] : memref<28672xi32, #tpu.memory_space<vmem>> -> memref<100xi32, #tpu.memory_space<vmem>>
          %dma_start3A_497 = arith.constant 0 : i32
          %dma_start3A_498 = arith.constant 0 : i32
          %dma_start3A_499 = tpu.memref_slice %arg3[%dma_start3A_497, %dma_start3A_498] : memref<1000000x32xf32, #tpu.memory_space<hbm>> -> memref<1000000x32xf32, #tpu.memory_space<hbm>>
          tpu.enqueue_indirect_dma source(%dma_start3A_499 : memref<1000000x32xf32, #tpu.memory_space<hbm>>) target(%dma_start3A_495 : memref<100x32xf32, #tpu.memory_space<vmem>>) offsets(%dma_start3A_496 : memref<100xi32, #tpu.memory_space<vmem>>) semaphore(%arg11 : memref<!tpu.dma_semaphore, #tpu.memory_space<semaphore_mem>>)
        } else {
        }
        %mul3A_316 = arith.constant 2 : i32
        %mul3A_317 = arith.muli %mul3A_316, %add3A_156 : i32
        %add3A_318 = arith.constant 1 : i32
        %add3A_319 = arith.addi %mul3A_317, %add3A_318 : i32
        %mul3A_320 = arith.constant 8 : i32
        %mul3A_321 = arith.muli %add3A_86, %mul3A_320 : i32
        %add3A_322 = arith.addi %mul3A_321, %add3A_319 : i32
        %mul3A_323 = arith.constant 112 : i32
        %mul3A_324 = arith.muli %add3A_322, %mul3A_323 : i32
        %dma_wait3A_325 = arith.constant 1 : i32
        %dma_wait3A_326 = arith.constant 0 : i32
        %dma_wait3A_327 = arith.constant 0 : i32
        %dma_wait3A_328 = tpu.memref_slice %arg8[%dma_wait3A_325, %dma_wait3A_326, %dma_wait3A_327] : memref<2x100x32xf32, #tpu.memory_space<vmem>> -> memref<1x100x32xf32, #tpu.memory_space<vmem>>
        %dma_wait3A_329 = tpu.memref_squeeze %dma_wait3A_328 : memref<1x100x32xf32, #tpu.memory_space<vmem>> -> memref<100x32xf32, #tpu.memory_space<vmem>>
        %dma_wait3A_330 = tpu.memref_slice %arg7[%mul3A_324] : memref<28672xi32, #tpu.memory_space<vmem>> -> memref<100xi32, #tpu.memory_space<vmem>>
        %dma_wait3A_331 = arith.constant 0 : i32
        %dma_wait3A_332 = arith.constant 0 : i32
        %dma_wait3A_333 = tpu.memref_slice %arg3[%dma_wait3A_331, %dma_wait3A_332] : memref<1000000x32xf32, #tpu.memory_space<hbm>> -> memref<1000000x32xf32, #tpu.memory_space<hbm>>
        tpu.wait_indirect_dma semaphore(%arg12 : memref<!tpu.dma_semaphore, #tpu.memory_space<semaphore_mem>>) src(%dma_wait3A_333 : memref<1000000x32xf32, #tpu.memory_space<hbm>>) dst(%dma_wait3A_329 : memref<100x32xf32, #tpu.memory_space<vmem>>)
        %sub3A_334 = arith.subi %iota3A, %iota3A : vector<16xi32>
        %add3A_335 = arith.constant 16 : i32
        %add3A_336 = vector.broadcast %add3A_335 : i32 to vector<16xi32>
        %add3A_337 = arith.addi %iota3A, %add3A_336 : vector<16xi32>
        %mul3A_338 = arith.constant 2 : i32
        %mul3A_339 = arith.muli %mul3A_338, %add3A_322 : i32
        %add3A_340 = arith.constant 0 : i32
        %add3A_341 = arith.addi %mul3A_339, %add3A_340 : i32
        %jit3A_342 = arith.constant 16 : i32
        %eq3A_343 = arith.constant 0 : i32
        %eq3A_344 = arith.cmpi eq, %jit3A_342, %eq3A_343 : i32
        %jit3A_345 = arith.constant 1 : i32
        %select_n3A_346 = arith.select %eq3A_344, %jit3A_345, %jit3A_342 : i32
        %rem3A_347 = arith.remsi %add3A_341, %select_n3A_346 : i32
        %ne3A_348 = arith.constant 0 : i32
        %ne3A_349 = arith.cmpi ne, %rem3A_347, %ne3A_348 : i32
        %lt3A_350 = arith.constant 0 : i32
        %lt3A_351 = arith.cmpi slt, %rem3A_347, %lt3A_350 : i32
        %lt3A_352 = arith.constant 0 : i32
        %lt3A_353 = arith.cmpi slt, %select_n3A_346, %lt3A_352 : i32
        %ne3A_354 = arith.xori %lt3A_351, %lt3A_353 : i1
        %and3A_355 = arith.andi %ne3A_354, %ne3A_349 : i1
        %add3A_356 = arith.addi %rem3A_347, %select_n3A_346 : i32
        %select_n3A_357 = arith.select %and3A_355, %add3A_356, %rem3A_347 : i32
        %broadcast_in_dim3A_358 = vector.broadcast %select_n3A_357 : i32 to vector<16xi32>
        %get3A_359 = arith.constant 1 : i32
        %get3A_360 = arith.constant 0 : i32
        %get3A_361 = arith.index_cast %get3A_359 : i32 to index
        %get3A_362 = arith.index_cast %get3A_360 : i32 to index
        %get3A_363 = arith.constant 0 : index
        %get3A_364 = tpu.vector_load %arg8[%get3A_361, %get3A_362, %get3A_363] {strides = array<i32>} : memref<2x100x32xf32, #tpu.memory_space<vmem>>, vector<16xf32>,
        %get3A_365 = arith.constant 1 : i32
        %get3A_366 = arith.constant 0 : i32
        %get3A_367 = arith.index_cast %get3A_365 : i32 to index
        %get3A_368 = arith.index_cast %get3A_366 : i32 to index
        %get3A_369 = arith.constant 16 : index
        %get3A_370 = tpu.vector_load %arg8[%get3A_367, %get3A_368, %get3A_369] {strides = array<i32>} : memref<2x100x32xf32, #tpu.memory_space<vmem>>, vector<16xf32>,
        %scatter3A_371 = arith.constant 0 : i32
        %scatter3A_372 = arith.constant 0 : i32
        %scatter3A_373 = arith.constant 0 : i32
        %scatter3A_374 = arith.constant 0 : i32
        %scatter3A_375 = tpu.memref_slice %arg9[%scatter3A_371, %scatter3A_372, %scatter3A_373, %scatter3A_374] : memref<2x50x32x16xf32, #tpu.memory_space<vmem>> -> memref<1x50x32x16xf32, #tpu.memory_space<vmem>>
        %scatter3A_376 = tpu.memref_squeeze %scatter3A_375 : memref<1x50x32x16xf32, #tpu.memory_space<vmem>> -> memref<50x32x16xf32, #tpu.memory_space<vmem>>
        tpu.vector_store_idx %scatter3A_376[%sub3A_334, %iota3A, %broadcast_in_dim3A_358], %get3A_364 : memref<50x32x16xf32, #tpu.memory_space<vmem>>[vector<16xi32>, vector<16xi32>, vector<16xi32>], vector<16xf32>,
        %scatter3A_377 = arith.constant 0 : i32
        %scatter3A_378 = arith.constant 0 : i32
        %scatter3A_379 = arith.constant 0 : i32
        %scatter3A_380 = arith.constant 0 : i32
        %scatter3A_381 = tpu.memref_slice %arg9[%scatter3A_377, %scatter3A_378, %scatter3A_379, %scatter3A_380] : memref<2x50x32x16xf32, #tpu.memory_space<vmem>> -> memref<1x50x32x16xf32, #tpu.memory_space<vmem>>
        %scatter3A_382 = tpu.memref_squeeze %scatter3A_381 : memref<1x50x32x16xf32, #tpu.memory_space<vmem>> -> memref<50x32x16xf32, #tpu.memory_space<vmem>>
        tpu.vector_store_idx %scatter3A_382[%sub3A_334, %add3A_337, %broadcast_in_dim3A_358], %get3A_370 : memref<50x32x16xf32, #tpu.memory_space<vmem>>[vector<16xi32>, vector<16xi32>, vector<16xi32>], vector<16xf32>,
        %add3A_383 = arith.constant 1 : i32
        %add3A_384 = vector.broadcast %add3A_383 : i32 to vector<16xi32>
        %add3A_385 = arith.addi %sub3A_334, %add3A_384 : vector<16xi32>
        %scan3A_386 = arith.constant 0 : i32
        %scan3A_387 = arith.constant 0 : i32
        %scan3A_388 = arith.constant 49 : i32
        %scan3A_389 = arith.addi %scan3A_387, %scan3A_388 : i32
        %scan3A_390 = arith.constant 7 : i32
        %scan3A_391:3 = scf.for %scan3A_487 = %scan3A_387 to %scan3A_389 step %scan3A_390 iter_args(%scan3A_488 = %add3A_385, %scan3A_489 = %get3A_364, %scan3A_490 = %get3A_370) -> (vector<16xi32>, vector<16xf32>, vector<16xf32>)  : i32 {
          %mul3A_491 = arith.constant 1 : i32
          %mul3A_492 = arith.muli %scan3A_487, %mul3A_491 : i32
          %add3A_493 = arith.constant 1 : i32
          %add3A_494 = arith.addi %add3A_493, %mul3A_492 : i32
          %add3A_495 = arith.constant 0 : i32
          %add3A_496 = arith.addi %add3A_495, %add3A_494 : i32
          %get3A_497 = arith.constant 1 : i32
          %get3A_498 = arith.index_cast %get3A_497 : i32 to index
          %get3A_499 = arith.index_cast %add3A_496 : i32 to index
          %get3A_500 = arith.constant 0 : index
          %get3A_501 = tpu.vector_load %arg8[%get3A_498, %get3A_499, %get3A_500] {strides = array<i32>} : memref<2x100x32xf32, #tpu.memory_space<vmem>>, vector<16xf32>,
          %add3A_502 = arith.constant 0 : i32
          %add3A_503 = arith.addi %add3A_502, %add3A_494 : i32
          %get3A_504 = arith.constant 1 : i32
          %get3A_505 = arith.index_cast %get3A_504 : i32 to index
          %get3A_506 = arith.index_cast %add3A_503 : i32 to index
          %get3A_507 = arith.constant 16 : index
          %get3A_508 = tpu.vector_load %arg8[%get3A_505, %get3A_506, %get3A_507] {strides = array<i32>} : memref<2x100x32xf32, #tpu.memory_space<vmem>>, vector<16xf32>,
          %scatter3A_509 = arith.constant 0 : i32
          %scatter3A_510 = arith.constant 0 : i32
          %scatter3A_511 = arith.constant 0 : i32
          %scatter3A_512 = tpu.memref_slice %arg9[%scan3A_386, %scatter3A_509, %scatter3A_510, %scatter3A_511] : memref<2x50x32x16xf32, #tpu.memory_space<vmem>> -> memref<1x50x32x16xf32, #tpu.memory_space<vmem>>
          %scatter3A_513 = tpu.memref_squeeze %scatter3A_512 : memref<1x50x32x16xf32, #tpu.memory_space<vmem>> -> memref<50x32x16xf32, #tpu.memory_space<vmem>>
          tpu.vector_store_idx %scatter3A_513[%scan3A_488, %iota3A, %broadcast_in_dim3A_358], %get3A_501 : memref<50x32x16xf32, #tpu.memory_space<vmem>>[vector<16xi32>, vector<16xi32>, vector<16xi32>], vector<16xf32>,
          %scatter3A_514 = arith.constant 0 : i32
          %scatter3A_515 = arith.constant 0 : i32
          %scatter3A_516 = arith.constant 0 : i32
          %scatter3A_517 = tpu.memref_slice %arg9[%scan3A_386, %scatter3A_514, %scatter3A_515, %scatter3A_516] : memref<2x50x32x16xf32, #tpu.memory_space<vmem>> -> memref<1x50x32x16xf32, #tpu.memory_space<vmem>>
          %scatter3A_518 = tpu.memref_squeeze %scatter3A_517 : memref<1x50x32x16xf32, #tpu.memory_space<vmem>> -> memref<50x32x16xf32, #tpu.memory_space<vmem>>
          tpu.vector_store_idx %scatter3A_518[%scan3A_488, %add3A_337, %broadcast_in_dim3A_358], %get3A_508 : memref<50x32x16xf32, #tpu.memory_space<vmem>>[vector<16xi32>, vector<16xi32>, vector<16xi32>], vector<16xf32>,
          %add3A_519 = arith.constant 1 : i32
          %add3A_520 = vector.broadcast %add3A_519 : i32 to vector<16xi32>
          %add3A_521 = arith.addi %scan3A_488, %add3A_520 : vector<16xi32>
          %add3A_522 = arith.addf %scan3A_489, %get3A_501 : vector<16xf32>
          %add3A_523 = arith.addf %scan3A_490, %get3A_508 : vector<16xf32>
          %scan3A_524 = arith.constant 1 : i32
          %scan3A_525 = arith.addi %scan3A_487, %scan3A_524 : i32
          %mul3A_526 = arith.constant 1 : i32
          %mul3A_527 = arith.muli %scan3A_525, %mul3A_526 : i32
          %add3A_528 = arith.constant 1 : i32
          %add3A_529 = arith.addi %add3A_528, %mul3A_527 : i32
          %add3A_530 = arith.constant 0 : i32
          %add3A_531 = arith.addi %add3A_530, %add3A_529 : i32
          %get3A_532 = arith.constant 1 : i32
          %get3A_533 = arith.index_cast %get3A_532 : i32 to index
          %get3A_534 = arith.index_cast %add3A_531 : i32 to index
          %get3A_535 = arith.constant 0 : index
          %get3A_536 = tpu.vector_load %arg8[%get3A_533, %get3A_534, %get3A_535] {strides = array<i32>} : memref<2x100x32xf32, #tpu.memory_space<vmem>>, vector<16xf32>,
          %add3A_537 = arith.constant 0 : i32
          %add3A_538 = arith.addi %add3A_537, %add3A_529 : i32
          %get3A_539 = arith.constant 1 : i32
          %get3A_540 = arith.index_cast %get3A_539 : i32 to index
          %get3A_541 = arith.index_cast %add3A_538 : i32 to index
          %get3A_542 = arith.constant 16 : index
          %get3A_543 = tpu.vector_load %arg8[%get3A_540, %get3A_541, %get3A_542] {strides = array<i32>} : memref<2x100x32xf32, #tpu.memory_space<vmem>>, vector<16xf32>,
          %scatter3A_544 = arith.constant 0 : i32
          %scatter3A_545 = arith.constant 0 : i32
          %scatter3A_546 = arith.constant 0 : i32
          %scatter3A_547 = tpu.memref_slice %arg9[%scan3A_386, %scatter3A_544, %scatter3A_545, %scatter3A_546] : memref<2x50x32x16xf32, #tpu.memory_space<vmem>> -> memref<1x50x32x16xf32, #tpu.memory_space<vmem>>
          %scatter3A_548 = tpu.memref_squeeze %scatter3A_547 : memref<1x50x32x16xf32, #tpu.memory_space<vmem>> -> memref<50x32x16xf32, #tpu.memory_space<vmem>>
          tpu.vector_store_idx %scatter3A_548[%add3A_521, %iota3A, %broadcast_in_dim3A_358], %get3A_536 : memref<50x32x16xf32, #tpu.memory_space<vmem>>[vector<16xi32>, vector<16xi32>, vector<16xi32>], vector<16xf32>,
          %scatter3A_549 = arith.constant 0 : i32
          %scatter3A_550 = arith.constant 0 : i32
          %scatter3A_551 = arith.constant 0 : i32
          %scatter3A_552 = tpu.memref_slice %arg9[%scan3A_386, %scatter3A_549, %scatter3A_550, %scatter3A_551] : memref<2x50x32x16xf32, #tpu.memory_space<vmem>> -> memref<1x50x32x16xf32, #tpu.memory_space<vmem>>
          %scatter3A_553 = tpu.memref_squeeze %scatter3A_552 : memref<1x50x32x16xf32, #tpu.memory_space<vmem>> -> memref<50x32x16xf32, #tpu.memory_space<vmem>>
          tpu.vector_store_idx %scatter3A_553[%add3A_521, %add3A_337, %broadcast_in_dim3A_358], %get3A_543 : memref<50x32x16xf32, #tpu.memory_space<vmem>>[vector<16xi32>, vector<16xi32>, vector<16xi32>], vector<16xf32>,
          %add3A_554 = arith.constant 1 : i32
          %add3A_555 = vector.broadcast %add3A_554 : i32 to vector<16xi32>
          %add3A_556 = arith.addi %add3A_521, %add3A_555 : vector<16xi32>
          %add3A_557 = arith.addf %add3A_522, %get3A_536 : vector<16xf32>
          %add3A_558 = arith.addf %add3A_523, %get3A_543 : vector<16xf32>
          %scan3A_559 = arith.constant 2 : i32
          %scan3A_560 = arith.addi %scan3A_487, %scan3A_559 : i32
          %mul3A_561 = arith.constant 1 : i32
          %mul3A_562 = arith.muli %scan3A_560, %mul3A_561 : i32
          %add3A_563 = arith.constant 1 : i32
          %add3A_564 = arith.addi %add3A_563, %mul3A_562 : i32
          %add3A_565 = arith.constant 0 : i32
          %add3A_566 = arith.addi %add3A_565, %add3A_564 : i32
          %get3A_567 = arith.constant 1 : i32
          %get3A_568 = arith.index_cast %get3A_567 : i32 to index
          %get3A_569 = arith.index_cast %add3A_566 : i32 to index
          %get3A_570 = arith.constant 0 : index
          %get3A_571 = tpu.vector_load %arg8[%get3A_568, %get3A_569, %get3A_570] {strides = array<i32>} : memref<2x100x32xf32, #tpu.memory_space<vmem>>, vector<16xf32>,
          %add3A_572 = arith.constant 0 : i32
          %add3A_573 = arith.addi %add3A_572, %add3A_564 : i32
          %get3A_574 = arith.constant 1 : i32
          %get3A_575 = arith.index_cast %get3A_574 : i32 to index
          %get3A_576 = arith.index_cast %add3A_573 : i32 to index
          %get3A_577 = arith.constant 16 : index
          %get3A_578 = tpu.vector_load %arg8[%get3A_575, %get3A_576, %get3A_577] {strides = array<i32>} : memref<2x100x32xf32, #tpu.memory_space<vmem>>, vector<16xf32>,
          %scatter3A_579 = arith.constant 0 : i32
          %scatter3A_580 = arith.constant 0 : i32
          %scatter3A_581 = arith.constant 0 : i32
          %scatter3A_582 = tpu.memref_slice %arg9[%scan3A_386, %scatter3A_579, %scatter3A_580, %scatter3A_581] : memref<2x50x32x16xf32, #tpu.memory_space<vmem>> -> memref<1x50x32x16xf32, #tpu.memory_space<vmem>>
          %scatter3A_583 = tpu.memref_squeeze %scatter3A_582 : memref<1x50x32x16xf32, #tpu.memory_space<vmem>> -> memref<50x32x16xf32, #tpu.memory_space<vmem>>
          tpu.vector_store_idx %scatter3A_583[%add3A_556, %iota3A, %broadcast_in_dim3A_358], %get3A_571 : memref<50x32x16xf32, #tpu.memory_space<vmem>>[vector<16xi32>, vector<16xi32>, vector<16xi32>], vector<16xf32>,
          %scatter3A_584 = arith.constant 0 : i32
          %scatter3A_585 = arith.constant 0 : i32
          %scatter3A_586 = arith.constant 0 : i32
          %scatter3A_587 = tpu.memref_slice %arg9[%scan3A_386, %scatter3A_584, %scatter3A_585, %scatter3A_586] : memref<2x50x32x16xf32, #tpu.memory_space<vmem>> -> memref<1x50x32x16xf32, #tpu.memory_space<vmem>>
          %scatter3A_588 = tpu.memref_squeeze %scatter3A_587 : memref<1x50x32x16xf32, #tpu.memory_space<vmem>> -> memref<50x32x16xf32, #tpu.memory_space<vmem>>
          tpu.vector_store_idx %scatter3A_588[%add3A_556, %add3A_337, %broadcast_in_dim3A_358], %get3A_578 : memref<50x32x16xf32, #tpu.memory_space<vmem>>[vector<16xi32>, vector<16xi32>, vector<16xi32>], vector<16xf32>,
          %add3A_589 = arith.constant 1 : i32
          %add3A_590 = vector.broadcast %add3A_589 : i32 to vector<16xi32>
          %add3A_591 = arith.addi %add3A_556, %add3A_590 : vector<16xi32>
          %add3A_592 = arith.addf %add3A_557, %get3A_571 : vector<16xf32>
          %add3A_593 = arith.addf %add3A_558, %get3A_578 : vector<16xf32>
          %scan3A_594 = arith.constant 3 : i32
          %scan3A_595 = arith.addi %scan3A_487, %scan3A_594 : i32
          %mul3A_596 = arith.constant 1 : i32
          %mul3A_597 = arith.muli %scan3A_595, %mul3A_596 : i32
          %add3A_598 = arith.constant 1 : i32
          %add3A_599 = arith.addi %add3A_598, %mul3A_597 : i32
          %add3A_600 = arith.constant 0 : i32
          %add3A_601 = arith.addi %add3A_600, %add3A_599 : i32
          %get3A_602 = arith.constant 1 : i32
          %get3A_603 = arith.index_cast %get3A_602 : i32 to index
          %get3A_604 = arith.index_cast %add3A_601 : i32 to index
          %get3A_605 = arith.constant 0 : index
          %get3A_606 = tpu.vector_load %arg8[%get3A_603, %get3A_604, %get3A_605] {strides = array<i32>} : memref<2x100x32xf32, #tpu.memory_space<vmem>>, vector<16xf32>,
          %add3A_607 = arith.constant 0 : i32
          %add3A_608 = arith.addi %add3A_607, %add3A_599 : i32
          %get3A_609 = arith.constant 1 : i32
          %get3A_610 = arith.index_cast %get3A_609 : i32 to index
          %get3A_611 = arith.index_cast %add3A_608 : i32 to index
          %get3A_612 = arith.constant 16 : index
          %get3A_613 = tpu.vector_load %arg8[%get3A_610, %get3A_611, %get3A_612] {strides = array<i32>} : memref<2x100x32xf32, #tpu.memory_space<vmem>>, vector<16xf32>,
          %scatter3A_614 = arith.constant 0 : i32
          %scatter3A_615 = arith.constant 0 : i32
          %scatter3A_616 = arith.constant 0 : i32
          %scatter3A_617 = tpu.memref_slice %arg9[%scan3A_386, %scatter3A_614, %scatter3A_615, %scatter3A_616] : memref<2x50x32x16xf32, #tpu.memory_space<vmem>> -> memref<1x50x32x16xf32, #tpu.memory_space<vmem>>
          %scatter3A_618 = tpu.memref_squeeze %scatter3A_617 : memref<1x50x32x16xf32, #tpu.memory_space<vmem>> -> memref<50x32x16xf32, #tpu.memory_space<vmem>>
          tpu.vector_store_idx %scatter3A_618[%add3A_591, %iota3A, %broadcast_in_dim3A_358], %get3A_606 : memref<50x32x16xf32, #tpu.memory_space<vmem>>[vector<16xi32>, vector<16xi32>, vector<16xi32>], vector<16xf32>,
          %scatter3A_619 = arith.constant 0 : i32
          %scatter3A_620 = arith.constant 0 : i32
          %scatter3A_621 = arith.constant 0 : i32
          %scatter3A_622 = tpu.memref_slice %arg9[%scan3A_386, %scatter3A_619, %scatter3A_620, %scatter3A_621] : memref<2x50x32x16xf32, #tpu.memory_space<vmem>> -> memref<1x50x32x16xf32, #tpu.memory_space<vmem>>
          %scatter3A_623 = tpu.memref_squeeze %scatter3A_622 : memref<1x50x32x16xf32, #tpu.memory_space<vmem>> -> memref<50x32x16xf32, #tpu.memory_space<vmem>>
          tpu.vector_store_idx %scatter3A_623[%add3A_591, %add3A_337, %broadcast_in_dim3A_358], %get3A_613 : memref<50x32x16xf32, #tpu.memory_space<vmem>>[vector<16xi32>, vector<16xi32>, vector<16xi32>], vector<16xf32>,
          %add3A_624 = arith.constant 1 : i32
          %add3A_625 = vector.broadcast %add3A_624 : i32 to vector<16xi32>
          %add3A_626 = arith.addi %add3A_591, %add3A_625 : vector<16xi32>
          %add3A_627 = arith.addf %add3A_592, %get3A_606 : vector<16xf32>
          %add3A_628 = arith.addf %add3A_593, %get3A_613 : vector<16xf32>
          %scan3A_629 = arith.constant 4 : i32
          %scan3A_630 = arith.addi %scan3A_487, %scan3A_629 : i32
          %mul3A_631 = arith.constant 1 : i32
          %mul3A_632 = arith.muli %scan3A_630, %mul3A_631 : i32
          %add3A_633 = arith.constant 1 : i32
          %add3A_634 = arith.addi %add3A_633, %mul3A_632 : i32
          %add3A_635 = arith.constant 0 : i32
          %add3A_636 = arith.addi %add3A_635, %add3A_634 : i32
          %get3A_637 = arith.constant 1 : i32
          %get3A_638 = arith.index_cast %get3A_637 : i32 to index
          %get3A_639 = arith.index_cast %add3A_636 : i32 to index
          %get3A_640 = arith.constant 0 : index
          %get3A_641 = tpu.vector_load %arg8[%get3A_638, %get3A_639, %get3A_640] {strides = array<i32>} : memref<2x100x32xf32, #tpu.memory_space<vmem>>, vector<16xf32>,
          %add3A_642 = arith.constant 0 : i32
          %add3A_643 = arith.addi %add3A_642, %add3A_634 : i32
          %get3A_644 = arith.constant 1 : i32
          %get3A_645 = arith.index_cast %get3A_644 : i32 to index
          %get3A_646 = arith.index_cast %add3A_643 : i32 to index
          %get3A_647 = arith.constant 16 : index
          %get3A_648 = tpu.vector_load %arg8[%get3A_645, %get3A_646, %get3A_647] {strides = array<i32>} : memref<2x100x32xf32, #tpu.memory_space<vmem>>, vector<16xf32>,
          %scatter3A_649 = arith.constant 0 : i32
          %scatter3A_650 = arith.constant 0 : i32
          %scatter3A_651 = arith.constant 0 : i32
          %scatter3A_652 = tpu.memref_slice %arg9[%scan3A_386, %scatter3A_649, %scatter3A_650, %scatter3A_651] : memref<2x50x32x16xf32, #tpu.memory_space<vmem>> -> memref<1x50x32x16xf32, #tpu.memory_space<vmem>>
          %scatter3A_653 = tpu.memref_squeeze %scatter3A_652 : memref<1x50x32x16xf32, #tpu.memory_space<vmem>> -> memref<50x32x16xf32, #tpu.memory_space<vmem>>
          tpu.vector_store_idx %scatter3A_653[%add3A_626, %iota3A, %broadcast_in_dim3A_358], %get3A_641 : memref<50x32x16xf32, #tpu.memory_space<vmem>>[vector<16xi32>, vector<16xi32>, vector<16xi32>], vector<16xf32>,
          %scatter3A_654 = arith.constant 0 : i32
          %scatter3A_655 = arith.constant 0 : i32
          %scatter3A_656 = arith.constant 0 : i32
          %scatter3A_657 = tpu.memref_slice %arg9[%scan3A_386, %scatter3A_654, %scatter3A_655, %scatter3A_656] : memref<2x50x32x16xf32, #tpu.memory_space<vmem>> -> memref<1x50x32x16xf32, #tpu.memory_space<vmem>>
          %scatter3A_658 = tpu.memref_squeeze %scatter3A_657 : memref<1x50x32x16xf32, #tpu.memory_space<vmem>> -> memref<50x32x16xf32, #tpu.memory_space<vmem>>
          tpu.vector_store_idx %scatter3A_658[%add3A_626, %add3A_337, %broadcast_in_dim3A_358], %get3A_648 : memref<50x32x16xf32, #tpu.memory_space<vmem>>[vector<16xi32>, vector<16xi32>, vector<16xi32>], vector<16xf32>,
          %add3A_659 = arith.constant 1 : i32
          %add3A_660 = vector.broadcast %add3A_659 : i32 to vector<16xi32>
          %add3A_661 = arith.addi %add3A_626, %add3A_660 : vector<16xi32>
          %add3A_662 = arith.addf %add3A_627, %get3A_641 : vector<16xf32>
          %add3A_663 = arith.addf %add3A_628, %get3A_648 : vector<16xf32>
          %scan3A_664 = arith.constant 5 : i32
          %scan3A_665 = arith.addi %scan3A_487, %scan3A_664 : i32
          %mul3A_666 = arith.constant 1 : i32
          %mul3A_667 = arith.muli %scan3A_665, %mul3A_666 : i32
          %add3A_668 = arith.constant 1 : i32
          %add3A_669 = arith.addi %add3A_668, %mul3A_667 : i32
          %add3A_670 = arith.constant 0 : i32
          %add3A_671 = arith.addi %add3A_670, %add3A_669 : i32
          %get3A_672 = arith.constant 1 : i32
          %get3A_673 = arith.index_cast %get3A_672 : i32 to index
          %get3A_674 = arith.index_cast %add3A_671 : i32 to index
          %get3A_675 = arith.constant 0 : index
          %get3A_676 = tpu.vector_load %arg8[%get3A_673, %get3A_674, %get3A_675] {strides = array<i32>} : memref<2x100x32xf32, #tpu.memory_space<vmem>>, vector<16xf32>,
          %add3A_677 = arith.constant 0 : i32
          %add3A_678 = arith.addi %add3A_677, %add3A_669 : i32
          %get3A_679 = arith.constant 1 : i32
          %get3A_680 = arith.index_cast %get3A_679 : i32 to index
          %get3A_681 = arith.index_cast %add3A_678 : i32 to index
          %get3A_682 = arith.constant 16 : index
          %get3A_683 = tpu.vector_load %arg8[%get3A_680, %get3A_681, %get3A_682] {strides = array<i32>} : memref<2x100x32xf32, #tpu.memory_space<vmem>>, vector<16xf32>,
          %scatter3A_684 = arith.constant 0 : i32
          %scatter3A_685 = arith.constant 0 : i32
          %scatter3A_686 = arith.constant 0 : i32
          %scatter3A_687 = tpu.memref_slice %arg9[%scan3A_386, %scatter3A_684, %scatter3A_685, %scatter3A_686] : memref<2x50x32x16xf32, #tpu.memory_space<vmem>> -> memref<1x50x32x16xf32, #tpu.memory_space<vmem>>
          %scatter3A_688 = tpu.memref_squeeze %scatter3A_687 : memref<1x50x32x16xf32, #tpu.memory_space<vmem>> -> memref<50x32x16xf32, #tpu.memory_space<vmem>>
          tpu.vector_store_idx %scatter3A_688[%add3A_661, %iota3A, %broadcast_in_dim3A_358], %get3A_676 : memref<50x32x16xf32, #tpu.memory_space<vmem>>[vector<16xi32>, vector<16xi32>, vector<16xi32>], vector<16xf32>,
          %scatter3A_689 = arith.constant 0 : i32
          %scatter3A_690 = arith.constant 0 : i32
          %scatter3A_691 = arith.constant 0 : i32
          %scatter3A_692 = tpu.memref_slice %arg9[%scan3A_386, %scatter3A_689, %scatter3A_690, %scatter3A_691] : memref<2x50x32x16xf32, #tpu.memory_space<vmem>> -> memref<1x50x32x16xf32, #tpu.memory_space<vmem>>
          %scatter3A_693 = tpu.memref_squeeze %scatter3A_692 : memref<1x50x32x16xf32, #tpu.memory_space<vmem>> -> memref<50x32x16xf32, #tpu.memory_space<vmem>>
          tpu.vector_store_idx %scatter3A_693[%add3A_661, %add3A_337, %broadcast_in_dim3A_358], %get3A_683 : memref<50x32x16xf32, #tpu.memory_space<vmem>>[vector<16xi32>, vector<16xi32>, vector<16xi32>], vector<16xf32>,
          %add3A_694 = arith.constant 1 : i32
          %add3A_695 = vector.broadcast %add3A_694 : i32 to vector<16xi32>
          %add3A_696 = arith.addi %add3A_661, %add3A_695 : vector<16xi32>
          %add3A_697 = arith.addf %add3A_662, %get3A_676 : vector<16xf32>
          %add3A_698 = arith.addf %add3A_663, %get3A_683 : vector<16xf32>
          %scan3A_699 = arith.constant 6 : i32
          %scan3A_700 = arith.addi %scan3A_487, %scan3A_699 : i32
          %mul3A_701 = arith.constant 1 : i32
          %mul3A_702 = arith.muli %scan3A_700, %mul3A_701 : i32
          %add3A_703 = arith.constant 1 : i32
          %add3A_704 = arith.addi %add3A_703, %mul3A_702 : i32
          %add3A_705 = arith.constant 0 : i32
          %add3A_706 = arith.addi %add3A_705, %add3A_704 : i32
          %get3A_707 = arith.constant 1 : i32
          %get3A_708 = arith.index_cast %get3A_707 : i32 to index
          %get3A_709 = arith.index_cast %add3A_706 : i32 to index
          %get3A_710 = arith.constant 0 : index
          %get3A_711 = tpu.vector_load %arg8[%get3A_708, %get3A_709, %get3A_710] {strides = array<i32>} : memref<2x100x32xf32, #tpu.memory_space<vmem>>, vector<16xf32>,
          %add3A_712 = arith.constant 0 : i32
          %add3A_713 = arith.addi %add3A_712, %add3A_704 : i32
          %get3A_714 = arith.constant 1 : i32
          %get3A_715 = arith.index_cast %get3A_714 : i32 to index
          %get3A_716 = arith.index_cast %add3A_713 : i32 to index
          %get3A_717 = arith.constant 16 : index
          %get3A_718 = tpu.vector_load %arg8[%get3A_715, %get3A_716, %get3A_717] {strides = array<i32>} : memref<2x100x32xf32, #tpu.memory_space<vmem>>, vector<16xf32>,
          %scatter3A_719 = arith.constant 0 : i32
          %scatter3A_720 = arith.constant 0 : i32
          %scatter3A_721 = arith.constant 0 : i32
          %scatter3A_722 = tpu.memref_slice %arg9[%scan3A_386, %scatter3A_719, %scatter3A_720, %scatter3A_721] : memref<2x50x32x16xf32, #tpu.memory_space<vmem>> -> memref<1x50x32x16xf32, #tpu.memory_space<vmem>>
          %scatter3A_723 = tpu.memref_squeeze %scatter3A_722 : memref<1x50x32x16xf32, #tpu.memory_space<vmem>> -> memref<50x32x16xf32, #tpu.memory_space<vmem>>
          tpu.vector_store_idx %scatter3A_723[%add3A_696, %iota3A, %broadcast_in_dim3A_358], %get3A_711 : memref<50x32x16xf32, #tpu.memory_space<vmem>>[vector<16xi32>, vector<16xi32>, vector<16xi32>], vector<16xf32>,
          %scatter3A_724 = arith.constant 0 : i32
          %scatter3A_725 = arith.constant 0 : i32
          %scatter3A_726 = arith.constant 0 : i32
          %scatter3A_727 = tpu.memref_slice %arg9[%scan3A_386, %scatter3A_724, %scatter3A_725, %scatter3A_726] : memref<2x50x32x16xf32, #tpu.memory_space<vmem>> -> memref<1x50x32x16xf32, #tpu.memory_space<vmem>>
          %scatter3A_728 = tpu.memref_squeeze %scatter3A_727 : memref<1x50x32x16xf32, #tpu.memory_space<vmem>> -> memref<50x32x16xf32, #tpu.memory_space<vmem>>
          tpu.vector_store_idx %scatter3A_728[%add3A_696, %add3A_337, %broadcast_in_dim3A_358], %get3A_718 : memref<50x32x16xf32, #tpu.memory_space<vmem>>[vector<16xi32>, vector<16xi32>, vector<16xi32>], vector<16xf32>,
          %add3A_729 = arith.constant 1 : i32
          %add3A_730 = vector.broadcast %add3A_729 : i32 to vector<16xi32>
          %add3A_731 = arith.addi %add3A_696, %add3A_730 : vector<16xi32>
          %add3A_732 = arith.addf %add3A_697, %get3A_711 : vector<16xf32>
          %add3A_733 = arith.addf %add3A_698, %get3A_718 : vector<16xf32>
          scf.yield %add3A_731, %add3A_732, %add3A_733 : vector<16xi32>, vector<16xf32>, vector<16xf32>
        }
        %scan3A_392 = arith.constant 49 : i32
        %mul3A_393 = arith.constant 2 : i32
        %mul3A_394 = arith.muli %mul3A_393, %add3A_322 : i32
        %add3A_395 = arith.constant 0 : i32
        %add3A_396 = arith.addi %mul3A_394, %add3A_395 : i32
        %mul3A_397 = arith.constant 2.000000e-02 : f32
        %mul3A_398 = vector.broadcast %mul3A_397 : f32 to vector<16xf32>
        %mul3A_399 = arith.mulf %scan3A_391#1, %mul3A_398 : vector<16xf32>
        %swap3A_400 = arith.index_cast %add3A_396 : i32 to index
        %swap3A_401 = arith.constant 0 : index
        %swap3A_402 = tpu.vector_load %arg10[%swap3A_400, %swap3A_401] {strides = array<i32>} : memref<512x32xf32, #tpu.memory_space<vmem>>, vector<16xf32>,
        tpu.vector_store %arg10[%swap3A_400, %swap3A_401], %mul3A_399 {strides = array<i32>} : memref<512x32xf32, #tpu.memory_space<vmem>>, vector<16xf32>,
        %mul3A_403 = arith.constant 2.000000e-02 : f32
        %mul3A_404 = vector.broadcast %mul3A_403 : f32 to vector<16xf32>
        %mul3A_405 = arith.mulf %scan3A_391#2, %mul3A_404 : vector<16xf32>
        %swap3A_406 = arith.index_cast %add3A_396 : i32 to index
        %swap3A_407 = arith.constant 16 : index
        %swap3A_408 = tpu.vector_load %arg10[%swap3A_406, %swap3A_407] {strides = array<i32>} : memref<512x32xf32, #tpu.memory_space<vmem>>, vector<16xf32>,
        tpu.vector_store %arg10[%swap3A_406, %swap3A_407], %mul3A_405 {strides = array<i32>} : memref<512x32xf32, #tpu.memory_space<vmem>>, vector<16xf32>,
        %mul3A_409 = arith.constant 2 : i32
        %mul3A_410 = arith.muli %mul3A_409, %add3A_322 : i32
        %add3A_411 = arith.constant 1 : i32
        %add3A_412 = arith.addi %mul3A_410, %add3A_411 : i32
        %jit3A_413 = arith.constant 16 : i32
        %eq3A_414 = arith.constant 0 : i32
        %eq3A_415 = arith.cmpi eq, %jit3A_413, %eq3A_414 : i32
        %jit3A_416 = arith.constant 1 : i32
        %select_n3A_417 = arith.select %eq3A_415, %jit3A_416, %jit3A_413 : i32
        %rem3A_418 = arith.remsi %add3A_412, %select_n3A_417 : i32
        %ne3A_419 = arith.constant 0 : i32
        %ne3A_420 = arith.cmpi ne, %rem3A_418, %ne3A_419 : i32
        %lt3A_421 = arith.constant 0 : i32
        %lt3A_422 = arith.cmpi slt, %rem3A_418, %lt3A_421 : i32
        %lt3A_423 = arith.constant 0 : i32
        %lt3A_424 = arith.cmpi slt, %select_n3A_417, %lt3A_423 : i32
        %ne3A_425 = arith.xori %lt3A_422, %lt3A_424 : i1
        %and3A_426 = arith.andi %ne3A_425, %ne3A_420 : i1
        %add3A_427 = arith.addi %rem3A_418, %select_n3A_417 : i32
        %select_n3A_428 = arith.select %and3A_426, %add3A_427, %rem3A_418 : i32
        %broadcast_in_dim3A_429 = vector.broadcast %select_n3A_428 : i32 to vector<16xi32>
        %get3A_430 = arith.constant 1 : i32
        %get3A_431 = arith.constant 50 : i32
        %get3A_432 = arith.index_cast %get3A_430 : i32 to index
        %get3A_433 = arith.index_cast %get3A_431 : i32 to index
        %get3A_434 = arith.constant 0 : index
        %get3A_435 = tpu.vector_load %arg8[%get3A_432, %get3A_433, %get3A_434] {strides = array<i32>} : memref<2x100x32xf32, #tpu.memory_space<vmem>>, vector<16xf32>,
        %get3A_436 = arith.constant 1 : i32
        %get3A_437 = arith.constant 50 : i32
        %get3A_438 = arith.index_cast %get3A_436 : i32 to index
        %get3A_439 = arith.index_cast %get3A_437 : i32 to index
        %get3A_440 = arith.constant 16 : index
        %get3A_441 = tpu.vector_load %arg8[%get3A_438, %get3A_439, %get3A_440] {strides = array<i32>} : memref<2x100x32xf32, #tpu.memory_space<vmem>>, vector<16xf32>,
        %scatter3A_442 = arith.constant 0 : i32
        %scatter3A_443 = arith.constant 0 : i32
        %scatter3A_444 = arith.constant 0 : i32
        %scatter3A_445 = arith.constant 0 : i32
        %scatter3A_446 = tpu.memref_slice %arg9[%scatter3A_442, %scatter3A_443, %scatter3A_444, %scatter3A_445] : memref<2x50x32x16xf32, #tpu.memory_space<vmem>> -> memref<1x50x32x16xf32, #tpu.memory_space<vmem>>
        %scatter3A_447 = tpu.memref_squeeze %scatter3A_446 : memref<1x50x32x16xf32, #tpu.memory_space<vmem>> -> memref<50x32x16xf32, #tpu.memory_space<vmem>>
        tpu.vector_store_idx %scatter3A_447[%sub3A_334, %iota3A, %broadcast_in_dim3A_429], %get3A_435 : memref<50x32x16xf32, #tpu.memory_space<vmem>>[vector<16xi32>, vector<16xi32>, vector<16xi32>], vector<16xf32>,
        %scatter3A_448 = arith.constant 0 : i32
        %scatter3A_449 = arith.constant 0 : i32
        %scatter3A_450 = arith.constant 0 : i32
        %scatter3A_451 = arith.constant 0 : i32
        %scatter3A_452 = tpu.memref_slice %arg9[%scatter3A_448, %scatter3A_449, %scatter3A_450, %scatter3A_451] : memref<2x50x32x16xf32, #tpu.memory_space<vmem>> -> memref<1x50x32x16xf32, #tpu.memory_space<vmem>>
        %scatter3A_453 = tpu.memref_squeeze %scatter3A_452 : memref<1x50x32x16xf32, #tpu.memory_space<vmem>> -> memref<50x32x16xf32, #tpu.memory_space<vmem>>
        tpu.vector_store_idx %scatter3A_453[%sub3A_334, %add3A_337, %broadcast_in_dim3A_429], %get3A_441 : memref<50x32x16xf32, #tpu.memory_space<vmem>>[vector<16xi32>, vector<16xi32>, vector<16xi32>], vector<16xf32>,
        %add3A_454 = arith.constant 1 : i32
        %add3A_455 = vector.broadcast %add3A_454 : i32 to vector<16xi32>
        %add3A_456 = arith.addi %sub3A_334, %add3A_455 : vector<16xi32>
        %scan3A_457 = arith.constant 0 : i32
        %scan3A_458 = arith.constant 0 : i32
        %scan3A_459 = arith.constant 49 : i32
        %scan3A_460 = arith.addi %scan3A_458, %scan3A_459 : i32
        %scan3A_461 = arith.constant 7 : i32
        %scan3A_462:3 = scf.for %scan3A_487 = %scan3A_458 to %scan3A_460 step %scan3A_461 iter_args(%scan3A_488 = %add3A_456, %scan3A_489 = %get3A_435, %scan3A_490 = %get3A_441) -> (vector<16xi32>, vector<16xf32>, vector<16xf32>)  : i32 {
          %mul3A_491 = arith.constant 1 : i32
          %mul3A_492 = arith.muli %scan3A_487, %mul3A_491 : i32
          %add3A_493 = arith.constant 1 : i32
          %add3A_494 = arith.addi %add3A_493, %mul3A_492 : i32
          %add3A_495 = arith.constant 50 : i32
          %add3A_496 = arith.addi %add3A_495, %add3A_494 : i32
          %get3A_497 = arith.constant 1 : i32
          %get3A_498 = arith.index_cast %get3A_497 : i32 to index
          %get3A_499 = arith.index_cast %add3A_496 : i32 to index
          %get3A_500 = arith.constant 0 : index
          %get3A_501 = tpu.vector_load %arg8[%get3A_498, %get3A_499, %get3A_500] {strides = array<i32>} : memref<2x100x32xf32, #tpu.memory_space<vmem>>, vector<16xf32>,
          %add3A_502 = arith.constant 50 : i32
          %add3A_503 = arith.addi %add3A_502, %add3A_494 : i32
          %get3A_504 = arith.constant 1 : i32
          %get3A_505 = arith.index_cast %get3A_504 : i32 to index
          %get3A_506 = arith.index_cast %add3A_503 : i32 to index
          %get3A_507 = arith.constant 16 : index
          %get3A_508 = tpu.vector_load %arg8[%get3A_505, %get3A_506, %get3A_507] {strides = array<i32>} : memref<2x100x32xf32, #tpu.memory_space<vmem>>, vector<16xf32>,
          %scatter3A_509 = arith.constant 0 : i32
          %scatter3A_510 = arith.constant 0 : i32
          %scatter3A_511 = arith.constant 0 : i32
          %scatter3A_512 = tpu.memref_slice %arg9[%scan3A_457, %scatter3A_509, %scatter3A_510, %scatter3A_511] : memref<2x50x32x16xf32, #tpu.memory_space<vmem>> -> memref<1x50x32x16xf32, #tpu.memory_space<vmem>>
          %scatter3A_513 = tpu.memref_squeeze %scatter3A_512 : memref<1x50x32x16xf32, #tpu.memory_space<vmem>> -> memref<50x32x16xf32, #tpu.memory_space<vmem>>
          tpu.vector_store_idx %scatter3A_513[%scan3A_488, %iota3A, %broadcast_in_dim3A_429], %get3A_501 : memref<50x32x16xf32, #tpu.memory_space<vmem>>[vector<16xi32>, vector<16xi32>, vector<16xi32>], vector<16xf32>,
          %scatter3A_514 = arith.constant 0 : i32
          %scatter3A_515 = arith.constant 0 : i32
          %scatter3A_516 = arith.constant 0 : i32
          %scatter3A_517 = tpu.memref_slice %arg9[%scan3A_457, %scatter3A_514, %scatter3A_515, %scatter3A_516] : memref<2x50x32x16xf32, #tpu.memory_space<vmem>> -> memref<1x50x32x16xf32, #tpu.memory_space<vmem>>
          %scatter3A_518 = tpu.memref_squeeze %scatter3A_517 : memref<1x50x32x16xf32, #tpu.memory_space<vmem>> -> memref<50x32x16xf32, #tpu.memory_space<vmem>>
          tpu.vector_store_idx %scatter3A_518[%scan3A_488, %add3A_337, %broadcast_in_dim3A_429], %get3A_508 : memref<50x32x16xf32, #tpu.memory_space<vmem>>[vector<16xi32>, vector<16xi32>, vector<16xi32>], vector<16xf32>,
          %add3A_519 = arith.constant 1 : i32
          %add3A_520 = vector.broadcast %add3A_519 : i32 to vector<16xi32>
          %add3A_521 = arith.addi %scan3A_488, %add3A_520 : vector<16xi32>
          %add3A_522 = arith.addf %scan3A_489, %get3A_501 : vector<16xf32>
          %add3A_523 = arith.addf %scan3A_490, %get3A_508 : vector<16xf32>
          %scan3A_524 = arith.constant 1 : i32
          %scan3A_525 = arith.addi %scan3A_487, %scan3A_524 : i32
          %mul3A_526 = arith.constant 1 : i32
          %mul3A_527 = arith.muli %scan3A_525, %mul3A_526 : i32
          %add3A_528 = arith.constant 1 : i32
          %add3A_529 = arith.addi %add3A_528, %mul3A_527 : i32
          %add3A_530 = arith.constant 50 : i32
          %add3A_531 = arith.addi %add3A_530, %add3A_529 : i32
          %get3A_532 = arith.constant 1 : i32
          %get3A_533 = arith.index_cast %get3A_532 : i32 to index
          %get3A_534 = arith.index_cast %add3A_531 : i32 to index
          %get3A_535 = arith.constant 0 : index
          %get3A_536 = tpu.vector_load %arg8[%get3A_533, %get3A_534, %get3A_535] {strides = array<i32>} : memref<2x100x32xf32, #tpu.memory_space<vmem>>, vector<16xf32>,
          %add3A_537 = arith.constant 50 : i32
          %add3A_538 = arith.addi %add3A_537, %add3A_529 : i32
          %get3A_539 = arith.constant 1 : i32
          %get3A_540 = arith.index_cast %get3A_539 : i32 to index
          %get3A_541 = arith.index_cast %add3A_538 : i32 to index
          %get3A_542 = arith.constant 16 : index
          %get3A_543 = tpu.vector_load %arg8[%get3A_540, %get3A_541, %get3A_542] {strides = array<i32>} : memref<2x100x32xf32, #tpu.memory_space<vmem>>, vector<16xf32>,
          %scatter3A_544 = arith.constant 0 : i32
          %scatter3A_545 = arith.constant 0 : i32
          %scatter3A_546 = arith.constant 0 : i32
          %scatter3A_547 = tpu.memref_slice %arg9[%scan3A_457, %scatter3A_544, %scatter3A_545, %scatter3A_546] : memref<2x50x32x16xf32, #tpu.memory_space<vmem>> -> memref<1x50x32x16xf32, #tpu.memory_space<vmem>>
          %scatter3A_548 = tpu.memref_squeeze %scatter3A_547 : memref<1x50x32x16xf32, #tpu.memory_space<vmem>> -> memref<50x32x16xf32, #tpu.memory_space<vmem>>
          tpu.vector_store_idx %scatter3A_548[%add3A_521, %iota3A, %broadcast_in_dim3A_429], %get3A_536 : memref<50x32x16xf32, #tpu.memory_space<vmem>>[vector<16xi32>, vector<16xi32>, vector<16xi32>], vector<16xf32>,
          %scatter3A_549 = arith.constant 0 : i32
          %scatter3A_550 = arith.constant 0 : i32
          %scatter3A_551 = arith.constant 0 : i32
          %scatter3A_552 = tpu.memref_slice %arg9[%scan3A_457, %scatter3A_549, %scatter3A_550, %scatter3A_551] : memref<2x50x32x16xf32, #tpu.memory_space<vmem>> -> memref<1x50x32x16xf32, #tpu.memory_space<vmem>>
          %scatter3A_553 = tpu.memref_squeeze %scatter3A_552 : memref<1x50x32x16xf32, #tpu.memory_space<vmem>> -> memref<50x32x16xf32, #tpu.memory_space<vmem>>
          tpu.vector_store_idx %scatter3A_553[%add3A_521, %add3A_337, %broadcast_in_dim3A_429], %get3A_543 : memref<50x32x16xf32, #tpu.memory_space<vmem>>[vector<16xi32>, vector<16xi32>, vector<16xi32>], vector<16xf32>,
          %add3A_554 = arith.constant 1 : i32
          %add3A_555 = vector.broadcast %add3A_554 : i32 to vector<16xi32>
          %add3A_556 = arith.addi %add3A_521, %add3A_555 : vector<16xi32>
          %add3A_557 = arith.addf %add3A_522, %get3A_536 : vector<16xf32>
          %add3A_558 = arith.addf %add3A_523, %get3A_543 : vector<16xf32>
          %scan3A_559 = arith.constant 2 : i32
          %scan3A_560 = arith.addi %scan3A_487, %scan3A_559 : i32
          %mul3A_561 = arith.constant 1 : i32
          %mul3A_562 = arith.muli %scan3A_560, %mul3A_561 : i32
          %add3A_563 = arith.constant 1 : i32
          %add3A_564 = arith.addi %add3A_563, %mul3A_562 : i32
          %add3A_565 = arith.constant 50 : i32
          %add3A_566 = arith.addi %add3A_565, %add3A_564 : i32
          %get3A_567 = arith.constant 1 : i32
          %get3A_568 = arith.index_cast %get3A_567 : i32 to index
          %get3A_569 = arith.index_cast %add3A_566 : i32 to index
          %get3A_570 = arith.constant 0 : index
          %get3A_571 = tpu.vector_load %arg8[%get3A_568, %get3A_569, %get3A_570] {strides = array<i32>} : memref<2x100x32xf32, #tpu.memory_space<vmem>>, vector<16xf32>,
          %add3A_572 = arith.constant 50 : i32
          %add3A_573 = arith.addi %add3A_572, %add3A_564 : i32
          %get3A_574 = arith.constant 1 : i32
          %get3A_575 = arith.index_cast %get3A_574 : i32 to index
          %get3A_576 = arith.index_cast %add3A_573 : i32 to index
          %get3A_577 = arith.constant 16 : index
          %get3A_578 = tpu.vector_load %arg8[%get3A_575, %get3A_576, %get3A_577] {strides = array<i32>} : memref<2x100x32xf32, #tpu.memory_space<vmem>>, vector<16xf32>,
          %scatter3A_579 = arith.constant 0 : i32
          %scatter3A_580 = arith.constant 0 : i32
          %scatter3A_581 = arith.constant 0 : i32
          %scatter3A_582 = tpu.memref_slice %arg9[%scan3A_457, %scatter3A_579, %scatter3A_580, %scatter3A_581] : memref<2x50x32x16xf32, #tpu.memory_space<vmem>> -> memref<1x50x32x16xf32, #tpu.memory_space<vmem>>
          %scatter3A_583 = tpu.memref_squeeze %scatter3A_582 : memref<1x50x32x16xf32, #tpu.memory_space<vmem>> -> memref<50x32x16xf32, #tpu.memory_space<vmem>>
          tpu.vector_store_idx %scatter3A_583[%add3A_556, %iota3A, %broadcast_in_dim3A_429], %get3A_571 : memref<50x32x16xf32, #tpu.memory_space<vmem>>[vector<16xi32>, vector<16xi32>, vector<16xi32>], vector<16xf32>,
          %scatter3A_584 = arith.constant 0 : i32
          %scatter3A_585 = arith.constant 0 : i32
          %scatter3A_586 = arith.constant 0 : i32
          %scatter3A_587 = tpu.memref_slice %arg9[%scan3A_457, %scatter3A_584, %scatter3A_585, %scatter3A_586] : memref<2x50x32x16xf32, #tpu.memory_space<vmem>> -> memref<1x50x32x16xf32, #tpu.memory_space<vmem>>
          %scatter3A_588 = tpu.memref_squeeze %scatter3A_587 : memref<1x50x32x16xf32, #tpu.memory_space<vmem>> -> memref<50x32x16xf32, #tpu.memory_space<vmem>>
          tpu.vector_store_idx %scatter3A_588[%add3A_556, %add3A_337, %broadcast_in_dim3A_429], %get3A_578 : memref<50x32x16xf32, #tpu.memory_space<vmem>>[vector<16xi32>, vector<16xi32>, vector<16xi32>], vector<16xf32>,
          %add3A_589 = arith.constant 1 : i32
          %add3A_590 = vector.broadcast %add3A_589 : i32 to vector<16xi32>
          %add3A_591 = arith.addi %add3A_556, %add3A_590 : vector<16xi32>
          %add3A_592 = arith.addf %add3A_557, %get3A_571 : vector<16xf32>
          %add3A_593 = arith.addf %add3A_558, %get3A_578 : vector<16xf32>
          %scan3A_594 = arith.constant 3 : i32
          %scan3A_595 = arith.addi %scan3A_487, %scan3A_594 : i32
          %mul3A_596 = arith.constant 1 : i32
          %mul3A_597 = arith.muli %scan3A_595, %mul3A_596 : i32
          %add3A_598 = arith.constant 1 : i32
          %add3A_599 = arith.addi %add3A_598, %mul3A_597 : i32
          %add3A_600 = arith.constant 50 : i32
          %add3A_601 = arith.addi %add3A_600, %add3A_599 : i32
          %get3A_602 = arith.constant 1 : i32
          %get3A_603 = arith.index_cast %get3A_602 : i32 to index
          %get3A_604 = arith.index_cast %add3A_601 : i32 to index
          %get3A_605 = arith.constant 0 : index
          %get3A_606 = tpu.vector_load %arg8[%get3A_603, %get3A_604, %get3A_605] {strides = array<i32>} : memref<2x100x32xf32, #tpu.memory_space<vmem>>, vector<16xf32>,
          %add3A_607 = arith.constant 50 : i32
          %add3A_608 = arith.addi %add3A_607, %add3A_599 : i32
          %get3A_609 = arith.constant 1 : i32
          %get3A_610 = arith.index_cast %get3A_609 : i32 to index
          %get3A_611 = arith.index_cast %add3A_608 : i32 to index
          %get3A_612 = arith.constant 16 : index
          %get3A_613 = tpu.vector_load %arg8[%get3A_610, %get3A_611, %get3A_612] {strides = array<i32>} : memref<2x100x32xf32, #tpu.memory_space<vmem>>, vector<16xf32>,
          %scatter3A_614 = arith.constant 0 : i32
          %scatter3A_615 = arith.constant 0 : i32
          %scatter3A_616 = arith.constant 0 : i32
          %scatter3A_617 = tpu.memref_slice %arg9[%scan3A_457, %scatter3A_614, %scatter3A_615, %scatter3A_616] : memref<2x50x32x16xf32, #tpu.memory_space<vmem>> -> memref<1x50x32x16xf32, #tpu.memory_space<vmem>>
          %scatter3A_618 = tpu.memref_squeeze %scatter3A_617 : memref<1x50x32x16xf32, #tpu.memory_space<vmem>> -> memref<50x32x16xf32, #tpu.memory_space<vmem>>
          tpu.vector_store_idx %scatter3A_618[%add3A_591, %iota3A, %broadcast_in_dim3A_429], %get3A_606 : memref<50x32x16xf32, #tpu.memory_space<vmem>>[vector<16xi32>, vector<16xi32>, vector<16xi32>], vector<16xf32>,
          %scatter3A_619 = arith.constant 0 : i32
          %scatter3A_620 = arith.constant 0 : i32
          %scatter3A_621 = arith.constant 0 : i32
          %scatter3A_622 = tpu.memref_slice %arg9[%scan3A_457, %scatter3A_619, %scatter3A_620, %scatter3A_621] : memref<2x50x32x16xf32, #tpu.memory_space<vmem>> -> memref<1x50x32x16xf32, #tpu.memory_space<vmem>>
          %scatter3A_623 = tpu.memref_squeeze %scatter3A_622 : memref<1x50x32x16xf32, #tpu.memory_space<vmem>> -> memref<50x32x16xf32, #tpu.memory_space<vmem>>
          tpu.vector_store_idx %scatter3A_623[%add3A_591, %add3A_337, %broadcast_in_dim3A_429], %get3A_613 : memref<50x32x16xf32, #tpu.memory_space<vmem>>[vector<16xi32>, vector<16xi32>, vector<16xi32>], vector<16xf32>,
          %add3A_624 = arith.constant 1 : i32
          %add3A_625 = vector.broadcast %add3A_624 : i32 to vector<16xi32>
          %add3A_626 = arith.addi %add3A_591, %add3A_625 : vector<16xi32>
          %add3A_627 = arith.addf %add3A_592, %get3A_606 : vector<16xf32>
          %add3A_628 = arith.addf %add3A_593, %get3A_613 : vector<16xf32>
          %scan3A_629 = arith.constant 4 : i32
          %scan3A_630 = arith.addi %scan3A_487, %scan3A_629 : i32
          %mul3A_631 = arith.constant 1 : i32
          %mul3A_632 = arith.muli %scan3A_630, %mul3A_631 : i32
          %add3A_633 = arith.constant 1 : i32
          %add3A_634 = arith.addi %add3A_633, %mul3A_632 : i32
          %add3A_635 = arith.constant 50 : i32
          %add3A_636 = arith.addi %add3A_635, %add3A_634 : i32
          %get3A_637 = arith.constant 1 : i32
          %get3A_638 = arith.index_cast %get3A_637 : i32 to index
          %get3A_639 = arith.index_cast %add3A_636 : i32 to index
          %get3A_640 = arith.constant 0 : index
          %get3A_641 = tpu.vector_load %arg8[%get3A_638, %get3A_639, %get3A_640] {strides = array<i32>} : memref<2x100x32xf32, #tpu.memory_space<vmem>>, vector<16xf32>,
          %add3A_642 = arith.constant 50 : i32
          %add3A_643 = arith.addi %add3A_642, %add3A_634 : i32
          %get3A_644 = arith.constant 1 : i32
          %get3A_645 = arith.index_cast %get3A_644 : i32 to index
          %get3A_646 = arith.index_cast %add3A_643 : i32 to index
          %get3A_647 = arith.constant 16 : index
          %get3A_648 = tpu.vector_load %arg8[%get3A_645, %get3A_646, %get3A_647] {strides = array<i32>} : memref<2x100x32xf32, #tpu.memory_space<vmem>>, vector<16xf32>,
          %scatter3A_649 = arith.constant 0 : i32
          %scatter3A_650 = arith.constant 0 : i32
          %scatter3A_651 = arith.constant 0 : i32
          %scatter3A_652 = tpu.memref_slice %arg9[%scan3A_457, %scatter3A_649, %scatter3A_650, %scatter3A_651] : memref<2x50x32x16xf32, #tpu.memory_space<vmem>> -> memref<1x50x32x16xf32, #tpu.memory_space<vmem>>
          %scatter3A_653 = tpu.memref_squeeze %scatter3A_652 : memref<1x50x32x16xf32, #tpu.memory_space<vmem>> -> memref<50x32x16xf32, #tpu.memory_space<vmem>>
          tpu.vector_store_idx %scatter3A_653[%add3A_626, %iota3A, %broadcast_in_dim3A_429], %get3A_641 : memref<50x32x16xf32, #tpu.memory_space<vmem>>[vector<16xi32>, vector<16xi32>, vector<16xi32>], vector<16xf32>,
          %scatter3A_654 = arith.constant 0 : i32
          %scatter3A_655 = arith.constant 0 : i32
          %scatter3A_656 = arith.constant 0 : i32
          %scatter3A_657 = tpu.memref_slice %arg9[%scan3A_457, %scatter3A_654, %scatter3A_655, %scatter3A_656] : memref<2x50x32x16xf32, #tpu.memory_space<vmem>> -> memref<1x50x32x16xf32, #tpu.memory_space<vmem>>
          %scatter3A_658 = tpu.memref_squeeze %scatter3A_657 : memref<1x50x32x16xf32, #tpu.memory_space<vmem>> -> memref<50x32x16xf32, #tpu.memory_space<vmem>>
          tpu.vector_store_idx %scatter3A_658[%add3A_626, %add3A_337, %broadcast_in_dim3A_429], %get3A_648 : memref<50x32x16xf32, #tpu.memory_space<vmem>>[vector<16xi32>, vector<16xi32>, vector<16xi32>], vector<16xf32>,
          %add3A_659 = arith.constant 1 : i32
          %add3A_660 = vector.broadcast %add3A_659 : i32 to vector<16xi32>
          %add3A_661 = arith.addi %add3A_626, %add3A_660 : vector<16xi32>
          %add3A_662 = arith.addf %add3A_627, %get3A_641 : vector<16xf32>
          %add3A_663 = arith.addf %add3A_628, %get3A_648 : vector<16xf32>
          %scan3A_664 = arith.constant 5 : i32
          %scan3A_665 = arith.addi %scan3A_487, %scan3A_664 : i32
          %mul3A_666 = arith.constant 1 : i32
          %mul3A_667 = arith.muli %scan3A_665, %mul3A_666 : i32
          %add3A_668 = arith.constant 1 : i32
          %add3A_669 = arith.addi %add3A_668, %mul3A_667 : i32
          %add3A_670 = arith.constant 50 : i32
          %add3A_671 = arith.addi %add3A_670, %add3A_669 : i32
          %get3A_672 = arith.constant 1 : i32
          %get3A_673 = arith.index_cast %get3A_672 : i32 to index
          %get3A_674 = arith.index_cast %add3A_671 : i32 to index
          %get3A_675 = arith.constant 0 : index
          %get3A_676 = tpu.vector_load %arg8[%get3A_673, %get3A_674, %get3A_675] {strides = array<i32>} : memref<2x100x32xf32, #tpu.memory_space<vmem>>, vector<16xf32>,
          %add3A_677 = arith.constant 50 : i32
          %add3A_678 = arith.addi %add3A_677, %add3A_669 : i32
          %get3A_679 = arith.constant 1 : i32
          %get3A_680 = arith.index_cast %get3A_679 : i32 to index
          %get3A_681 = arith.index_cast %add3A_678 : i32 to index
          %get3A_682 = arith.constant 16 : index
          %get3A_683 = tpu.vector_load %arg8[%get3A_680, %get3A_681, %get3A_682] {strides = array<i32>} : memref<2x100x32xf32, #tpu.memory_space<vmem>>, vector<16xf32>,
          %scatter3A_684 = arith.constant 0 : i32
          %scatter3A_685 = arith.constant 0 : i32
          %scatter3A_686 = arith.constant 0 : i32
          %scatter3A_687 = tpu.memref_slice %arg9[%scan3A_457, %scatter3A_684, %scatter3A_685, %scatter3A_686] : memref<2x50x32x16xf32, #tpu.memory_space<vmem>> -> memref<1x50x32x16xf32, #tpu.memory_space<vmem>>
          %scatter3A_688 = tpu.memref_squeeze %scatter3A_687 : memref<1x50x32x16xf32, #tpu.memory_space<vmem>> -> memref<50x32x16xf32, #tpu.memory_space<vmem>>
          tpu.vector_store_idx %scatter3A_688[%add3A_661, %iota3A, %broadcast_in_dim3A_429], %get3A_676 : memref<50x32x16xf32, #tpu.memory_space<vmem>>[vector<16xi32>, vector<16xi32>, vector<16xi32>], vector<16xf32>,
          %scatter3A_689 = arith.constant 0 : i32
          %scatter3A_690 = arith.constant 0 : i32
          %scatter3A_691 = arith.constant 0 : i32
          %scatter3A_692 = tpu.memref_slice %arg9[%scan3A_457, %scatter3A_689, %scatter3A_690, %scatter3A_691] : memref<2x50x32x16xf32, #tpu.memory_space<vmem>> -> memref<1x50x32x16xf32, #tpu.memory_space<vmem>>
          %scatter3A_693 = tpu.memref_squeeze %scatter3A_692 : memref<1x50x32x16xf32, #tpu.memory_space<vmem>> -> memref<50x32x16xf32, #tpu.memory_space<vmem>>
          tpu.vector_store_idx %scatter3A_693[%add3A_661, %add3A_337, %broadcast_in_dim3A_429], %get3A_683 : memref<50x32x16xf32, #tpu.memory_space<vmem>>[vector<16xi32>, vector<16xi32>, vector<16xi32>], vector<16xf32>,
          %add3A_694 = arith.constant 1 : i32
          %add3A_695 = vector.broadcast %add3A_694 : i32 to vector<16xi32>
          %add3A_696 = arith.addi %add3A_661, %add3A_695 : vector<16xi32>
          %add3A_697 = arith.addf %add3A_662, %get3A_676 : vector<16xf32>
          %add3A_698 = arith.addf %add3A_663, %get3A_683 : vector<16xf32>
          %scan3A_699 = arith.constant 6 : i32
          %scan3A_700 = arith.addi %scan3A_487, %scan3A_699 : i32
          %mul3A_701 = arith.constant 1 : i32
          %mul3A_702 = arith.muli %scan3A_700, %mul3A_701 : i32
          %add3A_703 = arith.constant 1 : i32
          %add3A_704 = arith.addi %add3A_703, %mul3A_702 : i32
          %add3A_705 = arith.constant 50 : i32
          %add3A_706 = arith.addi %add3A_705, %add3A_704 : i32
          %get3A_707 = arith.constant 1 : i32
          %get3A_708 = arith.index_cast %get3A_707 : i32 to index
          %get3A_709 = arith.index_cast %add3A_706 : i32 to index
          %get3A_710 = arith.constant 0 : index
          %get3A_711 = tpu.vector_load %arg8[%get3A_708, %get3A_709, %get3A_710] {strides = array<i32>} : memref<2x100x32xf32, #tpu.memory_space<vmem>>, vector<16xf32>,
          %add3A_712 = arith.constant 50 : i32
          %add3A_713 = arith.addi %add3A_712, %add3A_704 : i32
          %get3A_714 = arith.constant 1 : i32
          %get3A_715 = arith.index_cast %get3A_714 : i32 to index
          %get3A_716 = arith.index_cast %add3A_713 : i32 to index
          %get3A_717 = arith.constant 16 : index
          %get3A_718 = tpu.vector_load %arg8[%get3A_715, %get3A_716, %get3A_717] {strides = array<i32>} : memref<2x100x32xf32, #tpu.memory_space<vmem>>, vector<16xf32>,
          %scatter3A_719 = arith.constant 0 : i32
          %scatter3A_720 = arith.constant 0 : i32
          %scatter3A_721 = arith.constant 0 : i32
          %scatter3A_722 = tpu.memref_slice %arg9[%scan3A_457, %scatter3A_719, %scatter3A_720, %scatter3A_721] : memref<2x50x32x16xf32, #tpu.memory_space<vmem>> -> memref<1x50x32x16xf32, #tpu.memory_space<vmem>>
          %scatter3A_723 = tpu.memref_squeeze %scatter3A_722 : memref<1x50x32x16xf32, #tpu.memory_space<vmem>> -> memref<50x32x16xf32, #tpu.memory_space<vmem>>
          tpu.vector_store_idx %scatter3A_723[%add3A_696, %iota3A, %broadcast_in_dim3A_429], %get3A_711 : memref<50x32x16xf32, #tpu.memory_space<vmem>>[vector<16xi32>, vector<16xi32>, vector<16xi32>], vector<16xf32>,
          %scatter3A_724 = arith.constant 0 : i32
          %scatter3A_725 = arith.constant 0 : i32
          %scatter3A_726 = arith.constant 0 : i32
          %scatter3A_727 = tpu.memref_slice %arg9[%scan3A_457, %scatter3A_724, %scatter3A_725, %scatter3A_726] : memref<2x50x32x16xf32, #tpu.memory_space<vmem>> -> memref<1x50x32x16xf32, #tpu.memory_space<vmem>>
          %scatter3A_728 = tpu.memref_squeeze %scatter3A_727 : memref<1x50x32x16xf32, #tpu.memory_space<vmem>> -> memref<50x32x16xf32, #tpu.memory_space<vmem>>
          tpu.vector_store_idx %scatter3A_728[%add3A_696, %add3A_337, %broadcast_in_dim3A_429], %get3A_718 : memref<50x32x16xf32, #tpu.memory_space<vmem>>[vector<16xi32>, vector<16xi32>, vector<16xi32>], vector<16xf32>,
          %add3A_729 = arith.constant 1 : i32
          %add3A_730 = vector.broadcast %add3A_729 : i32 to vector<16xi32>
          %add3A_731 = arith.addi %add3A_696, %add3A_730 : vector<16xi32>
          %add3A_732 = arith.addf %add3A_697, %get3A_711 : vector<16xf32>
          %add3A_733 = arith.addf %add3A_698, %get3A_718 : vector<16xf32>
          scf.yield %add3A_731, %add3A_732, %add3A_733 : vector<16xi32>, vector<16xf32>, vector<16xf32>
        }
        %scan3A_463 = arith.constant 49 : i32
        %mul3A_464 = arith.constant 2 : i32
        %mul3A_465 = arith.muli %mul3A_464, %add3A_322 : i32
        %add3A_466 = arith.constant 1 : i32
        %add3A_467 = arith.addi %mul3A_465, %add3A_466 : i32
        %mul3A_468 = arith.constant 2.000000e-02 : f32
        %mul3A_469 = vector.broadcast %mul3A_468 : f32 to vector<16xf32>
        %mul3A_470 = arith.mulf %scan3A_462#1, %mul3A_469 : vector<16xf32>
        %swap3A_471 = arith.index_cast %add3A_467 : i32 to index
        %swap3A_472 = arith.constant 0 : index
        %swap3A_473 = tpu.vector_load %arg10[%swap3A_471, %swap3A_472] {strides = array<i32>} : memref<512x32xf32, #tpu.memory_space<vmem>>, vector<16xf32>,
        tpu.vector_store %arg10[%swap3A_471, %swap3A_472], %mul3A_470 {strides = array<i32>} : memref<512x32xf32, #tpu.memory_space<vmem>>, vector<16xf32>,
        %mul3A_474 = arith.constant 2.000000e-02 : f32
        %mul3A_475 = vector.broadcast %mul3A_474 : f32 to vector<16xf32>
        %mul3A_476 = arith.mulf %scan3A_462#2, %mul3A_475 : vector<16xf32>
        %swap3A_477 = arith.index_cast %add3A_467 : i32 to index
        %swap3A_478 = arith.constant 16 : index
        %swap3A_479 = tpu.vector_load %arg10[%swap3A_477, %swap3A_478] {strides = array<i32>} : memref<512x32xf32, #tpu.memory_space<vmem>>, vector<16xf32>,
        tpu.vector_store %arg10[%swap3A_477, %swap3A_478], %mul3A_476 {strides = array<i32>} : memref<512x32xf32, #tpu.memory_space<vmem>>, vector<16xf32>,
        %add3A_480 = arith.constant 2 : i32
        %add3A_481 = arith.addi %add3A_322, %add3A_480 : i32
        %lt3A_482 = arith.constant 256 : i32
        %lt3A_483 = arith.cmpi slt, %add3A_481, %lt3A_482 : i32
        %convert_element_type3A_484 = arith.extui %lt3A_483 : i1 to i32
        %cond3A_485 = arith.constant 0 : i32
        %cond3A_486 = arith.cmpi ne, %convert_element_type3A_484, %cond3A_485 : i32
        scf.if %cond3A_486 {
          %add3A_487 = arith.constant 2 : i32
          %add3A_488 = arith.addi %add3A_322, %add3A_487 : i32
          %mul3A_489 = arith.constant 112 : i32
          %mul3A_490 = arith.muli %add3A_488, %mul3A_489 : i32
          %dma_start3A_491 = arith.constant 1 : i32
          %dma_start3A_492 = arith.constant 0 : i32
          %dma_start3A_493 = arith.constant 0 : i32
          %dma_start3A_494 = tpu.memref_slice %arg8[%dma_start3A_491, %dma_start3A_492, %dma_start3A_493] : memref<2x100x32xf32, #tpu.memory_space<vmem>> -> memref<1x100x32xf32, #tpu.memory_space<vmem>>
          %dma_start3A_495 = tpu.memref_squeeze %dma_start3A_494 : memref<1x100x32xf32, #tpu.memory_space<vmem>> -> memref<100x32xf32, #tpu.memory_space<vmem>>
          %dma_start3A_496 = tpu.memref_slice %arg7[%mul3A_490] : memref<28672xi32, #tpu.memory_space<vmem>> -> memref<100xi32, #tpu.memory_space<vmem>>
          %dma_start3A_497 = arith.constant 0 : i32
          %dma_start3A_498 = arith.constant 0 : i32
          %dma_start3A_499 = tpu.memref_slice %arg3[%dma_start3A_497, %dma_start3A_498] : memref<1000000x32xf32, #tpu.memory_space<hbm>> -> memref<1000000x32xf32, #tpu.memory_space<hbm>>
          tpu.enqueue_indirect_dma source(%dma_start3A_499 : memref<1000000x32xf32, #tpu.memory_space<hbm>>) target(%dma_start3A_495 : memref<100x32xf32, #tpu.memory_space<vmem>>) offsets(%dma_start3A_496 : memref<100xi32, #tpu.memory_space<vmem>>) semaphore(%arg12 : memref<!tpu.dma_semaphore, #tpu.memory_space<semaphore_mem>>)
        } else {
        }
      }
      %scan3A_93 = arith.constant 4 : i32
      %mul3A_94 = arith.constant 32 : i32
      %mul3A_95 = arith.muli %add3A, %mul3A_94 : i32
      %add3A_96 = arith.addi %mul3A_95, %add3A_86 : i32
      %mul3A_97 = arith.constant 16 : i32
      %mul3A_98 = arith.muli %add3A_96, %mul3A_97 : i32
      %dma_start3A_99 = arith.constant 0 : i32
      %dma_start3A_100 = arith.constant 0 : i32
      %dma_start3A_101 = arith.constant 0 : i32
      %dma_start3A_102 = arith.constant 0 : i32
      %dma_start3A_103 = tpu.memref_slice %arg9[%dma_start3A_99, %dma_start3A_100, %dma_start3A_101, %dma_start3A_102] : memref<2x50x32x16xf32, #tpu.memory_space<vmem>> -> memref<1x50x32x16xf32, #tpu.memory_space<vmem>>
      %dma_start3A_104 = tpu.memref_squeeze %dma_start3A_103 : memref<1x50x32x16xf32, #tpu.memory_space<vmem>> -> memref<50x32x16xf32, #tpu.memory_space<vmem>>
      %dma_start3A_105 = arith.constant 0 : i32
      %dma_start3A_106 = arith.constant 0 : i32
      %dma_start3A_107 = tpu.memref_slice %arg4[%dma_start3A_105, %dma_start3A_106, %mul3A_98] : memref<50x32x16384xf32, #tpu.memory_space<hbm>> -> memref<50x32x16xf32, #tpu.memory_space<hbm>>
      %dma_start3A_108 = arith.constant 0 : i32
      %dma_start3A_109 = arith.constant 0 : i32
      %dma_start3A_110 = tpu.memref_slice %arg4[%dma_start3A_108, %dma_start3A_109, %mul3A_98] : memref<50x32x16384xf32, #tpu.memory_space<hbm>> -> memref<50x32x16xf32, #tpu.memory_space<hbm>>
      %dma_start3A_111 = arith.constant 0 : i32
      %dma_start3A_112 = arith.constant 0 : i32
      %dma_start3A_113 = arith.constant 0 : i32
      %dma_start3A_114 = tpu.memref_slice %arg9[%dma_start3A_99, %dma_start3A_111, %dma_start3A_112, %dma_start3A_113] : memref<2x50x32x16xf32, #tpu.memory_space<vmem>> -> memref<1x50x32x16xf32, #tpu.memory_space<vmem>>
      %dma_start3A_115 = tpu.memref_squeeze %dma_start3A_114 : memref<1x50x32x16xf32, #tpu.memory_space<vmem>> -> memref<50x32x16xf32, #tpu.memory_space<vmem>>
      tpu.enqueue_dma source(%dma_start3A_115 : memref<50x32x16xf32, #tpu.memory_space<vmem>>) target(%dma_start3A_110 : memref<50x32x16xf32, #tpu.memory_space<hbm>>) target_semaphore(%arg13 : memref<!tpu.dma_semaphore, #tpu.memory_space<semaphore_mem>>)
      %mul3A_116 = arith.constant 2 : i32
      %mul3A_117 = arith.muli %mul3A_116, %add3A_82 : i32
      %add3A_118 = arith.constant 1 : i32
      %add3A_119 = arith.addi %mul3A_117, %add3A_118 : i32
      %ge3A_120 = arith.constant 2 : i32
      %ge3A_121 = arith.cmpi sge, %add3A_119, %ge3A_120 : i32
      %convert_element_type3A_122 = arith.extui %ge3A_121 : i1 to i32
      %cond3A_123 = arith.constant 0 : i32
      %cond3A_124 = arith.cmpi ne, %convert_element_type3A_122, %cond3A_123 : i32
      scf.if %cond3A_124 {
        %sub3A = arith.constant 2 : i32
        %sub3A_152 = arith.subi %add3A_119, %sub3A : i32
        %mul3A_153 = arith.constant 32 : i32
        %mul3A_154 = arith.muli %add3A, %mul3A_153 : i32
        %add3A_155 = arith.addi %mul3A_154, %sub3A_152 : i32
        %mul3A_156 = arith.constant 16 : i32
        %mul3A_157 = arith.muli %add3A_155, %mul3A_156 : i32
        %dma_wait3A_158 = arith.constant 1 : i32
        %dma_wait3A_159 = arith.constant 0 : i32
        %dma_wait3A_160 = arith.constant 0 : i32
        %dma_wait3A_161 = arith.constant 0 : i32
        %dma_wait3A_162 = tpu.memref_slice %arg9[%dma_wait3A_158, %dma_wait3A_159, %dma_wait3A_160, %dma_wait3A_161] : memref<2x50x32x16xf32, #tpu.memory_space<vmem>> -> memref<1x50x32x16xf32, #tpu.memory_space<vmem>>
        %dma_wait3A_163 = tpu.memref_squeeze %dma_wait3A_162 : memref<1x50x32x16xf32, #tpu.memory_space<vmem>> -> memref<50x32x16xf32, #tpu.memory_space<vmem>>
        %dma_wait3A_164 = arith.constant 0 : i32
        %dma_wait3A_165 = arith.constant 0 : i32
        %dma_wait3A_166 = tpu.memref_slice %arg4[%dma_wait3A_164, %dma_wait3A_165, %mul3A_157] : memref<50x32x16384xf32, #tpu.memory_space<hbm>> -> memref<50x32x16xf32, #tpu.memory_space<hbm>>
        %dma_wait3A_167 = arith.constant 0 : i32
        %dma_wait3A_168 = arith.constant 0 : i32
        %dma_wait3A_169 = tpu.memref_slice %arg4[%dma_wait3A_167, %dma_wait3A_168, %mul3A_157] : memref<50x32x16384xf32, #tpu.memory_space<hbm>> -> memref<50x32x16xf32, #tpu.memory_space<hbm>>
        %dma_wait3A_170 = arith.constant 0 : i32
        %dma_wait3A_171 = arith.constant 0 : i32
        %dma_wait3A_172 = arith.constant 0 : i32
        %dma_wait3A_173 = tpu.memref_slice %arg9[%dma_wait3A_158, %dma_wait3A_170, %dma_wait3A_171, %dma_wait3A_172] : memref<2x50x32x16xf32, #tpu.memory_space<vmem>> -> memref<1x50x32x16xf32, #tpu.memory_space<vmem>>
        %dma_wait3A_174 = tpu.memref_squeeze %dma_wait3A_173 : memref<1x50x32x16xf32, #tpu.memory_space<vmem>> -> memref<50x32x16xf32, #tpu.memory_space<vmem>>
        tpu.wait_dma2 semaphore(%arg14 : memref<!tpu.dma_semaphore, #tpu.memory_space<semaphore_mem>>) src(%dma_wait3A_174 : memref<50x32x16xf32, #tpu.memory_space<vmem>>) dst(%dma_wait3A_169 : memref<50x32x16xf32, #tpu.memory_space<hbm>>)
      } else {
      }
      %scan3A_125 = arith.constant 0 : i32
      %scan3A_126 = arith.constant 4 : i32
      %scan3A_127 = arith.addi %scan3A_125, %scan3A_126 : i32
      %scan3A_128 = arith.constant 1 : i32
      scf.for %scan3A_152 = %scan3A_125 to %scan3A_127 step %scan3A_128  : i32 {
        %mul3A_153 = arith.constant 1 : i32
        %mul3A_154 = arith.muli %scan3A_152, %mul3A_153 : i32
        %add3A_155 = arith.constant 0 : i32
        %add3A_156 = arith.addi %add3A_155, %mul3A_154 : i32
        %mul3A_157 = arith.constant 2 : i32
        %mul3A_158 = arith.muli %mul3A_157, %add3A_156 : i32
        %add3A_159 = arith.constant 0 : i32
        %add3A_160 = arith.addi %mul3A_158, %add3A_159 : i32
        %mul3A_161 = arith.constant 8 : i32
        %mul3A_162 = arith.muli %add3A_119, %mul3A_161 : i32
        %add3A_163 = arith.addi %mul3A_162, %add3A_160 : i32
        %mul3A_164 = arith.constant 112 : i32
        %mul3A_165 = arith.muli %add3A_163, %mul3A_164 : i32
        %dma_wait3A_166 = arith.constant 0 : i32
        %dma_wait3A_167 = arith.constant 0 : i32
        %dma_wait3A_168 = arith.constant 0 : i32
        %dma_wait3A_169 = tpu.memref_slice %arg8[%dma_wait3A_166, %dma_wait3A_167, %dma_wait3A_168] : memref<2x100x32xf32, #tpu.memory_space<vmem>> -> memref<1x100x32xf32, #tpu.memory_space<vmem>>
        %dma_wait3A_170 = tpu.memref_squeeze %dma_wait3A_169 : memref<1x100x32xf32, #tpu.memory_space<vmem>> -> memref<100x32xf32, #tpu.memory_space<vmem>>
        %dma_wait3A_171 = tpu.memref_slice %arg7[%mul3A_165] : memref<28672xi32, #tpu.memory_space<vmem>> -> memref<100xi32, #tpu.memory_space<vmem>>
        %dma_wait3A_172 = arith.constant 0 : i32
        %dma_wait3A_173 = arith.constant 0 : i32
        %dma_wait3A_174 = tpu.memref_slice %arg3[%dma_wait3A_172, %dma_wait3A_173] : memref<1000000x32xf32, #tpu.memory_space<hbm>> -> memref<1000000x32xf32, #tpu.memory_space<hbm>>
        tpu.wait_indirect_dma semaphore(%arg11 : memref<!tpu.dma_semaphore, #tpu.memory_space<semaphore_mem>>) src(%dma_wait3A_174 : memref<1000000x32xf32, #tpu.memory_space<hbm>>) dst(%dma_wait3A_170 : memref<100x32xf32, #tpu.memory_space<vmem>>)
        %sub3A = arith.subi %iota3A, %iota3A : vector<16xi32>
        %add3A_175 = arith.constant 16 : i32
        %add3A_176 = vector.broadcast %add3A_175 : i32 to vector<16xi32>
        %add3A_177 = arith.addi %iota3A, %add3A_176 : vector<16xi32>
        %mul3A_178 = arith.constant 2 : i32
        %mul3A_179 = arith.muli %mul3A_178, %add3A_163 : i32
        %add3A_180 = arith.constant 0 : i32
        %add3A_181 = arith.addi %mul3A_179, %add3A_180 : i32
        %jit3A = arith.constant 16 : i32
        %eq3A = arith.constant 0 : i32
        %eq3A_182 = arith.cmpi eq, %jit3A, %eq3A : i32
        %jit3A_183 = arith.constant 1 : i32
        %select_n3A = arith.select %eq3A_182, %jit3A_183, %jit3A : i32
        %rem3A = arith.remsi %add3A_181, %select_n3A : i32
        %ne3A = arith.constant 0 : i32
        %ne3A_184 = arith.cmpi ne, %rem3A, %ne3A : i32
        %lt3A = arith.constant 0 : i32
        %lt3A_185 = arith.cmpi slt, %rem3A, %lt3A : i32
        %lt3A_186 = arith.constant 0 : i32
        %lt3A_187 = arith.cmpi slt, %select_n3A, %lt3A_186 : i32
        %ne3A_188 = arith.xori %lt3A_185, %lt3A_187 : i1
        %and3A = arith.andi %ne3A_188, %ne3A_184 : i1
        %add3A_189 = arith.addi %rem3A, %select_n3A : i32
        %select_n3A_190 = arith.select %and3A, %add3A_189, %rem3A : i32
        %broadcast_in_dim3A = vector.broadcast %select_n3A_190 : i32 to vector<16xi32>
        %get3A = arith.constant 0 : i32
        %get3A_191 = arith.constant 0 : i32
        %get3A_192 = arith.index_cast %get3A : i32 to index
        %get3A_193 = arith.index_cast %get3A_191 : i32 to index
        %get3A_194 = arith.constant 0 : index
        %get3A_195 = tpu.vector_load %arg8[%get3A_192, %get3A_193, %get3A_194] {strides = array<i32>} : memref<2x100x32xf32, #tpu.memory_space<vmem>>, vector<16xf32>,
        %get3A_196 = arith.constant 0 : i32
        %get3A_197 = arith.constant 0 : i32
        %get3A_198 = arith.index_cast %get3A_196 : i32 to index
        %get3A_199 = arith.index_cast %get3A_197 : i32 to index
        %get3A_200 = arith.constant 16 : index
        %get3A_201 = tpu.vector_load %arg8[%get3A_198, %get3A_199, %get3A_200] {strides = array<i32>} : memref<2x100x32xf32, #tpu.memory_space<vmem>>, vector<16xf32>,
        %scatter3A = arith.constant 1 : i32
        %scatter3A_202 = arith.constant 0 : i32
        %scatter3A_203 = arith.constant 0 : i32
        %scatter3A_204 = arith.constant 0 : i32
        %scatter3A_205 = tpu.memref_slice %arg9[%scatter3A, %scatter3A_202, %scatter3A_203, %scatter3A_204] : memref<2x50x32x16xf32, #tpu.memory_space<vmem>> -> memref<1x50x32x16xf32, #tpu.memory_space<vmem>>
        %scatter3A_206 = tpu.memref_squeeze %scatter3A_205 : memref<1x50x32x16xf32, #tpu.memory_space<vmem>> -> memref<50x32x16xf32, #tpu.memory_space<vmem>>
        tpu.vector_store_idx %scatter3A_206[%sub3A, %iota3A, %broadcast_in_dim3A], %get3A_195 : memref<50x32x16xf32, #tpu.memory_space<vmem>>[vector<16xi32>, vector<16xi32>, vector<16xi32>], vector<16xf32>,
        %scatter3A_207 = arith.constant 1 : i32
        %scatter3A_208 = arith.constant 0 : i32
        %scatter3A_209 = arith.constant 0 : i32
        %scatter3A_210 = arith.constant 0 : i32
        %scatter3A_211 = tpu.memref_slice %arg9[%scatter3A_207, %scatter3A_208, %scatter3A_209, %scatter3A_210] : memref<2x50x32x16xf32, #tpu.memory_space<vmem>> -> memref<1x50x32x16xf32, #tpu.memory_space<vmem>>
        %scatter3A_212 = tpu.memref_squeeze %scatter3A_211 : memref<1x50x32x16xf32, #tpu.memory_space<vmem>> -> memref<50x32x16xf32, #tpu.memory_space<vmem>>
        tpu.vector_store_idx %scatter3A_212[%sub3A, %add3A_177, %broadcast_in_dim3A], %get3A_201 : memref<50x32x16xf32, #tpu.memory_space<vmem>>[vector<16xi32>, vector<16xi32>, vector<16xi32>], vector<16xf32>,
        %add3A_213 = arith.constant 1 : i32
        %add3A_214 = vector.broadcast %add3A_213 : i32 to vector<16xi32>
        %add3A_215 = arith.addi %sub3A, %add3A_214 : vector<16xi32>
        %scan3A_216 = arith.constant 1 : i32
        %scan3A_217 = arith.constant 0 : i32
        %scan3A_218 = arith.constant 49 : i32
        %scan3A_219 = arith.addi %scan3A_217, %scan3A_218 : i32
        %scan3A_220 = arith.constant 7 : i32
        %scan3A_221:3 = scf.for %scan3A_487 = %scan3A_217 to %scan3A_219 step %scan3A_220 iter_args(%scan3A_488 = %add3A_215, %scan3A_489 = %get3A_195, %scan3A_490 = %get3A_201) -> (vector<16xi32>, vector<16xf32>, vector<16xf32>)  : i32 {
          %mul3A_491 = arith.constant 1 : i32
          %mul3A_492 = arith.muli %scan3A_487, %mul3A_491 : i32
          %add3A_493 = arith.constant 1 : i32
          %add3A_494 = arith.addi %add3A_493, %mul3A_492 : i32
          %add3A_495 = arith.constant 0 : i32
          %add3A_496 = arith.addi %add3A_495, %add3A_494 : i32
          %get3A_497 = arith.constant 0 : i32
          %get3A_498 = arith.index_cast %get3A_497 : i32 to index
          %get3A_499 = arith.index_cast %add3A_496 : i32 to index
          %get3A_500 = arith.constant 0 : index
          %get3A_501 = tpu.vector_load %arg8[%get3A_498, %get3A_499, %get3A_500] {strides = array<i32>} : memref<2x100x32xf32, #tpu.memory_space<vmem>>, vector<16xf32>,
          %add3A_502 = arith.constant 0 : i32
          %add3A_503 = arith.addi %add3A_502, %add3A_494 : i32
          %get3A_504 = arith.constant 0 : i32
          %get3A_505 = arith.index_cast %get3A_504 : i32 to index
          %get3A_506 = arith.index_cast %add3A_503 : i32 to index
          %get3A_507 = arith.constant 16 : index
          %get3A_508 = tpu.vector_load %arg8[%get3A_505, %get3A_506, %get3A_507] {strides = array<i32>} : memref<2x100x32xf32, #tpu.memory_space<vmem>>, vector<16xf32>,
          %scatter3A_509 = arith.constant 0 : i32
          %scatter3A_510 = arith.constant 0 : i32
          %scatter3A_511 = arith.constant 0 : i32
          %scatter3A_512 = tpu.memref_slice %arg9[%scan3A_216, %scatter3A_509, %scatter3A_510, %scatter3A_511] : memref<2x50x32x16xf32, #tpu.memory_space<vmem>> -> memref<1x50x32x16xf32, #tpu.memory_space<vmem>>
          %scatter3A_513 = tpu.memref_squeeze %scatter3A_512 : memref<1x50x32x16xf32, #tpu.memory_space<vmem>> -> memref<50x32x16xf32, #tpu.memory_space<vmem>>
          tpu.vector_store_idx %scatter3A_513[%scan3A_488, %iota3A, %broadcast_in_dim3A], %get3A_501 : memref<50x32x16xf32, #tpu.memory_space<vmem>>[vector<16xi32>, vector<16xi32>, vector<16xi32>], vector<16xf32>,
          %scatter3A_514 = arith.constant 0 : i32
          %scatter3A_515 = arith.constant 0 : i32
          %scatter3A_516 = arith.constant 0 : i32
          %scatter3A_517 = tpu.memref_slice %arg9[%scan3A_216, %scatter3A_514, %scatter3A_515, %scatter3A_516] : memref<2x50x32x16xf32, #tpu.memory_space<vmem>> -> memref<1x50x32x16xf32, #tpu.memory_space<vmem>>
          %scatter3A_518 = tpu.memref_squeeze %scatter3A_517 : memref<1x50x32x16xf32, #tpu.memory_space<vmem>> -> memref<50x32x16xf32, #tpu.memory_space<vmem>>
          tpu.vector_store_idx %scatter3A_518[%scan3A_488, %add3A_177, %broadcast_in_dim3A], %get3A_508 : memref<50x32x16xf32, #tpu.memory_space<vmem>>[vector<16xi32>, vector<16xi32>, vector<16xi32>], vector<16xf32>,
          %add3A_519 = arith.constant 1 : i32
          %add3A_520 = vector.broadcast %add3A_519 : i32 to vector<16xi32>
          %add3A_521 = arith.addi %scan3A_488, %add3A_520 : vector<16xi32>
          %add3A_522 = arith.addf %scan3A_489, %get3A_501 : vector<16xf32>
          %add3A_523 = arith.addf %scan3A_490, %get3A_508 : vector<16xf32>
          %scan3A_524 = arith.constant 1 : i32
          %scan3A_525 = arith.addi %scan3A_487, %scan3A_524 : i32
          %mul3A_526 = arith.constant 1 : i32
          %mul3A_527 = arith.muli %scan3A_525, %mul3A_526 : i32
          %add3A_528 = arith.constant 1 : i32
          %add3A_529 = arith.addi %add3A_528, %mul3A_527 : i32
          %add3A_530 = arith.constant 0 : i32
          %add3A_531 = arith.addi %add3A_530, %add3A_529 : i32
          %get3A_532 = arith.constant 0 : i32
          %get3A_533 = arith.index_cast %get3A_532 : i32 to index
          %get3A_534 = arith.index_cast %add3A_531 : i32 to index
          %get3A_535 = arith.constant 0 : index
          %get3A_536 = tpu.vector_load %arg8[%get3A_533, %get3A_534, %get3A_535] {strides = array<i32>} : memref<2x100x32xf32, #tpu.memory_space<vmem>>, vector<16xf32>,
          %add3A_537 = arith.constant 0 : i32
          %add3A_538 = arith.addi %add3A_537, %add3A_529 : i32
          %get3A_539 = arith.constant 0 : i32
          %get3A_540 = arith.index_cast %get3A_539 : i32 to index
          %get3A_541 = arith.index_cast %add3A_538 : i32 to index
          %get3A_542 = arith.constant 16 : index
          %get3A_543 = tpu.vector_load %arg8[%get3A_540, %get3A_541, %get3A_542] {strides = array<i32>} : memref<2x100x32xf32, #tpu.memory_space<vmem>>, vector<16xf32>,
          %scatter3A_544 = arith.constant 0 : i32
          %scatter3A_545 = arith.constant 0 : i32
          %scatter3A_546 = arith.constant 0 : i32
          %scatter3A_547 = tpu.memref_slice %arg9[%scan3A_216, %scatter3A_544, %scatter3A_545, %scatter3A_546] : memref<2x50x32x16xf32, #tpu.memory_space<vmem>> -> memref<1x50x32x16xf32, #tpu.memory_space<vmem>>
          %scatter3A_548 = tpu.memref_squeeze %scatter3A_547 : memref<1x50x32x16xf32, #tpu.memory_space<vmem>> -> memref<50x32x16xf32, #tpu.memory_space<vmem>>
          tpu.vector_store_idx %scatter3A_548[%add3A_521, %iota3A, %broadcast_in_dim3A], %get3A_536 : memref<50x32x16xf32, #tpu.memory_space<vmem>>[vector<16xi32>, vector<16xi32>, vector<16xi32>], vector<16xf32>,
          %scatter3A_549 = arith.constant 0 : i32
          %scatter3A_550 = arith.constant 0 : i32
          %scatter3A_551 = arith.constant 0 : i32
          %scatter3A_552 = tpu.memref_slice %arg9[%scan3A_216, %scatter3A_549, %scatter3A_550, %scatter3A_551] : memref<2x50x32x16xf32, #tpu.memory_space<vmem>> -> memref<1x50x32x16xf32, #tpu.memory_space<vmem>>
          %scatter3A_553 = tpu.memref_squeeze %scatter3A_552 : memref<1x50x32x16xf32, #tpu.memory_space<vmem>> -> memref<50x32x16xf32, #tpu.memory_space<vmem>>
          tpu.vector_store_idx %scatter3A_553[%add3A_521, %add3A_177, %broadcast_in_dim3A], %get3A_543 : memref<50x32x16xf32, #tpu.memory_space<vmem>>[vector<16xi32>, vector<16xi32>, vector<16xi32>], vector<16xf32>,
          %add3A_554 = arith.constant 1 : i32
          %add3A_555 = vector.broadcast %add3A_554 : i32 to vector<16xi32>
          %add3A_556 = arith.addi %add3A_521, %add3A_555 : vector<16xi32>
          %add3A_557 = arith.addf %add3A_522, %get3A_536 : vector<16xf32>
          %add3A_558 = arith.addf %add3A_523, %get3A_543 : vector<16xf32>
          %scan3A_559 = arith.constant 2 : i32
          %scan3A_560 = arith.addi %scan3A_487, %scan3A_559 : i32
          %mul3A_561 = arith.constant 1 : i32
          %mul3A_562 = arith.muli %scan3A_560, %mul3A_561 : i32
          %add3A_563 = arith.constant 1 : i32
          %add3A_564 = arith.addi %add3A_563, %mul3A_562 : i32
          %add3A_565 = arith.constant 0 : i32
          %add3A_566 = arith.addi %add3A_565, %add3A_564 : i32
          %get3A_567 = arith.constant 0 : i32
          %get3A_568 = arith.index_cast %get3A_567 : i32 to index
          %get3A_569 = arith.index_cast %add3A_566 : i32 to index
          %get3A_570 = arith.constant 0 : index
          %get3A_571 = tpu.vector_load %arg8[%get3A_568, %get3A_569, %get3A_570] {strides = array<i32>} : memref<2x100x32xf32, #tpu.memory_space<vmem>>, vector<16xf32>,
          %add3A_572 = arith.constant 0 : i32
          %add3A_573 = arith.addi %add3A_572, %add3A_564 : i32
          %get3A_574 = arith.constant 0 : i32
          %get3A_575 = arith.index_cast %get3A_574 : i32 to index
          %get3A_576 = arith.index_cast %add3A_573 : i32 to index
          %get3A_577 = arith.constant 16 : index
          %get3A_578 = tpu.vector_load %arg8[%get3A_575, %get3A_576, %get3A_577] {strides = array<i32>} : memref<2x100x32xf32, #tpu.memory_space<vmem>>, vector<16xf32>,
          %scatter3A_579 = arith.constant 0 : i32
          %scatter3A_580 = arith.constant 0 : i32
          %scatter3A_581 = arith.constant 0 : i32
          %scatter3A_582 = tpu.memref_slice %arg9[%scan3A_216, %scatter3A_579, %scatter3A_580, %scatter3A_581] : memref<2x50x32x16xf32, #tpu.memory_space<vmem>> -> memref<1x50x32x16xf32, #tpu.memory_space<vmem>>
          %scatter3A_583 = tpu.memref_squeeze %scatter3A_582 : memref<1x50x32x16xf32, #tpu.memory_space<vmem>> -> memref<50x32x16xf32, #tpu.memory_space<vmem>>
          tpu.vector_store_idx %scatter3A_583[%add3A_556, %iota3A, %broadcast_in_dim3A], %get3A_571 : memref<50x32x16xf32, #tpu.memory_space<vmem>>[vector<16xi32>, vector<16xi32>, vector<16xi32>], vector<16xf32>,
          %scatter3A_584 = arith.constant 0 : i32
          %scatter3A_585 = arith.constant 0 : i32
          %scatter3A_586 = arith.constant 0 : i32
          %scatter3A_587 = tpu.memref_slice %arg9[%scan3A_216, %scatter3A_584, %scatter3A_585, %scatter3A_586] : memref<2x50x32x16xf32, #tpu.memory_space<vmem>> -> memref<1x50x32x16xf32, #tpu.memory_space<vmem>>
          %scatter3A_588 = tpu.memref_squeeze %scatter3A_587 : memref<1x50x32x16xf32, #tpu.memory_space<vmem>> -> memref<50x32x16xf32, #tpu.memory_space<vmem>>
          tpu.vector_store_idx %scatter3A_588[%add3A_556, %add3A_177, %broadcast_in_dim3A], %get3A_578 : memref<50x32x16xf32, #tpu.memory_space<vmem>>[vector<16xi32>, vector<16xi32>, vector<16xi32>], vector<16xf32>,
          %add3A_589 = arith.constant 1 : i32
          %add3A_590 = vector.broadcast %add3A_589 : i32 to vector<16xi32>
          %add3A_591 = arith.addi %add3A_556, %add3A_590 : vector<16xi32>
          %add3A_592 = arith.addf %add3A_557, %get3A_571 : vector<16xf32>
          %add3A_593 = arith.addf %add3A_558, %get3A_578 : vector<16xf32>
          %scan3A_594 = arith.constant 3 : i32
          %scan3A_595 = arith.addi %scan3A_487, %scan3A_594 : i32
          %mul3A_596 = arith.constant 1 : i32
          %mul3A_597 = arith.muli %scan3A_595, %mul3A_596 : i32
          %add3A_598 = arith.constant 1 : i32
          %add3A_599 = arith.addi %add3A_598, %mul3A_597 : i32
          %add3A_600 = arith.constant 0 : i32
          %add3A_601 = arith.addi %add3A_600, %add3A_599 : i32
          %get3A_602 = arith.constant 0 : i32
          %get3A_603 = arith.index_cast %get3A_602 : i32 to index
          %get3A_604 = arith.index_cast %add3A_601 : i32 to index
          %get3A_605 = arith.constant 0 : index
          %get3A_606 = tpu.vector_load %arg8[%get3A_603, %get3A_604, %get3A_605] {strides = array<i32>} : memref<2x100x32xf32, #tpu.memory_space<vmem>>, vector<16xf32>,
          %add3A_607 = arith.constant 0 : i32
          %add3A_608 = arith.addi %add3A_607, %add3A_599 : i32
          %get3A_609 = arith.constant 0 : i32
          %get3A_610 = arith.index_cast %get3A_609 : i32 to index
          %get3A_611 = arith.index_cast %add3A_608 : i32 to index
          %get3A_612 = arith.constant 16 : index
          %get3A_613 = tpu.vector_load %arg8[%get3A_610, %get3A_611, %get3A_612] {strides = array<i32>} : memref<2x100x32xf32, #tpu.memory_space<vmem>>, vector<16xf32>,
          %scatter3A_614 = arith.constant 0 : i32
          %scatter3A_615 = arith.constant 0 : i32
          %scatter3A_616 = arith.constant 0 : i32
          %scatter3A_617 = tpu.memref_slice %arg9[%scan3A_216, %scatter3A_614, %scatter3A_615, %scatter3A_616] : memref<2x50x32x16xf32, #tpu.memory_space<vmem>> -> memref<1x50x32x16xf32, #tpu.memory_space<vmem>>
          %scatter3A_618 = tpu.memref_squeeze %scatter3A_617 : memref<1x50x32x16xf32, #tpu.memory_space<vmem>> -> memref<50x32x16xf32, #tpu.memory_space<vmem>>
          tpu.vector_store_idx %scatter3A_618[%add3A_591, %iota3A, %broadcast_in_dim3A], %get3A_606 : memref<50x32x16xf32, #tpu.memory_space<vmem>>[vector<16xi32>, vector<16xi32>, vector<16xi32>], vector<16xf32>,
          %scatter3A_619 = arith.constant 0 : i32
          %scatter3A_620 = arith.constant 0 : i32
          %scatter3A_621 = arith.constant 0 : i32
          %scatter3A_622 = tpu.memref_slice %arg9[%scan3A_216, %scatter3A_619, %scatter3A_620, %scatter3A_621] : memref<2x50x32x16xf32, #tpu.memory_space<vmem>> -> memref<1x50x32x16xf32, #tpu.memory_space<vmem>>
          %scatter3A_623 = tpu.memref_squeeze %scatter3A_622 : memref<1x50x32x16xf32, #tpu.memory_space<vmem>> -> memref<50x32x16xf32, #tpu.memory_space<vmem>>
          tpu.vector_store_idx %scatter3A_623[%add3A_591, %add3A_177, %broadcast_in_dim3A], %get3A_613 : memref<50x32x16xf32, #tpu.memory_space<vmem>>[vector<16xi32>, vector<16xi32>, vector<16xi32>], vector<16xf32>,
          %add3A_624 = arith.constant 1 : i32
          %add3A_625 = vector.broadcast %add3A_624 : i32 to vector<16xi32>
          %add3A_626 = arith.addi %add3A_591, %add3A_625 : vector<16xi32>
          %add3A_627 = arith.addf %add3A_592, %get3A_606 : vector<16xf32>
          %add3A_628 = arith.addf %add3A_593, %get3A_613 : vector<16xf32>
          %scan3A_629 = arith.constant 4 : i32
          %scan3A_630 = arith.addi %scan3A_487, %scan3A_629 : i32
          %mul3A_631 = arith.constant 1 : i32
          %mul3A_632 = arith.muli %scan3A_630, %mul3A_631 : i32
          %add3A_633 = arith.constant 1 : i32
          %add3A_634 = arith.addi %add3A_633, %mul3A_632 : i32
          %add3A_635 = arith.constant 0 : i32
          %add3A_636 = arith.addi %add3A_635, %add3A_634 : i32
          %get3A_637 = arith.constant 0 : i32
          %get3A_638 = arith.index_cast %get3A_637 : i32 to index
          %get3A_639 = arith.index_cast %add3A_636 : i32 to index
          %get3A_640 = arith.constant 0 : index
          %get3A_641 = tpu.vector_load %arg8[%get3A_638, %get3A_639, %get3A_640] {strides = array<i32>} : memref<2x100x32xf32, #tpu.memory_space<vmem>>, vector<16xf32>,
          %add3A_642 = arith.constant 0 : i32
          %add3A_643 = arith.addi %add3A_642, %add3A_634 : i32
          %get3A_644 = arith.constant 0 : i32
          %get3A_645 = arith.index_cast %get3A_644 : i32 to index
          %get3A_646 = arith.index_cast %add3A_643 : i32 to index
          %get3A_647 = arith.constant 16 : index
          %get3A_648 = tpu.vector_load %arg8[%get3A_645, %get3A_646, %get3A_647] {strides = array<i32>} : memref<2x100x32xf32, #tpu.memory_space<vmem>>, vector<16xf32>,
          %scatter3A_649 = arith.constant 0 : i32
          %scatter3A_650 = arith.constant 0 : i32
          %scatter3A_651 = arith.constant 0 : i32
          %scatter3A_652 = tpu.memref_slice %arg9[%scan3A_216, %scatter3A_649, %scatter3A_650, %scatter3A_651] : memref<2x50x32x16xf32, #tpu.memory_space<vmem>> -> memref<1x50x32x16xf32, #tpu.memory_space<vmem>>
          %scatter3A_653 = tpu.memref_squeeze %scatter3A_652 : memref<1x50x32x16xf32, #tpu.memory_space<vmem>> -> memref<50x32x16xf32, #tpu.memory_space<vmem>>
          tpu.vector_store_idx %scatter3A_653[%add3A_626, %iota3A, %broadcast_in_dim3A], %get3A_641 : memref<50x32x16xf32, #tpu.memory_space<vmem>>[vector<16xi32>, vector<16xi32>, vector<16xi32>], vector<16xf32>,
          %scatter3A_654 = arith.constant 0 : i32
          %scatter3A_655 = arith.constant 0 : i32
          %scatter3A_656 = arith.constant 0 : i32
          %scatter3A_657 = tpu.memref_slice %arg9[%scan3A_216, %scatter3A_654, %scatter3A_655, %scatter3A_656] : memref<2x50x32x16xf32, #tpu.memory_space<vmem>> -> memref<1x50x32x16xf32, #tpu.memory_space<vmem>>
          %scatter3A_658 = tpu.memref_squeeze %scatter3A_657 : memref<1x50x32x16xf32, #tpu.memory_space<vmem>> -> memref<50x32x16xf32, #tpu.memory_space<vmem>>
          tpu.vector_store_idx %scatter3A_658[%add3A_626, %add3A_177, %broadcast_in_dim3A], %get3A_648 : memref<50x32x16xf32, #tpu.memory_space<vmem>>[vector<16xi32>, vector<16xi32>, vector<16xi32>], vector<16xf32>,
          %add3A_659 = arith.constant 1 : i32
          %add3A_660 = vector.broadcast %add3A_659 : i32 to vector<16xi32>
          %add3A_661 = arith.addi %add3A_626, %add3A_660 : vector<16xi32>
          %add3A_662 = arith.addf %add3A_627, %get3A_641 : vector<16xf32>
          %add3A_663 = arith.addf %add3A_628, %get3A_648 : vector<16xf32>
          %scan3A_664 = arith.constant 5 : i32
          %scan3A_665 = arith.addi %scan3A_487, %scan3A_664 : i32
          %mul3A_666 = arith.constant 1 : i32
          %mul3A_667 = arith.muli %scan3A_665, %mul3A_666 : i32
          %add3A_668 = arith.constant 1 : i32
          %add3A_669 = arith.addi %add3A_668, %mul3A_667 : i32
          %add3A_670 = arith.constant 0 : i32
          %add3A_671 = arith.addi %add3A_670, %add3A_669 : i32
          %get3A_672 = arith.constant 0 : i32
          %get3A_673 = arith.index_cast %get3A_672 : i32 to index
          %get3A_674 = arith.index_cast %add3A_671 : i32 to index
          %get3A_675 = arith.constant 0 : index
          %get3A_676 = tpu.vector_load %arg8[%get3A_673, %get3A_674, %get3A_675] {strides = array<i32>} : memref<2x100x32xf32, #tpu.memory_space<vmem>>, vector<16xf32>,
          %add3A_677 = arith.constant 0 : i32
          %add3A_678 = arith.addi %add3A_677, %add3A_669 : i32
          %get3A_679 = arith.constant 0 : i32
          %get3A_680 = arith.index_cast %get3A_679 : i32 to index
          %get3A_681 = arith.index_cast %add3A_678 : i32 to index
          %get3A_682 = arith.constant 16 : index
          %get3A_683 = tpu.vector_load %arg8[%get3A_680, %get3A_681, %get3A_682] {strides = array<i32>} : memref<2x100x32xf32, #tpu.memory_space<vmem>>, vector<16xf32>,
          %scatter3A_684 = arith.constant 0 : i32
          %scatter3A_685 = arith.constant 0 : i32
          %scatter3A_686 = arith.constant 0 : i32
          %scatter3A_687 = tpu.memref_slice %arg9[%scan3A_216, %scatter3A_684, %scatter3A_685, %scatter3A_686] : memref<2x50x32x16xf32, #tpu.memory_space<vmem>> -> memref<1x50x32x16xf32, #tpu.memory_space<vmem>>
          %scatter3A_688 = tpu.memref_squeeze %scatter3A_687 : memref<1x50x32x16xf32, #tpu.memory_space<vmem>> -> memref<50x32x16xf32, #tpu.memory_space<vmem>>
          tpu.vector_store_idx %scatter3A_688[%add3A_661, %iota3A, %broadcast_in_dim3A], %get3A_676 : memref<50x32x16xf32, #tpu.memory_space<vmem>>[vector<16xi32>, vector<16xi32>, vector<16xi32>], vector<16xf32>,
          %scatter3A_689 = arith.constant 0 : i32
          %scatter3A_690 = arith.constant 0 : i32
          %scatter3A_691 = arith.constant 0 : i32
          %scatter3A_692 = tpu.memref_slice %arg9[%scan3A_216, %scatter3A_689, %scatter3A_690, %scatter3A_691] : memref<2x50x32x16xf32, #tpu.memory_space<vmem>> -> memref<1x50x32x16xf32, #tpu.memory_space<vmem>>
          %scatter3A_693 = tpu.memref_squeeze %scatter3A_692 : memref<1x50x32x16xf32, #tpu.memory_space<vmem>> -> memref<50x32x16xf32, #tpu.memory_space<vmem>>
          tpu.vector_store_idx %scatter3A_693[%add3A_661, %add3A_177, %broadcast_in_dim3A], %get3A_683 : memref<50x32x16xf32, #tpu.memory_space<vmem>>[vector<16xi32>, vector<16xi32>, vector<16xi32>], vector<16xf32>,
          %add3A_694 = arith.constant 1 : i32
          %add3A_695 = vector.broadcast %add3A_694 : i32 to vector<16xi32>
          %add3A_696 = arith.addi %add3A_661, %add3A_695 : vector<16xi32>
          %add3A_697 = arith.addf %add3A_662, %get3A_676 : vector<16xf32>
          %add3A_698 = arith.addf %add3A_663, %get3A_683 : vector<16xf32>
          %scan3A_699 = arith.constant 6 : i32
          %scan3A_700 = arith.addi %scan3A_487, %scan3A_699 : i32
          %mul3A_701 = arith.constant 1 : i32
          %mul3A_702 = arith.muli %scan3A_700, %mul3A_701 : i32
          %add3A_703 = arith.constant 1 : i32
          %add3A_704 = arith.addi %add3A_703, %mul3A_702 : i32
          %add3A_705 = arith.constant 0 : i32
          %add3A_706 = arith.addi %add3A_705, %add3A_704 : i32
          %get3A_707 = arith.constant 0 : i32
          %get3A_708 = arith.index_cast %get3A_707 : i32 to index
          %get3A_709 = arith.index_cast %add3A_706 : i32 to index
          %get3A_710 = arith.constant 0 : index
          %get3A_711 = tpu.vector_load %arg8[%get3A_708, %get3A_709, %get3A_710] {strides = array<i32>} : memref<2x100x32xf32, #tpu.memory_space<vmem>>, vector<16xf32>,
          %add3A_712 = arith.constant 0 : i32
          %add3A_713 = arith.addi %add3A_712, %add3A_704 : i32
          %get3A_714 = arith.constant 0 : i32
          %get3A_715 = arith.index_cast %get3A_714 : i32 to index
          %get3A_716 = arith.index_cast %add3A_713 : i32 to index
          %get3A_717 = arith.constant 16 : index
          %get3A_718 = tpu.vector_load %arg8[%get3A_715, %get3A_716, %get3A_717] {strides = array<i32>} : memref<2x100x32xf32, #tpu.memory_space<vmem>>, vector<16xf32>,
          %scatter3A_719 = arith.constant 0 : i32
          %scatter3A_720 = arith.constant 0 : i32
          %scatter3A_721 = arith.constant 0 : i32
          %scatter3A_722 = tpu.memref_slice %arg9[%scan3A_216, %scatter3A_719, %scatter3A_720, %scatter3A_721] : memref<2x50x32x16xf32, #tpu.memory_space<vmem>> -> memref<1x50x32x16xf32, #tpu.memory_space<vmem>>
          %scatter3A_723 = tpu.memref_squeeze %scatter3A_722 : memref<1x50x32x16xf32, #tpu.memory_space<vmem>> -> memref<50x32x16xf32, #tpu.memory_space<vmem>>
          tpu.vector_store_idx %scatter3A_723[%add3A_696, %iota3A, %broadcast_in_dim3A], %get3A_711 : memref<50x32x16xf32, #tpu.memory_space<vmem>>[vector<16xi32>, vector<16xi32>, vector<16xi32>], vector<16xf32>,
          %scatter3A_724 = arith.constant 0 : i32
          %scatter3A_725 = arith.constant 0 : i32
          %scatter3A_726 = arith.constant 0 : i32
          %scatter3A_727 = tpu.memref_slice %arg9[%scan3A_216, %scatter3A_724, %scatter3A_725, %scatter3A_726] : memref<2x50x32x16xf32, #tpu.memory_space<vmem>> -> memref<1x50x32x16xf32, #tpu.memory_space<vmem>>
          %scatter3A_728 = tpu.memref_squeeze %scatter3A_727 : memref<1x50x32x16xf32, #tpu.memory_space<vmem>> -> memref<50x32x16xf32, #tpu.memory_space<vmem>>
          tpu.vector_store_idx %scatter3A_728[%add3A_696, %add3A_177, %broadcast_in_dim3A], %get3A_718 : memref<50x32x16xf32, #tpu.memory_space<vmem>>[vector<16xi32>, vector<16xi32>, vector<16xi32>], vector<16xf32>,
          %add3A_729 = arith.constant 1 : i32
          %add3A_730 = vector.broadcast %add3A_729 : i32 to vector<16xi32>
          %add3A_731 = arith.addi %add3A_696, %add3A_730 : vector<16xi32>
          %add3A_732 = arith.addf %add3A_697, %get3A_711 : vector<16xf32>
          %add3A_733 = arith.addf %add3A_698, %get3A_718 : vector<16xf32>
          scf.yield %add3A_731, %add3A_732, %add3A_733 : vector<16xi32>, vector<16xf32>, vector<16xf32>
        }
        %scan3A_222 = arith.constant 49 : i32
        %mul3A_223 = arith.constant 2 : i32
        %mul3A_224 = arith.muli %mul3A_223, %add3A_163 : i32
        %add3A_225 = arith.constant 0 : i32
        %add3A_226 = arith.addi %mul3A_224, %add3A_225 : i32
        %mul3A_227 = arith.constant 2.000000e-02 : f32
        %mul3A_228 = vector.broadcast %mul3A_227 : f32 to vector<16xf32>
        %mul3A_229 = arith.mulf %scan3A_221#1, %mul3A_228 : vector<16xf32>
        %swap3A = arith.index_cast %add3A_226 : i32 to index
        %swap3A_230 = arith.constant 0 : index
        %swap3A_231 = tpu.vector_load %arg10[%swap3A, %swap3A_230] {strides = array<i32>} : memref<512x32xf32, #tpu.memory_space<vmem>>, vector<16xf32>,
        tpu.vector_store %arg10[%swap3A, %swap3A_230], %mul3A_229 {strides = array<i32>} : memref<512x32xf32, #tpu.memory_space<vmem>>, vector<16xf32>,
        %mul3A_232 = arith.constant 2.000000e-02 : f32
        %mul3A_233 = vector.broadcast %mul3A_232 : f32 to vector<16xf32>
        %mul3A_234 = arith.mulf %scan3A_221#2, %mul3A_233 : vector<16xf32>
        %swap3A_235 = arith.index_cast %add3A_226 : i32 to index
        %swap3A_236 = arith.constant 16 : index
        %swap3A_237 = tpu.vector_load %arg10[%swap3A_235, %swap3A_236] {strides = array<i32>} : memref<512x32xf32, #tpu.memory_space<vmem>>, vector<16xf32>,
        tpu.vector_store %arg10[%swap3A_235, %swap3A_236], %mul3A_234 {strides = array<i32>} : memref<512x32xf32, #tpu.memory_space<vmem>>, vector<16xf32>,
        %mul3A_238 = arith.constant 2 : i32
        %mul3A_239 = arith.muli %mul3A_238, %add3A_163 : i32
        %add3A_240 = arith.constant 1 : i32
        %add3A_241 = arith.addi %mul3A_239, %add3A_240 : i32
        %jit3A_242 = arith.constant 16 : i32
        %eq3A_243 = arith.constant 0 : i32
        %eq3A_244 = arith.cmpi eq, %jit3A_242, %eq3A_243 : i32
        %jit3A_245 = arith.constant 1 : i32
        %select_n3A_246 = arith.select %eq3A_244, %jit3A_245, %jit3A_242 : i32
        %rem3A_247 = arith.remsi %add3A_241, %select_n3A_246 : i32
        %ne3A_248 = arith.constant 0 : i32
        %ne3A_249 = arith.cmpi ne, %rem3A_247, %ne3A_248 : i32
        %lt3A_250 = arith.constant 0 : i32
        %lt3A_251 = arith.cmpi slt, %rem3A_247, %lt3A_250 : i32
        %lt3A_252 = arith.constant 0 : i32
        %lt3A_253 = arith.cmpi slt, %select_n3A_246, %lt3A_252 : i32
        %ne3A_254 = arith.xori %lt3A_251, %lt3A_253 : i1
        %and3A_255 = arith.andi %ne3A_254, %ne3A_249 : i1
        %add3A_256 = arith.addi %rem3A_247, %select_n3A_246 : i32
        %select_n3A_257 = arith.select %and3A_255, %add3A_256, %rem3A_247 : i32
        %broadcast_in_dim3A_258 = vector.broadcast %select_n3A_257 : i32 to vector<16xi32>
        %get3A_259 = arith.constant 0 : i32
        %get3A_260 = arith.constant 50 : i32
        %get3A_261 = arith.index_cast %get3A_259 : i32 to index
        %get3A_262 = arith.index_cast %get3A_260 : i32 to index
        %get3A_263 = arith.constant 0 : index
        %get3A_264 = tpu.vector_load %arg8[%get3A_261, %get3A_262, %get3A_263] {strides = array<i32>} : memref<2x100x32xf32, #tpu.memory_space<vmem>>, vector<16xf32>,
        %get3A_265 = arith.constant 0 : i32
        %get3A_266 = arith.constant 50 : i32
        %get3A_267 = arith.index_cast %get3A_265 : i32 to index
        %get3A_268 = arith.index_cast %get3A_266 : i32 to index
        %get3A_269 = arith.constant 16 : index
        %get3A_270 = tpu.vector_load %arg8[%get3A_267, %get3A_268, %get3A_269] {strides = array<i32>} : memref<2x100x32xf32, #tpu.memory_space<vmem>>, vector<16xf32>,
        %scatter3A_271 = arith.constant 1 : i32
        %scatter3A_272 = arith.constant 0 : i32
        %scatter3A_273 = arith.constant 0 : i32
        %scatter3A_274 = arith.constant 0 : i32
        %scatter3A_275 = tpu.memref_slice %arg9[%scatter3A_271, %scatter3A_272, %scatter3A_273, %scatter3A_274] : memref<2x50x32x16xf32, #tpu.memory_space<vmem>> -> memref<1x50x32x16xf32, #tpu.memory_space<vmem>>
        %scatter3A_276 = tpu.memref_squeeze %scatter3A_275 : memref<1x50x32x16xf32, #tpu.memory_space<vmem>> -> memref<50x32x16xf32, #tpu.memory_space<vmem>>
        tpu.vector_store_idx %scatter3A_276[%sub3A, %iota3A, %broadcast_in_dim3A_258], %get3A_264 : memref<50x32x16xf32, #tpu.memory_space<vmem>>[vector<16xi32>, vector<16xi32>, vector<16xi32>], vector<16xf32>,
        %scatter3A_277 = arith.constant 1 : i32
        %scatter3A_278 = arith.constant 0 : i32
        %scatter3A_279 = arith.constant 0 : i32
        %scatter3A_280 = arith.constant 0 : i32
        %scatter3A_281 = tpu.memref_slice %arg9[%scatter3A_277, %scatter3A_278, %scatter3A_279, %scatter3A_280] : memref<2x50x32x16xf32, #tpu.memory_space<vmem>> -> memref<1x50x32x16xf32, #tpu.memory_space<vmem>>
        %scatter3A_282 = tpu.memref_squeeze %scatter3A_281 : memref<1x50x32x16xf32, #tpu.memory_space<vmem>> -> memref<50x32x16xf32, #tpu.memory_space<vmem>>
        tpu.vector_store_idx %scatter3A_282[%sub3A, %add3A_177, %broadcast_in_dim3A_258], %get3A_270 : memref<50x32x16xf32, #tpu.memory_space<vmem>>[vector<16xi32>, vector<16xi32>, vector<16xi32>], vector<16xf32>,
        %add3A_283 = arith.constant 1 : i32
        %add3A_284 = vector.broadcast %add3A_283 : i32 to vector<16xi32>
        %add3A_285 = arith.addi %sub3A, %add3A_284 : vector<16xi32>
        %scan3A_286 = arith.constant 1 : i32
        %scan3A_287 = arith.constant 0 : i32
        %scan3A_288 = arith.constant 49 : i32
        %scan3A_289 = arith.addi %scan3A_287, %scan3A_288 : i32
        %scan3A_290 = arith.constant 7 : i32
        %scan3A_291:3 = scf.for %scan3A_487 = %scan3A_287 to %scan3A_289 step %scan3A_290 iter_args(%scan3A_488 = %add3A_285, %scan3A_489 = %get3A_264, %scan3A_490 = %get3A_270) -> (vector<16xi32>, vector<16xf32>, vector<16xf32>)  : i32 {
          %mul3A_491 = arith.constant 1 : i32
          %mul3A_492 = arith.muli %scan3A_487, %mul3A_491 : i32
          %add3A_493 = arith.constant 1 : i32
          %add3A_494 = arith.addi %add3A_493, %mul3A_492 : i32
          %add3A_495 = arith.constant 50 : i32
          %add3A_496 = arith.addi %add3A_495, %add3A_494 : i32
          %get3A_497 = arith.constant 0 : i32
          %get3A_498 = arith.index_cast %get3A_497 : i32 to index
          %get3A_499 = arith.index_cast %add3A_496 : i32 to index
          %get3A_500 = arith.constant 0 : index
          %get3A_501 = tpu.vector_load %arg8[%get3A_498, %get3A_499, %get3A_500] {strides = array<i32>} : memref<2x100x32xf32, #tpu.memory_space<vmem>>, vector<16xf32>,
          %add3A_502 = arith.constant 50 : i32
          %add3A_503 = arith.addi %add3A_502, %add3A_494 : i32
          %get3A_504 = arith.constant 0 : i32
          %get3A_505 = arith.index_cast %get3A_504 : i32 to index
          %get3A_506 = arith.index_cast %add3A_503 : i32 to index
          %get3A_507 = arith.constant 16 : index
          %get3A_508 = tpu.vector_load %arg8[%get3A_505, %get3A_506, %get3A_507] {strides = array<i32>} : memref<2x100x32xf32, #tpu.memory_space<vmem>>, vector<16xf32>,
          %scatter3A_509 = arith.constant 0 : i32
          %scatter3A_510 = arith.constant 0 : i32
          %scatter3A_511 = arith.constant 0 : i32
          %scatter3A_512 = tpu.memref_slice %arg9[%scan3A_286, %scatter3A_509, %scatter3A_510, %scatter3A_511] : memref<2x50x32x16xf32, #tpu.memory_space<vmem>> -> memref<1x50x32x16xf32, #tpu.memory_space<vmem>>
          %scatter3A_513 = tpu.memref_squeeze %scatter3A_512 : memref<1x50x32x16xf32, #tpu.memory_space<vmem>> -> memref<50x32x16xf32, #tpu.memory_space<vmem>>
          tpu.vector_store_idx %scatter3A_513[%scan3A_488, %iota3A, %broadcast_in_dim3A_258], %get3A_501 : memref<50x32x16xf32, #tpu.memory_space<vmem>>[vector<16xi32>, vector<16xi32>, vector<16xi32>], vector<16xf32>,
          %scatter3A_514 = arith.constant 0 : i32
          %scatter3A_515 = arith.constant 0 : i32
          %scatter3A_516 = arith.constant 0 : i32
          %scatter3A_517 = tpu.memref_slice %arg9[%scan3A_286, %scatter3A_514, %scatter3A_515, %scatter3A_516] : memref<2x50x32x16xf32, #tpu.memory_space<vmem>> -> memref<1x50x32x16xf32, #tpu.memory_space<vmem>>
          %scatter3A_518 = tpu.memref_squeeze %scatter3A_517 : memref<1x50x32x16xf32, #tpu.memory_space<vmem>> -> memref<50x32x16xf32, #tpu.memory_space<vmem>>
          tpu.vector_store_idx %scatter3A_518[%scan3A_488, %add3A_177, %broadcast_in_dim3A_258], %get3A_508 : memref<50x32x16xf32, #tpu.memory_space<vmem>>[vector<16xi32>, vector<16xi32>, vector<16xi32>], vector<16xf32>,
          %add3A_519 = arith.constant 1 : i32
          %add3A_520 = vector.broadcast %add3A_519 : i32 to vector<16xi32>
          %add3A_521 = arith.addi %scan3A_488, %add3A_520 : vector<16xi32>
          %add3A_522 = arith.addf %scan3A_489, %get3A_501 : vector<16xf32>
          %add3A_523 = arith.addf %scan3A_490, %get3A_508 : vector<16xf32>
          %scan3A_524 = arith.constant 1 : i32
          %scan3A_525 = arith.addi %scan3A_487, %scan3A_524 : i32
          %mul3A_526 = arith.constant 1 : i32
          %mul3A_527 = arith.muli %scan3A_525, %mul3A_526 : i32
          %add3A_528 = arith.constant 1 : i32
          %add3A_529 = arith.addi %add3A_528, %mul3A_527 : i32
          %add3A_530 = arith.constant 50 : i32
          %add3A_531 = arith.addi %add3A_530, %add3A_529 : i32
          %get3A_532 = arith.constant 0 : i32
          %get3A_533 = arith.index_cast %get3A_532 : i32 to index
          %get3A_534 = arith.index_cast %add3A_531 : i32 to index
          %get3A_535 = arith.constant 0 : index
          %get3A_536 = tpu.vector_load %arg8[%get3A_533, %get3A_534, %get3A_535] {strides = array<i32>} : memref<2x100x32xf32, #tpu.memory_space<vmem>>, vector<16xf32>,
          %add3A_537 = arith.constant 50 : i32
          %add3A_538 = arith.addi %add3A_537, %add3A_529 : i32
          %get3A_539 = arith.constant 0 : i32
          %get3A_540 = arith.index_cast %get3A_539 : i32 to index
          %get3A_541 = arith.index_cast %add3A_538 : i32 to index
          %get3A_542 = arith.constant 16 : index
          %get3A_543 = tpu.vector_load %arg8[%get3A_540, %get3A_541, %get3A_542] {strides = array<i32>} : memref<2x100x32xf32, #tpu.memory_space<vmem>>, vector<16xf32>,
          %scatter3A_544 = arith.constant 0 : i32
          %scatter3A_545 = arith.constant 0 : i32
          %scatter3A_546 = arith.constant 0 : i32
          %scatter3A_547 = tpu.memref_slice %arg9[%scan3A_286, %scatter3A_544, %scatter3A_545, %scatter3A_546] : memref<2x50x32x16xf32, #tpu.memory_space<vmem>> -> memref<1x50x32x16xf32, #tpu.memory_space<vmem>>
          %scatter3A_548 = tpu.memref_squeeze %scatter3A_547 : memref<1x50x32x16xf32, #tpu.memory_space<vmem>> -> memref<50x32x16xf32, #tpu.memory_space<vmem>>
          tpu.vector_store_idx %scatter3A_548[%add3A_521, %iota3A, %broadcast_in_dim3A_258], %get3A_536 : memref<50x32x16xf32, #tpu.memory_space<vmem>>[vector<16xi32>, vector<16xi32>, vector<16xi32>], vector<16xf32>,
          %scatter3A_549 = arith.constant 0 : i32
          %scatter3A_550 = arith.constant 0 : i32
          %scatter3A_551 = arith.constant 0 : i32
          %scatter3A_552 = tpu.memref_slice %arg9[%scan3A_286, %scatter3A_549, %scatter3A_550, %scatter3A_551] : memref<2x50x32x16xf32, #tpu.memory_space<vmem>> -> memref<1x50x32x16xf32, #tpu.memory_space<vmem>>
          %scatter3A_553 = tpu.memref_squeeze %scatter3A_552 : memref<1x50x32x16xf32, #tpu.memory_space<vmem>> -> memref<50x32x16xf32, #tpu.memory_space<vmem>>
          tpu.vector_store_idx %scatter3A_553[%add3A_521, %add3A_177, %broadcast_in_dim3A_258], %get3A_543 : memref<50x32x16xf32, #tpu.memory_space<vmem>>[vector<16xi32>, vector<16xi32>, vector<16xi32>], vector<16xf32>,
          %add3A_554 = arith.constant 1 : i32
          %add3A_555 = vector.broadcast %add3A_554 : i32 to vector<16xi32>
          %add3A_556 = arith.addi %add3A_521, %add3A_555 : vector<16xi32>
          %add3A_557 = arith.addf %add3A_522, %get3A_536 : vector<16xf32>
          %add3A_558 = arith.addf %add3A_523, %get3A_543 : vector<16xf32>
          %scan3A_559 = arith.constant 2 : i32
          %scan3A_560 = arith.addi %scan3A_487, %scan3A_559 : i32
          %mul3A_561 = arith.constant 1 : i32
          %mul3A_562 = arith.muli %scan3A_560, %mul3A_561 : i32
          %add3A_563 = arith.constant 1 : i32
          %add3A_564 = arith.addi %add3A_563, %mul3A_562 : i32
          %add3A_565 = arith.constant 50 : i32
          %add3A_566 = arith.addi %add3A_565, %add3A_564 : i32
          %get3A_567 = arith.constant 0 : i32
          %get3A_568 = arith.index_cast %get3A_567 : i32 to index
          %get3A_569 = arith.index_cast %add3A_566 : i32 to index
          %get3A_570 = arith.constant 0 : index
          %get3A_571 = tpu.vector_load %arg8[%get3A_568, %get3A_569, %get3A_570] {strides = array<i32>} : memref<2x100x32xf32, #tpu.memory_space<vmem>>, vector<16xf32>,
          %add3A_572 = arith.constant 50 : i32
          %add3A_573 = arith.addi %add3A_572, %add3A_564 : i32
          %get3A_574 = arith.constant 0 : i32
          %get3A_575 = arith.index_cast %get3A_574 : i32 to index
          %get3A_576 = arith.index_cast %add3A_573 : i32 to index
          %get3A_577 = arith.constant 16 : index
          %get3A_578 = tpu.vector_load %arg8[%get3A_575, %get3A_576, %get3A_577] {strides = array<i32>} : memref<2x100x32xf32, #tpu.memory_space<vmem>>, vector<16xf32>,
          %scatter3A_579 = arith.constant 0 : i32
          %scatter3A_580 = arith.constant 0 : i32
          %scatter3A_581 = arith.constant 0 : i32
          %scatter3A_582 = tpu.memref_slice %arg9[%scan3A_286, %scatter3A_579, %scatter3A_580, %scatter3A_581] : memref<2x50x32x16xf32, #tpu.memory_space<vmem>> -> memref<1x50x32x16xf32, #tpu.memory_space<vmem>>
          %scatter3A_583 = tpu.memref_squeeze %scatter3A_582 : memref<1x50x32x16xf32, #tpu.memory_space<vmem>> -> memref<50x32x16xf32, #tpu.memory_space<vmem>>
          tpu.vector_store_idx %scatter3A_583[%add3A_556, %iota3A, %broadcast_in_dim3A_258], %get3A_571 : memref<50x32x16xf32, #tpu.memory_space<vmem>>[vector<16xi32>, vector<16xi32>, vector<16xi32>], vector<16xf32>,
          %scatter3A_584 = arith.constant 0 : i32
          %scatter3A_585 = arith.constant 0 : i32
          %scatter3A_586 = arith.constant 0 : i32
          %scatter3A_587 = tpu.memref_slice %arg9[%scan3A_286, %scatter3A_584, %scatter3A_585, %scatter3A_586] : memref<2x50x32x16xf32, #tpu.memory_space<vmem>> -> memref<1x50x32x16xf32, #tpu.memory_space<vmem>>
          %scatter3A_588 = tpu.memref_squeeze %scatter3A_587 : memref<1x50x32x16xf32, #tpu.memory_space<vmem>> -> memref<50x32x16xf32, #tpu.memory_space<vmem>>
          tpu.vector_store_idx %scatter3A_588[%add3A_556, %add3A_177, %broadcast_in_dim3A_258], %get3A_578 : memref<50x32x16xf32, #tpu.memory_space<vmem>>[vector<16xi32>, vector<16xi32>, vector<16xi32>], vector<16xf32>,
          %add3A_589 = arith.constant 1 : i32
          %add3A_590 = vector.broadcast %add3A_589 : i32 to vector<16xi32>
          %add3A_591 = arith.addi %add3A_556, %add3A_590 : vector<16xi32>
          %add3A_592 = arith.addf %add3A_557, %get3A_571 : vector<16xf32>
          %add3A_593 = arith.addf %add3A_558, %get3A_578 : vector<16xf32>
          %scan3A_594 = arith.constant 3 : i32
          %scan3A_595 = arith.addi %scan3A_487, %scan3A_594 : i32
          %mul3A_596 = arith.constant 1 : i32
          %mul3A_597 = arith.muli %scan3A_595, %mul3A_596 : i32
          %add3A_598 = arith.constant 1 : i32
          %add3A_599 = arith.addi %add3A_598, %mul3A_597 : i32
          %add3A_600 = arith.constant 50 : i32
          %add3A_601 = arith.addi %add3A_600, %add3A_599 : i32
          %get3A_602 = arith.constant 0 : i32
          %get3A_603 = arith.index_cast %get3A_602 : i32 to index
          %get3A_604 = arith.index_cast %add3A_601 : i32 to index
          %get3A_605 = arith.constant 0 : index
          %get3A_606 = tpu.vector_load %arg8[%get3A_603, %get3A_604, %get3A_605] {strides = array<i32>} : memref<2x100x32xf32, #tpu.memory_space<vmem>>, vector<16xf32>,
          %add3A_607 = arith.constant 50 : i32
          %add3A_608 = arith.addi %add3A_607, %add3A_599 : i32
          %get3A_609 = arith.constant 0 : i32
          %get3A_610 = arith.index_cast %get3A_609 : i32 to index
          %get3A_611 = arith.index_cast %add3A_608 : i32 to index
          %get3A_612 = arith.constant 16 : index
          %get3A_613 = tpu.vector_load %arg8[%get3A_610, %get3A_611, %get3A_612] {strides = array<i32>} : memref<2x100x32xf32, #tpu.memory_space<vmem>>, vector<16xf32>,
          %scatter3A_614 = arith.constant 0 : i32
          %scatter3A_615 = arith.constant 0 : i32
          %scatter3A_616 = arith.constant 0 : i32
          %scatter3A_617 = tpu.memref_slice %arg9[%scan3A_286, %scatter3A_614, %scatter3A_615, %scatter3A_616] : memref<2x50x32x16xf32, #tpu.memory_space<vmem>> -> memref<1x50x32x16xf32, #tpu.memory_space<vmem>>
          %scatter3A_618 = tpu.memref_squeeze %scatter3A_617 : memref<1x50x32x16xf32, #tpu.memory_space<vmem>> -> memref<50x32x16xf32, #tpu.memory_space<vmem>>
          tpu.vector_store_idx %scatter3A_618[%add3A_591, %iota3A, %broadcast_in_dim3A_258], %get3A_606 : memref<50x32x16xf32, #tpu.memory_space<vmem>>[vector<16xi32>, vector<16xi32>, vector<16xi32>], vector<16xf32>,
          %scatter3A_619 = arith.constant 0 : i32
          %scatter3A_620 = arith.constant 0 : i32
          %scatter3A_621 = arith.constant 0 : i32
          %scatter3A_622 = tpu.memref_slice %arg9[%scan3A_286, %scatter3A_619, %scatter3A_620, %scatter3A_621] : memref<2x50x32x16xf32, #tpu.memory_space<vmem>> -> memref<1x50x32x16xf32, #tpu.memory_space<vmem>>
          %scatter3A_623 = tpu.memref_squeeze %scatter3A_622 : memref<1x50x32x16xf32, #tpu.memory_space<vmem>> -> memref<50x32x16xf32, #tpu.memory_space<vmem>>
          tpu.vector_store_idx %scatter3A_623[%add3A_591, %add3A_177, %broadcast_in_dim3A_258], %get3A_613 : memref<50x32x16xf32, #tpu.memory_space<vmem>>[vector<16xi32>, vector<16xi32>, vector<16xi32>], vector<16xf32>,
          %add3A_624 = arith.constant 1 : i32
          %add3A_625 = vector.broadcast %add3A_624 : i32 to vector<16xi32>
          %add3A_626 = arith.addi %add3A_591, %add3A_625 : vector<16xi32>
          %add3A_627 = arith.addf %add3A_592, %get3A_606 : vector<16xf32>
          %add3A_628 = arith.addf %add3A_593, %get3A_613 : vector<16xf32>
          %scan3A_629 = arith.constant 4 : i32
          %scan3A_630 = arith.addi %scan3A_487, %scan3A_629 : i32
          %mul3A_631 = arith.constant 1 : i32
          %mul3A_632 = arith.muli %scan3A_630, %mul3A_631 : i32
          %add3A_633 = arith.constant 1 : i32
          %add3A_634 = arith.addi %add3A_633, %mul3A_632 : i32
          %add3A_635 = arith.constant 50 : i32
          %add3A_636 = arith.addi %add3A_635, %add3A_634 : i32
          %get3A_637 = arith.constant 0 : i32
          %get3A_638 = arith.index_cast %get3A_637 : i32 to index
          %get3A_639 = arith.index_cast %add3A_636 : i32 to index
          %get3A_640 = arith.constant 0 : index
          %get3A_641 = tpu.vector_load %arg8[%get3A_638, %get3A_639, %get3A_640] {strides = array<i32>} : memref<2x100x32xf32, #tpu.memory_space<vmem>>, vector<16xf32>,
          %add3A_642 = arith.constant 50 : i32
          %add3A_643 = arith.addi %add3A_642, %add3A_634 : i32
          %get3A_644 = arith.constant 0 : i32
          %get3A_645 = arith.index_cast %get3A_644 : i32 to index
          %get3A_646 = arith.index_cast %add3A_643 : i32 to index
          %get3A_647 = arith.constant 16 : index
          %get3A_648 = tpu.vector_load %arg8[%get3A_645, %get3A_646, %get3A_647] {strides = array<i32>} : memref<2x100x32xf32, #tpu.memory_space<vmem>>, vector<16xf32>,
          %scatter3A_649 = arith.constant 0 : i32
          %scatter3A_650 = arith.constant 0 : i32
          %scatter3A_651 = arith.constant 0 : i32
          %scatter3A_652 = tpu.memref_slice %arg9[%scan3A_286, %scatter3A_649, %scatter3A_650, %scatter3A_651] : memref<2x50x32x16xf32, #tpu.memory_space<vmem>> -> memref<1x50x32x16xf32, #tpu.memory_space<vmem>>
          %scatter3A_653 = tpu.memref_squeeze %scatter3A_652 : memref<1x50x32x16xf32, #tpu.memory_space<vmem>> -> memref<50x32x16xf32, #tpu.memory_space<vmem>>
          tpu.vector_store_idx %scatter3A_653[%add3A_626, %iota3A, %broadcast_in_dim3A_258], %get3A_641 : memref<50x32x16xf32, #tpu.memory_space<vmem>>[vector<16xi32>, vector<16xi32>, vector<16xi32>], vector<16xf32>,
          %scatter3A_654 = arith.constant 0 : i32
          %scatter3A_655 = arith.constant 0 : i32
          %scatter3A_656 = arith.constant 0 : i32
          %scatter3A_657 = tpu.memref_slice %arg9[%scan3A_286, %scatter3A_654, %scatter3A_655, %scatter3A_656] : memref<2x50x32x16xf32, #tpu.memory_space<vmem>> -> memref<1x50x32x16xf32, #tpu.memory_space<vmem>>
          %scatter3A_658 = tpu.memref_squeeze %scatter3A_657 : memref<1x50x32x16xf32, #tpu.memory_space<vmem>> -> memref<50x32x16xf32, #tpu.memory_space<vmem>>
          tpu.vector_store_idx %scatter3A_658[%add3A_626, %add3A_177, %broadcast_in_dim3A_258], %get3A_648 : memref<50x32x16xf32, #tpu.memory_space<vmem>>[vector<16xi32>, vector<16xi32>, vector<16xi32>], vector<16xf32>,
          %add3A_659 = arith.constant 1 : i32
          %add3A_660 = vector.broadcast %add3A_659 : i32 to vector<16xi32>
          %add3A_661 = arith.addi %add3A_626, %add3A_660 : vector<16xi32>
          %add3A_662 = arith.addf %add3A_627, %get3A_641 : vector<16xf32>
          %add3A_663 = arith.addf %add3A_628, %get3A_648 : vector<16xf32>
          %scan3A_664 = arith.constant 5 : i32
          %scan3A_665 = arith.addi %scan3A_487, %scan3A_664 : i32
          %mul3A_666 = arith.constant 1 : i32
          %mul3A_667 = arith.muli %scan3A_665, %mul3A_666 : i32
          %add3A_668 = arith.constant 1 : i32
          %add3A_669 = arith.addi %add3A_668, %mul3A_667 : i32
          %add3A_670 = arith.constant 50 : i32
          %add3A_671 = arith.addi %add3A_670, %add3A_669 : i32
          %get3A_672 = arith.constant 0 : i32
          %get3A_673 = arith.index_cast %get3A_672 : i32 to index
          %get3A_674 = arith.index_cast %add3A_671 : i32 to index
          %get3A_675 = arith.constant 0 : index
          %get3A_676 = tpu.vector_load %arg8[%get3A_673, %get3A_674, %get3A_675] {strides = array<i32>} : memref<2x100x32xf32, #tpu.memory_space<vmem>>, vector<16xf32>,
          %add3A_677 = arith.constant 50 : i32
          %add3A_678 = arith.addi %add3A_677, %add3A_669 : i32
          %get3A_679 = arith.constant 0 : i32
          %get3A_680 = arith.index_cast %get3A_679 : i32 to index
          %get3A_681 = arith.index_cast %add3A_678 : i32 to index
          %get3A_682 = arith.constant 16 : index
          %get3A_683 = tpu.vector_load %arg8[%get3A_680, %get3A_681, %get3A_682] {strides = array<i32>} : memref<2x100x32xf32, #tpu.memory_space<vmem>>, vector<16xf32>,
          %scatter3A_684 = arith.constant 0 : i32
          %scatter3A_685 = arith.constant 0 : i32
          %scatter3A_686 = arith.constant 0 : i32
          %scatter3A_687 = tpu.memref_slice %arg9[%scan3A_286, %scatter3A_684, %scatter3A_685, %scatter3A_686] : memref<2x50x32x16xf32, #tpu.memory_space<vmem>> -> memref<1x50x32x16xf32, #tpu.memory_space<vmem>>
          %scatter3A_688 = tpu.memref_squeeze %scatter3A_687 : memref<1x50x32x16xf32, #tpu.memory_space<vmem>> -> memref<50x32x16xf32, #tpu.memory_space<vmem>>
          tpu.vector_store_idx %scatter3A_688[%add3A_661, %iota3A, %broadcast_in_dim3A_258], %get3A_676 : memref<50x32x16xf32, #tpu.memory_space<vmem>>[vector<16xi32>, vector<16xi32>, vector<16xi32>], vector<16xf32>,
          %scatter3A_689 = arith.constant 0 : i32
          %scatter3A_690 = arith.constant 0 : i32
          %scatter3A_691 = arith.constant 0 : i32
          %scatter3A_692 = tpu.memref_slice %arg9[%scan3A_286, %scatter3A_689, %scatter3A_690, %scatter3A_691] : memref<2x50x32x16xf32, #tpu.memory_space<vmem>> -> memref<1x50x32x16xf32, #tpu.memory_space<vmem>>
          %scatter3A_693 = tpu.memref_squeeze %scatter3A_692 : memref<1x50x32x16xf32, #tpu.memory_space<vmem>> -> memref<50x32x16xf32, #tpu.memory_space<vmem>>
          tpu.vector_store_idx %scatter3A_693[%add3A_661, %add3A_177, %broadcast_in_dim3A_258], %get3A_683 : memref<50x32x16xf32, #tpu.memory_space<vmem>>[vector<16xi32>, vector<16xi32>, vector<16xi32>], vector<16xf32>,
          %add3A_694 = arith.constant 1 : i32
          %add3A_695 = vector.broadcast %add3A_694 : i32 to vector<16xi32>
          %add3A_696 = arith.addi %add3A_661, %add3A_695 : vector<16xi32>
          %add3A_697 = arith.addf %add3A_662, %get3A_676 : vector<16xf32>
          %add3A_698 = arith.addf %add3A_663, %get3A_683 : vector<16xf32>
          %scan3A_699 = arith.constant 6 : i32
          %scan3A_700 = arith.addi %scan3A_487, %scan3A_699 : i32
          %mul3A_701 = arith.constant 1 : i32
          %mul3A_702 = arith.muli %scan3A_700, %mul3A_701 : i32
          %add3A_703 = arith.constant 1 : i32
          %add3A_704 = arith.addi %add3A_703, %mul3A_702 : i32
          %add3A_705 = arith.constant 50 : i32
          %add3A_706 = arith.addi %add3A_705, %add3A_704 : i32
          %get3A_707 = arith.constant 0 : i32
          %get3A_708 = arith.index_cast %get3A_707 : i32 to index
          %get3A_709 = arith.index_cast %add3A_706 : i32 to index
          %get3A_710 = arith.constant 0 : index
          %get3A_711 = tpu.vector_load %arg8[%get3A_708, %get3A_709, %get3A_710] {strides = array<i32>} : memref<2x100x32xf32, #tpu.memory_space<vmem>>, vector<16xf32>,
          %add3A_712 = arith.constant 50 : i32
          %add3A_713 = arith.addi %add3A_712, %add3A_704 : i32
          %get3A_714 = arith.constant 0 : i32
          %get3A_715 = arith.index_cast %get3A_714 : i32 to index
          %get3A_716 = arith.index_cast %add3A_713 : i32 to index
          %get3A_717 = arith.constant 16 : index
          %get3A_718 = tpu.vector_load %arg8[%get3A_715, %get3A_716, %get3A_717] {strides = array<i32>} : memref<2x100x32xf32, #tpu.memory_space<vmem>>, vector<16xf32>,
          %scatter3A_719 = arith.constant 0 : i32
          %scatter3A_720 = arith.constant 0 : i32
          %scatter3A_721 = arith.constant 0 : i32
          %scatter3A_722 = tpu.memref_slice %arg9[%scan3A_286, %scatter3A_719, %scatter3A_720, %scatter3A_721] : memref<2x50x32x16xf32, #tpu.memory_space<vmem>> -> memref<1x50x32x16xf32, #tpu.memory_space<vmem>>
          %scatter3A_723 = tpu.memref_squeeze %scatter3A_722 : memref<1x50x32x16xf32, #tpu.memory_space<vmem>> -> memref<50x32x16xf32, #tpu.memory_space<vmem>>
          tpu.vector_store_idx %scatter3A_723[%add3A_696, %iota3A, %broadcast_in_dim3A_258], %get3A_711 : memref<50x32x16xf32, #tpu.memory_space<vmem>>[vector<16xi32>, vector<16xi32>, vector<16xi32>], vector<16xf32>,
          %scatter3A_724 = arith.constant 0 : i32
          %scatter3A_725 = arith.constant 0 : i32
          %scatter3A_726 = arith.constant 0 : i32
          %scatter3A_727 = tpu.memref_slice %arg9[%scan3A_286, %scatter3A_724, %scatter3A_725, %scatter3A_726] : memref<2x50x32x16xf32, #tpu.memory_space<vmem>> -> memref<1x50x32x16xf32, #tpu.memory_space<vmem>>
          %scatter3A_728 = tpu.memref_squeeze %scatter3A_727 : memref<1x50x32x16xf32, #tpu.memory_space<vmem>> -> memref<50x32x16xf32, #tpu.memory_space<vmem>>
          tpu.vector_store_idx %scatter3A_728[%add3A_696, %add3A_177, %broadcast_in_dim3A_258], %get3A_718 : memref<50x32x16xf32, #tpu.memory_space<vmem>>[vector<16xi32>, vector<16xi32>, vector<16xi32>], vector<16xf32>,
          %add3A_729 = arith.constant 1 : i32
          %add3A_730 = vector.broadcast %add3A_729 : i32 to vector<16xi32>
          %add3A_731 = arith.addi %add3A_696, %add3A_730 : vector<16xi32>
          %add3A_732 = arith.addf %add3A_697, %get3A_711 : vector<16xf32>
          %add3A_733 = arith.addf %add3A_698, %get3A_718 : vector<16xf32>
          scf.yield %add3A_731, %add3A_732, %add3A_733 : vector<16xi32>, vector<16xf32>, vector<16xf32>
        }
        %scan3A_292 = arith.constant 49 : i32
        %mul3A_293 = arith.constant 2 : i32
        %mul3A_294 = arith.muli %mul3A_293, %add3A_163 : i32
        %add3A_295 = arith.constant 1 : i32
        %add3A_296 = arith.addi %mul3A_294, %add3A_295 : i32
        %mul3A_297 = arith.constant 2.000000e-02 : f32
        %mul3A_298 = vector.broadcast %mul3A_297 : f32 to vector<16xf32>
        %mul3A_299 = arith.mulf %scan3A_291#1, %mul3A_298 : vector<16xf32>
        %swap3A_300 = arith.index_cast %add3A_296 : i32 to index
        %swap3A_301 = arith.constant 0 : index
        %swap3A_302 = tpu.vector_load %arg10[%swap3A_300, %swap3A_301] {strides = array<i32>} : memref<512x32xf32, #tpu.memory_space<vmem>>, vector<16xf32>,
        tpu.vector_store %arg10[%swap3A_300, %swap3A_301], %mul3A_299 {strides = array<i32>} : memref<512x32xf32, #tpu.memory_space<vmem>>, vector<16xf32>,
        %mul3A_303 = arith.constant 2.000000e-02 : f32
        %mul3A_304 = vector.broadcast %mul3A_303 : f32 to vector<16xf32>
        %mul3A_305 = arith.mulf %scan3A_291#2, %mul3A_304 : vector<16xf32>
        %swap3A_306 = arith.index_cast %add3A_296 : i32 to index
        %swap3A_307 = arith.constant 16 : index
        %swap3A_308 = tpu.vector_load %arg10[%swap3A_306, %swap3A_307] {strides = array<i32>} : memref<512x32xf32, #tpu.memory_space<vmem>>, vector<16xf32>,
        tpu.vector_store %arg10[%swap3A_306, %swap3A_307], %mul3A_305 {strides = array<i32>} : memref<512x32xf32, #tpu.memory_space<vmem>>, vector<16xf32>,
        %add3A_309 = arith.constant 2 : i32
        %add3A_310 = arith.addi %add3A_163, %add3A_309 : i32
        %lt3A_311 = arith.constant 256 : i32
        %lt3A_312 = arith.cmpi slt, %add3A_310, %lt3A_311 : i32
        %convert_element_type3A_313 = arith.extui %lt3A_312 : i1 to i32
        %cond3A_314 = arith.constant 0 : i32
        %cond3A_315 = arith.cmpi ne, %convert_element_type3A_313, %cond3A_314 : i32
        scf.if %cond3A_315 {
          %add3A_487 = arith.constant 2 : i32
          %add3A_488 = arith.addi %add3A_163, %add3A_487 : i32
          %mul3A_489 = arith.constant 112 : i32
          %mul3A_490 = arith.muli %add3A_488, %mul3A_489 : i32
          %dma_start3A_491 = arith.constant 0 : i32
          %dma_start3A_492 = arith.constant 0 : i32
          %dma_start3A_493 = arith.constant 0 : i32
          %dma_start3A_494 = tpu.memref_slice %arg8[%dma_start3A_491, %dma_start3A_492, %dma_start3A_493] : memref<2x100x32xf32, #tpu.memory_space<vmem>> -> memref<1x100x32xf32, #tpu.memory_space<vmem>>
          %dma_start3A_495 = tpu.memref_squeeze %dma_start3A_494 : memref<1x100x32xf32, #tpu.memory_space<vmem>> -> memref<100x32xf32, #tpu.memory_space<vmem>>
          %dma_start3A_496 = tpu.memref_slice %arg7[%mul3A_490] : memref<28672xi32, #tpu.memory_space<vmem>> -> memref<100xi32, #tpu.memory_space<vmem>>
          %dma_start3A_497 = arith.constant 0 : i32
          %dma_start3A_498 = arith.constant 0 : i32
          %dma_start3A_499 = tpu.memref_slice %arg3[%dma_start3A_497, %dma_start3A_498] : memref<1000000x32xf32, #tpu.memory_space<hbm>> -> memref<1000000x32xf32, #tpu.memory_space<hbm>>
          tpu.enqueue_indirect_dma source(%dma_start3A_499 : memref<1000000x32xf32, #tpu.memory_space<hbm>>) target(%dma_start3A_495 : memref<100x32xf32, #tpu.memory_space<vmem>>) offsets(%dma_start3A_496 : memref<100xi32, #tpu.memory_space<vmem>>) semaphore(%arg11 : memref<!tpu.dma_semaphore, #tpu.memory_space<semaphore_mem>>)
        } else {
        }
        %mul3A_316 = arith.constant 2 : i32
        %mul3A_317 = arith.muli %mul3A_316, %add3A_156 : i32
        %add3A_318 = arith.constant 1 : i32
        %add3A_319 = arith.addi %mul3A_317, %add3A_318 : i32
        %mul3A_320 = arith.constant 8 : i32
        %mul3A_321 = arith.muli %add3A_119, %mul3A_320 : i32
        %add3A_322 = arith.addi %mul3A_321, %add3A_319 : i32
        %mul3A_323 = arith.constant 112 : i32
        %mul3A_324 = arith.muli %add3A_322, %mul3A_323 : i32
        %dma_wait3A_325 = arith.constant 1 : i32
        %dma_wait3A_326 = arith.constant 0 : i32
        %dma_wait3A_327 = arith.constant 0 : i32
        %dma_wait3A_328 = tpu.memref_slice %arg8[%dma_wait3A_325, %dma_wait3A_326, %dma_wait3A_327] : memref<2x100x32xf32, #tpu.memory_space<vmem>> -> memref<1x100x32xf32, #tpu.memory_space<vmem>>
        %dma_wait3A_329 = tpu.memref_squeeze %dma_wait3A_328 : memref<1x100x32xf32, #tpu.memory_space<vmem>> -> memref<100x32xf32, #tpu.memory_space<vmem>>
        %dma_wait3A_330 = tpu.memref_slice %arg7[%mul3A_324] : memref<28672xi32, #tpu.memory_space<vmem>> -> memref<100xi32, #tpu.memory_space<vmem>>
        %dma_wait3A_331 = arith.constant 0 : i32
        %dma_wait3A_332 = arith.constant 0 : i32
        %dma_wait3A_333 = tpu.memref_slice %arg3[%dma_wait3A_331, %dma_wait3A_332] : memref<1000000x32xf32, #tpu.memory_space<hbm>> -> memref<1000000x32xf32, #tpu.memory_space<hbm>>
        tpu.wait_indirect_dma semaphore(%arg12 : memref<!tpu.dma_semaphore, #tpu.memory_space<semaphore_mem>>) src(%dma_wait3A_333 : memref<1000000x32xf32, #tpu.memory_space<hbm>>) dst(%dma_wait3A_329 : memref<100x32xf32, #tpu.memory_space<vmem>>)
        %sub3A_334 = arith.subi %iota3A, %iota3A : vector<16xi32>
        %add3A_335 = arith.constant 16 : i32
        %add3A_336 = vector.broadcast %add3A_335 : i32 to vector<16xi32>
        %add3A_337 = arith.addi %iota3A, %add3A_336 : vector<16xi32>
        %mul3A_338 = arith.constant 2 : i32
        %mul3A_339 = arith.muli %mul3A_338, %add3A_322 : i32
        %add3A_340 = arith.constant 0 : i32
        %add3A_341 = arith.addi %mul3A_339, %add3A_340 : i32
        %jit3A_342 = arith.constant 16 : i32
        %eq3A_343 = arith.constant 0 : i32
        %eq3A_344 = arith.cmpi eq, %jit3A_342, %eq3A_343 : i32
        %jit3A_345 = arith.constant 1 : i32
        %select_n3A_346 = arith.select %eq3A_344, %jit3A_345, %jit3A_342 : i32
        %rem3A_347 = arith.remsi %add3A_341, %select_n3A_346 : i32
        %ne3A_348 = arith.constant 0 : i32
        %ne3A_349 = arith.cmpi ne, %rem3A_347, %ne3A_348 : i32
        %lt3A_350 = arith.constant 0 : i32
        %lt3A_351 = arith.cmpi slt, %rem3A_347, %lt3A_350 : i32
        %lt3A_352 = arith.constant 0 : i32
        %lt3A_353 = arith.cmpi slt, %select_n3A_346, %lt3A_352 : i32
        %ne3A_354 = arith.xori %lt3A_351, %lt3A_353 : i1
        %and3A_355 = arith.andi %ne3A_354, %ne3A_349 : i1
        %add3A_356 = arith.addi %rem3A_347, %select_n3A_346 : i32
        %select_n3A_357 = arith.select %and3A_355, %add3A_356, %rem3A_347 : i32
        %broadcast_in_dim3A_358 = vector.broadcast %select_n3A_357 : i32 to vector<16xi32>
        %get3A_359 = arith.constant 1 : i32
        %get3A_360 = arith.constant 0 : i32
        %get3A_361 = arith.index_cast %get3A_359 : i32 to index
        %get3A_362 = arith.index_cast %get3A_360 : i32 to index
        %get3A_363 = arith.constant 0 : index
        %get3A_364 = tpu.vector_load %arg8[%get3A_361, %get3A_362, %get3A_363] {strides = array<i32>} : memref<2x100x32xf32, #tpu.memory_space<vmem>>, vector<16xf32>,
        %get3A_365 = arith.constant 1 : i32
        %get3A_366 = arith.constant 0 : i32
        %get3A_367 = arith.index_cast %get3A_365 : i32 to index
        %get3A_368 = arith.index_cast %get3A_366 : i32 to index
        %get3A_369 = arith.constant 16 : index
        %get3A_370 = tpu.vector_load %arg8[%get3A_367, %get3A_368, %get3A_369] {strides = array<i32>} : memref<2x100x32xf32, #tpu.memory_space<vmem>>, vector<16xf32>,
        %scatter3A_371 = arith.constant 1 : i32
        %scatter3A_372 = arith.constant 0 : i32
        %scatter3A_373 = arith.constant 0 : i32
        %scatter3A_374 = arith.constant 0 : i32
        %scatter3A_375 = tpu.memref_slice %arg9[%scatter3A_371, %scatter3A_372, %scatter3A_373, %scatter3A_374] : memref<2x50x32x16xf32, #tpu.memory_space<vmem>> -> memref<1x50x32x16xf32, #tpu.memory_space<vmem>>
        %scatter3A_376 = tpu.memref_squeeze %scatter3A_375 : memref<1x50x32x16xf32, #tpu.memory_space<vmem>> -> memref<50x32x16xf32, #tpu.memory_space<vmem>>
        tpu.vector_store_idx %scatter3A_376[%sub3A_334, %iota3A, %broadcast_in_dim3A_358], %get3A_364 : memref<50x32x16xf32, #tpu.memory_space<vmem>>[vector<16xi32>, vector<16xi32>, vector<16xi32>], vector<16xf32>,
        %scatter3A_377 = arith.constant 1 : i32
        %scatter3A_378 = arith.constant 0 : i32
        %scatter3A_379 = arith.constant 0 : i32
        %scatter3A_380 = arith.constant 0 : i32
        %scatter3A_381 = tpu.memref_slice %arg9[%scatter3A_377, %scatter3A_378, %scatter3A_379, %scatter3A_380] : memref<2x50x32x16xf32, #tpu.memory_space<vmem>> -> memref<1x50x32x16xf32, #tpu.memory_space<vmem>>
        %scatter3A_382 = tpu.memref_squeeze %scatter3A_381 : memref<1x50x32x16xf32, #tpu.memory_space<vmem>> -> memref<50x32x16xf32, #tpu.memory_space<vmem>>
        tpu.vector_store_idx %scatter3A_382[%sub3A_334, %add3A_337, %broadcast_in_dim3A_358], %get3A_370 : memref<50x32x16xf32, #tpu.memory_space<vmem>>[vector<16xi32>, vector<16xi32>, vector<16xi32>], vector<16xf32>,
        %add3A_383 = arith.constant 1 : i32
        %add3A_384 = vector.broadcast %add3A_383 : i32 to vector<16xi32>
        %add3A_385 = arith.addi %sub3A_334, %add3A_384 : vector<16xi32>
        %scan3A_386 = arith.constant 1 : i32
        %scan3A_387 = arith.constant 0 : i32
        %scan3A_388 = arith.constant 49 : i32
        %scan3A_389 = arith.addi %scan3A_387, %scan3A_388 : i32
        %scan3A_390 = arith.constant 7 : i32
        %scan3A_391:3 = scf.for %scan3A_487 = %scan3A_387 to %scan3A_389 step %scan3A_390 iter_args(%scan3A_488 = %add3A_385, %scan3A_489 = %get3A_364, %scan3A_490 = %get3A_370) -> (vector<16xi32>, vector<16xf32>, vector<16xf32>)  : i32 {
          %mul3A_491 = arith.constant 1 : i32
          %mul3A_492 = arith.muli %scan3A_487, %mul3A_491 : i32
          %add3A_493 = arith.constant 1 : i32
          %add3A_494 = arith.addi %add3A_493, %mul3A_492 : i32
          %add3A_495 = arith.constant 0 : i32
          %add3A_496 = arith.addi %add3A_495, %add3A_494 : i32
          %get3A_497 = arith.constant 1 : i32
          %get3A_498 = arith.index_cast %get3A_497 : i32 to index
          %get3A_499 = arith.index_cast %add3A_496 : i32 to index
          %get3A_500 = arith.constant 0 : index
          %get3A_501 = tpu.vector_load %arg8[%get3A_498, %get3A_499, %get3A_500] {strides = array<i32>} : memref<2x100x32xf32, #tpu.memory_space<vmem>>, vector<16xf32>,
          %add3A_502 = arith.constant 0 : i32
          %add3A_503 = arith.addi %add3A_502, %add3A_494 : i32
          %get3A_504 = arith.constant 1 : i32
          %get3A_505 = arith.index_cast %get3A_504 : i32 to index
          %get3A_506 = arith.index_cast %add3A_503 : i32 to index
          %get3A_507 = arith.constant 16 : index
          %get3A_508 = tpu.vector_load %arg8[%get3A_505, %get3A_506, %get3A_507] {strides = array<i32>} : memref<2x100x32xf32, #tpu.memory_space<vmem>>, vector<16xf32>,
          %scatter3A_509 = arith.constant 0 : i32
          %scatter3A_510 = arith.constant 0 : i32
          %scatter3A_511 = arith.constant 0 : i32
          %scatter3A_512 = tpu.memref_slice %arg9[%scan3A_386, %scatter3A_509, %scatter3A_510, %scatter3A_511] : memref<2x50x32x16xf32, #tpu.memory_space<vmem>> -> memref<1x50x32x16xf32, #tpu.memory_space<vmem>>
          %scatter3A_513 = tpu.memref_squeeze %scatter3A_512 : memref<1x50x32x16xf32, #tpu.memory_space<vmem>> -> memref<50x32x16xf32, #tpu.memory_space<vmem>>
          tpu.vector_store_idx %scatter3A_513[%scan3A_488, %iota3A, %broadcast_in_dim3A_358], %get3A_501 : memref<50x32x16xf32, #tpu.memory_space<vmem>>[vector<16xi32>, vector<16xi32>, vector<16xi32>], vector<16xf32>,
          %scatter3A_514 = arith.constant 0 : i32
          %scatter3A_515 = arith.constant 0 : i32
          %scatter3A_516 = arith.constant 0 : i32
          %scatter3A_517 = tpu.memref_slice %arg9[%scan3A_386, %scatter3A_514, %scatter3A_515, %scatter3A_516] : memref<2x50x32x16xf32, #tpu.memory_space<vmem>> -> memref<1x50x32x16xf32, #tpu.memory_space<vmem>>
          %scatter3A_518 = tpu.memref_squeeze %scatter3A_517 : memref<1x50x32x16xf32, #tpu.memory_space<vmem>> -> memref<50x32x16xf32, #tpu.memory_space<vmem>>
          tpu.vector_store_idx %scatter3A_518[%scan3A_488, %add3A_337, %broadcast_in_dim3A_358], %get3A_508 : memref<50x32x16xf32, #tpu.memory_space<vmem>>[vector<16xi32>, vector<16xi32>, vector<16xi32>], vector<16xf32>,
          %add3A_519 = arith.constant 1 : i32
          %add3A_520 = vector.broadcast %add3A_519 : i32 to vector<16xi32>
          %add3A_521 = arith.addi %scan3A_488, %add3A_520 : vector<16xi32>
          %add3A_522 = arith.addf %scan3A_489, %get3A_501 : vector<16xf32>
          %add3A_523 = arith.addf %scan3A_490, %get3A_508 : vector<16xf32>
          %scan3A_524 = arith.constant 1 : i32
          %scan3A_525 = arith.addi %scan3A_487, %scan3A_524 : i32
          %mul3A_526 = arith.constant 1 : i32
          %mul3A_527 = arith.muli %scan3A_525, %mul3A_526 : i32
          %add3A_528 = arith.constant 1 : i32
          %add3A_529 = arith.addi %add3A_528, %mul3A_527 : i32
          %add3A_530 = arith.constant 0 : i32
          %add3A_531 = arith.addi %add3A_530, %add3A_529 : i32
          %get3A_532 = arith.constant 1 : i32
          %get3A_533 = arith.index_cast %get3A_532 : i32 to index
          %get3A_534 = arith.index_cast %add3A_531 : i32 to index
          %get3A_535 = arith.constant 0 : index
          %get3A_536 = tpu.vector_load %arg8[%get3A_533, %get3A_534, %get3A_535] {strides = array<i32>} : memref<2x100x32xf32, #tpu.memory_space<vmem>>, vector<16xf32>,
          %add3A_537 = arith.constant 0 : i32
          %add3A_538 = arith.addi %add3A_537, %add3A_529 : i32
          %get3A_539 = arith.constant 1 : i32
          %get3A_540 = arith.index_cast %get3A_539 : i32 to index
          %get3A_541 = arith.index_cast %add3A_538 : i32 to index
          %get3A_542 = arith.constant 16 : index
          %get3A_543 = tpu.vector_load %arg8[%get3A_540, %get3A_541, %get3A_542] {strides = array<i32>} : memref<2x100x32xf32, #tpu.memory_space<vmem>>, vector<16xf32>,
          %scatter3A_544 = arith.constant 0 : i32
          %scatter3A_545 = arith.constant 0 : i32
          %scatter3A_546 = arith.constant 0 : i32
          %scatter3A_547 = tpu.memref_slice %arg9[%scan3A_386, %scatter3A_544, %scatter3A_545, %scatter3A_546] : memref<2x50x32x16xf32, #tpu.memory_space<vmem>> -> memref<1x50x32x16xf32, #tpu.memory_space<vmem>>
          %scatter3A_548 = tpu.memref_squeeze %scatter3A_547 : memref<1x50x32x16xf32, #tpu.memory_space<vmem>> -> memref<50x32x16xf32, #tpu.memory_space<vmem>>
          tpu.vector_store_idx %scatter3A_548[%add3A_521, %iota3A, %broadcast_in_dim3A_358], %get3A_536 : memref<50x32x16xf32, #tpu.memory_space<vmem>>[vector<16xi32>, vector<16xi32>, vector<16xi32>], vector<16xf32>,
          %scatter3A_549 = arith.constant 0 : i32
          %scatter3A_550 = arith.constant 0 : i32
          %scatter3A_551 = arith.constant 0 : i32
          %scatter3A_552 = tpu.memref_slice %arg9[%scan3A_386, %scatter3A_549, %scatter3A_550, %scatter3A_551] : memref<2x50x32x16xf32, #tpu.memory_space<vmem>> -> memref<1x50x32x16xf32, #tpu.memory_space<vmem>>
          %scatter3A_553 = tpu.memref_squeeze %scatter3A_552 : memref<1x50x32x16xf32, #tpu.memory_space<vmem>> -> memref<50x32x16xf32, #tpu.memory_space<vmem>>
          tpu.vector_store_idx %scatter3A_553[%add3A_521, %add3A_337, %broadcast_in_dim3A_358], %get3A_543 : memref<50x32x16xf32, #tpu.memory_space<vmem>>[vector<16xi32>, vector<16xi32>, vector<16xi32>], vector<16xf32>,
          %add3A_554 = arith.constant 1 : i32
          %add3A_555 = vector.broadcast %add3A_554 : i32 to vector<16xi32>
          %add3A_556 = arith.addi %add3A_521, %add3A_555 : vector<16xi32>
          %add3A_557 = arith.addf %add3A_522, %get3A_536 : vector<16xf32>
          %add3A_558 = arith.addf %add3A_523, %get3A_543 : vector<16xf32>
          %scan3A_559 = arith.constant 2 : i32
          %scan3A_560 = arith.addi %scan3A_487, %scan3A_559 : i32
          %mul3A_561 = arith.constant 1 : i32
          %mul3A_562 = arith.muli %scan3A_560, %mul3A_561 : i32
          %add3A_563 = arith.constant 1 : i32
          %add3A_564 = arith.addi %add3A_563, %mul3A_562 : i32
          %add3A_565 = arith.constant 0 : i32
          %add3A_566 = arith.addi %add3A_565, %add3A_564 : i32
          %get3A_567 = arith.constant 1 : i32
          %get3A_568 = arith.index_cast %get3A_567 : i32 to index
          %get3A_569 = arith.index_cast %add3A_566 : i32 to index
          %get3A_570 = arith.constant 0 : index
          %get3A_571 = tpu.vector_load %arg8[%get3A_568, %get3A_569, %get3A_570] {strides = array<i32>} : memref<2x100x32xf32, #tpu.memory_space<vmem>>, vector<16xf32>,
          %add3A_572 = arith.constant 0 : i32
          %add3A_573 = arith.addi %add3A_572, %add3A_564 : i32
          %get3A_574 = arith.constant 1 : i32
          %get3A_575 = arith.index_cast %get3A_574 : i32 to index
          %get3A_576 = arith.index_cast %add3A_573 : i32 to index
          %get3A_577 = arith.constant 16 : index
          %get3A_578 = tpu.vector_load %arg8[%get3A_575, %get3A_576, %get3A_577] {strides = array<i32>} : memref<2x100x32xf32, #tpu.memory_space<vmem>>, vector<16xf32>,
          %scatter3A_579 = arith.constant 0 : i32
          %scatter3A_580 = arith.constant 0 : i32
          %scatter3A_581 = arith.constant 0 : i32
          %scatter3A_582 = tpu.memref_slice %arg9[%scan3A_386, %scatter3A_579, %scatter3A_580, %scatter3A_581] : memref<2x50x32x16xf32, #tpu.memory_space<vmem>> -> memref<1x50x32x16xf32, #tpu.memory_space<vmem>>
          %scatter3A_583 = tpu.memref_squeeze %scatter3A_582 : memref<1x50x32x16xf32, #tpu.memory_space<vmem>> -> memref<50x32x16xf32, #tpu.memory_space<vmem>>
          tpu.vector_store_idx %scatter3A_583[%add3A_556, %iota3A, %broadcast_in_dim3A_358], %get3A_571 : memref<50x32x16xf32, #tpu.memory_space<vmem>>[vector<16xi32>, vector<16xi32>, vector<16xi32>], vector<16xf32>,
          %scatter3A_584 = arith.constant 0 : i32
          %scatter3A_585 = arith.constant 0 : i32
          %scatter3A_586 = arith.constant 0 : i32
          %scatter3A_587 = tpu.memref_slice %arg9[%scan3A_386, %scatter3A_584, %scatter3A_585, %scatter3A_586] : memref<2x50x32x16xf32, #tpu.memory_space<vmem>> -> memref<1x50x32x16xf32, #tpu.memory_space<vmem>>
          %scatter3A_588 = tpu.memref_squeeze %scatter3A_587 : memref<1x50x32x16xf32, #tpu.memory_space<vmem>> -> memref<50x32x16xf32, #tpu.memory_space<vmem>>
          tpu.vector_store_idx %scatter3A_588[%add3A_556, %add3A_337, %broadcast_in_dim3A_358], %get3A_578 : memref<50x32x16xf32, #tpu.memory_space<vmem>>[vector<16xi32>, vector<16xi32>, vector<16xi32>], vector<16xf32>,
          %add3A_589 = arith.constant 1 : i32
          %add3A_590 = vector.broadcast %add3A_589 : i32 to vector<16xi32>
          %add3A_591 = arith.addi %add3A_556, %add3A_590 : vector<16xi32>
          %add3A_592 = arith.addf %add3A_557, %get3A_571 : vector<16xf32>
          %add3A_593 = arith.addf %add3A_558, %get3A_578 : vector<16xf32>
          %scan3A_594 = arith.constant 3 : i32
          %scan3A_595 = arith.addi %scan3A_487, %scan3A_594 : i32
          %mul3A_596 = arith.constant 1 : i32
          %mul3A_597 = arith.muli %scan3A_595, %mul3A_596 : i32
          %add3A_598 = arith.constant 1 : i32
          %add3A_599 = arith.addi %add3A_598, %mul3A_597 : i32
          %add3A_600 = arith.constant 0 : i32
          %add3A_601 = arith.addi %add3A_600, %add3A_599 : i32
          %get3A_602 = arith.constant 1 : i32
          %get3A_603 = arith.index_cast %get3A_602 : i32 to index
          %get3A_604 = arith.index_cast %add3A_601 : i32 to index
          %get3A_605 = arith.constant 0 : index
          %get3A_606 = tpu.vector_load %arg8[%get3A_603, %get3A_604, %get3A_605] {strides = array<i32>} : memref<2x100x32xf32, #tpu.memory_space<vmem>>, vector<16xf32>,
          %add3A_607 = arith.constant 0 : i32
          %add3A_608 = arith.addi %add3A_607, %add3A_599 : i32
          %get3A_609 = arith.constant 1 : i32
          %get3A_610 = arith.index_cast %get3A_609 : i32 to index
          %get3A_611 = arith.index_cast %add3A_608 : i32 to index
          %get3A_612 = arith.constant 16 : index
          %get3A_613 = tpu.vector_load %arg8[%get3A_610, %get3A_611, %get3A_612] {strides = array<i32>} : memref<2x100x32xf32, #tpu.memory_space<vmem>>, vector<16xf32>,
          %scatter3A_614 = arith.constant 0 : i32
          %scatter3A_615 = arith.constant 0 : i32
          %scatter3A_616 = arith.constant 0 : i32
          %scatter3A_617 = tpu.memref_slice %arg9[%scan3A_386, %scatter3A_614, %scatter3A_615, %scatter3A_616] : memref<2x50x32x16xf32, #tpu.memory_space<vmem>> -> memref<1x50x32x16xf32, #tpu.memory_space<vmem>>
          %scatter3A_618 = tpu.memref_squeeze %scatter3A_617 : memref<1x50x32x16xf32, #tpu.memory_space<vmem>> -> memref<50x32x16xf32, #tpu.memory_space<vmem>>
          tpu.vector_store_idx %scatter3A_618[%add3A_591, %iota3A, %broadcast_in_dim3A_358], %get3A_606 : memref<50x32x16xf32, #tpu.memory_space<vmem>>[vector<16xi32>, vector<16xi32>, vector<16xi32>], vector<16xf32>,
          %scatter3A_619 = arith.constant 0 : i32
          %scatter3A_620 = arith.constant 0 : i32
          %scatter3A_621 = arith.constant 0 : i32
          %scatter3A_622 = tpu.memref_slice %arg9[%scan3A_386, %scatter3A_619, %scatter3A_620, %scatter3A_621] : memref<2x50x32x16xf32, #tpu.memory_space<vmem>> -> memref<1x50x32x16xf32, #tpu.memory_space<vmem>>
          %scatter3A_623 = tpu.memref_squeeze %scatter3A_622 : memref<1x50x32x16xf32, #tpu.memory_space<vmem>> -> memref<50x32x16xf32, #tpu.memory_space<vmem>>
          tpu.vector_store_idx %scatter3A_623[%add3A_591, %add3A_337, %broadcast_in_dim3A_358], %get3A_613 : memref<50x32x16xf32, #tpu.memory_space<vmem>>[vector<16xi32>, vector<16xi32>, vector<16xi32>], vector<16xf32>,
          %add3A_624 = arith.constant 1 : i32
          %add3A_625 = vector.broadcast %add3A_624 : i32 to vector<16xi32>
          %add3A_626 = arith.addi %add3A_591, %add3A_625 : vector<16xi32>
          %add3A_627 = arith.addf %add3A_592, %get3A_606 : vector<16xf32>
          %add3A_628 = arith.addf %add3A_593, %get3A_613 : vector<16xf32>
          %scan3A_629 = arith.constant 4 : i32
          %scan3A_630 = arith.addi %scan3A_487, %scan3A_629 : i32
          %mul3A_631 = arith.constant 1 : i32
          %mul3A_632 = arith.muli %scan3A_630, %mul3A_631 : i32
          %add3A_633 = arith.constant 1 : i32
          %add3A_634 = arith.addi %add3A_633, %mul3A_632 : i32
          %add3A_635 = arith.constant 0 : i32
          %add3A_636 = arith.addi %add3A_635, %add3A_634 : i32
          %get3A_637 = arith.constant 1 : i32
          %get3A_638 = arith.index_cast %get3A_637 : i32 to index
          %get3A_639 = arith.index_cast %add3A_636 : i32 to index
          %get3A_640 = arith.constant 0 : index
          %get3A_641 = tpu.vector_load %arg8[%get3A_638, %get3A_639, %get3A_640] {strides = array<i32>} : memref<2x100x32xf32, #tpu.memory_space<vmem>>, vector<16xf32>,
          %add3A_642 = arith.constant 0 : i32
          %add3A_643 = arith.addi %add3A_642, %add3A_634 : i32
          %get3A_644 = arith.constant 1 : i32
          %get3A_645 = arith.index_cast %get3A_644 : i32 to index
          %get3A_646 = arith.index_cast %add3A_643 : i32 to index
          %get3A_647 = arith.constant 16 : index
          %get3A_648 = tpu.vector_load %arg8[%get3A_645, %get3A_646, %get3A_647] {strides = array<i32>} : memref<2x100x32xf32, #tpu.memory_space<vmem>>, vector<16xf32>,
          %scatter3A_649 = arith.constant 0 : i32
          %scatter3A_650 = arith.constant 0 : i32
          %scatter3A_651 = arith.constant 0 : i32
          %scatter3A_652 = tpu.memref_slice %arg9[%scan3A_386, %scatter3A_649, %scatter3A_650, %scatter3A_651] : memref<2x50x32x16xf32, #tpu.memory_space<vmem>> -> memref<1x50x32x16xf32, #tpu.memory_space<vmem>>
          %scatter3A_653 = tpu.memref_squeeze %scatter3A_652 : memref<1x50x32x16xf32, #tpu.memory_space<vmem>> -> memref<50x32x16xf32, #tpu.memory_space<vmem>>
          tpu.vector_store_idx %scatter3A_653[%add3A_626, %iota3A, %broadcast_in_dim3A_358], %get3A_641 : memref<50x32x16xf32, #tpu.memory_space<vmem>>[vector<16xi32>, vector<16xi32>, vector<16xi32>], vector<16xf32>,
          %scatter3A_654 = arith.constant 0 : i32
          %scatter3A_655 = arith.constant 0 : i32
          %scatter3A_656 = arith.constant 0 : i32
          %scatter3A_657 = tpu.memref_slice %arg9[%scan3A_386, %scatter3A_654, %scatter3A_655, %scatter3A_656] : memref<2x50x32x16xf32, #tpu.memory_space<vmem>> -> memref<1x50x32x16xf32, #tpu.memory_space<vmem>>
          %scatter3A_658 = tpu.memref_squeeze %scatter3A_657 : memref<1x50x32x16xf32, #tpu.memory_space<vmem>> -> memref<50x32x16xf32, #tpu.memory_space<vmem>>
          tpu.vector_store_idx %scatter3A_658[%add3A_626, %add3A_337, %broadcast_in_dim3A_358], %get3A_648 : memref<50x32x16xf32, #tpu.memory_space<vmem>>[vector<16xi32>, vector<16xi32>, vector<16xi32>], vector<16xf32>,
          %add3A_659 = arith.constant 1 : i32
          %add3A_660 = vector.broadcast %add3A_659 : i32 to vector<16xi32>
          %add3A_661 = arith.addi %add3A_626, %add3A_660 : vector<16xi32>
          %add3A_662 = arith.addf %add3A_627, %get3A_641 : vector<16xf32>
          %add3A_663 = arith.addf %add3A_628, %get3A_648 : vector<16xf32>
          %scan3A_664 = arith.constant 5 : i32
          %scan3A_665 = arith.addi %scan3A_487, %scan3A_664 : i32
          %mul3A_666 = arith.constant 1 : i32
          %mul3A_667 = arith.muli %scan3A_665, %mul3A_666 : i32
          %add3A_668 = arith.constant 1 : i32
          %add3A_669 = arith.addi %add3A_668, %mul3A_667 : i32
          %add3A_670 = arith.constant 0 : i32
          %add3A_671 = arith.addi %add3A_670, %add3A_669 : i32
          %get3A_672 = arith.constant 1 : i32
          %get3A_673 = arith.index_cast %get3A_672 : i32 to index
          %get3A_674 = arith.index_cast %add3A_671 : i32 to index
          %get3A_675 = arith.constant 0 : index
          %get3A_676 = tpu.vector_load %arg8[%get3A_673, %get3A_674, %get3A_675] {strides = array<i32>} : memref<2x100x32xf32, #tpu.memory_space<vmem>>, vector<16xf32>,
          %add3A_677 = arith.constant 0 : i32
          %add3A_678 = arith.addi %add3A_677, %add3A_669 : i32
          %get3A_679 = arith.constant 1 : i32
          %get3A_680 = arith.index_cast %get3A_679 : i32 to index
          %get3A_681 = arith.index_cast %add3A_678 : i32 to index
          %get3A_682 = arith.constant 16 : index
          %get3A_683 = tpu.vector_load %arg8[%get3A_680, %get3A_681, %get3A_682] {strides = array<i32>} : memref<2x100x32xf32, #tpu.memory_space<vmem>>, vector<16xf32>,
          %scatter3A_684 = arith.constant 0 : i32
          %scatter3A_685 = arith.constant 0 : i32
          %scatter3A_686 = arith.constant 0 : i32
          %scatter3A_687 = tpu.memref_slice %arg9[%scan3A_386, %scatter3A_684, %scatter3A_685, %scatter3A_686] : memref<2x50x32x16xf32, #tpu.memory_space<vmem>> -> memref<1x50x32x16xf32, #tpu.memory_space<vmem>>
          %scatter3A_688 = tpu.memref_squeeze %scatter3A_687 : memref<1x50x32x16xf32, #tpu.memory_space<vmem>> -> memref<50x32x16xf32, #tpu.memory_space<vmem>>
          tpu.vector_store_idx %scatter3A_688[%add3A_661, %iota3A, %broadcast_in_dim3A_358], %get3A_676 : memref<50x32x16xf32, #tpu.memory_space<vmem>>[vector<16xi32>, vector<16xi32>, vector<16xi32>], vector<16xf32>,
          %scatter3A_689 = arith.constant 0 : i32
          %scatter3A_690 = arith.constant 0 : i32
          %scatter3A_691 = arith.constant 0 : i32
          %scatter3A_692 = tpu.memref_slice %arg9[%scan3A_386, %scatter3A_689, %scatter3A_690, %scatter3A_691] : memref<2x50x32x16xf32, #tpu.memory_space<vmem>> -> memref<1x50x32x16xf32, #tpu.memory_space<vmem>>
          %scatter3A_693 = tpu.memref_squeeze %scatter3A_692 : memref<1x50x32x16xf32, #tpu.memory_space<vmem>> -> memref<50x32x16xf32, #tpu.memory_space<vmem>>
          tpu.vector_store_idx %scatter3A_693[%add3A_661, %add3A_337, %broadcast_in_dim3A_358], %get3A_683 : memref<50x32x16xf32, #tpu.memory_space<vmem>>[vector<16xi32>, vector<16xi32>, vector<16xi32>], vector<16xf32>,
          %add3A_694 = arith.constant 1 : i32
          %add3A_695 = vector.broadcast %add3A_694 : i32 to vector<16xi32>
          %add3A_696 = arith.addi %add3A_661, %add3A_695 : vector<16xi32>
          %add3A_697 = arith.addf %add3A_662, %get3A_676 : vector<16xf32>
          %add3A_698 = arith.addf %add3A_663, %get3A_683 : vector<16xf32>
          %scan3A_699 = arith.constant 6 : i32
          %scan3A_700 = arith.addi %scan3A_487, %scan3A_699 : i32
          %mul3A_701 = arith.constant 1 : i32
          %mul3A_702 = arith.muli %scan3A_700, %mul3A_701 : i32
          %add3A_703 = arith.constant 1 : i32
          %add3A_704 = arith.addi %add3A_703, %mul3A_702 : i32
          %add3A_705 = arith.constant 0 : i32
          %add3A_706 = arith.addi %add3A_705, %add3A_704 : i32
          %get3A_707 = arith.constant 1 : i32
          %get3A_708 = arith.index_cast %get3A_707 : i32 to index
          %get3A_709 = arith.index_cast %add3A_706 : i32 to index
          %get3A_710 = arith.constant 0 : index
          %get3A_711 = tpu.vector_load %arg8[%get3A_708, %get3A_709, %get3A_710] {strides = array<i32>} : memref<2x100x32xf32, #tpu.memory_space<vmem>>, vector<16xf32>,
          %add3A_712 = arith.constant 0 : i32
          %add3A_713 = arith.addi %add3A_712, %add3A_704 : i32
          %get3A_714 = arith.constant 1 : i32
          %get3A_715 = arith.index_cast %get3A_714 : i32 to index
          %get3A_716 = arith.index_cast %add3A_713 : i32 to index
          %get3A_717 = arith.constant 16 : index
          %get3A_718 = tpu.vector_load %arg8[%get3A_715, %get3A_716, %get3A_717] {strides = array<i32>} : memref<2x100x32xf32, #tpu.memory_space<vmem>>, vector<16xf32>,
          %scatter3A_719 = arith.constant 0 : i32
          %scatter3A_720 = arith.constant 0 : i32
          %scatter3A_721 = arith.constant 0 : i32
          %scatter3A_722 = tpu.memref_slice %arg9[%scan3A_386, %scatter3A_719, %scatter3A_720, %scatter3A_721] : memref<2x50x32x16xf32, #tpu.memory_space<vmem>> -> memref<1x50x32x16xf32, #tpu.memory_space<vmem>>
          %scatter3A_723 = tpu.memref_squeeze %scatter3A_722 : memref<1x50x32x16xf32, #tpu.memory_space<vmem>> -> memref<50x32x16xf32, #tpu.memory_space<vmem>>
          tpu.vector_store_idx %scatter3A_723[%add3A_696, %iota3A, %broadcast_in_dim3A_358], %get3A_711 : memref<50x32x16xf32, #tpu.memory_space<vmem>>[vector<16xi32>, vector<16xi32>, vector<16xi32>], vector<16xf32>,
          %scatter3A_724 = arith.constant 0 : i32
          %scatter3A_725 = arith.constant 0 : i32
          %scatter3A_726 = arith.constant 0 : i32
          %scatter3A_727 = tpu.memref_slice %arg9[%scan3A_386, %scatter3A_724, %scatter3A_725, %scatter3A_726] : memref<2x50x32x16xf32, #tpu.memory_space<vmem>> -> memref<1x50x32x16xf32, #tpu.memory_space<vmem>>
          %scatter3A_728 = tpu.memref_squeeze %scatter3A_727 : memref<1x50x32x16xf32, #tpu.memory_space<vmem>> -> memref<50x32x16xf32, #tpu.memory_space<vmem>>
          tpu.vector_store_idx %scatter3A_728[%add3A_696, %add3A_337, %broadcast_in_dim3A_358], %get3A_718 : memref<50x32x16xf32, #tpu.memory_space<vmem>>[vector<16xi32>, vector<16xi32>, vector<16xi32>], vector<16xf32>,
          %add3A_729 = arith.constant 1 : i32
          %add3A_730 = vector.broadcast %add3A_729 : i32 to vector<16xi32>
          %add3A_731 = arith.addi %add3A_696, %add3A_730 : vector<16xi32>
          %add3A_732 = arith.addf %add3A_697, %get3A_711 : vector<16xf32>
          %add3A_733 = arith.addf %add3A_698, %get3A_718 : vector<16xf32>
          scf.yield %add3A_731, %add3A_732, %add3A_733 : vector<16xi32>, vector<16xf32>, vector<16xf32>
        }
        %scan3A_392 = arith.constant 49 : i32
        %mul3A_393 = arith.constant 2 : i32
        %mul3A_394 = arith.muli %mul3A_393, %add3A_322 : i32
        %add3A_395 = arith.constant 0 : i32
        %add3A_396 = arith.addi %mul3A_394, %add3A_395 : i32
        %mul3A_397 = arith.constant 2.000000e-02 : f32
        %mul3A_398 = vector.broadcast %mul3A_397 : f32 to vector<16xf32>
        %mul3A_399 = arith.mulf %scan3A_391#1, %mul3A_398 : vector<16xf32>
        %swap3A_400 = arith.index_cast %add3A_396 : i32 to index
        %swap3A_401 = arith.constant 0 : index
        %swap3A_402 = tpu.vector_load %arg10[%swap3A_400, %swap3A_401] {strides = array<i32>} : memref<512x32xf32, #tpu.memory_space<vmem>>, vector<16xf32>,
        tpu.vector_store %arg10[%swap3A_400, %swap3A_401], %mul3A_399 {strides = array<i32>} : memref<512x32xf32, #tpu.memory_space<vmem>>, vector<16xf32>,
        %mul3A_403 = arith.constant 2.000000e-02 : f32
        %mul3A_404 = vector.broadcast %mul3A_403 : f32 to vector<16xf32>
        %mul3A_405 = arith.mulf %scan3A_391#2, %mul3A_404 : vector<16xf32>
        %swap3A_406 = arith.index_cast %add3A_396 : i32 to index
        %swap3A_407 = arith.constant 16 : index
        %swap3A_408 = tpu.vector_load %arg10[%swap3A_406, %swap3A_407] {strides = array<i32>} : memref<512x32xf32, #tpu.memory_space<vmem>>, vector<16xf32>,
        tpu.vector_store %arg10[%swap3A_406, %swap3A_407], %mul3A_405 {strides = array<i32>} : memref<512x32xf32, #tpu.memory_space<vmem>>, vector<16xf32>,
        %mul3A_409 = arith.constant 2 : i32
        %mul3A_410 = arith.muli %mul3A_409, %add3A_322 : i32
        %add3A_411 = arith.constant 1 : i32
        %add3A_412 = arith.addi %mul3A_410, %add3A_411 : i32
        %jit3A_413 = arith.constant 16 : i32
        %eq3A_414 = arith.constant 0 : i32
        %eq3A_415 = arith.cmpi eq, %jit3A_413, %eq3A_414 : i32
        %jit3A_416 = arith.constant 1 : i32
        %select_n3A_417 = arith.select %eq3A_415, %jit3A_416, %jit3A_413 : i32
        %rem3A_418 = arith.remsi %add3A_412, %select_n3A_417 : i32
        %ne3A_419 = arith.constant 0 : i32
        %ne3A_420 = arith.cmpi ne, %rem3A_418, %ne3A_419 : i32
        %lt3A_421 = arith.constant 0 : i32
        %lt3A_422 = arith.cmpi slt, %rem3A_418, %lt3A_421 : i32
        %lt3A_423 = arith.constant 0 : i32
        %lt3A_424 = arith.cmpi slt, %select_n3A_417, %lt3A_423 : i32
        %ne3A_425 = arith.xori %lt3A_422, %lt3A_424 : i1
        %and3A_426 = arith.andi %ne3A_425, %ne3A_420 : i1
        %add3A_427 = arith.addi %rem3A_418, %select_n3A_417 : i32
        %select_n3A_428 = arith.select %and3A_426, %add3A_427, %rem3A_418 : i32
        %broadcast_in_dim3A_429 = vector.broadcast %select_n3A_428 : i32 to vector<16xi32>
        %get3A_430 = arith.constant 1 : i32
        %get3A_431 = arith.constant 50 : i32
        %get3A_432 = arith.index_cast %get3A_430 : i32 to index
        %get3A_433 = arith.index_cast %get3A_431 : i32 to index
        %get3A_434 = arith.constant 0 : index
        %get3A_435 = tpu.vector_load %arg8[%get3A_432, %get3A_433, %get3A_434] {strides = array<i32>} : memref<2x100x32xf32, #tpu.memory_space<vmem>>, vector<16xf32>,
        %get3A_436 = arith.constant 1 : i32
        %get3A_437 = arith.constant 50 : i32
        %get3A_438 = arith.index_cast %get3A_436 : i32 to index
        %get3A_439 = arith.index_cast %get3A_437 : i32 to index
        %get3A_440 = arith.constant 16 : index
        %get3A_441 = tpu.vector_load %arg8[%get3A_438, %get3A_439, %get3A_440] {strides = array<i32>} : memref<2x100x32xf32, #tpu.memory_space<vmem>>, vector<16xf32>,
        %scatter3A_442 = arith.constant 1 : i32
        %scatter3A_443 = arith.constant 0 : i32
        %scatter3A_444 = arith.constant 0 : i32
        %scatter3A_445 = arith.constant 0 : i32
        %scatter3A_446 = tpu.memref_slice %arg9[%scatter3A_442, %scatter3A_443, %scatter3A_444, %scatter3A_445] : memref<2x50x32x16xf32, #tpu.memory_space<vmem>> -> memref<1x50x32x16xf32, #tpu.memory_space<vmem>>
        %scatter3A_447 = tpu.memref_squeeze %scatter3A_446 : memref<1x50x32x16xf32, #tpu.memory_space<vmem>> -> memref<50x32x16xf32, #tpu.memory_space<vmem>>
        tpu.vector_store_idx %scatter3A_447[%sub3A_334, %iota3A, %broadcast_in_dim3A_429], %get3A_435 : memref<50x32x16xf32, #tpu.memory_space<vmem>>[vector<16xi32>, vector<16xi32>, vector<16xi32>], vector<16xf32>,
        %scatter3A_448 = arith.constant 1 : i32
        %scatter3A_449 = arith.constant 0 : i32
        %scatter3A_450 = arith.constant 0 : i32
        %scatter3A_451 = arith.constant 0 : i32
        %scatter3A_452 = tpu.memref_slice %arg9[%scatter3A_448, %scatter3A_449, %scatter3A_450, %scatter3A_451] : memref<2x50x32x16xf32, #tpu.memory_space<vmem>> -> memref<1x50x32x16xf32, #tpu.memory_space<vmem>>
        %scatter3A_453 = tpu.memref_squeeze %scatter3A_452 : memref<1x50x32x16xf32, #tpu.memory_space<vmem>> -> memref<50x32x16xf32, #tpu.memory_space<vmem>>
        tpu.vector_store_idx %scatter3A_453[%sub3A_334, %add3A_337, %broadcast_in_dim3A_429], %get3A_441 : memref<50x32x16xf32, #tpu.memory_space<vmem>>[vector<16xi32>, vector<16xi32>, vector<16xi32>], vector<16xf32>,
        %add3A_454 = arith.constant 1 : i32
        %add3A_455 = vector.broadcast %add3A_454 : i32 to vector<16xi32>
        %add3A_456 = arith.addi %sub3A_334, %add3A_455 : vector<16xi32>
        %scan3A_457 = arith.constant 1 : i32
        %scan3A_458 = arith.constant 0 : i32
        %scan3A_459 = arith.constant 49 : i32
        %scan3A_460 = arith.addi %scan3A_458, %scan3A_459 : i32
        %scan3A_461 = arith.constant 7 : i32
        %scan3A_462:3 = scf.for %scan3A_487 = %scan3A_458 to %scan3A_460 step %scan3A_461 iter_args(%scan3A_488 = %add3A_456, %scan3A_489 = %get3A_435, %scan3A_490 = %get3A_441) -> (vector<16xi32>, vector<16xf32>, vector<16xf32>)  : i32 {
          %mul3A_491 = arith.constant 1 : i32
          %mul3A_492 = arith.muli %scan3A_487, %mul3A_491 : i32
          %add3A_493 = arith.constant 1 : i32
          %add3A_494 = arith.addi %add3A_493, %mul3A_492 : i32
          %add3A_495 = arith.constant 50 : i32
          %add3A_496 = arith.addi %add3A_495, %add3A_494 : i32
          %get3A_497 = arith.constant 1 : i32
          %get3A_498 = arith.index_cast %get3A_497 : i32 to index
          %get3A_499 = arith.index_cast %add3A_496 : i32 to index
          %get3A_500 = arith.constant 0 : index
          %get3A_501 = tpu.vector_load %arg8[%get3A_498, %get3A_499, %get3A_500] {strides = array<i32>} : memref<2x100x32xf32, #tpu.memory_space<vmem>>, vector<16xf32>,
          %add3A_502 = arith.constant 50 : i32
          %add3A_503 = arith.addi %add3A_502, %add3A_494 : i32
          %get3A_504 = arith.constant 1 : i32
          %get3A_505 = arith.index_cast %get3A_504 : i32 to index
          %get3A_506 = arith.index_cast %add3A_503 : i32 to index
          %get3A_507 = arith.constant 16 : index
          %get3A_508 = tpu.vector_load %arg8[%get3A_505, %get3A_506, %get3A_507] {strides = array<i32>} : memref<2x100x32xf32, #tpu.memory_space<vmem>>, vector<16xf32>,
          %scatter3A_509 = arith.constant 0 : i32
          %scatter3A_510 = arith.constant 0 : i32
          %scatter3A_511 = arith.constant 0 : i32
          %scatter3A_512 = tpu.memref_slice %arg9[%scan3A_457, %scatter3A_509, %scatter3A_510, %scatter3A_511] : memref<2x50x32x16xf32, #tpu.memory_space<vmem>> -> memref<1x50x32x16xf32, #tpu.memory_space<vmem>>
          %scatter3A_513 = tpu.memref_squeeze %scatter3A_512 : memref<1x50x32x16xf32, #tpu.memory_space<vmem>> -> memref<50x32x16xf32, #tpu.memory_space<vmem>>
          tpu.vector_store_idx %scatter3A_513[%scan3A_488, %iota3A, %broadcast_in_dim3A_429], %get3A_501 : memref<50x32x16xf32, #tpu.memory_space<vmem>>[vector<16xi32>, vector<16xi32>, vector<16xi32>], vector<16xf32>,
          %scatter3A_514 = arith.constant 0 : i32
          %scatter3A_515 = arith.constant 0 : i32
          %scatter3A_516 = arith.constant 0 : i32
          %scatter3A_517 = tpu.memref_slice %arg9[%scan3A_457, %scatter3A_514, %scatter3A_515, %scatter3A_516] : memref<2x50x32x16xf32, #tpu.memory_space<vmem>> -> memref<1x50x32x16xf32, #tpu.memory_space<vmem>>
          %scatter3A_518 = tpu.memref_squeeze %scatter3A_517 : memref<1x50x32x16xf32, #tpu.memory_space<vmem>> -> memref<50x32x16xf32, #tpu.memory_space<vmem>>
          tpu.vector_store_idx %scatter3A_518[%scan3A_488, %add3A_337, %broadcast_in_dim3A_429], %get3A_508 : memref<50x32x16xf32, #tpu.memory_space<vmem>>[vector<16xi32>, vector<16xi32>, vector<16xi32>], vector<16xf32>,
          %add3A_519 = arith.constant 1 : i32
          %add3A_520 = vector.broadcast %add3A_519 : i32 to vector<16xi32>
          %add3A_521 = arith.addi %scan3A_488, %add3A_520 : vector<16xi32>
          %add3A_522 = arith.addf %scan3A_489, %get3A_501 : vector<16xf32>
          %add3A_523 = arith.addf %scan3A_490, %get3A_508 : vector<16xf32>
          %scan3A_524 = arith.constant 1 : i32
          %scan3A_525 = arith.addi %scan3A_487, %scan3A_524 : i32
          %mul3A_526 = arith.constant 1 : i32
          %mul3A_527 = arith.muli %scan3A_525, %mul3A_526 : i32
          %add3A_528 = arith.constant 1 : i32
          %add3A_529 = arith.addi %add3A_528, %mul3A_527 : i32
          %add3A_530 = arith.constant 50 : i32
          %add3A_531 = arith.addi %add3A_530, %add3A_529 : i32
          %get3A_532 = arith.constant 1 : i32
          %get3A_533 = arith.index_cast %get3A_532 : i32 to index
          %get3A_534 = arith.index_cast %add3A_531 : i32 to index
          %get3A_535 = arith.constant 0 : index
          %get3A_536 = tpu.vector_load %arg8[%get3A_533, %get3A_534, %get3A_535] {strides = array<i32>} : memref<2x100x32xf32, #tpu.memory_space<vmem>>, vector<16xf32>,
          %add3A_537 = arith.constant 50 : i32
          %add3A_538 = arith.addi %add3A_537, %add3A_529 : i32
          %get3A_539 = arith.constant 1 : i32
          %get3A_540 = arith.index_cast %get3A_539 : i32 to index
          %get3A_541 = arith.index_cast %add3A_538 : i32 to index
          %get3A_542 = arith.constant 16 : index
          %get3A_543 = tpu.vector_load %arg8[%get3A_540, %get3A_541, %get3A_542] {strides = array<i32>} : memref<2x100x32xf32, #tpu.memory_space<vmem>>, vector<16xf32>,
          %scatter3A_544 = arith.constant 0 : i32
          %scatter3A_545 = arith.constant 0 : i32
          %scatter3A_546 = arith.constant 0 : i32
          %scatter3A_547 = tpu.memref_slice %arg9[%scan3A_457, %scatter3A_544, %scatter3A_545, %scatter3A_546] : memref<2x50x32x16xf32, #tpu.memory_space<vmem>> -> memref<1x50x32x16xf32, #tpu.memory_space<vmem>>
          %scatter3A_548 = tpu.memref_squeeze %scatter3A_547 : memref<1x50x32x16xf32, #tpu.memory_space<vmem>> -> memref<50x32x16xf32, #tpu.memory_space<vmem>>
          tpu.vector_store_idx %scatter3A_548[%add3A_521, %iota3A, %broadcast_in_dim3A_429], %get3A_536 : memref<50x32x16xf32, #tpu.memory_space<vmem>>[vector<16xi32>, vector<16xi32>, vector<16xi32>], vector<16xf32>,
          %scatter3A_549 = arith.constant 0 : i32
          %scatter3A_550 = arith.constant 0 : i32
          %scatter3A_551 = arith.constant 0 : i32
          %scatter3A_552 = tpu.memref_slice %arg9[%scan3A_457, %scatter3A_549, %scatter3A_550, %scatter3A_551] : memref<2x50x32x16xf32, #tpu.memory_space<vmem>> -> memref<1x50x32x16xf32, #tpu.memory_space<vmem>>
          %scatter3A_553 = tpu.memref_squeeze %scatter3A_552 : memref<1x50x32x16xf32, #tpu.memory_space<vmem>> -> memref<50x32x16xf32, #tpu.memory_space<vmem>>
          tpu.vector_store_idx %scatter3A_553[%add3A_521, %add3A_337, %broadcast_in_dim3A_429], %get3A_543 : memref<50x32x16xf32, #tpu.memory_space<vmem>>[vector<16xi32>, vector<16xi32>, vector<16xi32>], vector<16xf32>,
          %add3A_554 = arith.constant 1 : i32
          %add3A_555 = vector.broadcast %add3A_554 : i32 to vector<16xi32>
          %add3A_556 = arith.addi %add3A_521, %add3A_555 : vector<16xi32>
          %add3A_557 = arith.addf %add3A_522, %get3A_536 : vector<16xf32>
          %add3A_558 = arith.addf %add3A_523, %get3A_543 : vector<16xf32>
          %scan3A_559 = arith.constant 2 : i32
          %scan3A_560 = arith.addi %scan3A_487, %scan3A_559 : i32
          %mul3A_561 = arith.constant 1 : i32
          %mul3A_562 = arith.muli %scan3A_560, %mul3A_561 : i32
          %add3A_563 = arith.constant 1 : i32
          %add3A_564 = arith.addi %add3A_563, %mul3A_562 : i32
          %add3A_565 = arith.constant 50 : i32
          %add3A_566 = arith.addi %add3A_565, %add3A_564 : i32
          %get3A_567 = arith.constant 1 : i32
          %get3A_568 = arith.index_cast %get3A_567 : i32 to index
          %get3A_569 = arith.index_cast %add3A_566 : i32 to index
          %get3A_570 = arith.constant 0 : index
          %get3A_571 = tpu.vector_load %arg8[%get3A_568, %get3A_569, %get3A_570] {strides = array<i32>} : memref<2x100x32xf32, #tpu.memory_space<vmem>>, vector<16xf32>,
          %add3A_572 = arith.constant 50 : i32
          %add3A_573 = arith.addi %add3A_572, %add3A_564 : i32
          %get3A_574 = arith.constant 1 : i32
          %get3A_575 = arith.index_cast %get3A_574 : i32 to index
          %get3A_576 = arith.index_cast %add3A_573 : i32 to index
          %get3A_577 = arith.constant 16 : index
          %get3A_578 = tpu.vector_load %arg8[%get3A_575, %get3A_576, %get3A_577] {strides = array<i32>} : memref<2x100x32xf32, #tpu.memory_space<vmem>>, vector<16xf32>,
          %scatter3A_579 = arith.constant 0 : i32
          %scatter3A_580 = arith.constant 0 : i32
          %scatter3A_581 = arith.constant 0 : i32
          %scatter3A_582 = tpu.memref_slice %arg9[%scan3A_457, %scatter3A_579, %scatter3A_580, %scatter3A_581] : memref<2x50x32x16xf32, #tpu.memory_space<vmem>> -> memref<1x50x32x16xf32, #tpu.memory_space<vmem>>
          %scatter3A_583 = tpu.memref_squeeze %scatter3A_582 : memref<1x50x32x16xf32, #tpu.memory_space<vmem>> -> memref<50x32x16xf32, #tpu.memory_space<vmem>>
          tpu.vector_store_idx %scatter3A_583[%add3A_556, %iota3A, %broadcast_in_dim3A_429], %get3A_571 : memref<50x32x16xf32, #tpu.memory_space<vmem>>[vector<16xi32>, vector<16xi32>, vector<16xi32>], vector<16xf32>,
          %scatter3A_584 = arith.constant 0 : i32
          %scatter3A_585 = arith.constant 0 : i32
          %scatter3A_586 = arith.constant 0 : i32
          %scatter3A_587 = tpu.memref_slice %arg9[%scan3A_457, %scatter3A_584, %scatter3A_585, %scatter3A_586] : memref<2x50x32x16xf32, #tpu.memory_space<vmem>> -> memref<1x50x32x16xf32, #tpu.memory_space<vmem>>
          %scatter3A_588 = tpu.memref_squeeze %scatter3A_587 : memref<1x50x32x16xf32, #tpu.memory_space<vmem>> -> memref<50x32x16xf32, #tpu.memory_space<vmem>>
          tpu.vector_store_idx %scatter3A_588[%add3A_556, %add3A_337, %broadcast_in_dim3A_429], %get3A_578 : memref<50x32x16xf32, #tpu.memory_space<vmem>>[vector<16xi32>, vector<16xi32>, vector<16xi32>], vector<16xf32>,
          %add3A_589 = arith.constant 1 : i32
          %add3A_590 = vector.broadcast %add3A_589 : i32 to vector<16xi32>
          %add3A_591 = arith.addi %add3A_556, %add3A_590 : vector<16xi32>
          %add3A_592 = arith.addf %add3A_557, %get3A_571 : vector<16xf32>
          %add3A_593 = arith.addf %add3A_558, %get3A_578 : vector<16xf32>
          %scan3A_594 = arith.constant 3 : i32
          %scan3A_595 = arith.addi %scan3A_487, %scan3A_594 : i32
          %mul3A_596 = arith.constant 1 : i32
          %mul3A_597 = arith.muli %scan3A_595, %mul3A_596 : i32
          %add3A_598 = arith.constant 1 : i32
          %add3A_599 = arith.addi %add3A_598, %mul3A_597 : i32
          %add3A_600 = arith.constant 50 : i32
          %add3A_601 = arith.addi %add3A_600, %add3A_599 : i32
          %get3A_602 = arith.constant 1 : i32
          %get3A_603 = arith.index_cast %get3A_602 : i32 to index
          %get3A_604 = arith.index_cast %add3A_601 : i32 to index
          %get3A_605 = arith.constant 0 : index
          %get3A_606 = tpu.vector_load %arg8[%get3A_603, %get3A_604, %get3A_605] {strides = array<i32>} : memref<2x100x32xf32, #tpu.memory_space<vmem>>, vector<16xf32>,
          %add3A_607 = arith.constant 50 : i32
          %add3A_608 = arith.addi %add3A_607, %add3A_599 : i32
          %get3A_609 = arith.constant 1 : i32
          %get3A_610 = arith.index_cast %get3A_609 : i32 to index
          %get3A_611 = arith.index_cast %add3A_608 : i32 to index
          %get3A_612 = arith.constant 16 : index
          %get3A_613 = tpu.vector_load %arg8[%get3A_610, %get3A_611, %get3A_612] {strides = array<i32>} : memref<2x100x32xf32, #tpu.memory_space<vmem>>, vector<16xf32>,
          %scatter3A_614 = arith.constant 0 : i32
          %scatter3A_615 = arith.constant 0 : i32
          %scatter3A_616 = arith.constant 0 : i32
          %scatter3A_617 = tpu.memref_slice %arg9[%scan3A_457, %scatter3A_614, %scatter3A_615, %scatter3A_616] : memref<2x50x32x16xf32, #tpu.memory_space<vmem>> -> memref<1x50x32x16xf32, #tpu.memory_space<vmem>>
          %scatter3A_618 = tpu.memref_squeeze %scatter3A_617 : memref<1x50x32x16xf32, #tpu.memory_space<vmem>> -> memref<50x32x16xf32, #tpu.memory_space<vmem>>
          tpu.vector_store_idx %scatter3A_618[%add3A_591, %iota3A, %broadcast_in_dim3A_429], %get3A_606 : memref<50x32x16xf32, #tpu.memory_space<vmem>>[vector<16xi32>, vector<16xi32>, vector<16xi32>], vector<16xf32>,
          %scatter3A_619 = arith.constant 0 : i32
          %scatter3A_620 = arith.constant 0 : i32
          %scatter3A_621 = arith.constant 0 : i32
          %scatter3A_622 = tpu.memref_slice %arg9[%scan3A_457, %scatter3A_619, %scatter3A_620, %scatter3A_621] : memref<2x50x32x16xf32, #tpu.memory_space<vmem>> -> memref<1x50x32x16xf32, #tpu.memory_space<vmem>>
          %scatter3A_623 = tpu.memref_squeeze %scatter3A_622 : memref<1x50x32x16xf32, #tpu.memory_space<vmem>> -> memref<50x32x16xf32, #tpu.memory_space<vmem>>
          tpu.vector_store_idx %scatter3A_623[%add3A_591, %add3A_337, %broadcast_in_dim3A_429], %get3A_613 : memref<50x32x16xf32, #tpu.memory_space<vmem>>[vector<16xi32>, vector<16xi32>, vector<16xi32>], vector<16xf32>,
          %add3A_624 = arith.constant 1 : i32
          %add3A_625 = vector.broadcast %add3A_624 : i32 to vector<16xi32>
          %add3A_626 = arith.addi %add3A_591, %add3A_625 : vector<16xi32>
          %add3A_627 = arith.addf %add3A_592, %get3A_606 : vector<16xf32>
          %add3A_628 = arith.addf %add3A_593, %get3A_613 : vector<16xf32>
          %scan3A_629 = arith.constant 4 : i32
          %scan3A_630 = arith.addi %scan3A_487, %scan3A_629 : i32
          %mul3A_631 = arith.constant 1 : i32
          %mul3A_632 = arith.muli %scan3A_630, %mul3A_631 : i32
          %add3A_633 = arith.constant 1 : i32
          %add3A_634 = arith.addi %add3A_633, %mul3A_632 : i32
          %add3A_635 = arith.constant 50 : i32
          %add3A_636 = arith.addi %add3A_635, %add3A_634 : i32
          %get3A_637 = arith.constant 1 : i32
          %get3A_638 = arith.index_cast %get3A_637 : i32 to index
          %get3A_639 = arith.index_cast %add3A_636 : i32 to index
          %get3A_640 = arith.constant 0 : index
          %get3A_641 = tpu.vector_load %arg8[%get3A_638, %get3A_639, %get3A_640] {strides = array<i32>} : memref<2x100x32xf32, #tpu.memory_space<vmem>>, vector<16xf32>,
          %add3A_642 = arith.constant 50 : i32
          %add3A_643 = arith.addi %add3A_642, %add3A_634 : i32
          %get3A_644 = arith.constant 1 : i32
          %get3A_645 = arith.index_cast %get3A_644 : i32 to index
          %get3A_646 = arith.index_cast %add3A_643 : i32 to index
          %get3A_647 = arith.constant 16 : index
          %get3A_648 = tpu.vector_load %arg8[%get3A_645, %get3A_646, %get3A_647] {strides = array<i32>} : memref<2x100x32xf32, #tpu.memory_space<vmem>>, vector<16xf32>,
          %scatter3A_649 = arith.constant 0 : i32
          %scatter3A_650 = arith.constant 0 : i32
          %scatter3A_651 = arith.constant 0 : i32
          %scatter3A_652 = tpu.memref_slice %arg9[%scan3A_457, %scatter3A_649, %scatter3A_650, %scatter3A_651] : memref<2x50x32x16xf32, #tpu.memory_space<vmem>> -> memref<1x50x32x16xf32, #tpu.memory_space<vmem>>
          %scatter3A_653 = tpu.memref_squeeze %scatter3A_652 : memref<1x50x32x16xf32, #tpu.memory_space<vmem>> -> memref<50x32x16xf32, #tpu.memory_space<vmem>>
          tpu.vector_store_idx %scatter3A_653[%add3A_626, %iota3A, %broadcast_in_dim3A_429], %get3A_641 : memref<50x32x16xf32, #tpu.memory_space<vmem>>[vector<16xi32>, vector<16xi32>, vector<16xi32>], vector<16xf32>,
          %scatter3A_654 = arith.constant 0 : i32
          %scatter3A_655 = arith.constant 0 : i32
          %scatter3A_656 = arith.constant 0 : i32
          %scatter3A_657 = tpu.memref_slice %arg9[%scan3A_457, %scatter3A_654, %scatter3A_655, %scatter3A_656] : memref<2x50x32x16xf32, #tpu.memory_space<vmem>> -> memref<1x50x32x16xf32, #tpu.memory_space<vmem>>
          %scatter3A_658 = tpu.memref_squeeze %scatter3A_657 : memref<1x50x32x16xf32, #tpu.memory_space<vmem>> -> memref<50x32x16xf32, #tpu.memory_space<vmem>>
          tpu.vector_store_idx %scatter3A_658[%add3A_626, %add3A_337, %broadcast_in_dim3A_429], %get3A_648 : memref<50x32x16xf32, #tpu.memory_space<vmem>>[vector<16xi32>, vector<16xi32>, vector<16xi32>], vector<16xf32>,
          %add3A_659 = arith.constant 1 : i32
          %add3A_660 = vector.broadcast %add3A_659 : i32 to vector<16xi32>
          %add3A_661 = arith.addi %add3A_626, %add3A_660 : vector<16xi32>
          %add3A_662 = arith.addf %add3A_627, %get3A_641 : vector<16xf32>
          %add3A_663 = arith.addf %add3A_628, %get3A_648 : vector<16xf32>
          %scan3A_664 = arith.constant 5 : i32
          %scan3A_665 = arith.addi %scan3A_487, %scan3A_664 : i32
          %mul3A_666 = arith.constant 1 : i32
          %mul3A_667 = arith.muli %scan3A_665, %mul3A_666 : i32
          %add3A_668 = arith.constant 1 : i32
          %add3A_669 = arith.addi %add3A_668, %mul3A_667 : i32
          %add3A_670 = arith.constant 50 : i32
          %add3A_671 = arith.addi %add3A_670, %add3A_669 : i32
          %get3A_672 = arith.constant 1 : i32
          %get3A_673 = arith.index_cast %get3A_672 : i32 to index
          %get3A_674 = arith.index_cast %add3A_671 : i32 to index
          %get3A_675 = arith.constant 0 : index
          %get3A_676 = tpu.vector_load %arg8[%get3A_673, %get3A_674, %get3A_675] {strides = array<i32>} : memref<2x100x32xf32, #tpu.memory_space<vmem>>, vector<16xf32>,
          %add3A_677 = arith.constant 50 : i32
          %add3A_678 = arith.addi %add3A_677, %add3A_669 : i32
          %get3A_679 = arith.constant 1 : i32
          %get3A_680 = arith.index_cast %get3A_679 : i32 to index
          %get3A_681 = arith.index_cast %add3A_678 : i32 to index
          %get3A_682 = arith.constant 16 : index
          %get3A_683 = tpu.vector_load %arg8[%get3A_680, %get3A_681, %get3A_682] {strides = array<i32>} : memref<2x100x32xf32, #tpu.memory_space<vmem>>, vector<16xf32>,
          %scatter3A_684 = arith.constant 0 : i32
          %scatter3A_685 = arith.constant 0 : i32
          %scatter3A_686 = arith.constant 0 : i32
          %scatter3A_687 = tpu.memref_slice %arg9[%scan3A_457, %scatter3A_684, %scatter3A_685, %scatter3A_686] : memref<2x50x32x16xf32, #tpu.memory_space<vmem>> -> memref<1x50x32x16xf32, #tpu.memory_space<vmem>>
          %scatter3A_688 = tpu.memref_squeeze %scatter3A_687 : memref<1x50x32x16xf32, #tpu.memory_space<vmem>> -> memref<50x32x16xf32, #tpu.memory_space<vmem>>
          tpu.vector_store_idx %scatter3A_688[%add3A_661, %iota3A, %broadcast_in_dim3A_429], %get3A_676 : memref<50x32x16xf32, #tpu.memory_space<vmem>>[vector<16xi32>, vector<16xi32>, vector<16xi32>], vector<16xf32>,
          %scatter3A_689 = arith.constant 0 : i32
          %scatter3A_690 = arith.constant 0 : i32
          %scatter3A_691 = arith.constant 0 : i32
          %scatter3A_692 = tpu.memref_slice %arg9[%scan3A_457, %scatter3A_689, %scatter3A_690, %scatter3A_691] : memref<2x50x32x16xf32, #tpu.memory_space<vmem>> -> memref<1x50x32x16xf32, #tpu.memory_space<vmem>>
          %scatter3A_693 = tpu.memref_squeeze %scatter3A_692 : memref<1x50x32x16xf32, #tpu.memory_space<vmem>> -> memref<50x32x16xf32, #tpu.memory_space<vmem>>
          tpu.vector_store_idx %scatter3A_693[%add3A_661, %add3A_337, %broadcast_in_dim3A_429], %get3A_683 : memref<50x32x16xf32, #tpu.memory_space<vmem>>[vector<16xi32>, vector<16xi32>, vector<16xi32>], vector<16xf32>,
          %add3A_694 = arith.constant 1 : i32
          %add3A_695 = vector.broadcast %add3A_694 : i32 to vector<16xi32>
          %add3A_696 = arith.addi %add3A_661, %add3A_695 : vector<16xi32>
          %add3A_697 = arith.addf %add3A_662, %get3A_676 : vector<16xf32>
          %add3A_698 = arith.addf %add3A_663, %get3A_683 : vector<16xf32>
          %scan3A_699 = arith.constant 6 : i32
          %scan3A_700 = arith.addi %scan3A_487, %scan3A_699 : i32
          %mul3A_701 = arith.constant 1 : i32
          %mul3A_702 = arith.muli %scan3A_700, %mul3A_701 : i32
          %add3A_703 = arith.constant 1 : i32
          %add3A_704 = arith.addi %add3A_703, %mul3A_702 : i32
          %add3A_705 = arith.constant 50 : i32
          %add3A_706 = arith.addi %add3A_705, %add3A_704 : i32
          %get3A_707 = arith.constant 1 : i32
          %get3A_708 = arith.index_cast %get3A_707 : i32 to index
          %get3A_709 = arith.index_cast %add3A_706 : i32 to index
          %get3A_710 = arith.constant 0 : index
          %get3A_711 = tpu.vector_load %arg8[%get3A_708, %get3A_709, %get3A_710] {strides = array<i32>} : memref<2x100x32xf32, #tpu.memory_space<vmem>>, vector<16xf32>,
          %add3A_712 = arith.constant 50 : i32
          %add3A_713 = arith.addi %add3A_712, %add3A_704 : i32
          %get3A_714 = arith.constant 1 : i32
          %get3A_715 = arith.index_cast %get3A_714 : i32 to index
          %get3A_716 = arith.index_cast %add3A_713 : i32 to index
          %get3A_717 = arith.constant 16 : index
          %get3A_718 = tpu.vector_load %arg8[%get3A_715, %get3A_716, %get3A_717] {strides = array<i32>} : memref<2x100x32xf32, #tpu.memory_space<vmem>>, vector<16xf32>,
          %scatter3A_719 = arith.constant 0 : i32
          %scatter3A_720 = arith.constant 0 : i32
          %scatter3A_721 = arith.constant 0 : i32
          %scatter3A_722 = tpu.memref_slice %arg9[%scan3A_457, %scatter3A_719, %scatter3A_720, %scatter3A_721] : memref<2x50x32x16xf32, #tpu.memory_space<vmem>> -> memref<1x50x32x16xf32, #tpu.memory_space<vmem>>
          %scatter3A_723 = tpu.memref_squeeze %scatter3A_722 : memref<1x50x32x16xf32, #tpu.memory_space<vmem>> -> memref<50x32x16xf32, #tpu.memory_space<vmem>>
          tpu.vector_store_idx %scatter3A_723[%add3A_696, %iota3A, %broadcast_in_dim3A_429], %get3A_711 : memref<50x32x16xf32, #tpu.memory_space<vmem>>[vector<16xi32>, vector<16xi32>, vector<16xi32>], vector<16xf32>,
          %scatter3A_724 = arith.constant 0 : i32
          %scatter3A_725 = arith.constant 0 : i32
          %scatter3A_726 = arith.constant 0 : i32
          %scatter3A_727 = tpu.memref_slice %arg9[%scan3A_457, %scatter3A_724, %scatter3A_725, %scatter3A_726] : memref<2x50x32x16xf32, #tpu.memory_space<vmem>> -> memref<1x50x32x16xf32, #tpu.memory_space<vmem>>
          %scatter3A_728 = tpu.memref_squeeze %scatter3A_727 : memref<1x50x32x16xf32, #tpu.memory_space<vmem>> -> memref<50x32x16xf32, #tpu.memory_space<vmem>>
          tpu.vector_store_idx %scatter3A_728[%add3A_696, %add3A_337, %broadcast_in_dim3A_429], %get3A_718 : memref<50x32x16xf32, #tpu.memory_space<vmem>>[vector<16xi32>, vector<16xi32>, vector<16xi32>], vector<16xf32>,
          %add3A_729 = arith.constant 1 : i32
          %add3A_730 = vector.broadcast %add3A_729 : i32 to vector<16xi32>
          %add3A_731 = arith.addi %add3A_696, %add3A_730 : vector<16xi32>
          %add3A_732 = arith.addf %add3A_697, %get3A_711 : vector<16xf32>
          %add3A_733 = arith.addf %add3A_698, %get3A_718 : vector<16xf32>
          scf.yield %add3A_731, %add3A_732, %add3A_733 : vector<16xi32>, vector<16xf32>, vector<16xf32>
        }
        %scan3A_463 = arith.constant 49 : i32
        %mul3A_464 = arith.constant 2 : i32
        %mul3A_465 = arith.muli %mul3A_464, %add3A_322 : i32
        %add3A_466 = arith.constant 1 : i32
        %add3A_467 = arith.addi %mul3A_465, %add3A_466 : i32
        %mul3A_468 = arith.constant 2.000000e-02 : f32
        %mul3A_469 = vector.broadcast %mul3A_468 : f32 to vector<16xf32>
        %mul3A_470 = arith.mulf %scan3A_462#1, %mul3A_469 : vector<16xf32>
        %swap3A_471 = arith.index_cast %add3A_467 : i32 to index
        %swap3A_472 = arith.constant 0 : index
        %swap3A_473 = tpu.vector_load %arg10[%swap3A_471, %swap3A_472] {strides = array<i32>} : memref<512x32xf32, #tpu.memory_space<vmem>>, vector<16xf32>,
        tpu.vector_store %arg10[%swap3A_471, %swap3A_472], %mul3A_470 {strides = array<i32>} : memref<512x32xf32, #tpu.memory_space<vmem>>, vector<16xf32>,
        %mul3A_474 = arith.constant 2.000000e-02 : f32
        %mul3A_475 = vector.broadcast %mul3A_474 : f32 to vector<16xf32>
        %mul3A_476 = arith.mulf %scan3A_462#2, %mul3A_475 : vector<16xf32>
        %swap3A_477 = arith.index_cast %add3A_467 : i32 to index
        %swap3A_478 = arith.constant 16 : index
        %swap3A_479 = tpu.vector_load %arg10[%swap3A_477, %swap3A_478] {strides = array<i32>} : memref<512x32xf32, #tpu.memory_space<vmem>>, vector<16xf32>,
        tpu.vector_store %arg10[%swap3A_477, %swap3A_478], %mul3A_476 {strides = array<i32>} : memref<512x32xf32, #tpu.memory_space<vmem>>, vector<16xf32>,
        %add3A_480 = arith.constant 2 : i32
        %add3A_481 = arith.addi %add3A_322, %add3A_480 : i32
        %lt3A_482 = arith.constant 256 : i32
        %lt3A_483 = arith.cmpi slt, %add3A_481, %lt3A_482 : i32
        %convert_element_type3A_484 = arith.extui %lt3A_483 : i1 to i32
        %cond3A_485 = arith.constant 0 : i32
        %cond3A_486 = arith.cmpi ne, %convert_element_type3A_484, %cond3A_485 : i32
        scf.if %cond3A_486 {
          %add3A_487 = arith.constant 2 : i32
          %add3A_488 = arith.addi %add3A_322, %add3A_487 : i32
          %mul3A_489 = arith.constant 112 : i32
          %mul3A_490 = arith.muli %add3A_488, %mul3A_489 : i32
          %dma_start3A_491 = arith.constant 1 : i32
          %dma_start3A_492 = arith.constant 0 : i32
          %dma_start3A_493 = arith.constant 0 : i32
          %dma_start3A_494 = tpu.memref_slice %arg8[%dma_start3A_491, %dma_start3A_492, %dma_start3A_493] : memref<2x100x32xf32, #tpu.memory_space<vmem>> -> memref<1x100x32xf32, #tpu.memory_space<vmem>>
          %dma_start3A_495 = tpu.memref_squeeze %dma_start3A_494 : memref<1x100x32xf32, #tpu.memory_space<vmem>> -> memref<100x32xf32, #tpu.memory_space<vmem>>
          %dma_start3A_496 = tpu.memref_slice %arg7[%mul3A_490] : memref<28672xi32, #tpu.memory_space<vmem>> -> memref<100xi32, #tpu.memory_space<vmem>>
          %dma_start3A_497 = arith.constant 0 : i32
          %dma_start3A_498 = arith.constant 0 : i32
          %dma_start3A_499 = tpu.memref_slice %arg3[%dma_start3A_497, %dma_start3A_498] : memref<1000000x32xf32, #tpu.memory_space<hbm>> -> memref<1000000x32xf32, #tpu.memory_space<hbm>>
          tpu.enqueue_indirect_dma source(%dma_start3A_499 : memref<1000000x32xf32, #tpu.memory_space<hbm>>) target(%dma_start3A_495 : memref<100x32xf32, #tpu.memory_space<vmem>>) offsets(%dma_start3A_496 : memref<100xi32, #tpu.memory_space<vmem>>) semaphore(%arg12 : memref<!tpu.dma_semaphore, #tpu.memory_space<semaphore_mem>>)
        } else {
        }
      }
      %scan3A_129 = arith.constant 4 : i32
      %mul3A_130 = arith.constant 32 : i32
      %mul3A_131 = arith.muli %add3A, %mul3A_130 : i32
      %add3A_132 = arith.addi %mul3A_131, %add3A_119 : i32
      %mul3A_133 = arith.constant 16 : i32
      %mul3A_134 = arith.muli %add3A_132, %mul3A_133 : i32
      %dma_start3A_135 = arith.constant 1 : i32
      %dma_start3A_136 = arith.constant 0 : i32
      %dma_start3A_137 = arith.constant 0 : i32
      %dma_start3A_138 = arith.constant 0 : i32
      %dma_start3A_139 = tpu.memref_slice %arg9[%dma_start3A_135, %dma_start3A_136, %dma_start3A_137, %dma_start3A_138] : memref<2x50x32x16xf32, #tpu.memory_space<vmem>> -> memref<1x50x32x16xf32, #tpu.memory_space<vmem>>
      %dma_start3A_140 = tpu.memref_squeeze %dma_start3A_139 : memref<1x50x32x16xf32, #tpu.memory_space<vmem>> -> memref<50x32x16xf32, #tpu.memory_space<vmem>>
      %dma_start3A_141 = arith.constant 0 : i32
      %dma_start3A_142 = arith.constant 0 : i32
      %dma_start3A_143 = tpu.memref_slice %arg4[%dma_start3A_141, %dma_start3A_142, %mul3A_134] : memref<50x32x16384xf32, #tpu.memory_space<hbm>> -> memref<50x32x16xf32, #tpu.memory_space<hbm>>
      %dma_start3A_144 = arith.constant 0 : i32
      %dma_start3A_145 = arith.constant 0 : i32
      %dma_start3A_146 = tpu.memref_slice %arg4[%dma_start3A_144, %dma_start3A_145, %mul3A_134] : memref<50x32x16384xf32, #tpu.memory_space<hbm>> -> memref<50x32x16xf32, #tpu.memory_space<hbm>>
      %dma_start3A_147 = arith.constant 0 : i32
      %dma_start3A_148 = arith.constant 0 : i32
      %dma_start3A_149 = arith.constant 0 : i32
      %dma_start3A_150 = tpu.memref_slice %arg9[%dma_start3A_135, %dma_start3A_147, %dma_start3A_148, %dma_start3A_149] : memref<2x50x32x16xf32, #tpu.memory_space<vmem>> -> memref<1x50x32x16xf32, #tpu.memory_space<vmem>>
      %dma_start3A_151 = tpu.memref_squeeze %dma_start3A_150 : memref<1x50x32x16xf32, #tpu.memory_space<vmem>> -> memref<50x32x16xf32, #tpu.memory_space<vmem>>
      tpu.enqueue_dma source(%dma_start3A_151 : memref<50x32x16xf32, #tpu.memory_space<vmem>>) target(%dma_start3A_146 : memref<50x32x16xf32, #tpu.memory_space<hbm>>) target_semaphore(%arg14 : memref<!tpu.dma_semaphore, #tpu.memory_space<semaphore_mem>>)
    }
    %scan3A_32 = arith.constant 16 : i32
    %mul3A_33 = arith.constant 32 : i32
    %mul3A_34 = arith.muli %add3A, %mul3A_33 : i32
    %add3A_35 = arith.constant 30 : i32
    %add3A_36 = arith.addi %mul3A_34, %add3A_35 : i32
    %mul3A_37 = arith.constant 16 : i32
    %mul3A_38 = arith.muli %add3A_36, %mul3A_37 : i32
    %dma_wait3A = arith.constant 0 : i32
    %dma_wait3A_39 = arith.constant 0 : i32
    %dma_wait3A_40 = arith.constant 0 : i32
    %dma_wait3A_41 = arith.constant 0 : i32
    %dma_wait3A_42 = tpu.memref_slice %arg9[%dma_wait3A, %dma_wait3A_39, %dma_wait3A_40, %dma_wait3A_41] : memref<2x50x32x16xf32, #tpu.memory_space<vmem>> -> memref<1x50x32x16xf32, #tpu.memory_space<vmem>>
    %dma_wait3A_43 = tpu.memref_squeeze %dma_wait3A_42 : memref<1x50x32x16xf32, #tpu.memory_space<vmem>> -> memref<50x32x16xf32, #tpu.memory_space<vmem>>
    %dma_wait3A_44 = arith.constant 0 : i32
    %dma_wait3A_45 = arith.constant 0 : i32
    %dma_wait3A_46 = tpu.memref_slice %arg4[%dma_wait3A_44, %dma_wait3A_45, %mul3A_38] : memref<50x32x16384xf32, #tpu.memory_space<hbm>> -> memref<50x32x16xf32, #tpu.memory_space<hbm>>
    %dma_wait3A_47 = arith.constant 0 : i32
    %dma_wait3A_48 = arith.constant 0 : i32
    %dma_wait3A_49 = tpu.memref_slice %arg4[%dma_wait3A_47, %dma_wait3A_48, %mul3A_38] : memref<50x32x16384xf32, #tpu.memory_space<hbm>> -> memref<50x32x16xf32, #tpu.memory_space<hbm>>
    %dma_wait3A_50 = arith.constant 0 : i32
    %dma_wait3A_51 = arith.constant 0 : i32
    %dma_wait3A_52 = arith.constant 0 : i32
    %dma_wait3A_53 = tpu.memref_slice %arg9[%dma_wait3A, %dma_wait3A_50, %dma_wait3A_51, %dma_wait3A_52] : memref<2x50x32x16xf32, #tpu.memory_space<vmem>> -> memref<1x50x32x16xf32, #tpu.memory_space<vmem>>
    %dma_wait3A_54 = tpu.memref_squeeze %dma_wait3A_53 : memref<1x50x32x16xf32, #tpu.memory_space<vmem>> -> memref<50x32x16xf32, #tpu.memory_space<vmem>>
    tpu.wait_dma2 semaphore(%arg13 : memref<!tpu.dma_semaphore, #tpu.memory_space<semaphore_mem>>) src(%dma_wait3A_54 : memref<50x32x16xf32, #tpu.memory_space<vmem>>) dst(%dma_wait3A_49 : memref<50x32x16xf32, #tpu.memory_space<hbm>>)
    %mul3A_55 = arith.constant 32 : i32
    %mul3A_56 = arith.muli %add3A, %mul3A_55 : i32
    %add3A_57 = arith.constant 31 : i32
    %add3A_58 = arith.addi %mul3A_56, %add3A_57 : i32
    %mul3A_59 = arith.constant 16 : i32
    %mul3A_60 = arith.muli %add3A_58, %mul3A_59 : i32
    %dma_wait3A_61 = arith.constant 1 : i32
    %dma_wait3A_62 = arith.constant 0 : i32
    %dma_wait3A_63 = arith.constant 0 : i32
    %dma_wait3A_64 = arith.constant 0 : i32
    %dma_wait3A_65 = tpu.memref_slice %arg9[%dma_wait3A_61, %dma_wait3A_62, %dma_wait3A_63, %dma_wait3A_64] : memref<2x50x32x16xf32, #tpu.memory_space<vmem>> -> memref<1x50x32x16xf32, #tpu.memory_space<vmem>>
    %dma_wait3A_66 = tpu.memref_squeeze %dma_wait3A_65 : memref<1x50x32x16xf32, #tpu.memory_space<vmem>> -> memref<50x32x16xf32, #tpu.memory_space<vmem>>
    %dma_wait3A_67 = arith.constant 0 : i32
    %dma_wait3A_68 = arith.constant 0 : i32
    %dma_wait3A_69 = tpu.memref_slice %arg4[%dma_wait3A_67, %dma_wait3A_68, %mul3A_60] : memref<50x32x16384xf32, #tpu.memory_space<hbm>> -> memref<50x32x16xf32, #tpu.memory_space<hbm>>
    %dma_wait3A_70 = arith.constant 0 : i32
    %dma_wait3A_71 = arith.constant 0 : i32
    %dma_wait3A_72 = tpu.memref_slice %arg4[%dma_wait3A_70, %dma_wait3A_71, %mul3A_60] : memref<50x32x16384xf32, #tpu.memory_space<hbm>> -> memref<50x32x16xf32, #tpu.memory_space<hbm>>
    %dma_wait3A_73 = arith.constant 0 : i32
    %dma_wait3A_74 = arith.constant 0 : i32
    %dma_wait3A_75 = arith.constant 0 : i32
    %dma_wait3A_76 = tpu.memref_slice %arg9[%dma_wait3A_61, %dma_wait3A_73, %dma_wait3A_74, %dma_wait3A_75] : memref<2x50x32x16xf32, #tpu.memory_space<vmem>> -> memref<1x50x32x16xf32, #tpu.memory_space<vmem>>
    %dma_wait3A_77 = tpu.memref_squeeze %dma_wait3A_76 : memref<1x50x32x16xf32, #tpu.memory_space<vmem>> -> memref<50x32x16xf32, #tpu.memory_space<vmem>>
    tpu.wait_dma2 semaphore(%arg14 : memref<!tpu.dma_semaphore, #tpu.memory_space<semaphore_mem>>) src(%dma_wait3A_77 : memref<50x32x16xf32, #tpu.memory_space<vmem>>) dst(%dma_wait3A_72 : memref<50x32x16xf32, #tpu.memory_space<hbm>>)
    "tpu.region"() ({
      %run_scoped3A = tpu.sem_alloc : memref<!tpu.dma_semaphore, #tpu.memory_space<semaphore_mem>>
      %dma_start3A_78 = arith.constant 0 : i32
      %dma_start3A_79 = tpu.memref_slice %arg5[%mul3A_4, %dma_start3A_78] : memref<16384x32xf32, #tpu.memory_space<hbm>> -> memref<512x32xf32, #tpu.memory_space<hbm>>
      %dma_start3A_80 = arith.constant 0 : i32
      %dma_start3A_81 = tpu.memref_slice %arg5[%mul3A_4, %dma_start3A_80] : memref<16384x32xf32, #tpu.memory_space<hbm>> -> memref<512x32xf32, #tpu.memory_space<hbm>>
      tpu.enqueue_dma source(%arg10 : memref<512x32xf32, #tpu.memory_space<vmem>>) target(%dma_start3A_81 : memref<512x32xf32, #tpu.memory_space<hbm>>) target_semaphore(%run_scoped3A : memref<!tpu.dma_semaphore, #tpu.memory_space<semaphore_mem>>)
      %dma_wait3A_82 = arith.constant 0 : i32
      %dma_wait3A_83 = tpu.memref_slice %arg5[%mul3A_4, %dma_wait3A_82] : memref<16384x32xf32, #tpu.memory_space<hbm>> -> memref<512x32xf32, #tpu.memory_space<hbm>>
      %dma_wait3A_84 = arith.constant 0 : i32
      %dma_wait3A_85 = tpu.memref_slice %arg5[%mul3A_4, %dma_wait3A_84] : memref<16384x32xf32, #tpu.memory_space<hbm>> -> memref<512x32xf32, #tpu.memory_space<hbm>>
      tpu.wait_dma2 semaphore(%run_scoped3A : memref<!tpu.dma_semaphore, #tpu.memory_space<semaphore_mem>>) src(%arg10 : memref<512x32xf32, #tpu.memory_space<vmem>>) dst(%dma_wait3A_85 : memref<512x32xf32, #tpu.memory_space<hbm>>)
      tpu.yield
    }) : () -> ()
    return
  }
}

</mosaic_0001>

<sc_bundles>
// kernel: _run.3.cloned.1.call-start
scs
__scs_entry_jumppad:
0x0: {  	(pc) =	sbr.rel $0x88, $3  }
0x1: {  	(tag) =	ssettag $0x0;
	lr =	simm.s32 $0x1  }
0x2: {  	[smem:$0x3F9F] =	sst lr;
	_ =	strace $0xD0000000  }
0x3: {  	_ = 	snop  }
0x4: {  	_ = 	snop  }
0x5: {  	_ = 	snop  }
0x6: {  	_ = 	snop  }
0x7: {  	_ = 	snop  }
__scs_overlays_trampoline_lowered:
0x8: {  	[smem:$0x3FAE] =	sst s0  }
0x9: {  	[smem:$0x3FAF] =	sst s1  }
0xa: {  	[smem:$0x3FB0] =	sst s2  }
0xb: {  	[smem:$0x3FB1] =	sst s3  }
0xc: {  	[smem:$0x3FB2] =	sst s4  }
0xd: {  	[smem:$0x3FB3] =	sst s5  }
0xe: {  	[smem:$0x3FB4] =	sst s6  }
0xf: {  	[smem:$0x3FB5] =	sst s7  }
0x10: {  	[smem:$0x3FB6] =	sst s8  }
0x11: {  	[smem:$0x3FB7] =	sst s9;
	s0 =	simm.s32 @!p0 $0x0  }
0x12: {  	s1 =	sld [smem:$0x3F9D];
	s0 =	simm.s32 @p0 $0x1  }
0x13: {  	[smem:$0x3FB8] =	sst s0;
	s0 =	simm.s32 @!p1 $0x0  }
0x14: {  	s2 =	sld [smem:$0x3F9C];
	s0 =	simm.s32 @p1 $0x1  }
0x15: {  	[smem:$0x3FB9] =	sst s0;
	s0 =	simm.s32 @!p2 $0x0  }
0x16: {  	s3 =	sld [smem:$0x3FDB];
	s0 =	simm.s32 @p2 $0x1  }
0x17: {  	s4 =	simm.s32 $0x1BF5;
	[smem:$0x3FBB] =	sst s0  }
0x18: {  	s0 =	sld [smem:$0x3F9E];
	_ =	swait.ge [sflag:s4], $0x0  }
0x19: {  	s7 =	sld [smem:$0x3F9F]  }
0x1a: {  	s8 =	sadd.s32 $0xFFFFE003, lr  }
0x1b: {  	s9 =	sadd.s32 $0xFFFFFEF7, lr;
	s5 =	simm.s32 $0xFFFFFFFF;
	p2 =	slt.u32 s8, $0xFFFFF086  }
0x1c: {  	p1 =	slt.u32 s9, $0xF7A;
	s5 =	simm.s32 @!p2 $0x0  }
0x1d: {  	s5 =	simm.s32 @p1 $0x1;
	p0 =	seq.s32 s7, s2  }
0x1e: {  	s7 =	smul.u32 @!p0 $0xF7A, s2;
	p2 =	seq.s32 @!p0 s5, $0x0  }
0x1f: {  	s9 =	smul.u32 $0xF7A, s1;
	s8 =	simm.s32 @!p0 $0x1BF5;
	p2 =	por !p2, p0  }
0x20: {  	[sflag:s8] =	ssyncset.s32 @!p0 $0xFFFFF086;
	s6 =	sadd.s32 @!p0 s3, s7;
	s7 =	simm.s32 @!p0 $0x108  }
0x21: {  	s3 =	sadd.s32 s3, s9;
	s6 =	sadd.s32 @!p0 $0x88, s6;
	s7 =	simm.s32 @p2 $0x1082  }
0x22: {  	[simem:s7], [sflag:s8] =	dma.local @!p0 [hbm:s6], $0xF7A  }
0x23: {  	s9 =	sor.u32 $0xD0000000, s2;
	s6 =	simm.s32 $0x108;
	_ =	swait.ge @!p0 [sflag:s8], $0x0  }
0x24: {  	s3 =	sadd.s32 $0x88, s3;
	s6 =	simm.s32 @!p1 $0x1082;
	[sflag:s4] =	ssyncset.s32 $0xFFFFF086  }
0x25: {  	[simem:s6], [sflag:s4] =	dma.local [hbm:s3], $0xF7A  }
0x26: {  	[smem:$0x3F9F] =	sst s1;
	(tag) =	ssettag s2;
	_ =	strace s9  }
0x27: {  	s1 =	sld [smem:$0x3FAF]  }
0x28: {  	s2 =	sld [smem:$0x3FB0]  }
0x29: {  	s4 =	sld [smem:$0x3FB2]  }
0x2a: {  	p0 =	seq.s32 s5, $0x0;
	s5 =	sld [smem:$0x3FB3]  }
0x2b: {  	s6 =	sld [smem:$0x3FB4]  }
0x2c: {  	s7 =	sld [smem:$0x3FB5]  }
0x2d: {  	s3 =	simm.s32 $0x108;
	s8 =	sld [smem:$0x3FB6]  }
0x2e: {  	s3 =	simm.s32 @!p0 $0x1082;
	s9 =	sld [smem:$0x3FB7]  }
0x2f: {  	lr =	sadd.s32 s0, s3;
	s0 =	sld [smem:$0x3FAE]  }
0x30: {  	s3 =	sld [smem:$0x3FB1]  }
0x31: {  	[smem:$0x3FBA] =	sst s10  }
0x32: {  	s10 =	sld [smem:$0x3FB8];
	_ =	sdelay $0x3  }
0x33: {  	p0 =	seq.s32 s10, $0x1;
	s10 =	sld [smem:$0x3FBA];
	_ =	sdelay $0x3  }
0x34: {  	[smem:$0x3FBA] =	sst s10  }
0x35: {  	s10 =	sld [smem:$0x3FB9];
	_ =	sdelay $0x3  }
0x36: {  	p1 =	seq.s32 s10, $0x1;
	s10 =	sld [smem:$0x3FBA];
	_ =	sdelay $0x3  }
0x37: {  	[smem:$0x3FBA] =	sst s10  }
0x38: {  	s10 =	sld [smem:$0x3FBB]  }
0x39: {  	_ = 	snop;
	(pc) =	sbr.ind lr, $3  }
0x3a: {  	_ = 	snop  }
0x3b: {  	_ = 	snop  }
0x3c: {  	p2 =	seq.s32 s10, $0x1;
	s10 =	sld [smem:$0x3FBA]  }
0x3d: {  	_ =	shalt  }
0x3e: {  	_ =	shalt  }
0x3f: {  	_ =	shalt  }
0x40: {  	_ =	shalt  }
0x41: {  	_ =	shalt  }
0x42: {  	_ =	shalt  }
0x43: {  	_ =	shalt  }
0x44: {  	_ =	shalt  }
0x45: {  	_ =	shalt  }
0x46: {  	_ =	shalt  }
0x47: {  	_ =	shalt  }
0x48: {  	_ =	shalt  }
0x49: {  	_ =	shalt  }
0x4a: {  	_ =	shalt  }
0x4b: {  	_ =	shalt  }
0x4c: {  	_ =	shalt  }
0x4d: {  	_ =	shalt  }
0x4e: {  	_ =	shalt  }
0x4f: {  	_ =	shalt  }
0x50: {  	_ =	shalt  }
0x51: {  	_ =	shalt  }
0x52: {  	_ =	shalt  }
0x53: {  	_ =	shalt  }
0x54: {  	_ =	shalt  }
0x55: {  	_ =	shalt  }
0x56: {  	_ =	shalt  }
0x57: {  	_ =	shalt  }
0x58: {  	_ =	shalt  }
0x59: {  	_ =	shalt  }
0x5a: {  	_ =	shalt  }
0x5b: {  	_ =	shalt  }
0x5c: {  	_ =	shalt  }
0x5d: {  	_ =	shalt  }
0x5e: {  	_ =	shalt  }
0x5f: {  	_ =	shalt  }
0x60: {  	_ =	shalt  }
0x61: {  	_ =	shalt  }
0x62: {  	_ =	shalt  }
0x63: {  	_ =	shalt  }
0x64: {  	_ =	shalt  }
0x65: {  	_ =	shalt  }
0x66: {  	_ =	shalt  }
0x67: {  	_ =	shalt  }
0x68: {  	_ =	shalt  }
0x69: {  	_ =	shalt  }
0x6a: {  	_ =	shalt  }
0x6b: {  	_ =	shalt  }
0x6c: {  	_ =	shalt  }
0x6d: {  	_ =	shalt  }
0x6e: {  	_ =	shalt  }
0x6f: {  	_ =	shalt  }
0x70: {  	_ =	shalt  }
0x71: {  	_ =	shalt  }
0x72: {  	_ =	shalt  }
0x73: {  	_ =	shalt  }
0x74: {  	_ =	shalt  }
0x75: {  	_ =	shalt  }
0x76: {  	_ =	shalt  }
0x77: {  	_ =	shalt  }
0x78: {  	_ =	shalt  }
0x79: {  	_ =	shalt  }
0x7a: {  	_ =	shalt  }
0x7b: {  	_ =	shalt  }
0x7c: {  	_ =	shalt  }
0x7d: {  	_ =	shalt  }
0x7e: {  	_ =	shalt  }
0x7f: {  	_ =	shalt  }
0x80: {  	_ =	shalt  }
0x81: {  	_ =	shalt  }
0x82: {  	_ =	shalt  }
0x83: {  	_ =	shalt  }
0x84: {  	_ =	shalt  }
0x85: {  	_ =	shalt  }
0x86: {  	_ =	shalt  }
0x87: {  	_ =	shalt  }
.Lfunc_end0:
.L_simem_size_0:
called_computation_lowered:
.L_overlay_start_0:
0x88: {  	s2 =	sld [smem:$0x3FD9]  }
0x89: {  	s3 =	sld [smem:$0x3FFE];
	_ =	sdelay $0x1  }
0x8a: {  	s1 =	srdreg.scid  }
0x8b: {  	s0 =	sand.u32 $0x1, s1  }
0x8c: {  	s14 =	sshll.u32 s0, $0xA;
	s2 =	sadd.s32 s3, s2  }
0x8d: {  	s2 =	sadd.s32 s2, s14  }
0x8e: {  	[smem:$0x3FC6] =	sst s2  }
0x8f: {  	_ = 	snop  }
0x90: {  	s2 =	sld [smem:$0x3FD0];
	_ =	sdelay $0x2  }
0x91: {  	s4 =	simm.s32 $0xA;
	s5 =	simm.s32 $0x10;
	s15 =	sld [smem:$0x3FC9]  }
0x92: {  	[smem:s5], [sflag:s4] =	dma.local [hbm:s2], $0x1  }
0x93: {  	_ =	swait.eq [sflag:s4], $0x1  }
0x94: {  	[sflag:s4] =	ssyncset.done $0x0  }
0x95: {  	[sflag:s4] =	ssyncadd.s32 $0xFFFFFFFF  }
0x96: {  	s16 =	sld [smem:$0x11];
	(tm) =	ssettm $0x1  }
0x97: {  	s17 =	sld [smem:$0x3FFB];
	_ =	sdelay $0x3  }
0x98: {  	_ =	strace s17  }
0x99: {  	s4 =	sld [smem:$0x3FFC];
	_ =	sdelay $0x3  }
0x9a: {  	_ =	strace s4  }
0x9b: {  	s4 =	sld [smem:$0x3FFD];
	_ =	sdelay $0x3  }
0x9c: {  	_ =	strace s4  }
0x9d: {  	_ =	strace $0x8FFFFFFF  }
0x9e: {  	s18 =	sld [smem:$0x3FDB];
	_ =	sdelay $0x1  }
0x9f: {  	s19 =	simm.s32 $_scs_section_size  }
0xa0: {  	s6 =	simm.s32 $_size__tile_overlayer_lowered;
	s7 =	simm.s32 $_tile_overlayer_lowered  }
0xa1: {  	s22 =	simm.s32 $0x1BFF;
	s21 =	sshll.u32 s7, $0x1;
	s4 =	sadd.s32 s19, s18  }
0xa2: {  	s8 =	simm.s32 $0x0;
	s20 =	sshll.u32 s6, $0x1;
	s6 =	sadd.s32 s21, s4  }
0xa3: {  	[timem:s8], [sflag:s22] =	dma.local [hbm:s6], s20  }
0xa4: {  	_ =	swait.ge [sflag:s22], s20  }
0xa5: {  	s5 =	ssub.s32 $0x0, s20;
	[sflag:s22] =	ssyncset.done $0x0  }
0xa6: {  	[sflag:s22] =	ssyncadd.s32 s5;
	_ =	sdelay $0x1  }
0xa7: {  	s23 =	simm.s32 $0x1B8B  }
0xa8: {  	_ =	swait.ge [sflag:s23], $0x1  }
0xa9: {  	[sflag:s23] =	ssyncset.done $0x0  }
0xaa: {  	s25 =	simm.s32 $0x1B8E;
	s24 =	sld [smem:$0x3FFE];
	[sflag:s23] =	ssyncadd.s32 $0xFFFFFFFF  }
0xab: {  	s26 =	simm.s32 $execute0_lowered;
	[smem:$0x3FD2] =	sst s25  }
0xac: {  	s6 =	sshll.u32 s26, $0x1;
	_ =	strace $0x80000046;
	[dreg:$0x1] =	wrdreg $0xFFFFFFFF  }
0xad: {  	s28 =	simm.s32 $_size_execute0_lowered;
	s4 =	sadd.s32 s4, s6;
	[dreg:$0x0] =	wrdreg $0x0  }
0xae: {  	s6 =	sshll.u32 s28, $0x1;
	[dreg:$0x2] =	wrdreg s4  }
0xaf: {  	[dreg:$0x3] =	wrdreg s6  }
0xb0: {  	[dreg:$0x4] =	wrdreg $0xC0  }
0xb1: {  	_ =	task [dreg:s8], $0x5FFFF  }
0xb2: {  	[dreg:$0x1] =	wrdreg $0xFFFFFFFF  }
0xb3: {  	[dreg:$0x0] =	wrdreg $0x60  }
0xb4: {  	[dreg:$0x2] =	wrdreg s15  }
0xb5: {  	[dreg:$0x3] =	wrdreg s24  }
0xb6: {  	[dreg:$0x4] =	wrdreg s16  }
0xb7: {  	[dreg:$0x5] =	wrdreg $0x9  }
0xb8: {  	_ =	task.clear_ibuf [dreg:s8], $0x6FFFF;
	_ =	strace $0x90000046  }
0xb9: {  	s29 =	simm.s32 $0x9;
	_ =	strace $0x80000048  }
0xba: {  	_ =	swait.ge [sflag:s29], $0x1  }
0xbb: {  	[sflag:s29] =	ssyncadd.s32 $0xFFFFFFFF  }
0xbc: {  	_ =	strace $0x90000048  }
0xbd: {  	_ =	sfence  }
0xbe: {  	s30 =	sld [smem:$0x0];
	_ =	sdelay $0x2  }
0xbf: {  	s31 =	sshll.u32 s1, $0xD;
	s1 =	sshrl.u32 s1, $0x2  }
0xc0: {  	s3 =	sand.u32 $0x4000, s31;
	s1 =	sadd.s32 s1, s30  }
0xc1: {  	s0 =	sor.u32 s3, s0;
	s1 =	sshll.u32 s1, $0x11  }
0xc2: {  	s0 =	sor.u32 s1, s0  }
0xc3: {  	s0 =	sadd.s32 $0x8F2B, s0  }
0xc4: {  	[sflag:s0] =	ssyncadd.remote.s32 $0x1  }
0xc5: {  	_ =	sfence.sel $0xFFFF  }
0xc6: {  	[dreg:$0x0] =	wrdreg $0xFFFFFFFF;
	(pc) =	sbr.abs _section_cstart, $3  }
0xc7: {  	[dreg:$0x1] =	wrdreg $0xFFFFFFFF  }
0xc8: {  	_ =	task.clear_ibuf [dreg:s8], $0x2FFFF;
	_ =	strace $0x9FFFFFFF  }
0xc9: {  	(tm) =	ssettm $0x7FFFFFFF  }
tec
execute0_lowered:
.L_overlay_start_1:
0x0: {  	(tag) =	ssettag $0x1  }
0x1: {  	s0 =	rddreg [dreg:$0x0]  }
0x2: {  	s1 =	rddreg [dreg:$0x1]  }
0x3: {  	s7 =	rddreg [dreg:$0x2]  }
0x4: {  	s3 =	srdreg.scid;
	s4 =	stileid.u32;
	s2 =	simm.s32 $0x0  }
0x5: {  	s10 =	simm.s32 $0x64;
	s12 =	simm.s32 $0xD400;
	s14 =	simm.s32 $0xE080  }
0x6: {  	s15 =	simm.s32 $0x1;
	s16 =	simm.s32 $0xED00;
	s17 =	simm.s32 $0x2  }
0x7: {  	s18 =	simm.s32 $0x10;
	s19 =	simm.s32 $0x4000;
	s20 =	simm.s32 $0x15100  }
0x8: {  	s21 =	simm.s32 $0x3;
	s22 =	simm.s32 $0x4;
	s23 =	simm.s32 $0x1B500  }
0x9: {  	s24 =	simm.s32 $0x0;
	s3 =	sand.u32 $0x1, s3;
	[smem:$0x7FF] =	sst s2  }
0xa: {  	s4 =	sshll.u32 s4, $0x1;
	s5 =	ssub.s32 $0x2, s3;
	_ =	strace $0x80000047  }
0xb: {  	v0 =	vlaneseq.u32;
	s8 =	sor.u32 s3, s4;
	s3 =	sadd.s32 $0xF42E00, s1;
	s4 =	sadd.s32 $0xA00, s1  }
0xc: {  	v1 =	vmul.u32 $0x10, v0;
	s6 =	sshrl.u32 s5, $0x1;
	s9 =	smul.u32 $0xC80, s8;
	s31 =	sshll.u32 s8, $0xB  }
0xd: {  	s30 =	ssub.s32 s5, s6;
	s6 =	sshll.u32 s8, $0x5;
	s7 =	sadd.s32 s7, s31  }
0xe: {  	v2 =	vor.u32 $0x100, v1;
	s5 =	sadd.s32 s0, s9;
	s8 =	smax.u32 s30, $0x1;
	s9 =	simm.s32 $0x5  }
.LBB2_1:
0xf: {  	s0 =	simm.s32 $0x0  }
0x10: {  	v3 =	vadd.s32 s0, v0  }
0x11: {  	vm0 =	vlt.s32 v3, $0x63FF  }
0x12: {  	v3 =	vnsel vm0, $0x63FF, v3  }
0x13: {  	[tilespmem:s2], [sflag:$0x5] =	stream.linear.gather [hbm4b:s5+s2], $0x6400, $0x38;
	[tilespmem:$0x1F500] =	vst v63  }
0x14: {  	_ =	swait.ge [sflag:s9], $0x6400  }
0x15: {  	s26 =	simm.s32 $0x10;
	[sflag:s9] =	ssyncset.done $0x0  }
0x16: {  	v4 =	vadd.s32 s26, v0;
	[sflag:s9] =	ssyncadd.s32 $0xFFFF9C00  }
0x17: {  	vm10 =	vlt.s32 v4, $0x63FF;
	v3 =	vld.idx.msk [tilespmem:v3+s2+$0x0], $0xffff  }
0x18: {  	v4 =	vnsel vm10, $0x63FF, v4;
	_ =	sdelay $0x2  }
0x19: {  	s1 =	simm.s32 $0x20;
	s0 =	simm.s32 $0x6430  }
0x1a: {  	[tilespmem:s0+$0xFFFFFFD0] =	vst v3;
	v3 =	vadd.s32 s1, v0  }
0x1b: {  	v4 =	vld.idx.msk [tilespmem:v4+s2+$0x0], $0xffff;
	vm11 =	vlt.s32 v3, $0x63FF  }
0x1c: {  	v3 =	vnsel vm11, $0x63FF, v3;
	_ =	sdelay $0x2  }
0x1d: {  	s28 =	simm.s32 $0x30  }
0x1e: {  	[tilespmem:s0+$0xFFFFFFE0] =	vst v4;
	v4 =	vadd.s32 s28, v0  }
0x1f: {  	v3 =	vld.idx.msk [tilespmem:v3+s2+$0x0], $0xffff;
	vm12 =	vlt.s32 v4, $0x63FF  }
0x20: {  	v4 =	vnsel vm12, $0x63FF, v4;
	_ =	sdelay $0x2  }
0x21: {  	s29 =	simm.s32 $0x40  }
0x22: {  	[tilespmem:s0+$0xFFFFFFF0] =	vst v3;
	v3 =	vadd.s32 s29, v0  }
0x23: {  	v4 =	vld.idx.msk [tilespmem:v4+s2+$0x0], $0xffff;
	vm13 =	vlt.s32 v3, $0x63FF  }
0x24: {  	v3 =	vnsel vm13, $0x63FF, v3;
	_ =	sdelay $0x2  }
0x25: {  	s30 =	simm.s32 $0x50  }
0x26: {  	[tilespmem:s0+$0x0] =	vst v4;
	v4 =	vadd.s32 s30, v0  }
0x27: {  	v3 =	vld.idx.msk [tilespmem:v3+s2+$0x0], $0xffff;
	vm14 =	vlt.s32 v4, $0x63FF  }
0x28: {  	v4 =	vnsel vm14, $0x63FF, v4;
	_ =	sdelay $0x2  }
0x29: {  	s31 =	simm.s32 $0x60  }
0x2a: {  	[tilespmem:s0+$0x10] =	vst v3;
	v3 =	vadd.s32 s31, v0  }
0x2b: {  	v4 =	vld.idx.msk [tilespmem:v4+s2+$0x0], $0xffff;
	vm15 =	vlt.s32 v3, $0x63FF  }
0x2c: {  	v3 =	vnsel vm15, $0x63FF, v3;
	_ =	sdelay $0x3  }
0x2d: {  	s13 =	simm.s32 $0x64;
	s11 =	simm.s32 $0x128;
	s1 =	simm.s32 $0xC4;
	[tilespmem:s0+$0x20] =	vst v4  }
.LBB2_2:
0x2e: {  	p0 =	sne.s32 s11, $0x63FC;
	v4 =	vadd.s32 s13, v0;
	v3 =	vld.idx.msk [tilespmem:v3+s2+$0x0], $0xffff  }
0x2f: {  	vm0 =	vlt.s32 v4, $0x63FF  }
0x30: {  	v4 =	vnsel vm0, $0x63FF, v4;
	_ =	sdelay $0x3  }
0x31: {  	s13 =	sadd.s32 $0xFFFFFFB0, s1;
	[tilespmem:s0+$0x30] =	vst v3  }
0x32: {  	v3 =	vld.idx.msk [tilespmem:v4+s2+$0x0], $0xffff;
	v4 =	vadd.s32 s13, v0  }
0x33: {  	vm0 =	vlt.s32 v4, $0x63FF  }
0x34: {  	v4 =	vnsel vm0, $0x63FF, v4;
	_ =	sdelay $0x2  }
0x35: {  	s0 =	sadd.s32 $0x70, s0  }
0x36: {  	s13 =	sadd.s32 $0xFFFFFFC0, s1;
	[tilespmem:s0+$0xFFFFFFD0] =	vst v3  }
0x37: {  	v3 =	vld.idx.msk [tilespmem:v4+s2+$0x0], $0xffff;
	v4 =	vadd.s32 s13, v0  }
0x38: {  	vm0 =	vlt.s32 v4, $0x63FF  }
0x39: {  	v4 =	vnsel vm0, $0x63FF, v4;
	_ =	sdelay $0x3  }
0x3a: {  	s13 =	sadd.s32 $0xFFFFFFD0, s1;
	[tilespmem:s0+$0xFFFFFFE0] =	vst v3  }
0x3b: {  	v3 =	vld.idx.msk [tilespmem:v4+s2+$0x0], $0xffff;
	v4 =	vadd.s32 s13, v0  }
0x3c: {  	vm0 =	vlt.s32 v4, $0x63FF  }
0x3d: {  	v4 =	vnsel vm0, $0x63FF, v4;
	_ =	sdelay $0x3  }
0x3e: {  	s13 =	sadd.s32 $0xFFFFFFE0, s1;
	[tilespmem:s0+$0xFFFFFFF0] =	vst v3  }
0x3f: {  	v3 =	vld.idx.msk [tilespmem:v4+s2+$0x0], $0xffff;
	v4 =	vadd.s32 s13, v0  }
0x40: {  	vm0 =	vlt.s32 v4, $0x63FF  }
0x41: {  	v4 =	vnsel vm0, $0x63FF, v4;
	_ =	sdelay $0x3  }
0x42: {  	s13 =	sadd.s32 $0xFFFFFFF0, s1;
	[tilespmem:s0+$0x0] =	vst v3  }
0x43: {  	v3 =	vld.idx.msk [tilespmem:v4+s2+$0x0], $0xffff;
	v4 =	vadd.s32 s13, v0  }
0x44: {  	vm0 =	vlt.s32 v4, $0x63FF  }
0x45: {  	v4 =	vnsel vm0, $0x63FF, v4;
	_ =	sdelay $0x3  }
0x46: {  	[tilespmem:s0+$0x10] =	vst v3  }
0x47: {  	v3 =	vadd.s32 s1, v0;
	s1 =	smov.u32 s11;
	v4 =	vld.idx.msk [tilespmem:v4+s2+$0x0], $0xffff  }
0x48: {  	vm0 =	vlt.s32 v3, $0x63FF  }
.Ltmp0:
0x49: {  	v3 =	vnsel vm0, $0x63FF, v3;
	(pc) =	sbr.rel @p0 .LBB2_2-.Ltmp0, $2  }
0x4a: {  	_ =	sdelay $0x2  }
0x4b: {  	s11 =	sadd.s32 $0x64, s11;
	s13 =	sadd.s32 $0xFFFFFFA0, s1;
	[tilespmem:s0+$0x20] =	vst v4  }
0x4c: {  	_ =	sdelay $0x2  }
0x4d: {  	v4 =	vadd.s32 s13, v0  }
0x4e: {  	v3 =	vld.idx.msk [tilespmem:v3+s2+$0x0], $0xffff;
	vm0 =	vlt.s32 v4, $0x63FF  }
0x4f: {  	v4 =	vnsel vm0, $0x63FF, v4;
	_ =	sdelay $0x2  }
0x50: {  	s11 =	sadd.s32 $0xFFFFFFB0, s1  }
0x51: {  	[tilespmem:s0+$0x30] =	vst v3;
	v3 =	vadd.s32 s11, v0  }
0x52: {  	vm10 =	vlt.s32 v3, $0x63FF;
	v4 =	vld.idx.msk [tilespmem:v4+s2+$0x0], $0xffff  }
0x53: {  	v3 =	vnsel vm10, $0x63FF, v3;
	_ =	sdelay $0x2  }
0x54: {  	s13 =	sadd.s32 $0x70, s0;
	s25 =	sadd.s32 $0xFFFFFFC0, s1  }
0x55: {  	v61 =	vadd.s32 s25, v0;
	[tilespmem:s13+$0xFFFFFFD0] =	vst v4  }
0x56: {  	vm11 =	vlt.s32 v61, $0x63FF;
	v3 =	vld.idx.msk [tilespmem:v3+s2+$0x0], $0xffff  }
0x57: {  	v4 =	vnsel vm11, $0x63FF, v61;
	_ =	sdelay $0x2  }
0x58: {  	s26 =	sadd.s32 $0xFFFFFFD0, s1  }
0x59: {  	[tilespmem:s13+$0xFFFFFFE0] =	vst v3;
	v3 =	vadd.s32 s26, v0  }
0x5a: {  	v4 =	vld.idx.msk [tilespmem:v4+s2+$0x0], $0xffff;
	vm12 =	vlt.s32 v3, $0x63FF  }
0x5b: {  	v3 =	vnsel vm12, $0x63FF, v3;
	_ =	sdelay $0x2  }
0x5c: {  	s28 =	sadd.s32 $0xFFFFFFE0, s1  }
0x5d: {  	v62 =	vadd.s32 s28, v0;
	[tilespmem:s13+$0xFFFFFFF0] =	vst v4  }
0x5e: {  	vm13 =	vlt.s32 v62, $0x63FF;
	v3 =	vld.idx.msk [tilespmem:v3+s2+$0x0], $0xffff  }
0x5f: {  	v4 =	vnsel vm13, $0x63FF, v62;
	_ =	sdelay $0x2  }
0x60: {  	s29 =	sadd.s32 $0xFFFFFFF0, s1  }
0x61: {  	[tilespmem:s13+$0x0] =	vst v3;
	v3 =	vadd.s32 s29, v0  }
0x62: {  	v4 =	vld.idx.msk [tilespmem:v4+s2+$0x0], $0xffff;
	vm14 =	vlt.s32 v3, $0x63FF  }
0x63: {  	v3 =	vnsel vm14, $0x63FF, v3;
	_ =	sdelay $0x3  }
0x64: {  	v63 =	vadd.s32 s1, v0;
	[tilespmem:s13+$0x10] =	vst v4  }
0x65: {  	vm15 =	vlt.s32 v63, $0x63FF;
	v3 =	vld.idx.msk [tilespmem:v3+s2+$0x0], $0xffff  }
0x66: {  	v4 =	vnsel vm15, $0x63FF, v63;
	_ =	sdelay $0x3  }
0x67: {  	[tilespmem:s13+$0x20] =	vst v3  }
0x68: {  	v3 =	vld.idx.msk [tilespmem:v4+s2+$0x0], $0xffff;
	_ =	sdelay $0x4  }
0x69: {  	s30 =	simm.s32 $0x6400;
	[tilespmem:s13+$0x30] =	vst v3  }
0x6a: {  	[tilespmem:s12], [sflag:$0x1] =	stream.indirect.gather [hbm4b:s3+s10], $0x20, s30, s10, $0xb8;
	[tilespmem:$0x1F500] =	vst v63  }
0x6b: {  	s31 =	simm.s32 $0x6470;
	s25 =	simm.s32 $0x0  }
0x6c: {  	[tilespmem:s14], [sflag:$0x2] =	stream.indirect.gather [hbm4b:s3+s10], $0x20, s31, s10, $0xb8;
	[tilespmem:$0x1F500] =	vst v63  }
.LBB2_4:
0x6d: {  	p0 =	seq.s32 s25, $0x0  }
0x6e: {  	s0 =	simm.s32 @!p0 $0x3  }
0x6f: {  	_ =	swait.ge @!p0 [sflag:s0], $0x6400  }
0x70: {  	s26 =	sshll.u32 s25, $0x1;
	s28 =	sshll.u32 s25, $0x4;
	[sflag:s0] =	ssyncset.done @!p0 $0x0  }
0x71: {  	s30 =	simm.s32 $0x0;
	s29 =	sor.u32 $0x1, s28;
	[sflag:s0] =	ssyncadd.s32 @!p0 $0xFFFF9C00  }
.LBB2_5:
0x72: {  	s31 =	sshll.u32 s30, $0x1  }
0x73: {  	_ =	swait.ge [sflag:s15], $0xC80;
	s0 =	sor.u32 s28, s31  }
0x74: {  	[sflag:s15] =	ssyncset.done $0x0;
	s1 =	sshll.u32 s0, $0x1  }
0x75: {  	[sflag:s15] =	ssyncadd.s32 $0xFFFFF380;
	s11 =	sand.u32 $0xC, s1  }
0x76: {  	v5 =	vld [tilespmem:$0xD400];
	v3 =	vor.u32 s11, v1  }
0x77: {  	v6 =	vld [tilespmem:$0xD410];
	v4 =	vor.u32 s11, v2;
	_ =	sdelay $0x3  }
0x78: {  	v10 =	vimm.s32 $0x1;
	[tilespmem:v3+s16+$0x0] =	vst.idx.msk $0xffff, v5  }
0x79: {  	v7 =	vshll.u32 v10, $0x9;
	s11 =	simm.s32 $0xD480;
	[tilespmem:v4+s16+$0x0] =	vst.idx.msk $0xffff, v6  }
0x7a: {  	v9 =	vor.u32 v7, v3;
	v8 =	vld [tilespmem:s11+$0xFFFFFFA0]  }
0x7b: {  	v12 =	vor.u32 v7, v4;
	v11 =	vld [tilespmem:s11+$0xFFFFFFB0];
	_ =	sdelay $0x3  }
0x7c: {  	[tilespmem:v9+s16+$0x0] =	vst.idx.msk $0xffff, v8  }
0x7d: {  	v9 =	vadd.s32 $0x200, v7;
	[tilespmem:v12+s16+$0x0] =	vst.idx.msk $0xffff, v11  }
0x7e: {  	v13 =	vor.u32 v9, v3;
	v12 =	vld [tilespmem:s11+$0xFFFFFFC0]  }
0x7f: {  	v9 =	vor.u32 v9, v4;
	v14 =	vld [tilespmem:s11+$0xFFFFFFD0];
	_ =	sdelay $0x3  }
0x80: {  	[tilespmem:v13+s16+$0x0] =	vst.idx.msk $0xffff, v12  }
0x81: {  	v58 =	vadd.s32 $0x400, v7;
	[tilespmem:v9+s16+$0x0] =	vst.idx.msk $0xffff, v14  }
0x82: {  	v15 =	vor.u32 v58, v3;
	v9 =	vld [tilespmem:s11+$0xFFFFFFE0]  }
0x83: {  	v13 =	vor.u32 v58, v4;
	v16 =	vld [tilespmem:s11+$0xFFFFFFF0];
	_ =	sdelay $0x3  }
0x84: {  	[tilespmem:v15+s16+$0x0] =	vst.idx.msk $0xffff, v9  }
0x85: {  	v59 =	vadd.s32 $0x600, v7;
	[tilespmem:v13+s16+$0x0] =	vst.idx.msk $0xffff, v16  }
0x86: {  	v17 =	vor.u32 v59, v3;
	v13 =	vld [tilespmem:s11+$0x0]  }
0x87: {  	v15 =	vor.u32 v59, v4;
	v18 =	vld [tilespmem:s11+$0x10];
	_ =	sdelay $0x3  }
0x88: {  	[tilespmem:v17+s16+$0x0] =	vst.idx.msk $0xffff, v13  }
0x89: {  	v60 =	vadd.s32 $0x800, v7;
	[tilespmem:v15+s16+$0x0] =	vst.idx.msk $0xffff, v18  }
0x8a: {  	v19 =	vor.u32 v60, v3;
	v15 =	vld [tilespmem:s11+$0x20]  }
0x8b: {  	v17 =	vor.u32 v60, v4;
	v20 =	vld [tilespmem:s11+$0x30];
	_ =	sdelay $0x3  }
0x8c: {  	[tilespmem:v19+s16+$0x0] =	vst.idx.msk $0xffff, v15  }
0x8d: {  	v61 =	vadd.s32 $0xA00, v7;
	[tilespmem:v17+s16+$0x0] =	vst.idx.msk $0xffff, v20  }
0x8e: {  	v62 =	vor.u32 v61, v3;
	v5 =	vadd.f32 v8, v5;
	v8 =	vld [tilespmem:s11+$0x40]  }
0x8f: {  	v6 =	vadd.f32 v11, v6;
	v19 =	vor.u32 v61, v4;
	v21 =	vld [tilespmem:s11+$0x50]  }
0x90: {  	v5 =	vadd.f32 v12, v5  }
0x91: {  	v6 =	vadd.f32 v14, v6  }
0x92: {  	v5 =	vadd.f32 v9, v5  }
0x93: {  	v6 =	vadd.f32 v16, v6;
	[tilespmem:v62+s16+$0x0] =	vst.idx.msk $0xffff, v8  }
0x94: {  	v9 =	vadd.s32 $0xC00, v7;
	v5 =	vadd.f32 v13, v5;
	[tilespmem:v19+s16+$0x0] =	vst.idx.msk $0xffff, v21  }
0x95: {  	v63 =	vor.u32 v9, v3;
	v6 =	vadd.f32 v18, v6;
	v11 =	vld [tilespmem:s11+$0x60]  }
0x96: {  	v9 =	vor.u32 v9, v4;
	v5 =	vadd.f32 v15, v5;
	v7 =	vld [tilespmem:s11+$0x70]  }
0x97: {  	v6 =	vadd.f32 v20, v6  }
0x98: {  	v5 =	vadd.f32 v8, v5  }
0x99: {  	v8 =	vadd.f32 v21, v6  }
0x9a: {  	s13 =	simm.s32 $0x7;
	v6 =	vadd.s32 $0x7, v10;
	[tilespmem:v63+s16+$0x0] =	vst.idx.msk $0xffff, v11;
	v5 =	vadd.f32 v11, v5  }
.LBB2_6:
0x9b: {  	s13 =	sadd.s32 $0x7, s13;
	v10 =	vshll.u32 v6, $0x9;
	[tilespmem:v9+s16+$0x0] =	vst.idx.msk $0xffff, v7;
	v7 =	vadd.f32 v7, v8;
	s11 =	sadd.s32 $0xE0, s11  }
0x9c: {  	p1 =	slt.u32 s13, $0x2A;
	v8 =	vld [tilespmem:s11+$0xFFFFFFA0];
	v9 =	vor.u32 v10, v3;
	v11 =	vadd.s32 $0x200, v10;
	v12 =	vadd.s32 $0x400, v10  }
0x9d: {  	v14 =	vor.u32 v10, v4;
	v15 =	vadd.s32 $0x600, v10;
	v16 =	vadd.s32 $0x800, v10;
	v13 =	vld [tilespmem:s11+$0xFFFFFFB0]  }
0x9e: {  	v17 =	vadd.s32 $0xA00, v10;
	v10 =	vadd.s32 $0xC00, v10;
	_ =	sdelay $0x2  }
0x9f: {  	[tilespmem:v9+s16+$0x0] =	vst.idx.msk $0xffff, v8  }
0xa0: {  	[tilespmem:v14+s16+$0x0] =	vst.idx.msk $0xffff, v13  }
0xa1: {  	v14 =	vor.u32 v11, v3;
	v9 =	vld [tilespmem:s11+$0xFFFFFFC0]  }
0xa2: {  	v11 =	vor.u32 v11, v4;
	v18 =	vld [tilespmem:s11+$0xFFFFFFD0];
	_ =	sdelay $0x3  }
0xa3: {  	[tilespmem:v14+s16+$0x0] =	vst.idx.msk $0xffff, v9  }
0xa4: {  	[tilespmem:v11+s16+$0x0] =	vst.idx.msk $0xffff, v18  }
0xa5: {  	v14 =	vor.u32 v12, v3;
	v11 =	vld [tilespmem:s11+$0xFFFFFFE0]  }
0xa6: {  	v12 =	vor.u32 v12, v4;
	v19 =	vld [tilespmem:s11+$0xFFFFFFF0];
	_ =	sdelay $0x3  }
0xa7: {  	[tilespmem:v14+s16+$0x0] =	vst.idx.msk $0xffff, v11  }
0xa8: {  	[tilespmem:v12+s16+$0x0] =	vst.idx.msk $0xffff, v19  }
0xa9: {  	v14 =	vor.u32 v15, v3;
	v12 =	vld [tilespmem:s11+$0x0]  }
0xaa: {  	v15 =	vor.u32 v15, v4;
	v20 =	vld [tilespmem:s11+$0x10];
	_ =	sdelay $0x3  }
0xab: {  	[tilespmem:v14+s16+$0x0] =	vst.idx.msk $0xffff, v12  }
0xac: {  	[tilespmem:v15+s16+$0x0] =	vst.idx.msk $0xffff, v20  }
0xad: {  	v15 =	vor.u32 v16, v3;
	v14 =	vld [tilespmem:s11+$0x20]  }
0xae: {  	v16 =	vor.u32 v16, v4;
	v21 =	vld [tilespmem:s11+$0x30];
	_ =	sdelay $0x3  }
0xaf: {  	[tilespmem:v15+s16+$0x0] =	vst.idx.msk $0xffff, v14  }
0xb0: {  	[tilespmem:v16+s16+$0x0] =	vst.idx.msk $0xffff, v21  }
0xb1: {  	v5 =	vadd.f32 v8, v5;
	v15 =	vor.u32 v17, v3;
	v8 =	vld [tilespmem:s11+$0x40]  }
0xb2: {  	v7 =	vadd.f32 v13, v7;
	v16 =	vor.u32 v17, v4;
	v13 =	vld [tilespmem:s11+$0x50]  }
0xb3: {  	v5 =	vadd.f32 v9, v5  }
0xb4: {  	v7 =	vadd.f32 v18, v7  }
0xb5: {  	v5 =	vadd.f32 v11, v5  }
0xb6: {  	v7 =	vadd.f32 v19, v7;
	[tilespmem:v15+s16+$0x0] =	vst.idx.msk $0xffff, v8  }
0xb7: {  	v5 =	vadd.f32 v12, v5;
	[tilespmem:v16+s16+$0x0] =	vst.idx.msk $0xffff, v13  }
0xb8: {  	v11 =	vadd.f32 v20, v7;
	v15 =	vor.u32 v10, v3;
	v12 =	vld [tilespmem:s11+$0x60]  }
.Ltmp1:
0xb9: {  	v9 =	vor.u32 v10, v4;
	v5 =	vadd.f32 v14, v5;
	v7 =	vld [tilespmem:s11+$0x70];
	(pc) =	sbr.rel @p1 .LBB2_6-.Ltmp1, $4  }
0xba: {  	v10 =	vadd.f32 v21, v11  }
0xbb: {  	v5 =	vadd.f32 v8, v5  }
0xbc: {  	v8 =	vadd.f32 v13, v10  }
0xbd: {  	v6 =	vadd.s32 $0x7, v6;
	[tilespmem:v15+s16+$0x0] =	vst.idx.msk $0xffff, v12;
	v5 =	vadd.f32 v12, v5  }
0xbe: {  	_ =	sdelay $0x3  }
0xbf: {  	v6 =	vshll.u32 v6, $0x9;
	[tilespmem:v9+s16+$0x0] =	vst.idx.msk $0xffff, v7;
	s11 =	sadd.s32 $0xE0, s11  }
0xc0: {  	v9 =	vld [tilespmem:s11+$0xFFFFFFA0];
	v10 =	vor.u32 v6, v3  }
0xc1: {  	v11 =	vld [tilespmem:s11+$0xFFFFFFB0];
	v12 =	vor.u32 v6, v4;
	_ =	sdelay $0x3  }
0xc2: {  	[tilespmem:v10+s16+$0x0] =	vst.idx.msk $0xffff, v9  }
0xc3: {  	v10 =	vadd.s32 $0x200, v6;
	[tilespmem:v12+s16+$0x0] =	vst.idx.msk $0xffff, v11  }
0xc4: {  	v13 =	vor.u32 v10, v3;
	v12 =	vld [tilespmem:s11+$0xFFFFFFC0]  }
0xc5: {  	v10 =	vor.u32 v10, v4;
	v14 =	vld [tilespmem:s11+$0xFFFFFFD0];
	_ =	sdelay $0x3  }
0xc6: {  	[tilespmem:v13+s16+$0x0] =	vst.idx.msk $0xffff, v12  }
0xc7: {  	v45 =	vadd.s32 $0x400, v6;
	[tilespmem:v10+s16+$0x0] =	vst.idx.msk $0xffff, v14  }
0xc8: {  	v15 =	vor.u32 v45, v3;
	v10 =	vld [tilespmem:s11+$0xFFFFFFE0]  }
0xc9: {  	v13 =	vor.u32 v45, v4;
	v16 =	vld [tilespmem:s11+$0xFFFFFFF0];
	_ =	sdelay $0x3  }
0xca: {  	[tilespmem:v15+s16+$0x0] =	vst.idx.msk $0xffff, v10  }
0xcb: {  	v46 =	vadd.s32 $0x600, v6;
	[tilespmem:v13+s16+$0x0] =	vst.idx.msk $0xffff, v16  }
0xcc: {  	v17 =	vor.u32 v46, v3;
	v13 =	vld [tilespmem:s11+$0x0]  }
0xcd: {  	v15 =	vor.u32 v46, v4;
	v18 =	vld [tilespmem:s11+$0x10];
	_ =	sdelay $0x3  }
0xce: {  	[tilespmem:v17+s16+$0x0] =	vst.idx.msk $0xffff, v13  }
0xcf: {  	v47 =	vadd.s32 $0x800, v6;
	[tilespmem:v15+s16+$0x0] =	vst.idx.msk $0xffff, v18  }
0xd0: {  	v19 =	vor.u32 v47, v3;
	v15 =	vld [tilespmem:s11+$0x20]  }
0xd1: {  	v17 =	vor.u32 v47, v4;
	v20 =	vld [tilespmem:s11+$0x30];
	_ =	sdelay $0x3  }
0xd2: {  	[tilespmem:v19+s16+$0x0] =	vst.idx.msk $0xffff, v15  }
0xd3: {  	v7 =	vadd.f32 v7, v8;
	v8 =	vadd.s32 $0xA00, v6;
	[tilespmem:v17+s16+$0x0] =	vst.idx.msk $0xffff, v20  }
0xd4: {  	v48 =	vor.u32 v8, v3;
	v5 =	vadd.f32 v9, v5;
	v9 =	vld [tilespmem:s11+$0x40]  }
0xd5: {  	v8 =	vor.u32 v8, v4;
	v7 =	vadd.f32 v11, v7;
	v11 =	vld [tilespmem:s11+$0x50]  }
0xd6: {  	v5 =	vadd.f32 v12, v5  }
0xd7: {  	v7 =	vadd.f32 v14, v7  }
0xd8: {  	v5 =	vadd.f32 v10, v5  }
0xd9: {  	v7 =	vadd.f32 v16, v7;
	[tilespmem:v48+s16+$0x0] =	vst.idx.msk $0xffff, v9  }
0xda: {  	v5 =	vadd.f32 v13, v5;
	[tilespmem:v8+s16+$0x0] =	vst.idx.msk $0xffff, v11  }
0xdb: {  	v7 =	vadd.f32 v18, v7;
	v8 =	vld [tilespmem:s11+$0x60]  }
0xdc: {  	v6 =	vadd.s32 $0xC00, v6;
	v5 =	vadd.f32 v15, v5;
	v10 =	vld [tilespmem:s11+$0x70]  }
0xdd: {  	v3 =	vor.u32 v6, v3;
	v7 =	vadd.f32 v20, v7  }
0xde: {  	v4 =	vor.u32 v6, v4;
	v5 =	vadd.f32 v9, v5  }
0xdf: {  	v6 =	vadd.f32 v11, v7  }
0xe0: {  	v5 =	vadd.f32 v8, v5  }
0xe1: {  	v6 =	vadd.f32 v10, v6  }
0xe2: {  	s13 =	sshll.u32 s0, $0x6;
	[tilespmem:v3+s16+$0x0] =	vst.idx.msk $0xffff, v8;
	v3 =	vmul.f32 $1.999999960e-02, v5  }
0xe3: {  	s11 =	sand.u32 $0x3FFFFFC0, s13;
	[tilespmem:v4+s16+$0x0] =	vst.idx.msk $0xffff, v10;
	v4 =	vmul.f32 $1.999999960e-02, v6  }
0xe4: {  	s1 =	sor.u32 $0x1, s1;
	[tilespmem:s11+$0x1B500] =	vst v3  }
0xe5: {  	s13 =	sand.u32 $0xD, s1;
	[tilespmem:s11+$0x1B510] =	vst v4  }
0xe6: {  	v3 =	vor.u32 s13, v1;
	v5 =	vld [tilespmem:$0xDA40]  }
0xe7: {  	v4 =	vor.u32 s13, v2;
	v6 =	vld [tilespmem:$0xDA50];
	_ =	sdelay $0x3  }
0xe8: {  	v10 =	vimm.s32 $0x1;
	[tilespmem:v3+s16+$0x0] =	vst.idx.msk $0xffff, v5  }
0xe9: {  	v7 =	vshll.u32 v10, $0x9;
	s11 =	simm.s32 $0xDB30;
	[tilespmem:v4+s16+$0x0] =	vst.idx.msk $0xffff, v6  }
0xea: {  	v9 =	vor.u32 v7, v3;
	v8 =	vld [tilespmem:s11+$0xFFFFFF30]  }
0xeb: {  	v49 =	vor.u32 v7, v4;
	v11 =	vld [tilespmem:s11+$0xFFFFFF40];
	_ =	sdelay $0x3  }
0xec: {  	[tilespmem:v9+s16+$0x0] =	vst.idx.msk $0xffff, v8  }
0xed: {  	v9 =	vadd.s32 $0x200, v7;
	[tilespmem:v49+s16+$0x0] =	vst.idx.msk $0xffff, v11  }
0xee: {  	v50 =	vor.u32 v9, v3;
	v12 =	vld [tilespmem:s11+$0xFFFFFF50]  }
0xef: {  	v9 =	vor.u32 v9, v4;
	v51 =	vld [tilespmem:s11+$0xFFFFFF60];
	_ =	sdelay $0x3  }
0xf0: {  	[tilespmem:v50+s16+$0x0] =	vst.idx.msk $0xffff, v12  }
0xf1: {  	v52 =	vadd.s32 $0x400, v7;
	[tilespmem:v9+s16+$0x0] =	vst.idx.msk $0xffff, v51  }
0xf2: {  	v53 =	vor.u32 v52, v3;
	v9 =	vld [tilespmem:s11+$0xFFFFFF70]  }
0xf3: {  	v13 =	vor.u32 v52, v4;
	v54 =	vld [tilespmem:s11+$0xFFFFFF80];
	_ =	sdelay $0x3  }
0xf4: {  	[tilespmem:v53+s16+$0x0] =	vst.idx.msk $0xffff, v9  }
0xf5: {  	v55 =	vadd.s32 $0x600, v7;
	[tilespmem:v13+s16+$0x0] =	vst.idx.msk $0xffff, v54  }
0xf6: {  	v56 =	vor.u32 v55, v3;
	v13 =	vld [tilespmem:s11+$0xFFFFFF90]  }
0xf7: {  	v15 =	vor.u32 v55, v4;
	v57 =	vld [tilespmem:s11+$0xFFFFFFA0];
	_ =	sdelay $0x3  }
0xf8: {  	[tilespmem:v56+s16+$0x0] =	vst.idx.msk $0xffff, v13  }
0xf9: {  	v58 =	vadd.s32 $0x800, v7;
	[tilespmem:v15+s16+$0x0] =	vst.idx.msk $0xffff, v57  }
0xfa: {  	v59 =	vor.u32 v58, v3;
	v15 =	vld [tilespmem:s11+$0xFFFFFFB0]  }
0xfb: {  	v17 =	vor.u32 v58, v4;
	v60 =	vld [tilespmem:s11+$0xFFFFFFC0];
	_ =	sdelay $0x3  }
0xfc: {  	[tilespmem:v59+s16+$0x0] =	vst.idx.msk $0xffff, v15  }
0xfd: {  	v61 =	vadd.s32 $0xA00, v7;
	[tilespmem:v17+s16+$0x0] =	vst.idx.msk $0xffff, v60  }
0xfe: {  	v62 =	vor.u32 v61, v3;
	v5 =	vadd.f32 v8, v5;
	v8 =	vld [tilespmem:s11+$0xFFFFFFD0]  }
0xff: {  	v19 =	vor.u32 v61, v4;
	v6 =	vadd.f32 v11, v6;
	v21 =	vld [tilespmem:s11+$0xFFFFFFE0]  }
0x100: {  	v5 =	vadd.f32 v12, v5  }
0x101: {  	v6 =	vadd.f32 v51, v6  }
0x102: {  	v5 =	vadd.f32 v9, v5  }
0x103: {  	v6 =	vadd.f32 v54, v6;
	[tilespmem:v62+s16+$0x0] =	vst.idx.msk $0xffff, v8  }
0x104: {  	v9 =	vadd.s32 $0xC00, v7;
	v5 =	vadd.f32 v13, v5;
	[tilespmem:v19+s16+$0x0] =	vst.idx.msk $0xffff, v21  }
0x105: {  	v63 =	vor.u32 v9, v3;
	v6 =	vadd.f32 v57, v6;
	v11 =	vld [tilespmem:s11+$0xFFFFFFF0]  }
0x106: {  	v9 =	vor.u32 v9, v4;
	v5 =	vadd.f32 v15, v5;
	v7 =	vld [tilespmem:s11+$0x0]  }
0x107: {  	v6 =	vadd.f32 v60, v6  }
0x108: {  	v5 =	vadd.f32 v8, v5  }
0x109: {  	v8 =	vadd.f32 v21, v6  }
0x10a: {  	s13 =	simm.s32 $0x7;
	v6 =	vadd.s32 $0x7, v10;
	[tilespmem:v63+s16+$0x0] =	vst.idx.msk $0xffff, v11;
	v5 =	vadd.f32 v11, v5  }
.LBB2_8:
0x10b: {  	s13 =	sadd.s32 $0x7, s13;
	v10 =	vshll.u32 v6, $0x9;
	[tilespmem:v9+s16+$0x0] =	vst.idx.msk $0xffff, v7;
	v7 =	vadd.f32 v7, v8;
	s11 =	sadd.s32 $0xE0, s11  }
0x10c: {  	p1 =	slt.u32 s13, $0x2A;
	v8 =	vld [tilespmem:s11+$0xFFFFFF30];
	v9 =	vor.u32 v10, v3;
	v11 =	vadd.s32 $0x200, v10;
	v12 =	vadd.s32 $0x400, v10  }
0x10d: {  	v14 =	vor.u32 v10, v4;
	v15 =	vadd.s32 $0x600, v10;
	v16 =	vadd.s32 $0x800, v10;
	v13 =	vld [tilespmem:s11+$0xFFFFFF40]  }
0x10e: {  	v17 =	vadd.s32 $0xA00, v10;
	v10 =	vadd.s32 $0xC00, v10;
	_ =	sdelay $0x2  }
0x10f: {  	[tilespmem:v9+s16+$0x0] =	vst.idx.msk $0xffff, v8  }
0x110: {  	[tilespmem:v14+s16+$0x0] =	vst.idx.msk $0xffff, v13  }
0x111: {  	v14 =	vor.u32 v11, v3;
	v9 =	vld [tilespmem:s11+$0xFFFFFF50]  }
0x112: {  	v11 =	vor.u32 v11, v4;
	v18 =	vld [tilespmem:s11+$0xFFFFFF60];
	_ =	sdelay $0x3  }
0x113: {  	[tilespmem:v14+s16+$0x0] =	vst.idx.msk $0xffff, v9  }
0x114: {  	[tilespmem:v11+s16+$0x0] =	vst.idx.msk $0xffff, v18  }
0x115: {  	v14 =	vor.u32 v12, v3;
	v11 =	vld [tilespmem:s11+$0xFFFFFF70]  }
0x116: {  	v12 =	vor.u32 v12, v4;
	v19 =	vld [tilespmem:s11+$0xFFFFFF80];
	_ =	sdelay $0x3  }
0x117: {  	[tilespmem:v14+s16+$0x0] =	vst.idx.msk $0xffff, v11  }
0x118: {  	[tilespmem:v12+s16+$0x0] =	vst.idx.msk $0xffff, v19  }
0x119: {  	v14 =	vor.u32 v15, v3;
	v12 =	vld [tilespmem:s11+$0xFFFFFF90]  }
0x11a: {  	v15 =	vor.u32 v15, v4;
	v20 =	vld [tilespmem:s11+$0xFFFFFFA0];
	_ =	sdelay $0x3  }
0x11b: {  	[tilespmem:v14+s16+$0x0] =	vst.idx.msk $0xffff, v12  }
0x11c: {  	[tilespmem:v15+s16+$0x0] =	vst.idx.msk $0xffff, v20  }
0x11d: {  	v15 =	vor.u32 v16, v3;
	v14 =	vld [tilespmem:s11+$0xFFFFFFB0]  }
0x11e: {  	v16 =	vor.u32 v16, v4;
	v21 =	vld [tilespmem:s11+$0xFFFFFFC0];
	_ =	sdelay $0x3  }
0x11f: {  	[tilespmem:v15+s16+$0x0] =	vst.idx.msk $0xffff, v14  }
0x120: {  	[tilespmem:v16+s16+$0x0] =	vst.idx.msk $0xffff, v21  }
0x121: {  	v5 =	vadd.f32 v8, v5;
	v15 =	vor.u32 v17, v3;
	v8 =	vld [tilespmem:s11+$0xFFFFFFD0]  }
0x122: {  	v7 =	vadd.f32 v13, v7;
	v16 =	vor.u32 v17, v4;
	v13 =	vld [tilespmem:s11+$0xFFFFFFE0]  }
0x123: {  	v5 =	vadd.f32 v9, v5  }
0x124: {  	v7 =	vadd.f32 v18, v7  }
0x125: {  	v5 =	vadd.f32 v11, v5  }
0x126: {  	v7 =	vadd.f32 v19, v7;
	[tilespmem:v15+s16+$0x0] =	vst.idx.msk $0xffff, v8  }
0x127: {  	v5 =	vadd.f32 v12, v5;
	[tilespmem:v16+s16+$0x0] =	vst.idx.msk $0xffff, v13  }
0x128: {  	v11 =	vadd.f32 v20, v7;
	v15 =	vor.u32 v10, v3;
	v12 =	vld [tilespmem:s11+$0xFFFFFFF0]  }
.Ltmp2:
0x129: {  	v9 =	vor.u32 v10, v4;
	v5 =	vadd.f32 v14, v5;
	v7 =	vld [tilespmem:s11+$0x0];
	(pc) =	sbr.rel @p1 .LBB2_8-.Ltmp2, $4  }
0x12a: {  	v10 =	vadd.f32 v21, v11  }
0x12b: {  	v5 =	vadd.f32 v8, v5  }
0x12c: {  	v8 =	vadd.f32 v13, v10  }
0x12d: {  	v6 =	vadd.s32 $0x7, v6;
	[tilespmem:v15+s16+$0x0] =	vst.idx.msk $0xffff, v12;
	v5 =	vadd.f32 v12, v5  }
0x12e: {  	_ =	sdelay $0x3  }
0x12f: {  	v6 =	vshll.u32 v6, $0x9;
	[tilespmem:v9+s16+$0x0] =	vst.idx.msk $0xffff, v7;
	s11 =	sadd.s32 $0xE0, s11  }
0x130: {  	v9 =	vld [tilespmem:s11+$0xFFFFFF30];
	v10 =	vor.u32 v6, v3  }
0x131: {  	v11 =	vld [tilespmem:s11+$0xFFFFFF40];
	v12 =	vor.u32 v6, v4;
	_ =	sdelay $0x3  }
0x132: {  	[tilespmem:v10+s16+$0x0] =	vst.idx.msk $0xffff, v9  }
0x133: {  	v10 =	vadd.s32 $0x200, v6;
	[tilespmem:v12+s16+$0x0] =	vst.idx.msk $0xffff, v11  }
0x134: {  	v13 =	vor.u32 v10, v3;
	v12 =	vld [tilespmem:s11+$0xFFFFFF50]  }
0x135: {  	v10 =	vor.u32 v10, v4;
	v14 =	vld [tilespmem:s11+$0xFFFFFF60];
	_ =	sdelay $0x3  }
0x136: {  	[tilespmem:v13+s16+$0x0] =	vst.idx.msk $0xffff, v12  }
0x137: {  	v45 =	vadd.s32 $0x400, v6;
	[tilespmem:v10+s16+$0x0] =	vst.idx.msk $0xffff, v14  }
0x138: {  	v15 =	vor.u32 v45, v3;
	v10 =	vld [tilespmem:s11+$0xFFFFFF70]  }
0x139: {  	v13 =	vor.u32 v45, v4;
	v16 =	vld [tilespmem:s11+$0xFFFFFF80];
	_ =	sdelay $0x3  }
0x13a: {  	[tilespmem:v15+s16+$0x0] =	vst.idx.msk $0xffff, v10  }
0x13b: {  	v46 =	vadd.s32 $0x600, v6;
	[tilespmem:v13+s16+$0x0] =	vst.idx.msk $0xffff, v16  }
0x13c: {  	v17 =	vor.u32 v46, v3;
	v13 =	vld [tilespmem:s11+$0xFFFFFF90]  }
0x13d: {  	v15 =	vor.u32 v46, v4;
	v18 =	vld [tilespmem:s11+$0xFFFFFFA0];
	_ =	sdelay $0x3  }
0x13e: {  	[tilespmem:v17+s16+$0x0] =	vst.idx.msk $0xffff, v13  }
0x13f: {  	v47 =	vadd.s32 $0x800, v6;
	[tilespmem:v15+s16+$0x0] =	vst.idx.msk $0xffff, v18  }
0x140: {  	v19 =	vor.u32 v47, v3;
	v15 =	vld [tilespmem:s11+$0xFFFFFFB0]  }
0x141: {  	v17 =	vor.u32 v47, v4;
	v20 =	vld [tilespmem:s11+$0xFFFFFFC0];
	_ =	sdelay $0x3  }
0x142: {  	[tilespmem:v19+s16+$0x0] =	vst.idx.msk $0xffff, v15  }
0x143: {  	v7 =	vadd.f32 v7, v8;
	v8 =	vadd.s32 $0xA00, v6;
	[tilespmem:v17+s16+$0x0] =	vst.idx.msk $0xffff, v20  }
0x144: {  	v48 =	vor.u32 v8, v3;
	v5 =	vadd.f32 v9, v5;
	v9 =	vld [tilespmem:s11+$0xFFFFFFD0]  }
0x145: {  	v8 =	vor.u32 v8, v4;
	v7 =	vadd.f32 v11, v7;
	v11 =	vld [tilespmem:s11+$0xFFFFFFE0]  }
0x146: {  	v5 =	vadd.f32 v12, v5  }
0x147: {  	v7 =	vadd.f32 v14, v7  }
0x148: {  	v5 =	vadd.f32 v10, v5  }
0x149: {  	v7 =	vadd.f32 v16, v7;
	[tilespmem:v48+s16+$0x0] =	vst.idx.msk $0xffff, v9  }
0x14a: {  	v5 =	vadd.f32 v13, v5;
	[tilespmem:v8+s16+$0x0] =	vst.idx.msk $0xffff, v11  }
0x14b: {  	v7 =	vadd.f32 v18, v7;
	v8 =	vld [tilespmem:s11+$0xFFFFFFF0]  }
0x14c: {  	v6 =	vadd.s32 $0xC00, v6;
	v5 =	vadd.f32 v15, v5;
	v10 =	vld [tilespmem:s11+$0x0]  }
0x14d: {  	v3 =	vor.u32 v6, v3;
	v7 =	vadd.f32 v20, v7  }
0x14e: {  	v4 =	vor.u32 v6, v4;
	v5 =	vadd.f32 v9, v5  }
0x14f: {  	v6 =	vadd.f32 v11, v7  }
0x150: {  	v5 =	vadd.f32 v8, v5  }
0x151: {  	v6 =	vadd.f32 v10, v6  }
0x152: {  	s1 =	sshll.u32 s1, $0x5;
	s0 =	smul.u32 $0x1C0, s0;
	[tilespmem:v3+s16+$0x0] =	vst.idx.msk $0xffff, v8;
	v3 =	vmul.f32 $1.999999960e-02, v5  }
0x153: {  	s1 =	sand.u32 $0x3FFFFFE0, s1;
	[tilespmem:v4+s16+$0x0] =	vst.idx.msk $0xffff, v10;
	v4 =	vmul.f32 $1.999999960e-02, v6  }
0x154: {  	s0 =	sshra.s32 s0, $0x2;
	[tilespmem:s1+$0x1B500] =	vst v3  }
0x155: {  	s0 =	sadd.s32 $0x64E0, s0;
	[tilespmem:s1+$0x1B510] =	vst v4  }
0x156: {  	[tilespmem:s12], [sflag:$0x1] =	stream.indirect.gather [hbm4b:s3+s10], $0x20, s0, s10, $0xb8;
	[tilespmem:$0x1F500] =	vst v63  }
0x157: {  	s0 =	sor.u32 s29, s31;
	_ =	swait.ge [sflag:s17], $0xC80  }
0x158: {  	s1 =	sshll.u32 s0, $0x1;
	[sflag:s17] =	ssyncset.done $0x0  }
0x159: {  	s31 =	sand.u32 $0xE, s1;
	[sflag:s17] =	ssyncadd.s32 $0xFFFFF380  }
0x15a: {  	v3 =	vor.u32 s31, v1;
	v5 =	vld [tilespmem:$0xE080]  }
0x15b: {  	v4 =	vor.u32 s31, v2;
	v6 =	vld [tilespmem:$0xE090];
	_ =	sdelay $0x3  }
0x15c: {  	v10 =	vimm.s32 $0x1;
	[tilespmem:v3+s16+$0x0] =	vst.idx.msk $0xffff, v5  }
0x15d: {  	s11 =	simm.s32 $0xE170;
	v7 =	vshll.u32 v10, $0x9;
	[tilespmem:v4+s16+$0x0] =	vst.idx.msk $0xffff, v6  }
0x15e: {  	v9 =	vor.u32 v7, v3;
	v8 =	vld [tilespmem:s11+$0xFFFFFF30]  }
0x15f: {  	v49 =	vor.u32 v7, v4;
	v11 =	vld [tilespmem:s11+$0xFFFFFF40];
	_ =	sdelay $0x3  }
0x160: {  	[tilespmem:v9+s16+$0x0] =	vst.idx.msk $0xffff, v8  }
0x161: {  	v9 =	vadd.s32 $0x200, v7;
	[tilespmem:v49+s16+$0x0] =	vst.idx.msk $0xffff, v11  }
0x162: {  	v50 =	vor.u32 v9, v3;
	v12 =	vld [tilespmem:s11+$0xFFFFFF50]  }
0x163: {  	v9 =	vor.u32 v9, v4;
	v51 =	vld [tilespmem:s11+$0xFFFFFF60];
	_ =	sdelay $0x3  }
0x164: {  	[tilespmem:v50+s16+$0x0] =	vst.idx.msk $0xffff, v12  }
0x165: {  	v52 =	vadd.s32 $0x400, v7;
	[tilespmem:v9+s16+$0x0] =	vst.idx.msk $0xffff, v51  }
0x166: {  	v53 =	vor.u32 v52, v3;
	v9 =	vld [tilespmem:s11+$0xFFFFFF70]  }
0x167: {  	v13 =	vor.u32 v52, v4;
	v54 =	vld [tilespmem:s11+$0xFFFFFF80];
	_ =	sdelay $0x3  }
0x168: {  	[tilespmem:v53+s16+$0x0] =	vst.idx.msk $0xffff, v9  }
0x169: {  	v55 =	vadd.s32 $0x600, v7;
	[tilespmem:v13+s16+$0x0] =	vst.idx.msk $0xffff, v54  }
0x16a: {  	v56 =	vor.u32 v55, v3;
	v13 =	vld [tilespmem:s11+$0xFFFFFF90]  }
0x16b: {  	v15 =	vor.u32 v55, v4;
	v57 =	vld [tilespmem:s11+$0xFFFFFFA0];
	_ =	sdelay $0x3  }
0x16c: {  	[tilespmem:v56+s16+$0x0] =	vst.idx.msk $0xffff, v13  }
0x16d: {  	v58 =	vadd.s32 $0x800, v7;
	[tilespmem:v15+s16+$0x0] =	vst.idx.msk $0xffff, v57  }
0x16e: {  	v59 =	vor.u32 v58, v3;
	v15 =	vld [tilespmem:s11+$0xFFFFFFB0]  }
0x16f: {  	v17 =	vor.u32 v58, v4;
	v60 =	vld [tilespmem:s11+$0xFFFFFFC0];
	_ =	sdelay $0x3  }
0x170: {  	[tilespmem:v59+s16+$0x0] =	vst.idx.msk $0xffff, v15  }
0x171: {  	v61 =	vadd.s32 $0xA00, v7;
	[tilespmem:v17+s16+$0x0] =	vst.idx.msk $0xffff, v60  }
0x172: {  	v62 =	vor.u32 v61, v3;
	v5 =	vadd.f32 v8, v5;
	v8 =	vld [tilespmem:s11+$0xFFFFFFD0]  }
0x173: {  	v19 =	vor.u32 v61, v4;
	v6 =	vadd.f32 v11, v6;
	v21 =	vld [tilespmem:s11+$0xFFFFFFE0]  }
0x174: {  	v5 =	vadd.f32 v12, v5  }
0x175: {  	v6 =	vadd.f32 v51, v6  }
0x176: {  	v5 =	vadd.f32 v9, v5  }
0x177: {  	v6 =	vadd.f32 v54, v6;
	[tilespmem:v62+s16+$0x0] =	vst.idx.msk $0xffff, v8  }
0x178: {  	v9 =	vadd.s32 $0xC00, v7;
	v5 =	vadd.f32 v13, v5;
	[tilespmem:v19+s16+$0x0] =	vst.idx.msk $0xffff, v21  }
0x179: {  	v63 =	vor.u32 v9, v3;
	v6 =	vadd.f32 v57, v6;
	v11 =	vld [tilespmem:s11+$0xFFFFFFF0]  }
0x17a: {  	v9 =	vor.u32 v9, v4;
	v5 =	vadd.f32 v15, v5;
	v7 =	vld [tilespmem:s11+$0x0]  }
0x17b: {  	v6 =	vadd.f32 v60, v6  }
0x17c: {  	v5 =	vadd.f32 v8, v5  }
0x17d: {  	v8 =	vadd.f32 v21, v6  }
0x17e: {  	s13 =	simm.s32 $0x7;
	v6 =	vadd.s32 $0x7, v10;
	[tilespmem:v63+s16+$0x0] =	vst.idx.msk $0xffff, v11;
	v5 =	vadd.f32 v11, v5  }
.LBB2_10:
0x17f: {  	s13 =	sadd.s32 $0x7, s13;
	v10 =	vshll.u32 v6, $0x9;
	[tilespmem:v9+s16+$0x0] =	vst.idx.msk $0xffff, v7;
	v7 =	vadd.f32 v7, v8;
	s11 =	sadd.s32 $0xE0, s11  }
0x180: {  	p1 =	slt.u32 s13, $0x2A;
	v8 =	vld [tilespmem:s11+$0xFFFFFF30];
	v9 =	vor.u32 v10, v3;
	v11 =	vadd.s32 $0x200, v10;
	v12 =	vadd.s32 $0x400, v10  }
0x181: {  	v14 =	vor.u32 v10, v4;
	v15 =	vadd.s32 $0x600, v10;
	v16 =	vadd.s32 $0x800, v10;
	v13 =	vld [tilespmem:s11+$0xFFFFFF40]  }
0x182: {  	v17 =	vadd.s32 $0xA00, v10;
	v10 =	vadd.s32 $0xC00, v10;
	_ =	sdelay $0x2  }
0x183: {  	[tilespmem:v9+s16+$0x0] =	vst.idx.msk $0xffff, v8  }
0x184: {  	[tilespmem:v14+s16+$0x0] =	vst.idx.msk $0xffff, v13  }
0x185: {  	v14 =	vor.u32 v11, v3;
	v9 =	vld [tilespmem:s11+$0xFFFFFF50]  }
0x186: {  	v11 =	vor.u32 v11, v4;
	v18 =	vld [tilespmem:s11+$0xFFFFFF60];
	_ =	sdelay $0x3  }
0x187: {  	[tilespmem:v14+s16+$0x0] =	vst.idx.msk $0xffff, v9  }
0x188: {  	[tilespmem:v11+s16+$0x0] =	vst.idx.msk $0xffff, v18  }
0x189: {  	v14 =	vor.u32 v12, v3;
	v11 =	vld [tilespmem:s11+$0xFFFFFF70]  }
0x18a: {  	v12 =	vor.u32 v12, v4;
	v19 =	vld [tilespmem:s11+$0xFFFFFF80];
	_ =	sdelay $0x3  }
0x18b: {  	[tilespmem:v14+s16+$0x0] =	vst.idx.msk $0xffff, v11  }
0x18c: {  	[tilespmem:v12+s16+$0x0] =	vst.idx.msk $0xffff, v19  }
0x18d: {  	v14 =	vor.u32 v15, v3;
	v12 =	vld [tilespmem:s11+$0xFFFFFF90]  }
0x18e: {  	v15 =	vor.u32 v15, v4;
	v20 =	vld [tilespmem:s11+$0xFFFFFFA0];
	_ =	sdelay $0x3  }
0x18f: {  	[tilespmem:v14+s16+$0x0] =	vst.idx.msk $0xffff, v12  }
0x190: {  	[tilespmem:v15+s16+$0x0] =	vst.idx.msk $0xffff, v20  }
0x191: {  	v15 =	vor.u32 v16, v3;
	v14 =	vld [tilespmem:s11+$0xFFFFFFB0]  }
0x192: {  	v16 =	vor.u32 v16, v4;
	v21 =	vld [tilespmem:s11+$0xFFFFFFC0];
	_ =	sdelay $0x3  }
0x193: {  	[tilespmem:v15+s16+$0x0] =	vst.idx.msk $0xffff, v14  }
0x194: {  	[tilespmem:v16+s16+$0x0] =	vst.idx.msk $0xffff, v21  }
0x195: {  	v5 =	vadd.f32 v8, v5;
	v15 =	vor.u32 v17, v3;
	v8 =	vld [tilespmem:s11+$0xFFFFFFD0]  }
0x196: {  	v7 =	vadd.f32 v13, v7;
	v16 =	vor.u32 v17, v4;
	v13 =	vld [tilespmem:s11+$0xFFFFFFE0]  }
0x197: {  	v5 =	vadd.f32 v9, v5  }
0x198: {  	v7 =	vadd.f32 v18, v7  }
0x199: {  	v5 =	vadd.f32 v11, v5  }
0x19a: {  	v7 =	vadd.f32 v19, v7;
	[tilespmem:v15+s16+$0x0] =	vst.idx.msk $0xffff, v8  }
0x19b: {  	v5 =	vadd.f32 v12, v5;
	[tilespmem:v16+s16+$0x0] =	vst.idx.msk $0xffff, v13  }
0x19c: {  	v11 =	vadd.f32 v20, v7;
	v15 =	vor.u32 v10, v3;
	v12 =	vld [tilespmem:s11+$0xFFFFFFF0]  }
.Ltmp3:
0x19d: {  	v9 =	vor.u32 v10, v4;
	v5 =	vadd.f32 v14, v5;
	v7 =	vld [tilespmem:s11+$0x0];
	(pc) =	sbr.rel @p1 .LBB2_10-.Ltmp3, $4  }
0x19e: {  	v10 =	vadd.f32 v21, v11  }
0x19f: {  	v5 =	vadd.f32 v8, v5  }
0x1a0: {  	v8 =	vadd.f32 v13, v10  }
0x1a1: {  	v6 =	vadd.s32 $0x7, v6;
	[tilespmem:v15+s16+$0x0] =	vst.idx.msk $0xffff, v12;
	v5 =	vadd.f32 v12, v5  }
0x1a2: {  	_ =	sdelay $0x3  }
0x1a3: {  	v6 =	vshll.u32 v6, $0x9;
	[tilespmem:v9+s16+$0x0] =	vst.idx.msk $0xffff, v7;
	s11 =	sadd.s32 $0xE0, s11  }
0x1a4: {  	v9 =	vld [tilespmem:s11+$0xFFFFFF30];
	v10 =	vor.u32 v6, v3  }
0x1a5: {  	v11 =	vld [tilespmem:s11+$0xFFFFFF40];
	v12 =	vor.u32 v6, v4;
	_ =	sdelay $0x3  }
0x1a6: {  	[tilespmem:v10+s16+$0x0] =	vst.idx.msk $0xffff, v9  }
0x1a7: {  	v10 =	vadd.s32 $0x200, v6;
	[tilespmem:v12+s16+$0x0] =	vst.idx.msk $0xffff, v11  }
0x1a8: {  	v13 =	vor.u32 v10, v3;
	v12 =	vld [tilespmem:s11+$0xFFFFFF50]  }
0x1a9: {  	v10 =	vor.u32 v10, v4;
	v14 =	vld [tilespmem:s11+$0xFFFFFF60];
	_ =	sdelay $0x3  }
0x1aa: {  	[tilespmem:v13+s16+$0x0] =	vst.idx.msk $0xffff, v12  }
0x1ab: {  	v45 =	vadd.s32 $0x400, v6;
	[tilespmem:v10+s16+$0x0] =	vst.idx.msk $0xffff, v14  }
0x1ac: {  	v15 =	vor.u32 v45, v3;
	v10 =	vld [tilespmem:s11+$0xFFFFFF70]  }
0x1ad: {  	v13 =	vor.u32 v45, v4;
	v16 =	vld [tilespmem:s11+$0xFFFFFF80];
	_ =	sdelay $0x3  }
0x1ae: {  	[tilespmem:v15+s16+$0x0] =	vst.idx.msk $0xffff, v10  }
0x1af: {  	v46 =	vadd.s32 $0x600, v6;
	[tilespmem:v13+s16+$0x0] =	vst.idx.msk $0xffff, v16  }
0x1b0: {  	v17 =	vor.u32 v46, v3;
	v13 =	vld [tilespmem:s11+$0xFFFFFF90]  }
0x1b1: {  	v15 =	vor.u32 v46, v4;
	v18 =	vld [tilespmem:s11+$0xFFFFFFA0];
	_ =	sdelay $0x3  }
0x1b2: {  	[tilespmem:v17+s16+$0x0] =	vst.idx.msk $0xffff, v13  }
0x1b3: {  	v47 =	vadd.s32 $0x800, v6;
	[tilespmem:v15+s16+$0x0] =	vst.idx.msk $0xffff, v18  }
0x1b4: {  	v19 =	vor.u32 v47, v3;
	v15 =	vld [tilespmem:s11+$0xFFFFFFB0]  }
0x1b5: {  	v17 =	vor.u32 v47, v4;
	v20 =	vld [tilespmem:s11+$0xFFFFFFC0];
	_ =	sdelay $0x3  }
0x1b6: {  	[tilespmem:v19+s16+$0x0] =	vst.idx.msk $0xffff, v15  }
0x1b7: {  	v7 =	vadd.f32 v7, v8;
	v8 =	vadd.s32 $0xA00, v6;
	[tilespmem:v17+s16+$0x0] =	vst.idx.msk $0xffff, v20  }
0x1b8: {  	v48 =	vor.u32 v8, v3;
	v5 =	vadd.f32 v9, v5;
	v9 =	vld [tilespmem:s11+$0xFFFFFFD0]  }
0x1b9: {  	v8 =	vor.u32 v8, v4;
	v7 =	vadd.f32 v11, v7;
	v11 =	vld [tilespmem:s11+$0xFFFFFFE0]  }
0x1ba: {  	v5 =	vadd.f32 v12, v5  }
0x1bb: {  	v7 =	vadd.f32 v14, v7  }
0x1bc: {  	v5 =	vadd.f32 v10, v5  }
0x1bd: {  	v7 =	vadd.f32 v16, v7;
	[tilespmem:v48+s16+$0x0] =	vst.idx.msk $0xffff, v9  }
0x1be: {  	v5 =	vadd.f32 v13, v5;
	[tilespmem:v8+s16+$0x0] =	vst.idx.msk $0xffff, v11  }
0x1bf: {  	v7 =	vadd.f32 v18, v7;
	v8 =	vld [tilespmem:s11+$0xFFFFFFF0]  }
0x1c0: {  	v6 =	vadd.s32 $0xC00, v6;
	v5 =	vadd.f32 v15, v5;
	v10 =	vld [tilespmem:s11+$0x0]  }
0x1c1: {  	v3 =	vor.u32 v6, v3;
	v7 =	vadd.f32 v20, v7  }
0x1c2: {  	v4 =	vor.u32 v6, v4;
	v5 =	vadd.f32 v9, v5  }
0x1c3: {  	v6 =	vadd.f32 v11, v7  }
0x1c4: {  	v5 =	vadd.f32 v8, v5  }
0x1c5: {  	v6 =	vadd.f32 v10, v6  }
0x1c6: {  	s13 =	sshll.u32 s0, $0x6;
	[tilespmem:v3+s16+$0x0] =	vst.idx.msk $0xffff, v8;
	v3 =	vmul.f32 $1.999999960e-02, v5  }
0x1c7: {  	s11 =	sand.u32 $0x3FFFFFC0, s13;
	[tilespmem:v4+s16+$0x0] =	vst.idx.msk $0xffff, v10;
	v4 =	vmul.f32 $1.999999960e-02, v6  }
0x1c8: {  	s1 =	sor.u32 $0x1, s1;
	[tilespmem:s11+$0x1B500] =	vst v3  }
0x1c9: {  	s31 =	sand.u32 $0xF, s1;
	[tilespmem:s11+$0x1B510] =	vst v4  }
0x1ca: {  	v3 =	vor.u32 s31, v1;
	v5 =	vld [tilespmem:$0xE6C0]  }
0x1cb: {  	v4 =	vor.u32 s31, v2;
	v6 =	vld [tilespmem:$0xE6D0];
	_ =	sdelay $0x3  }
0x1cc: {  	v10 =	vimm.s32 $0x1;
	[tilespmem:v3+s16+$0x0] =	vst.idx.msk $0xffff, v5  }
0x1cd: {  	v7 =	vshll.u32 v10, $0x9;
	s11 =	simm.s32 $0xE7B0;
	[tilespmem:v4+s16+$0x0] =	vst.idx.msk $0xffff, v6  }
0x1ce: {  	v9 =	vor.u32 v7, v3;
	v8 =	vld [tilespmem:s11+$0xFFFFFF30]  }
0x1cf: {  	v49 =	vor.u32 v7, v4;
	v11 =	vld [tilespmem:s11+$0xFFFFFF40];
	_ =	sdelay $0x3  }
0x1d0: {  	[tilespmem:v9+s16+$0x0] =	vst.idx.msk $0xffff, v8  }
0x1d1: {  	v9 =	vadd.s32 $0x200, v7;
	[tilespmem:v49+s16+$0x0] =	vst.idx.msk $0xffff, v11  }
0x1d2: {  	v50 =	vor.u32 v9, v3;
	v12 =	vld [tilespmem:s11+$0xFFFFFF50]  }
0x1d3: {  	v9 =	vor.u32 v9, v4;
	v51 =	vld [tilespmem:s11+$0xFFFFFF60];
	_ =	sdelay $0x3  }
0x1d4: {  	[tilespmem:v50+s16+$0x0] =	vst.idx.msk $0xffff, v12  }
0x1d5: {  	v52 =	vadd.s32 $0x400, v7;
	[tilespmem:v9+s16+$0x0] =	vst.idx.msk $0xffff, v51  }
0x1d6: {  	v53 =	vor.u32 v52, v3;
	v9 =	vld [tilespmem:s11+$0xFFFFFF70]  }
0x1d7: {  	v13 =	vor.u32 v52, v4;
	v54 =	vld [tilespmem:s11+$0xFFFFFF80];
	_ =	sdelay $0x3  }
0x1d8: {  	[tilespmem:v53+s16+$0x0] =	vst.idx.msk $0xffff, v9  }
0x1d9: {  	v55 =	vadd.s32 $0x600, v7;
	[tilespmem:v13+s16+$0x0] =	vst.idx.msk $0xffff, v54  }
0x1da: {  	v56 =	vor.u32 v55, v3;
	v13 =	vld [tilespmem:s11+$0xFFFFFF90]  }
0x1db: {  	v15 =	vor.u32 v55, v4;
	v57 =	vld [tilespmem:s11+$0xFFFFFFA0];
	_ =	sdelay $0x3  }
0x1dc: {  	[tilespmem:v56+s16+$0x0] =	vst.idx.msk $0xffff, v13  }
0x1dd: {  	v58 =	vadd.s32 $0x800, v7;
	[tilespmem:v15+s16+$0x0] =	vst.idx.msk $0xffff, v57  }
0x1de: {  	v59 =	vor.u32 v58, v3;
	v15 =	vld [tilespmem:s11+$0xFFFFFFB0]  }
0x1df: {  	v17 =	vor.u32 v58, v4;
	v60 =	vld [tilespmem:s11+$0xFFFFFFC0];
	_ =	sdelay $0x3  }
0x1e0: {  	[tilespmem:v59+s16+$0x0] =	vst.idx.msk $0xffff, v15  }
0x1e1: {  	v61 =	vadd.s32 $0xA00, v7;
	[tilespmem:v17+s16+$0x0] =	vst.idx.msk $0xffff, v60  }
0x1e2: {  	v62 =	vor.u32 v61, v3;
	v5 =	vadd.f32 v8, v5;
	v8 =	vld [tilespmem:s11+$0xFFFFFFD0]  }
0x1e3: {  	v19 =	vor.u32 v61, v4;
	v6 =	vadd.f32 v11, v6;
	v21 =	vld [tilespmem:s11+$0xFFFFFFE0]  }
0x1e4: {  	v5 =	vadd.f32 v12, v5  }
0x1e5: {  	v6 =	vadd.f32 v51, v6  }
0x1e6: {  	v5 =	vadd.f32 v9, v5  }
0x1e7: {  	v6 =	vadd.f32 v54, v6;
	[tilespmem:v62+s16+$0x0] =	vst.idx.msk $0xffff, v8  }
0x1e8: {  	v9 =	vadd.s32 $0xC00, v7;
	v5 =	vadd.f32 v13, v5;
	[tilespmem:v19+s16+$0x0] =	vst.idx.msk $0xffff, v21  }
0x1e9: {  	v63 =	vor.u32 v9, v3;
	v6 =	vadd.f32 v57, v6;
	v11 =	vld [tilespmem:s11+$0xFFFFFFF0]  }
0x1ea: {  	v9 =	vor.u32 v9, v4;
	v5 =	vadd.f32 v15, v5;
	v7 =	vld [tilespmem:s11+$0x0]  }
0x1eb: {  	v6 =	vadd.f32 v60, v6  }
0x1ec: {  	v5 =	vadd.f32 v8, v5  }
0x1ed: {  	v8 =	vadd.f32 v21, v6  }
0x1ee: {  	s13 =	simm.s32 $0x7;
	v6 =	vadd.s32 $0x7, v10;
	[tilespmem:v63+s16+$0x0] =	vst.idx.msk $0xffff, v11;
	v5 =	vadd.f32 v11, v5  }
.LBB2_12:
0x1ef: {  	s13 =	sadd.s32 $0x7, s13;
	v10 =	vshll.u32 v6, $0x9;
	[tilespmem:v9+s16+$0x0] =	vst.idx.msk $0xffff, v7;
	v7 =	vadd.f32 v7, v8;
	s11 =	sadd.s32 $0xE0, s11  }
0x1f0: {  	p1 =	slt.u32 s13, $0x2A;
	v8 =	vld [tilespmem:s11+$0xFFFFFF30];
	v9 =	vor.u32 v10, v3;
	v11 =	vadd.s32 $0x200, v10;
	v12 =	vadd.s32 $0x400, v10  }
0x1f1: {  	v14 =	vor.u32 v10, v4;
	v15 =	vadd.s32 $0x600, v10;
	v16 =	vadd.s32 $0x800, v10;
	v13 =	vld [tilespmem:s11+$0xFFFFFF40]  }
0x1f2: {  	v17 =	vadd.s32 $0xA00, v10;
	v10 =	vadd.s32 $0xC00, v10;
	_ =	sdelay $0x2  }
0x1f3: {  	[tilespmem:v9+s16+$0x0] =	vst.idx.msk $0xffff, v8  }
0x1f4: {  	[tilespmem:v14+s16+$0x0] =	vst.idx.msk $0xffff, v13  }
0x1f5: {  	v14 =	vor.u32 v11, v3;
	v9 =	vld [tilespmem:s11+$0xFFFFFF50]  }
0x1f6: {  	v11 =	vor.u32 v11, v4;
	v18 =	vld [tilespmem:s11+$0xFFFFFF60];
	_ =	sdelay $0x3  }
0x1f7: {  	[tilespmem:v14+s16+$0x0] =	vst.idx.msk $0xffff, v9  }
0x1f8: {  	[tilespmem:v11+s16+$0x0] =	vst.idx.msk $0xffff, v18  }
0x1f9: {  	v14 =	vor.u32 v12, v3;
	v11 =	vld [tilespmem:s11+$0xFFFFFF70]  }
0x1fa: {  	v12 =	vor.u32 v12, v4;
	v19 =	vld [tilespmem:s11+$0xFFFFFF80];
	_ =	sdelay $0x3  }
0x1fb: {  	[tilespmem:v14+s16+$0x0] =	vst.idx.msk $0xffff, v11  }
0x1fc: {  	[tilespmem:v12+s16+$0x0] =	vst.idx.msk $0xffff, v19  }
0x1fd: {  	v14 =	vor.u32 v15, v3;
	v12 =	vld [tilespmem:s11+$0xFFFFFF90]  }
0x1fe: {  	v15 =	vor.u32 v15, v4;
	v20 =	vld [tilespmem:s11+$0xFFFFFFA0];
	_ =	sdelay $0x3  }
0x1ff: {  	[tilespmem:v14+s16+$0x0] =	vst.idx.msk $0xffff, v12  }
0x200: {  	[tilespmem:v15+s16+$0x0] =	vst.idx.msk $0xffff, v20  }
0x201: {  	v15 =	vor.u32 v16, v3;
	v14 =	vld [tilespmem:s11+$0xFFFFFFB0]  }
0x202: {  	v16 =	vor.u32 v16, v4;
	v21 =	vld [tilespmem:s11+$0xFFFFFFC0];
	_ =	sdelay $0x3  }
0x203: {  	[tilespmem:v15+s16+$0x0] =	vst.idx.msk $0xffff, v14  }
0x204: {  	[tilespmem:v16+s16+$0x0] =	vst.idx.msk $0xffff, v21  }
0x205: {  	v5 =	vadd.f32 v8, v5;
	v15 =	vor.u32 v17, v3;
	v8 =	vld [tilespmem:s11+$0xFFFFFFD0]  }
0x206: {  	v7 =	vadd.f32 v13, v7;
	v16 =	vor.u32 v17, v4;
	v13 =	vld [tilespmem:s11+$0xFFFFFFE0]  }
0x207: {  	v5 =	vadd.f32 v9, v5  }
0x208: {  	v7 =	vadd.f32 v18, v7  }
0x209: {  	v5 =	vadd.f32 v11, v5  }
0x20a: {  	v7 =	vadd.f32 v19, v7;
	[tilespmem:v15+s16+$0x0] =	vst.idx.msk $0xffff, v8  }
0x20b: {  	v5 =	vadd.f32 v12, v5;
	[tilespmem:v16+s16+$0x0] =	vst.idx.msk $0xffff, v13  }
0x20c: {  	v11 =	vadd.f32 v20, v7;
	v15 =	vor.u32 v10, v3;
	v12 =	vld [tilespmem:s11+$0xFFFFFFF0]  }
.Ltmp4:
0x20d: {  	v9 =	vor.u32 v10, v4;
	v5 =	vadd.f32 v14, v5;
	v7 =	vld [tilespmem:s11+$0x0];
	(pc) =	sbr.rel @p1 .LBB2_12-.Ltmp4, $4  }
0x20e: {  	v10 =	vadd.f32 v21, v11  }
0x20f: {  	v5 =	vadd.f32 v8, v5  }
0x210: {  	v8 =	vadd.f32 v13, v10  }
0x211: {  	v6 =	vadd.s32 $0x7, v6;
	[tilespmem:v15+s16+$0x0] =	vst.idx.msk $0xffff, v12;
	v5 =	vadd.f32 v12, v5  }
0x212: {  	_ =	sdelay $0x3  }
0x213: {  	v6 =	vshll.u32 v6, $0x9;
	[tilespmem:v9+s16+$0x0] =	vst.idx.msk $0xffff, v7;
	s11 =	sadd.s32 $0xE0, s11  }
0x214: {  	v9 =	vld [tilespmem:s11+$0xFFFFFF30];
	v10 =	vor.u32 v6, v3  }
0x215: {  	v11 =	vld [tilespmem:s11+$0xFFFFFF40];
	v12 =	vor.u32 v6, v4;
	_ =	sdelay $0x3  }
0x216: {  	[tilespmem:v10+s16+$0x0] =	vst.idx.msk $0xffff, v9  }
0x217: {  	v51 =	vadd.s32 $0x200, v6;
	[tilespmem:v12+s16+$0x0] =	vst.idx.msk $0xffff, v11  }
0x218: {  	v13 =	vor.u32 v51, v3;
	v12 =	vld [tilespmem:s11+$0xFFFFFF50]  }
0x219: {  	v10 =	vor.u32 v51, v4;
	v14 =	vld [tilespmem:s11+$0xFFFFFF60];
	_ =	sdelay $0x3  }
0x21a: {  	[tilespmem:v13+s16+$0x0] =	vst.idx.msk $0xffff, v12  }
0x21b: {  	v52 =	vadd.s32 $0x400, v6;
	[tilespmem:v10+s16+$0x0] =	vst.idx.msk $0xffff, v14  }
0x21c: {  	v15 =	vor.u32 v52, v3;
	v10 =	vld [tilespmem:s11+$0xFFFFFF70]  }
0x21d: {  	v13 =	vor.u32 v52, v4;
	v16 =	vld [tilespmem:s11+$0xFFFFFF80];
	_ =	sdelay $0x3  }
0x21e: {  	[tilespmem:v15+s16+$0x0] =	vst.idx.msk $0xffff, v10  }
0x21f: {  	v53 =	vadd.s32 $0x600, v6;
	[tilespmem:v13+s16+$0x0] =	vst.idx.msk $0xffff, v16  }
0x220: {  	v17 =	vor.u32 v53, v3;
	v13 =	vld [tilespmem:s11+$0xFFFFFF90]  }
0x221: {  	v15 =	vor.u32 v53, v4;
	v18 =	vld [tilespmem:s11+$0xFFFFFFA0];
	_ =	sdelay $0x3  }
0x222: {  	[tilespmem:v17+s16+$0x0] =	vst.idx.msk $0xffff, v13  }
0x223: {  	v54 =	vadd.s32 $0x800, v6;
	[tilespmem:v15+s16+$0x0] =	vst.idx.msk $0xffff, v18  }
0x224: {  	v19 =	vor.u32 v54, v3;
	v15 =	vld [tilespmem:s11+$0xFFFFFFB0]  }
0x225: {  	v17 =	vor.u32 v54, v4;
	v20 =	vld [tilespmem:s11+$0xFFFFFFC0];
	_ =	sdelay $0x3  }
0x226: {  	[tilespmem:v19+s16+$0x0] =	vst.idx.msk $0xffff, v15  }
0x227: {  	v55 =	vadd.f32 v7, v8;
	v56 =	vadd.s32 $0xA00, v6;
	[tilespmem:v17+s16+$0x0] =	vst.idx.msk $0xffff, v20  }
0x228: {  	v58 =	vor.u32 v56, v3;
	v5 =	vadd.f32 v9, v5;
	v57 =	vld [tilespmem:s11+$0xFFFFFFD0]  }
0x229: {  	v8 =	vor.u32 v56, v4;
	v7 =	vadd.f32 v11, v55;
	v59 =	vld [tilespmem:s11+$0xFFFFFFE0]  }
0x22a: {  	v5 =	vadd.f32 v12, v5  }
0x22b: {  	v7 =	vadd.f32 v14, v7  }
0x22c: {  	v5 =	vadd.f32 v10, v5  }
0x22d: {  	v7 =	vadd.f32 v16, v7;
	[tilespmem:v58+s16+$0x0] =	vst.idx.msk $0xffff, v57  }
0x22e: {  	v5 =	vadd.f32 v13, v5;
	[tilespmem:v8+s16+$0x0] =	vst.idx.msk $0xffff, v59  }
0x22f: {  	v7 =	vadd.f32 v18, v7;
	v8 =	vld [tilespmem:s11+$0xFFFFFFF0]  }
0x230: {  	v6 =	vadd.s32 $0xC00, v6;
	v5 =	vadd.f32 v15, v5;
	v60 =	vld [tilespmem:s11+$0x0]  }
0x231: {  	v3 =	vor.u32 v6, v3;
	v7 =	vadd.f32 v20, v7  }
0x232: {  	v61 =	vor.u32 v6, v4;
	v5 =	vadd.f32 v57, v5  }
0x233: {  	v62 =	vadd.f32 v59, v7  }
0x234: {  	s30 =	sadd.s32 $0x1, s30;
	v5 =	vadd.f32 v8, v5  }
0x235: {  	s0 =	smul.u32 $0x1C0, s0;
	p1 =	sne.s32 s30, $0x4;
	v6 =	vadd.f32 v60, v62  }
.Ltmp5:
0x236: {  	s1 =	sshll.u32 s1, $0x5;
	[tilespmem:v3+s16+$0x0] =	vst.idx.msk $0xffff, v8;
	v3 =	vmul.f32 $1.999999960e-02, v5;
	(pc) =	sbr.rel @p1 .LBB2_5-.Ltmp5, $4  }
0x237: {  	s1 =	sand.u32 $0x3FFFFFE0, s1;
	[tilespmem:v61+s16+$0x0] =	vst.idx.msk $0xffff, v60;
	v63 =	vmul.f32 $1.999999960e-02, v6  }
0x238: {  	s0 =	sshra.s32 s0, $0x2;
	[tilespmem:s1+$0x1B500] =	vst v3  }
0x239: {  	s0 =	sadd.s32 $0x64E0, s0;
	[tilespmem:s1+$0x1B510] =	vst v63  }
0x23a: {  	[tilespmem:s14], [sflag:$0x2] =	stream.indirect.gather [hbm4b:s3+s10], $0x20, s0, s10, $0xb8;
	[tilespmem:$0x1F500] =	vst v63  }
0x23b: {  	s0 =	sadd.s32 s6, s26  }
0x23c: {  	s0 =	sshll.u32 s0, $0x1  }
0x23d: {  	s0 =	sadd.s32 s4, s0  }
0x23e: {  	[hbm4b:s0+s18] =	stream.strided.scatter [tilespmem:s16], [sflag:$0x3], $0x6400, s19, s18, $0x38;
	[tilespmem:$0x1F500] =	vst v63  }
0x23f: {  	s0 =	simm.s32 @!p0 $0x4  }
0x240: {  	s26 =	sor.u32 $0x1, s26;
	_ =	swait.ge @!p0 [sflag:s0], $0x6400  }
0x241: {  	s28 =	sshll.u32 s26, $0x3;
	[sflag:s0] =	ssyncset.done @!p0 $0x0  }
0x242: {  	s30 =	simm.s32 $0x0;
	s29 =	sor.u32 $0x1, s28;
	[sflag:s0] =	ssyncadd.s32 @!p0 $0xFFFF9C00  }
.LBB2_15:
0x243: {  	s31 =	sshll.u32 s30, $0x1  }
0x244: {  	_ =	swait.ge [sflag:s15], $0xC80;
	s0 =	sor.u32 s28, s31  }
0x245: {  	[sflag:s15] =	ssyncset.done $0x0;
	s1 =	sshll.u32 s0, $0x1  }
0x246: {  	[sflag:s15] =	ssyncadd.s32 $0xFFFFF380;
	s11 =	sand.u32 $0xC, s1  }
0x247: {  	v5 =	vld [tilespmem:$0xD400];
	v3 =	vor.u32 s11, v1  }
0x248: {  	v6 =	vld [tilespmem:$0xD410];
	v4 =	vor.u32 s11, v2;
	_ =	sdelay $0x3  }
0x249: {  	v10 =	vimm.s32 $0x1;
	[tilespmem:v3+s20+$0x0] =	vst.idx.msk $0xffff, v5  }
0x24a: {  	v7 =	vshll.u32 v10, $0x9;
	s11 =	simm.s32 $0xD480;
	[tilespmem:v4+s20+$0x0] =	vst.idx.msk $0xffff, v6  }
0x24b: {  	v9 =	vor.u32 v7, v3;
	v8 =	vld [tilespmem:s11+$0xFFFFFFA0]  }
0x24c: {  	v12 =	vor.u32 v7, v4;
	v11 =	vld [tilespmem:s11+$0xFFFFFFB0];
	_ =	sdelay $0x3  }
0x24d: {  	[tilespmem:v9+s20+$0x0] =	vst.idx.msk $0xffff, v8  }
0x24e: {  	v9 =	vadd.s32 $0x200, v7;
	[tilespmem:v12+s20+$0x0] =	vst.idx.msk $0xffff, v11  }
0x24f: {  	v13 =	vor.u32 v9, v3;
	v12 =	vld [tilespmem:s11+$0xFFFFFFC0]  }
0x250: {  	v9 =	vor.u32 v9, v4;
	v14 =	vld [tilespmem:s11+$0xFFFFFFD0];
	_ =	sdelay $0x3  }
0x251: {  	[tilespmem:v13+s20+$0x0] =	vst.idx.msk $0xffff, v12  }
0x252: {  	v58 =	vadd.s32 $0x400, v7;
	[tilespmem:v9+s20+$0x0] =	vst.idx.msk $0xffff, v14  }
0x253: {  	v15 =	vor.u32 v58, v3;
	v9 =	vld [tilespmem:s11+$0xFFFFFFE0]  }
0x254: {  	v13 =	vor.u32 v58, v4;
	v16 =	vld [tilespmem:s11+$0xFFFFFFF0];
	_ =	sdelay $0x3  }
0x255: {  	[tilespmem:v15+s20+$0x0] =	vst.idx.msk $0xffff, v9  }
0x256: {  	v59 =	vadd.s32 $0x600, v7;
	[tilespmem:v13+s20+$0x0] =	vst.idx.msk $0xffff, v16  }
0x257: {  	v17 =	vor.u32 v59, v3;
	v13 =	vld [tilespmem:s11+$0x0]  }
0x258: {  	v15 =	vor.u32 v59, v4;
	v18 =	vld [tilespmem:s11+$0x10];
	_ =	sdelay $0x3  }
0x259: {  	[tilespmem:v17+s20+$0x0] =	vst.idx.msk $0xffff, v13  }
0x25a: {  	v60 =	vadd.s32 $0x800, v7;
	[tilespmem:v15+s20+$0x0] =	vst.idx.msk $0xffff, v18  }
0x25b: {  	v19 =	vor.u32 v60, v3;
	v15 =	vld [tilespmem:s11+$0x20]  }
0x25c: {  	v17 =	vor.u32 v60, v4;
	v20 =	vld [tilespmem:s11+$0x30];
	_ =	sdelay $0x3  }
0x25d: {  	[tilespmem:v19+s20+$0x0] =	vst.idx.msk $0xffff, v15  }
0x25e: {  	v61 =	vadd.s32 $0xA00, v7;
	[tilespmem:v17+s20+$0x0] =	vst.idx.msk $0xffff, v20  }
0x25f: {  	v62 =	vor.u32 v61, v3;
	v5 =	vadd.f32 v8, v5;
	v8 =	vld [tilespmem:s11+$0x40]  }
0x260: {  	v6 =	vadd.f32 v11, v6;
	v19 =	vor.u32 v61, v4;
	v21 =	vld [tilespmem:s11+$0x50]  }
0x261: {  	v5 =	vadd.f32 v12, v5  }
0x262: {  	v6 =	vadd.f32 v14, v6  }
0x263: {  	v5 =	vadd.f32 v9, v5  }
0x264: {  	v6 =	vadd.f32 v16, v6;
	[tilespmem:v62+s20+$0x0] =	vst.idx.msk $0xffff, v8  }
0x265: {  	v9 =	vadd.s32 $0xC00, v7;
	v5 =	vadd.f32 v13, v5;
	[tilespmem:v19+s20+$0x0] =	vst.idx.msk $0xffff, v21  }
0x266: {  	v63 =	vor.u32 v9, v3;
	v6 =	vadd.f32 v18, v6;
	v11 =	vld [tilespmem:s11+$0x60]  }
0x267: {  	v9 =	vor.u32 v9, v4;
	v5 =	vadd.f32 v15, v5;
	v7 =	vld [tilespmem:s11+$0x70]  }
0x268: {  	v6 =	vadd.f32 v20, v6  }
0x269: {  	v5 =	vadd.f32 v8, v5  }
0x26a: {  	v8 =	vadd.f32 v21, v6  }
0x26b: {  	s13 =	simm.s32 $0x7;
	v6 =	vadd.s32 $0x7, v10;
	[tilespmem:v63+s20+$0x0] =	vst.idx.msk $0xffff, v11;
	v5 =	vadd.f32 v11, v5  }
.LBB2_16:
0x26c: {  	s13 =	sadd.s32 $0x7, s13;
	v10 =	vshll.u32 v6, $0x9;
	[tilespmem:v9+s20+$0x0] =	vst.idx.msk $0xffff, v7;
	v7 =	vadd.f32 v7, v8;
	s11 =	sadd.s32 $0xE0, s11  }
0x26d: {  	p0 =	slt.u32 s13, $0x2A;
	v8 =	vld [tilespmem:s11+$0xFFFFFFA0];
	v9 =	vor.u32 v10, v3;
	v11 =	vadd.s32 $0x200, v10;
	v12 =	vadd.s32 $0x400, v10  }
0x26e: {  	v14 =	vor.u32 v10, v4;
	v15 =	vadd.s32 $0x600, v10;
	v16 =	vadd.s32 $0x800, v10;
	v13 =	vld [tilespmem:s11+$0xFFFFFFB0]  }
0x26f: {  	v17 =	vadd.s32 $0xA00, v10;
	v10 =	vadd.s32 $0xC00, v10;
	_ =	sdelay $0x2  }
0x270: {  	[tilespmem:v9+s20+$0x0] =	vst.idx.msk $0xffff, v8  }
0x271: {  	[tilespmem:v14+s20+$0x0] =	vst.idx.msk $0xffff, v13  }
0x272: {  	v14 =	vor.u32 v11, v3;
	v9 =	vld [tilespmem:s11+$0xFFFFFFC0]  }
0x273: {  	v11 =	vor.u32 v11, v4;
	v18 =	vld [tilespmem:s11+$0xFFFFFFD0];
	_ =	sdelay $0x3  }
0x274: {  	[tilespmem:v14+s20+$0x0] =	vst.idx.msk $0xffff, v9  }
0x275: {  	[tilespmem:v11+s20+$0x0] =	vst.idx.msk $0xffff, v18  }
0x276: {  	v14 =	vor.u32 v12, v3;
	v11 =	vld [tilespmem:s11+$0xFFFFFFE0]  }
0x277: {  	v12 =	vor.u32 v12, v4;
	v19 =	vld [tilespmem:s11+$0xFFFFFFF0];
	_ =	sdelay $0x3  }
0x278: {  	[tilespmem:v14+s20+$0x0] =	vst.idx.msk $0xffff, v11  }
0x279: {  	[tilespmem:v12+s20+$0x0] =	vst.idx.msk $0xffff, v19  }
0x27a: {  	v14 =	vor.u32 v15, v3;
	v12 =	vld [tilespmem:s11+$0x0]  }
0x27b: {  	v15 =	vor.u32 v15, v4;
	v20 =	vld [tilespmem:s11+$0x10];
	_ =	sdelay $0x3  }
0x27c: {  	[tilespmem:v14+s20+$0x0] =	vst.idx.msk $0xffff, v12  }
0x27d: {  	[tilespmem:v15+s20+$0x0] =	vst.idx.msk $0xffff, v20  }
0x27e: {  	v15 =	vor.u32 v16, v3;
	v14 =	vld [tilespmem:s11+$0x20]  }
0x27f: {  	v16 =	vor.u32 v16, v4;
	v21 =	vld [tilespmem:s11+$0x30];
	_ =	sdelay $0x3  }
0x280: {  	[tilespmem:v15+s20+$0x0] =	vst.idx.msk $0xffff, v14  }
0x281: {  	[tilespmem:v16+s20+$0x0] =	vst.idx.msk $0xffff, v21  }
0x282: {  	v5 =	vadd.f32 v8, v5;
	v15 =	vor.u32 v17, v3;
	v8 =	vld [tilespmem:s11+$0x40]  }
0x283: {  	v7 =	vadd.f32 v13, v7;
	v16 =	vor.u32 v17, v4;
	v13 =	vld [tilespmem:s11+$0x50]  }
0x284: {  	v5 =	vadd.f32 v9, v5  }
0x285: {  	v7 =	vadd.f32 v18, v7  }
0x286: {  	v5 =	vadd.f32 v11, v5  }
0x287: {  	v7 =	vadd.f32 v19, v7;
	[tilespmem:v15+s20+$0x0] =	vst.idx.msk $0xffff, v8  }
0x288: {  	v5 =	vadd.f32 v12, v5;
	[tilespmem:v16+s20+$0x0] =	vst.idx.msk $0xffff, v13  }
0x289: {  	v11 =	vadd.f32 v20, v7;
	v15 =	vor.u32 v10, v3;
	v12 =	vld [tilespmem:s11+$0x60]  }
.Ltmp6:
0x28a: {  	v9 =	vor.u32 v10, v4;
	v5 =	vadd.f32 v14, v5;
	v7 =	vld [tilespmem:s11+$0x70];
	(pc) =	sbr.rel @p0 .LBB2_16-.Ltmp6, $4  }
0x28b: {  	v10 =	vadd.f32 v21, v11  }
0x28c: {  	v5 =	vadd.f32 v8, v5  }
0x28d: {  	v8 =	vadd.f32 v13, v10  }
0x28e: {  	v6 =	vadd.s32 $0x7, v6;
	[tilespmem:v15+s20+$0x0] =	vst.idx.msk $0xffff, v12;
	v5 =	vadd.f32 v12, v5  }
0x28f: {  	_ =	sdelay $0x3  }
0x290: {  	v6 =	vshll.u32 v6, $0x9;
	[tilespmem:v9+s20+$0x0] =	vst.idx.msk $0xffff, v7;
	s11 =	sadd.s32 $0xE0, s11  }
0x291: {  	v9 =	vld [tilespmem:s11+$0xFFFFFFA0];
	v10 =	vor.u32 v6, v3  }
0x292: {  	v11 =	vld [tilespmem:s11+$0xFFFFFFB0];
	v12 =	vor.u32 v6, v4;
	_ =	sdelay $0x3  }
0x293: {  	[tilespmem:v10+s20+$0x0] =	vst.idx.msk $0xffff, v9  }
0x294: {  	v10 =	vadd.s32 $0x200, v6;
	[tilespmem:v12+s20+$0x0] =	vst.idx.msk $0xffff, v11  }
0x295: {  	v13 =	vor.u32 v10, v3;
	v12 =	vld [tilespmem:s11+$0xFFFFFFC0]  }
0x296: {  	v10 =	vor.u32 v10, v4;
	v14 =	vld [tilespmem:s11+$0xFFFFFFD0];
	_ =	sdelay $0x3  }
0x297: {  	[tilespmem:v13+s20+$0x0] =	vst.idx.msk $0xffff, v12  }
0x298: {  	v45 =	vadd.s32 $0x400, v6;
	[tilespmem:v10+s20+$0x0] =	vst.idx.msk $0xffff, v14  }
0x299: {  	v15 =	vor.u32 v45, v3;
	v10 =	vld [tilespmem:s11+$0xFFFFFFE0]  }
0x29a: {  	v13 =	vor.u32 v45, v4;
	v16 =	vld [tilespmem:s11+$0xFFFFFFF0];
	_ =	sdelay $0x3  }
0x29b: {  	[tilespmem:v15+s20+$0x0] =	vst.idx.msk $0xffff, v10  }
0x29c: {  	v46 =	vadd.s32 $0x600, v6;
	[tilespmem:v13+s20+$0x0] =	vst.idx.msk $0xffff, v16  }
0x29d: {  	v17 =	vor.u32 v46, v3;
	v13 =	vld [tilespmem:s11+$0x0]  }
0x29e: {  	v15 =	vor.u32 v46, v4;
	v18 =	vld [tilespmem:s11+$0x10];
	_ =	sdelay $0x3  }
0x29f: {  	[tilespmem:v17+s20+$0x0] =	vst.idx.msk $0xffff, v13  }
0x2a0: {  	v47 =	vadd.s32 $0x800, v6;
	[tilespmem:v15+s20+$0x0] =	vst.idx.msk $0xffff, v18  }
0x2a1: {  	v19 =	vor.u32 v47, v3;
	v15 =	vld [tilespmem:s11+$0x20]  }
0x2a2: {  	v17 =	vor.u32 v47, v4;
	v20 =	vld [tilespmem:s11+$0x30];
	_ =	sdelay $0x3  }
0x2a3: {  	[tilespmem:v19+s20+$0x0] =	vst.idx.msk $0xffff, v15  }
0x2a4: {  	v7 =	vadd.f32 v7, v8;
	v8 =	vadd.s32 $0xA00, v6;
	[tilespmem:v17+s20+$0x0] =	vst.idx.msk $0xffff, v20  }
0x2a5: {  	v48 =	vor.u32 v8, v3;
	v5 =	vadd.f32 v9, v5;
	v9 =	vld [tilespmem:s11+$0x40]  }
0x2a6: {  	v8 =	vor.u32 v8, v4;
	v7 =	vadd.f32 v11, v7;
	v11 =	vld [tilespmem:s11+$0x50]  }
0x2a7: {  	v5 =	vadd.f32 v12, v5  }
0x2a8: {  	v7 =	vadd.f32 v14, v7  }
0x2a9: {  	v5 =	vadd.f32 v10, v5  }
0x2aa: {  	v7 =	vadd.f32 v16, v7;
	[tilespmem:v48+s20+$0x0] =	vst.idx.msk $0xffff, v9  }
0x2ab: {  	v5 =	vadd.f32 v13, v5;
	[tilespmem:v8+s20+$0x0] =	vst.idx.msk $0xffff, v11  }
0x2ac: {  	v7 =	vadd.f32 v18, v7;
	v8 =	vld [tilespmem:s11+$0x60]  }
0x2ad: {  	v6 =	vadd.s32 $0xC00, v6;
	v5 =	vadd.f32 v15, v5;
	v10 =	vld [tilespmem:s11+$0x70]  }
0x2ae: {  	v3 =	vor.u32 v6, v3;
	v7 =	vadd.f32 v20, v7  }
0x2af: {  	v4 =	vor.u32 v6, v4;
	v5 =	vadd.f32 v9, v5  }
0x2b0: {  	v6 =	vadd.f32 v11, v7  }
0x2b1: {  	v5 =	vadd.f32 v8, v5  }
0x2b2: {  	v6 =	vadd.f32 v10, v6  }
0x2b3: {  	s13 =	sshll.u32 s0, $0x6;
	[tilespmem:v3+s20+$0x0] =	vst.idx.msk $0xffff, v8;
	v3 =	vmul.f32 $1.999999960e-02, v5  }
0x2b4: {  	s11 =	sand.u32 $0x3FFFFFC0, s13;
	[tilespmem:v4+s20+$0x0] =	vst.idx.msk $0xffff, v10;
	v4 =	vmul.f32 $1.999999960e-02, v6  }
0x2b5: {  	s1 =	sor.u32 $0x1, s1;
	[tilespmem:s11+$0x1B500] =	vst v3  }
0x2b6: {  	s13 =	sand.u32 $0xD, s1;
	[tilespmem:s11+$0x1B510] =	vst v4  }
0x2b7: {  	v3 =	vor.u32 s13, v1;
	v5 =	vld [tilespmem:$0xDA40]  }
0x2b8: {  	v4 =	vor.u32 s13, v2;
	v6 =	vld [tilespmem:$0xDA50];
	_ =	sdelay $0x3  }
0x2b9: {  	v10 =	vimm.s32 $0x1;
	[tilespmem:v3+s20+$0x0] =	vst.idx.msk $0xffff, v5  }
0x2ba: {  	v7 =	vshll.u32 v10, $0x9;
	s11 =	simm.s32 $0xDB30;
	[tilespmem:v4+s20+$0x0] =	vst.idx.msk $0xffff, v6  }
0x2bb: {  	v9 =	vor.u32 v7, v3;
	v8 =	vld [tilespmem:s11+$0xFFFFFF30]  }
0x2bc: {  	v49 =	vor.u32 v7, v4;
	v11 =	vld [tilespmem:s11+$0xFFFFFF40];
	_ =	sdelay $0x3  }
0x2bd: {  	[tilespmem:v9+s20+$0x0] =	vst.idx.msk $0xffff, v8  }
0x2be: {  	v9 =	vadd.s32 $0x200, v7;
	[tilespmem:v49+s20+$0x0] =	vst.idx.msk $0xffff, v11  }
0x2bf: {  	v50 =	vor.u32 v9, v3;
	v12 =	vld [tilespmem:s11+$0xFFFFFF50]  }
0x2c0: {  	v9 =	vor.u32 v9, v4;
	v51 =	vld [tilespmem:s11+$0xFFFFFF60];
	_ =	sdelay $0x3  }
0x2c1: {  	[tilespmem:v50+s20+$0x0] =	vst.idx.msk $0xffff, v12  }
0x2c2: {  	v52 =	vadd.s32 $0x400, v7;
	[tilespmem:v9+s20+$0x0] =	vst.idx.msk $0xffff, v51  }
0x2c3: {  	v53 =	vor.u32 v52, v3;
	v9 =	vld [tilespmem:s11+$0xFFFFFF70]  }
0x2c4: {  	v13 =	vor.u32 v52, v4;
	v54 =	vld [tilespmem:s11+$0xFFFFFF80];
	_ =	sdelay $0x3  }
0x2c5: {  	[tilespmem:v53+s20+$0x0] =	vst.idx.msk $0xffff, v9  }
0x2c6: {  	v55 =	vadd.s32 $0x600, v7;
	[tilespmem:v13+s20+$0x0] =	vst.idx.msk $0xffff, v54  }
0x2c7: {  	v56 =	vor.u32 v55, v3;
	v13 =	vld [tilespmem:s11+$0xFFFFFF90]  }
0x2c8: {  	v15 =	vor.u32 v55, v4;
	v57 =	vld [tilespmem:s11+$0xFFFFFFA0];
	_ =	sdelay $0x3  }
0x2c9: {  	[tilespmem:v56+s20+$0x0] =	vst.idx.msk $0xffff, v13  }
0x2ca: {  	v58 =	vadd.s32 $0x800, v7;
	[tilespmem:v15+s20+$0x0] =	vst.idx.msk $0xffff, v57  }
0x2cb: {  	v59 =	vor.u32 v58, v3;
	v15 =	vld [tilespmem:s11+$0xFFFFFFB0]  }
0x2cc: {  	v17 =	vor.u32 v58, v4;
	v60 =	vld [tilespmem:s11+$0xFFFFFFC0];
	_ =	sdelay $0x3  }
0x2cd: {  	[tilespmem:v59+s20+$0x0] =	vst.idx.msk $0xffff, v15  }
0x2ce: {  	v61 =	vadd.s32 $0xA00, v7;
	[tilespmem:v17+s20+$0x0] =	vst.idx.msk $0xffff, v60  }
0x2cf: {  	v62 =	vor.u32 v61, v3;
	v5 =	vadd.f32 v8, v5;
	v8 =	vld [tilespmem:s11+$0xFFFFFFD0]  }
0x2d0: {  	v19 =	vor.u32 v61, v4;
	v6 =	vadd.f32 v11, v6;
	v21 =	vld [tilespmem:s11+$0xFFFFFFE0]  }
0x2d1: {  	v5 =	vadd.f32 v12, v5  }
0x2d2: {  	v6 =	vadd.f32 v51, v6  }
0x2d3: {  	v5 =	vadd.f32 v9, v5  }
0x2d4: {  	v6 =	vadd.f32 v54, v6;
	[tilespmem:v62+s20+$0x0] =	vst.idx.msk $0xffff, v8  }
0x2d5: {  	v9 =	vadd.s32 $0xC00, v7;
	v5 =	vadd.f32 v13, v5;
	[tilespmem:v19+s20+$0x0] =	vst.idx.msk $0xffff, v21  }
0x2d6: {  	v63 =	vor.u32 v9, v3;
	v6 =	vadd.f32 v57, v6;
	v11 =	vld [tilespmem:s11+$0xFFFFFFF0]  }
0x2d7: {  	v9 =	vor.u32 v9, v4;
	v5 =	vadd.f32 v15, v5;
	v7 =	vld [tilespmem:s11+$0x0]  }
0x2d8: {  	v6 =	vadd.f32 v60, v6  }
0x2d9: {  	v5 =	vadd.f32 v8, v5  }
0x2da: {  	v8 =	vadd.f32 v21, v6  }
0x2db: {  	s13 =	simm.s32 $0x7;
	v6 =	vadd.s32 $0x7, v10;
	[tilespmem:v63+s20+$0x0] =	vst.idx.msk $0xffff, v11;
	v5 =	vadd.f32 v11, v5  }
.LBB2_18:
0x2dc: {  	s13 =	sadd.s32 $0x7, s13;
	v10 =	vshll.u32 v6, $0x9;
	[tilespmem:v9+s20+$0x0] =	vst.idx.msk $0xffff, v7;
	v7 =	vadd.f32 v7, v8;
	s11 =	sadd.s32 $0xE0, s11  }
0x2dd: {  	p0 =	slt.u32 s13, $0x2A;
	v8 =	vld [tilespmem:s11+$0xFFFFFF30];
	v9 =	vor.u32 v10, v3;
	v11 =	vadd.s32 $0x200, v10;
	v12 =	vadd.s32 $0x400, v10  }
0x2de: {  	v14 =	vor.u32 v10, v4;
	v15 =	vadd.s32 $0x600, v10;
	v16 =	vadd.s32 $0x800, v10;
	v13 =	vld [tilespmem:s11+$0xFFFFFF40]  }
0x2df: {  	v17 =	vadd.s32 $0xA00, v10;
	v10 =	vadd.s32 $0xC00, v10;
	_ =	sdelay $0x2  }
0x2e0: {  	[tilespmem:v9+s20+$0x0] =	vst.idx.msk $0xffff, v8  }
0x2e1: {  	[tilespmem:v14+s20+$0x0] =	vst.idx.msk $0xffff, v13  }
0x2e2: {  	v14 =	vor.u32 v11, v3;
	v9 =	vld [tilespmem:s11+$0xFFFFFF50]  }
0x2e3: {  	v11 =	vor.u32 v11, v4;
	v18 =	vld [tilespmem:s11+$0xFFFFFF60];
	_ =	sdelay $0x3  }
0x2e4: {  	[tilespmem:v14+s20+$0x0] =	vst.idx.msk $0xffff, v9  }
0x2e5: {  	[tilespmem:v11+s20+$0x0] =	vst.idx.msk $0xffff, v18  }
0x2e6: {  	v14 =	vor.u32 v12, v3;
	v11 =	vld [tilespmem:s11+$0xFFFFFF70]  }
0x2e7: {  	v12 =	vor.u32 v12, v4;
	v19 =	vld [tilespmem:s11+$0xFFFFFF80];
	_ =	sdelay $0x3  }
0x2e8: {  	[tilespmem:v14+s20+$0x0] =	vst.idx.msk $0xffff, v11  }
0x2e9: {  	[tilespmem:v12+s20+$0x0] =	vst.idx.msk $0xffff, v19  }
0x2ea: {  	v14 =	vor.u32 v15, v3;
	v12 =	vld [tilespmem:s11+$0xFFFFFF90]  }
0x2eb: {  	v15 =	vor.u32 v15, v4;
	v20 =	vld [tilespmem:s11+$0xFFFFFFA0];
	_ =	sdelay $0x3  }
0x2ec: {  	[tilespmem:v14+s20+$0x0] =	vst.idx.msk $0xffff, v12  }
0x2ed: {  	[tilespmem:v15+s20+$0x0] =	vst.idx.msk $0xffff, v20  }
0x2ee: {  	v15 =	vor.u32 v16, v3;
	v14 =	vld [tilespmem:s11+$0xFFFFFFB0]  }
0x2ef: {  	v16 =	vor.u32 v16, v4;
	v21 =	vld [tilespmem:s11+$0xFFFFFFC0];
	_ =	sdelay $0x3  }
0x2f0: {  	[tilespmem:v15+s20+$0x0] =	vst.idx.msk $0xffff, v14  }
0x2f1: {  	[tilespmem:v16+s20+$0x0] =	vst.idx.msk $0xffff, v21  }
0x2f2: {  	v5 =	vadd.f32 v8, v5;
	v15 =	vor.u32 v17, v3;
	v8 =	vld [tilespmem:s11+$0xFFFFFFD0]  }
0x2f3: {  	v7 =	vadd.f32 v13, v7;
	v16 =	vor.u32 v17, v4;
	v13 =	vld [tilespmem:s11+$0xFFFFFFE0]  }
0x2f4: {  	v5 =	vadd.f32 v9, v5  }
0x2f5: {  	v7 =	vadd.f32 v18, v7  }
0x2f6: {  	v5 =	vadd.f32 v11, v5  }
0x2f7: {  	v7 =	vadd.f32 v19, v7;
	[tilespmem:v15+s20+$0x0] =	vst.idx.msk $0xffff, v8  }
0x2f8: {  	v5 =	vadd.f32 v12, v5;
	[tilespmem:v16+s20+$0x0] =	vst.idx.msk $0xffff, v13  }
0x2f9: {  	v11 =	vadd.f32 v20, v7;
	v15 =	vor.u32 v10, v3;
	v12 =	vld [tilespmem:s11+$0xFFFFFFF0]  }
.Ltmp7:
0x2fa: {  	v9 =	vor.u32 v10, v4;
	v5 =	vadd.f32 v14, v5;
	v7 =	vld [tilespmem:s11+$0x0];
	(pc) =	sbr.rel @p0 .LBB2_18-.Ltmp7, $4  }
0x2fb: {  	v10 =	vadd.f32 v21, v11  }
0x2fc: {  	v5 =	vadd.f32 v8, v5  }
0x2fd: {  	v8 =	vadd.f32 v13, v10  }
0x2fe: {  	v6 =	vadd.s32 $0x7, v6;
	[tilespmem:v15+s20+$0x0] =	vst.idx.msk $0xffff, v12;
	v5 =	vadd.f32 v12, v5  }
0x2ff: {  	_ =	sdelay $0x3  }
0x300: {  	v6 =	vshll.u32 v6, $0x9;
	[tilespmem:v9+s20+$0x0] =	vst.idx.msk $0xffff, v7;
	s11 =	sadd.s32 $0xE0, s11  }
0x301: {  	v9 =	vld [tilespmem:s11+$0xFFFFFF30];
	v10 =	vor.u32 v6, v3  }
0x302: {  	v11 =	vld [tilespmem:s11+$0xFFFFFF40];
	v12 =	vor.u32 v6, v4;
	_ =	sdelay $0x3  }
0x303: {  	[tilespmem:v10+s20+$0x0] =	vst.idx.msk $0xffff, v9  }
0x304: {  	v10 =	vadd.s32 $0x200, v6;
	[tilespmem:v12+s20+$0x0] =	vst.idx.msk $0xffff, v11  }
0x305: {  	v13 =	vor.u32 v10, v3;
	v12 =	vld [tilespmem:s11+$0xFFFFFF50]  }
0x306: {  	v10 =	vor.u32 v10, v4;
	v14 =	vld [tilespmem:s11+$0xFFFFFF60];
	_ =	sdelay $0x3  }
0x307: {  	[tilespmem:v13+s20+$0x0] =	vst.idx.msk $0xffff, v12  }
0x308: {  	v45 =	vadd.s32 $0x400, v6;
	[tilespmem:v10+s20+$0x0] =	vst.idx.msk $0xffff, v14  }
0x309: {  	v15 =	vor.u32 v45, v3;
	v10 =	vld [tilespmem:s11+$0xFFFFFF70]  }
0x30a: {  	v13 =	vor.u32 v45, v4;
	v16 =	vld [tilespmem:s11+$0xFFFFFF80];
	_ =	sdelay $0x3  }
0x30b: {  	[tilespmem:v15+s20+$0x0] =	vst.idx.msk $0xffff, v10  }
0x30c: {  	v46 =	vadd.s32 $0x600, v6;
	[tilespmem:v13+s20+$0x0] =	vst.idx.msk $0xffff, v16  }
0x30d: {  	v17 =	vor.u32 v46, v3;
	v13 =	vld [tilespmem:s11+$0xFFFFFF90]  }
0x30e: {  	v15 =	vor.u32 v46, v4;
	v18 =	vld [tilespmem:s11+$0xFFFFFFA0];
	_ =	sdelay $0x3  }
0x30f: {  	[tilespmem:v17+s20+$0x0] =	vst.idx.msk $0xffff, v13  }
0x310: {  	v47 =	vadd.s32 $0x800, v6;
	[tilespmem:v15+s20+$0x0] =	vst.idx.msk $0xffff, v18  }
0x311: {  	v19 =	vor.u32 v47, v3;
	v15 =	vld [tilespmem:s11+$0xFFFFFFB0]  }
0x312: {  	v17 =	vor.u32 v47, v4;
	v20 =	vld [tilespmem:s11+$0xFFFFFFC0];
	_ =	sdelay $0x3  }
0x313: {  	[tilespmem:v19+s20+$0x0] =	vst.idx.msk $0xffff, v15  }
0x314: {  	v7 =	vadd.f32 v7, v8;
	v8 =	vadd.s32 $0xA00, v6;
	[tilespmem:v17+s20+$0x0] =	vst.idx.msk $0xffff, v20  }
0x315: {  	v48 =	vor.u32 v8, v3;
	v5 =	vadd.f32 v9, v5;
	v9 =	vld [tilespmem:s11+$0xFFFFFFD0]  }
0x316: {  	v8 =	vor.u32 v8, v4;
	v7 =	vadd.f32 v11, v7;
	v11 =	vld [tilespmem:s11+$0xFFFFFFE0]  }
0x317: {  	v5 =	vadd.f32 v12, v5  }
0x318: {  	v7 =	vadd.f32 v14, v7  }
0x319: {  	v5 =	vadd.f32 v10, v5  }
0x31a: {  	v7 =	vadd.f32 v16, v7;
	[tilespmem:v48+s20+$0x0] =	vst.idx.msk $0xffff, v9  }
0x31b: {  	v5 =	vadd.f32 v13, v5;
	[tilespmem:v8+s20+$0x0] =	vst.idx.msk $0xffff, v11  }
0x31c: {  	v7 =	vadd.f32 v18, v7;
	v8 =	vld [tilespmem:s11+$0xFFFFFFF0]  }
0x31d: {  	v6 =	vadd.s32 $0xC00, v6;
	v5 =	vadd.f32 v15, v5;
	v10 =	vld [tilespmem:s11+$0x0]  }
0x31e: {  	v3 =	vor.u32 v6, v3;
	v7 =	vadd.f32 v20, v7  }
0x31f: {  	v4 =	vor.u32 v6, v4;
	v5 =	vadd.f32 v9, v5  }
0x320: {  	v6 =	vadd.f32 v11, v7  }
0x321: {  	v5 =	vadd.f32 v8, v5  }
0x322: {  	p0 =	sgt.u32 s0, $0xFD;
	v6 =	vadd.f32 v10, v6  }
0x323: {  	s1 =	sshll.u32 s1, $0x7;
	s0 =	smul.u32 @!p0 $0x1C0, s0;
	[tilespmem:v3+s20+$0x0] =	vst.idx.msk $0xffff, v8;
	v3 =	vmul.f32 $1.999999960e-02, v5  }
0x324: {  	s1 =	sshra.s32 s1, $0x2;
	[tilespmem:v4+s20+$0x0] =	vst.idx.msk $0xffff, v10;
	v4 =	vmul.f32 $1.999999960e-02, v6  }
0x325: {  	s0 =	sshra.s32 @!p0 s0, $0x2;
	[tilespmem:s1+$0x1B500] =	vst v3  }
0x326: {  	s0 =	sadd.s32 @!p0 $0x64E0, s0;
	s11 =	simm.s32 @!p0 $0xD400;
	[tilespmem:s1+$0x1B510] =	vst v4;
	s1 =	simm.s32 @!p0 $0x64  }
0x327: {  	[tilespmem:s11], [sflag:$0x1] =	stream.indirect.gather @!p0 [hbm4b:s3+s1], $0x20, s0, s1, $0xb8;
	[tilespmem:$0x1F500] =	vst v63  }
0x328: {  	s0 =	sor.u32 s29, s31;
	_ =	swait.ge [sflag:s17], $0xC80  }
0x329: {  	s1 =	sshll.u32 s0, $0x1;
	[sflag:s17] =	ssyncset.done $0x0  }
0x32a: {  	s31 =	sand.u32 $0xE, s1;
	[sflag:s17] =	ssyncadd.s32 $0xFFFFF380  }
0x32b: {  	v3 =	vor.u32 s31, v1;
	v5 =	vld [tilespmem:$0xE080]  }
0x32c: {  	v4 =	vor.u32 s31, v2;
	v6 =	vld [tilespmem:$0xE090];
	_ =	sdelay $0x3  }
0x32d: {  	v10 =	vimm.s32 $0x1;
	[tilespmem:v3+s20+$0x0] =	vst.idx.msk $0xffff, v5  }
0x32e: {  	v7 =	vshll.u32 v10, $0x9;
	s11 =	simm.s32 $0xE170;
	[tilespmem:v4+s20+$0x0] =	vst.idx.msk $0xffff, v6  }
0x32f: {  	v9 =	vor.u32 v7, v3;
	v8 =	vld [tilespmem:s11+$0xFFFFFF30]  }
0x330: {  	v49 =	vor.u32 v7, v4;
	v11 =	vld [tilespmem:s11+$0xFFFFFF40];
	_ =	sdelay $0x3  }
0x331: {  	[tilespmem:v9+s20+$0x0] =	vst.idx.msk $0xffff, v8  }
0x332: {  	v9 =	vadd.s32 $0x200, v7;
	[tilespmem:v49+s20+$0x0] =	vst.idx.msk $0xffff, v11  }
0x333: {  	v50 =	vor.u32 v9, v3;
	v12 =	vld [tilespmem:s11+$0xFFFFFF50]  }
0x334: {  	v9 =	vor.u32 v9, v4;
	v51 =	vld [tilespmem:s11+$0xFFFFFF60];
	_ =	sdelay $0x3  }
0x335: {  	[tilespmem:v50+s20+$0x0] =	vst.idx.msk $0xffff, v12  }
0x336: {  	v52 =	vadd.s32 $0x400, v7;
	[tilespmem:v9+s20+$0x0] =	vst.idx.msk $0xffff, v51  }
0x337: {  	v53 =	vor.u32 v52, v3;
	v9 =	vld [tilespmem:s11+$0xFFFFFF70]  }
0x338: {  	v13 =	vor.u32 v52, v4;
	v54 =	vld [tilespmem:s11+$0xFFFFFF80];
	_ =	sdelay $0x3  }
0x339: {  	[tilespmem:v53+s20+$0x0] =	vst.idx.msk $0xffff, v9  }
0x33a: {  	v55 =	vadd.s32 $0x600, v7;
	[tilespmem:v13+s20+$0x0] =	vst.idx.msk $0xffff, v54  }
0x33b: {  	v56 =	vor.u32 v55, v3;
	v13 =	vld [tilespmem:s11+$0xFFFFFF90]  }
0x33c: {  	v15 =	vor.u32 v55, v4;
	v57 =	vld [tilespmem:s11+$0xFFFFFFA0];
	_ =	sdelay $0x3  }
0x33d: {  	[tilespmem:v56+s20+$0x0] =	vst.idx.msk $0xffff, v13  }
0x33e: {  	v58 =	vadd.s32 $0x800, v7;
	[tilespmem:v15+s20+$0x0] =	vst.idx.msk $0xffff, v57  }
0x33f: {  	v59 =	vor.u32 v58, v3;
	v15 =	vld [tilespmem:s11+$0xFFFFFFB0]  }
0x340: {  	v17 =	vor.u32 v58, v4;
	v60 =	vld [tilespmem:s11+$0xFFFFFFC0];
	_ =	sdelay $0x3  }
0x341: {  	[tilespmem:v59+s20+$0x0] =	vst.idx.msk $0xffff, v15  }
0x342: {  	v61 =	vadd.s32 $0xA00, v7;
	[tilespmem:v17+s20+$0x0] =	vst.idx.msk $0xffff, v60  }
0x343: {  	v62 =	vor.u32 v61, v3;
	v5 =	vadd.f32 v8, v5;
	v8 =	vld [tilespmem:s11+$0xFFFFFFD0]  }
0x344: {  	v19 =	vor.u32 v61, v4;
	v6 =	vadd.f32 v11, v6;
	v21 =	vld [tilespmem:s11+$0xFFFFFFE0]  }
0x345: {  	v5 =	vadd.f32 v12, v5  }
0x346: {  	v6 =	vadd.f32 v51, v6  }
0x347: {  	v5 =	vadd.f32 v9, v5  }
0x348: {  	v6 =	vadd.f32 v54, v6;
	[tilespmem:v62+s20+$0x0] =	vst.idx.msk $0xffff, v8  }
0x349: {  	v9 =	vadd.s32 $0xC00, v7;
	v5 =	vadd.f32 v13, v5;
	[tilespmem:v19+s20+$0x0] =	vst.idx.msk $0xffff, v21  }
0x34a: {  	v63 =	vor.u32 v9, v3;
	v6 =	vadd.f32 v57, v6;
	v11 =	vld [tilespmem:s11+$0xFFFFFFF0]  }
0x34b: {  	v9 =	vor.u32 v9, v4;
	v5 =	vadd.f32 v15, v5;
	v7 =	vld [tilespmem:s11+$0x0]  }
0x34c: {  	v6 =	vadd.f32 v60, v6  }
0x34d: {  	v5 =	vadd.f32 v8, v5  }
0x34e: {  	v8 =	vadd.f32 v21, v6  }
0x34f: {  	s13 =	simm.s32 $0x7;
	v6 =	vadd.s32 $0x7, v10;
	[tilespmem:v63+s20+$0x0] =	vst.idx.msk $0xffff, v11;
	v5 =	vadd.f32 v11, v5  }
.LBB2_20:
0x350: {  	s13 =	sadd.s32 $0x7, s13;
	v10 =	vshll.u32 v6, $0x9;
	[tilespmem:v9+s20+$0x0] =	vst.idx.msk $0xffff, v7;
	v7 =	vadd.f32 v7, v8;
	s11 =	sadd.s32 $0xE0, s11  }
0x351: {  	p0 =	slt.u32 s13, $0x2A;
	v8 =	vld [tilespmem:s11+$0xFFFFFF30];
	v9 =	vor.u32 v10, v3;
	v11 =	vadd.s32 $0x200, v10;
	v12 =	vadd.s32 $0x400, v10  }
0x352: {  	v14 =	vor.u32 v10, v4;
	v15 =	vadd.s32 $0x600, v10;
	v16 =	vadd.s32 $0x800, v10;
	v13 =	vld [tilespmem:s11+$0xFFFFFF40]  }
0x353: {  	v17 =	vadd.s32 $0xA00, v10;
	v10 =	vadd.s32 $0xC00, v10;
	_ =	sdelay $0x2  }
0x354: {  	[tilespmem:v9+s20+$0x0] =	vst.idx.msk $0xffff, v8  }
0x355: {  	[tilespmem:v14+s20+$0x0] =	vst.idx.msk $0xffff, v13  }
0x356: {  	v14 =	vor.u32 v11, v3;
	v9 =	vld [tilespmem:s11+$0xFFFFFF50]  }
0x357: {  	v11 =	vor.u32 v11, v4;
	v18 =	vld [tilespmem:s11+$0xFFFFFF60];
	_ =	sdelay $0x3  }
0x358: {  	[tilespmem:v14+s20+$0x0] =	vst.idx.msk $0xffff, v9  }
0x359: {  	[tilespmem:v11+s20+$0x0] =	vst.idx.msk $0xffff, v18  }
0x35a: {  	v14 =	vor.u32 v12, v3;
	v11 =	vld [tilespmem:s11+$0xFFFFFF70]  }
0x35b: {  	v12 =	vor.u32 v12, v4;
	v19 =	vld [tilespmem:s11+$0xFFFFFF80];
	_ =	sdelay $0x3  }
0x35c: {  	[tilespmem:v14+s20+$0x0] =	vst.idx.msk $0xffff, v11  }
0x35d: {  	[tilespmem:v12+s20+$0x0] =	vst.idx.msk $0xffff, v19  }
0x35e: {  	v14 =	vor.u32 v15, v3;
	v12 =	vld [tilespmem:s11+$0xFFFFFF90]  }
0x35f: {  	v15 =	vor.u32 v15, v4;
	v20 =	vld [tilespmem:s11+$0xFFFFFFA0];
	_ =	sdelay $0x3  }
0x360: {  	[tilespmem:v14+s20+$0x0] =	vst.idx.msk $0xffff, v12  }
0x361: {  	[tilespmem:v15+s20+$0x0] =	vst.idx.msk $0xffff, v20  }
0x362: {  	v15 =	vor.u32 v16, v3;
	v14 =	vld [tilespmem:s11+$0xFFFFFFB0]  }
0x363: {  	v16 =	vor.u32 v16, v4;
	v21 =	vld [tilespmem:s11+$0xFFFFFFC0];
	_ =	sdelay $0x3  }
0x364: {  	[tilespmem:v15+s20+$0x0] =	vst.idx.msk $0xffff, v14  }
0x365: {  	[tilespmem:v16+s20+$0x0] =	vst.idx.msk $0xffff, v21  }
0x366: {  	v5 =	vadd.f32 v8, v5;
	v15 =	vor.u32 v17, v3;
	v8 =	vld [tilespmem:s11+$0xFFFFFFD0]  }
0x367: {  	v7 =	vadd.f32 v13, v7;
	v16 =	vor.u32 v17, v4;
	v13 =	vld [tilespmem:s11+$0xFFFFFFE0]  }
0x368: {  	v5 =	vadd.f32 v9, v5  }
0x369: {  	v7 =	vadd.f32 v18, v7  }
0x36a: {  	v5 =	vadd.f32 v11, v5  }
0x36b: {  	v7 =	vadd.f32 v19, v7;
	[tilespmem:v15+s20+$0x0] =	vst.idx.msk $0xffff, v8  }
0x36c: {  	v5 =	vadd.f32 v12, v5;
	[tilespmem:v16+s20+$0x0] =	vst.idx.msk $0xffff, v13  }
0x36d: {  	v11 =	vadd.f32 v20, v7;
	v15 =	vor.u32 v10, v3;
	v12 =	vld [tilespmem:s11+$0xFFFFFFF0]  }
.Ltmp8:
0x36e: {  	v9 =	vor.u32 v10, v4;
	v5 =	vadd.f32 v14, v5;
	v7 =	vld [tilespmem:s11+$0x0];
	(pc) =	sbr.rel @p0 .LBB2_20-.Ltmp8, $4  }
0x36f: {  	v10 =	vadd.f32 v21, v11  }
0x370: {  	v5 =	vadd.f32 v8, v5  }
0x371: {  	v8 =	vadd.f32 v13, v10  }
0x372: {  	v6 =	vadd.s32 $0x7, v6;
	[tilespmem:v15+s20+$0x0] =	vst.idx.msk $0xffff, v12;
	v5 =	vadd.f32 v12, v5  }
0x373: {  	_ =	sdelay $0x3  }
0x374: {  	v6 =	vshll.u32 v6, $0x9;
	[tilespmem:v9+s20+$0x0] =	vst.idx.msk $0xffff, v7;
	s11 =	sadd.s32 $0xE0, s11  }
0x375: {  	v9 =	vld [tilespmem:s11+$0xFFFFFF30];
	v10 =	vor.u32 v6, v3  }
0x376: {  	v11 =	vld [tilespmem:s11+$0xFFFFFF40];
	v12 =	vor.u32 v6, v4;
	_ =	sdelay $0x3  }
0x377: {  	[tilespmem:v10+s20+$0x0] =	vst.idx.msk $0xffff, v9  }
0x378: {  	v10 =	vadd.s32 $0x200, v6;
	[tilespmem:v12+s20+$0x0] =	vst.idx.msk $0xffff, v11  }
0x379: {  	v13 =	vor.u32 v10, v3;
	v12 =	vld [tilespmem:s11+$0xFFFFFF50]  }
0x37a: {  	v10 =	vor.u32 v10, v4;
	v14 =	vld [tilespmem:s11+$0xFFFFFF60];
	_ =	sdelay $0x3  }
0x37b: {  	[tilespmem:v13+s20+$0x0] =	vst.idx.msk $0xffff, v12  }
0x37c: {  	v45 =	vadd.s32 $0x400, v6;
	[tilespmem:v10+s20+$0x0] =	vst.idx.msk $0xffff, v14  }
0x37d: {  	v15 =	vor.u32 v45, v3;
	v10 =	vld [tilespmem:s11+$0xFFFFFF70]  }
0x37e: {  	v13 =	vor.u32 v45, v4;
	v16 =	vld [tilespmem:s11+$0xFFFFFF80];
	_ =	sdelay $0x3  }
0x37f: {  	[tilespmem:v15+s20+$0x0] =	vst.idx.msk $0xffff, v10  }
0x380: {  	v46 =	vadd.s32 $0x600, v6;
	[tilespmem:v13+s20+$0x0] =	vst.idx.msk $0xffff, v16  }
0x381: {  	v17 =	vor.u32 v46, v3;
	v13 =	vld [tilespmem:s11+$0xFFFFFF90]  }
0x382: {  	v15 =	vor.u32 v46, v4;
	v18 =	vld [tilespmem:s11+$0xFFFFFFA0];
	_ =	sdelay $0x3  }
0x383: {  	[tilespmem:v17+s20+$0x0] =	vst.idx.msk $0xffff, v13  }
0x384: {  	v47 =	vadd.s32 $0x800, v6;
	[tilespmem:v15+s20+$0x0] =	vst.idx.msk $0xffff, v18  }
0x385: {  	v19 =	vor.u32 v47, v3;
	v15 =	vld [tilespmem:s11+$0xFFFFFFB0]  }
0x386: {  	v17 =	vor.u32 v47, v4;
	v20 =	vld [tilespmem:s11+$0xFFFFFFC0];
	_ =	sdelay $0x3  }
0x387: {  	[tilespmem:v19+s20+$0x0] =	vst.idx.msk $0xffff, v15  }
0x388: {  	v7 =	vadd.f32 v7, v8;
	v8 =	vadd.s32 $0xA00, v6;
	[tilespmem:v17+s20+$0x0] =	vst.idx.msk $0xffff, v20  }
0x389: {  	v48 =	vor.u32 v8, v3;
	v5 =	vadd.f32 v9, v5;
	v9 =	vld [tilespmem:s11+$0xFFFFFFD0]  }
0x38a: {  	v8 =	vor.u32 v8, v4;
	v7 =	vadd.f32 v11, v7;
	v11 =	vld [tilespmem:s11+$0xFFFFFFE0]  }
0x38b: {  	v5 =	vadd.f32 v12, v5  }
0x38c: {  	v7 =	vadd.f32 v14, v7  }
0x38d: {  	v5 =	vadd.f32 v10, v5  }
0x38e: {  	v7 =	vadd.f32 v16, v7;
	[tilespmem:v48+s20+$0x0] =	vst.idx.msk $0xffff, v9  }
0x38f: {  	v5 =	vadd.f32 v13, v5;
	[tilespmem:v8+s20+$0x0] =	vst.idx.msk $0xffff, v11  }
0x390: {  	v7 =	vadd.f32 v18, v7;
	v8 =	vld [tilespmem:s11+$0xFFFFFFF0]  }
0x391: {  	v6 =	vadd.s32 $0xC00, v6;
	v5 =	vadd.f32 v15, v5;
	v10 =	vld [tilespmem:s11+$0x0]  }
0x392: {  	v3 =	vor.u32 v6, v3;
	v7 =	vadd.f32 v20, v7  }
0x393: {  	v4 =	vor.u32 v6, v4;
	v5 =	vadd.f32 v9, v5  }
0x394: {  	v6 =	vadd.f32 v11, v7  }
0x395: {  	v5 =	vadd.f32 v8, v5  }
0x396: {  	v6 =	vadd.f32 v10, v6  }
0x397: {  	s13 =	sshll.u32 s0, $0x6;
	[tilespmem:v3+s20+$0x0] =	vst.idx.msk $0xffff, v8;
	v3 =	vmul.f32 $1.999999960e-02, v5  }
0x398: {  	s11 =	sand.u32 $0x3FFFFFC0, s13;
	[tilespmem:v4+s20+$0x0] =	vst.idx.msk $0xffff, v10;
	v4 =	vmul.f32 $1.999999960e-02, v6  }
0x399: {  	s1 =	sor.u32 $0x1, s1;
	[tilespmem:s11+$0x1B500] =	vst v3  }
0x39a: {  	s31 =	sand.u32 $0xF, s1;
	[tilespmem:s11+$0x1B510] =	vst v4  }
0x39b: {  	v3 =	vor.u32 s31, v1;
	v5 =	vld [tilespmem:$0xE6C0]  }
0x39c: {  	v4 =	vor.u32 s31, v2;
	v6 =	vld [tilespmem:$0xE6D0];
	_ =	sdelay $0x3  }
0x39d: {  	v10 =	vimm.s32 $0x1;
	[tilespmem:v3+s20+$0x0] =	vst.idx.msk $0xffff, v5  }
0x39e: {  	v7 =	vshll.u32 v10, $0x9;
	s11 =	simm.s32 $0xE7B0;
	[tilespmem:v4+s20+$0x0] =	vst.idx.msk $0xffff, v6  }
0x39f: {  	v9 =	vor.u32 v7, v3;
	v8 =	vld [tilespmem:s11+$0xFFFFFF30]  }
0x3a0: {  	v49 =	vor.u32 v7, v4;
	v11 =	vld [tilespmem:s11+$0xFFFFFF40];
	_ =	sdelay $0x3  }
0x3a1: {  	[tilespmem:v9+s20+$0x0] =	vst.idx.msk $0xffff, v8  }
0x3a2: {  	v9 =	vadd.s32 $0x200, v7;
	[tilespmem:v49+s20+$0x0] =	vst.idx.msk $0xffff, v11  }
0x3a3: {  	v50 =	vor.u32 v9, v3;
	v12 =	vld [tilespmem:s11+$0xFFFFFF50]  }
0x3a4: {  	v9 =	vor.u32 v9, v4;
	v51 =	vld [tilespmem:s11+$0xFFFFFF60];
	_ =	sdelay $0x3  }
0x3a5: {  	[tilespmem:v50+s20+$0x0] =	vst.idx.msk $0xffff, v12  }
0x3a6: {  	v52 =	vadd.s32 $0x400, v7;
	[tilespmem:v9+s20+$0x0] =	vst.idx.msk $0xffff, v51  }
0x3a7: {  	v53 =	vor.u32 v52, v3;
	v9 =	vld [tilespmem:s11+$0xFFFFFF70]  }
0x3a8: {  	v13 =	vor.u32 v52, v4;
	v54 =	vld [tilespmem:s11+$0xFFFFFF80];
	_ =	sdelay $0x3  }
0x3a9: {  	[tilespmem:v53+s20+$0x0] =	vst.idx.msk $0xffff, v9  }
0x3aa: {  	v55 =	vadd.s32 $0x600, v7;
	[tilespmem:v13+s20+$0x0] =	vst.idx.msk $0xffff, v54  }
0x3ab: {  	v56 =	vor.u32 v55, v3;
	v13 =	vld [tilespmem:s11+$0xFFFFFF90]  }
0x3ac: {  	v15 =	vor.u32 v55, v4;
	v57 =	vld [tilespmem:s11+$0xFFFFFFA0];
	_ =	sdelay $0x3  }
0x3ad: {  	[tilespmem:v56+s20+$0x0] =	vst.idx.msk $0xffff, v13  }
0x3ae: {  	v58 =	vadd.s32 $0x800, v7;
	[tilespmem:v15+s20+$0x0] =	vst.idx.msk $0xffff, v57  }
0x3af: {  	v59 =	vor.u32 v58, v3;
	v15 =	vld [tilespmem:s11+$0xFFFFFFB0]  }
0x3b0: {  	v17 =	vor.u32 v58, v4;
	v60 =	vld [tilespmem:s11+$0xFFFFFFC0];
	_ =	sdelay $0x3  }
0x3b1: {  	[tilespmem:v59+s20+$0x0] =	vst.idx.msk $0xffff, v15  }
0x3b2: {  	v61 =	vadd.s32 $0xA00, v7;
	[tilespmem:v17+s20+$0x0] =	vst.idx.msk $0xffff, v60  }
0x3b3: {  	v62 =	vor.u32 v61, v3;
	v5 =	vadd.f32 v8, v5;
	v8 =	vld [tilespmem:s11+$0xFFFFFFD0]  }
0x3b4: {  	v19 =	vor.u32 v61, v4;
	v6 =	vadd.f32 v11, v6;
	v21 =	vld [tilespmem:s11+$0xFFFFFFE0]  }
0x3b5: {  	v5 =	vadd.f32 v12, v5  }
0x3b6: {  	v6 =	vadd.f32 v51, v6  }
0x3b7: {  	v5 =	vadd.f32 v9, v5  }
0x3b8: {  	v6 =	vadd.f32 v54, v6;
	[tilespmem:v62+s20+$0x0] =	vst.idx.msk $0xffff, v8  }
0x3b9: {  	v9 =	vadd.s32 $0xC00, v7;
	v5 =	vadd.f32 v13, v5;
	[tilespmem:v19+s20+$0x0] =	vst.idx.msk $0xffff, v21  }
0x3ba: {  	v63 =	vor.u32 v9, v3;
	v6 =	vadd.f32 v57, v6;
	v11 =	vld [tilespmem:s11+$0xFFFFFFF0]  }
0x3bb: {  	v9 =	vor.u32 v9, v4;
	v5 =	vadd.f32 v15, v5;
	v7 =	vld [tilespmem:s11+$0x0]  }
0x3bc: {  	v6 =	vadd.f32 v60, v6  }
0x3bd: {  	v5 =	vadd.f32 v8, v5  }
0x3be: {  	v8 =	vadd.f32 v21, v6  }
0x3bf: {  	s13 =	simm.s32 $0x7;
	v6 =	vadd.s32 $0x7, v10;
	[tilespmem:v63+s20+$0x0] =	vst.idx.msk $0xffff, v11;
	v5 =	vadd.f32 v11, v5  }
.LBB2_22:
0x3c0: {  	s13 =	sadd.s32 $0x7, s13;
	v10 =	vshll.u32 v6, $0x9;
	[tilespmem:v9+s20+$0x0] =	vst.idx.msk $0xffff, v7;
	v7 =	vadd.f32 v7, v8;
	s11 =	sadd.s32 $0xE0, s11  }
0x3c1: {  	p0 =	slt.u32 s13, $0x2A;
	v8 =	vld [tilespmem:s11+$0xFFFFFF30];
	v9 =	vor.u32 v10, v3;
	v11 =	vadd.s32 $0x200, v10;
	v12 =	vadd.s32 $0x400, v10  }
0x3c2: {  	v14 =	vor.u32 v10, v4;
	v15 =	vadd.s32 $0x600, v10;
	v16 =	vadd.s32 $0x800, v10;
	v13 =	vld [tilespmem:s11+$0xFFFFFF40]  }
0x3c3: {  	v17 =	vadd.s32 $0xA00, v10;
	v10 =	vadd.s32 $0xC00, v10;
	_ =	sdelay $0x2  }
0x3c4: {  	[tilespmem:v9+s20+$0x0] =	vst.idx.msk $0xffff, v8  }
0x3c5: {  	[tilespmem:v14+s20+$0x0] =	vst.idx.msk $0xffff, v13  }
0x3c6: {  	v14 =	vor.u32 v11, v3;
	v9 =	vld [tilespmem:s11+$0xFFFFFF50]  }
0x3c7: {  	v11 =	vor.u32 v11, v4;
	v18 =	vld [tilespmem:s11+$0xFFFFFF60];
	_ =	sdelay $0x3  }
0x3c8: {  	[tilespmem:v14+s20+$0x0] =	vst.idx.msk $0xffff, v9  }
0x3c9: {  	[tilespmem:v11+s20+$0x0] =	vst.idx.msk $0xffff, v18  }
0x3ca: {  	v14 =	vor.u32 v12, v3;
	v11 =	vld [tilespmem:s11+$0xFFFFFF70]  }
0x3cb: {  	v12 =	vor.u32 v12, v4;
	v19 =	vld [tilespmem:s11+$0xFFFFFF80];
	_ =	sdelay $0x3  }
0x3cc: {  	[tilespmem:v14+s20+$0x0] =	vst.idx.msk $0xffff, v11  }
0x3cd: {  	[tilespmem:v12+s20+$0x0] =	vst.idx.msk $0xffff, v19  }
0x3ce: {  	v14 =	vor.u32 v15, v3;
	v12 =	vld [tilespmem:s11+$0xFFFFFF90]  }
0x3cf: {  	v15 =	vor.u32 v15, v4;
	v20 =	vld [tilespmem:s11+$0xFFFFFFA0];
	_ =	sdelay $0x3  }
0x3d0: {  	[tilespmem:v14+s20+$0x0] =	vst.idx.msk $0xffff, v12  }
0x3d1: {  	[tilespmem:v15+s20+$0x0] =	vst.idx.msk $0xffff, v20  }
0x3d2: {  	v15 =	vor.u32 v16, v3;
	v14 =	vld [tilespmem:s11+$0xFFFFFFB0]  }
0x3d3: {  	v16 =	vor.u32 v16, v4;
	v21 =	vld [tilespmem:s11+$0xFFFFFFC0];
	_ =	sdelay $0x3  }
0x3d4: {  	[tilespmem:v15+s20+$0x0] =	vst.idx.msk $0xffff, v14  }
0x3d5: {  	[tilespmem:v16+s20+$0x0] =	vst.idx.msk $0xffff, v21  }
0x3d6: {  	v5 =	vadd.f32 v8, v5;
	v15 =	vor.u32 v17, v3;
	v8 =	vld [tilespmem:s11+$0xFFFFFFD0]  }
0x3d7: {  	v7 =	vadd.f32 v13, v7;
	v16 =	vor.u32 v17, v4;
	v13 =	vld [tilespmem:s11+$0xFFFFFFE0]  }
0x3d8: {  	v5 =	vadd.f32 v9, v5  }
0x3d9: {  	v7 =	vadd.f32 v18, v7  }
0x3da: {  	v5 =	vadd.f32 v11, v5  }
0x3db: {  	v7 =	vadd.f32 v19, v7;
	[tilespmem:v15+s20+$0x0] =	vst.idx.msk $0xffff, v8  }
0x3dc: {  	v5 =	vadd.f32 v12, v5;
	[tilespmem:v16+s20+$0x0] =	vst.idx.msk $0xffff, v13  }
0x3dd: {  	v11 =	vadd.f32 v20, v7;
	v15 =	vor.u32 v10, v3;
	v12 =	vld [tilespmem:s11+$0xFFFFFFF0]  }
.Ltmp9:
0x3de: {  	v9 =	vor.u32 v10, v4;
	v5 =	vadd.f32 v14, v5;
	v7 =	vld [tilespmem:s11+$0x0];
	(pc) =	sbr.rel @p0 .LBB2_22-.Ltmp9, $4  }
0x3df: {  	v10 =	vadd.f32 v21, v11  }
0x3e0: {  	v5 =	vadd.f32 v8, v5  }
0x3e1: {  	v8 =	vadd.f32 v13, v10  }
0x3e2: {  	v6 =	vadd.s32 $0x7, v6;
	[tilespmem:v15+s20+$0x0] =	vst.idx.msk $0xffff, v12;
	v5 =	vadd.f32 v12, v5  }
0x3e3: {  	_ =	sdelay $0x3  }
0x3e4: {  	v6 =	vshll.u32 v6, $0x9;
	[tilespmem:v9+s20+$0x0] =	vst.idx.msk $0xffff, v7;
	s11 =	sadd.s32 $0xE0, s11  }
0x3e5: {  	v9 =	vld [tilespmem:s11+$0xFFFFFF30];
	v10 =	vor.u32 v6, v3  }
0x3e6: {  	v11 =	vld [tilespmem:s11+$0xFFFFFF40];
	v12 =	vor.u32 v6, v4;
	_ =	sdelay $0x3  }
0x3e7: {  	[tilespmem:v10+s20+$0x0] =	vst.idx.msk $0xffff, v9  }
0x3e8: {  	v51 =	vadd.s32 $0x200, v6;
	[tilespmem:v12+s20+$0x0] =	vst.idx.msk $0xffff, v11  }
0x3e9: {  	v13 =	vor.u32 v51, v3;
	v12 =	vld [tilespmem:s11+$0xFFFFFF50]  }
0x3ea: {  	v10 =	vor.u32 v51, v4;
	v14 =	vld [tilespmem:s11+$0xFFFFFF60];
	_ =	sdelay $0x3  }
0x3eb: {  	[tilespmem:v13+s20+$0x0] =	vst.idx.msk $0xffff, v12  }
0x3ec: {  	v52 =	vadd.s32 $0x400, v6;
	[tilespmem:v10+s20+$0x0] =	vst.idx.msk $0xffff, v14  }
0x3ed: {  	v15 =	vor.u32 v52, v3;
	v10 =	vld [tilespmem:s11+$0xFFFFFF70]  }
0x3ee: {  	v13 =	vor.u32 v52, v4;
	v16 =	vld [tilespmem:s11+$0xFFFFFF80];
	_ =	sdelay $0x3  }
0x3ef: {  	[tilespmem:v15+s20+$0x0] =	vst.idx.msk $0xffff, v10  }
0x3f0: {  	v53 =	vadd.s32 $0x600, v6;
	[tilespmem:v13+s20+$0x0] =	vst.idx.msk $0xffff, v16  }
0x3f1: {  	v17 =	vor.u32 v53, v3;
	v13 =	vld [tilespmem:s11+$0xFFFFFF90]  }
0x3f2: {  	v15 =	vor.u32 v53, v4;
	v18 =	vld [tilespmem:s11+$0xFFFFFFA0];
	_ =	sdelay $0x3  }
0x3f3: {  	[tilespmem:v17+s20+$0x0] =	vst.idx.msk $0xffff, v13  }
0x3f4: {  	v54 =	vadd.s32 $0x800, v6;
	[tilespmem:v15+s20+$0x0] =	vst.idx.msk $0xffff, v18  }
0x3f5: {  	v19 =	vor.u32 v54, v3;
	v15 =	vld [tilespmem:s11+$0xFFFFFFB0]  }
0x3f6: {  	v17 =	vor.u32 v54, v4;
	v20 =	vld [tilespmem:s11+$0xFFFFFFC0];
	_ =	sdelay $0x3  }
0x3f7: {  	[tilespmem:v19+s20+$0x0] =	vst.idx.msk $0xffff, v15  }
0x3f8: {  	v55 =	vadd.f32 v7, v8;
	v56 =	vadd.s32 $0xA00, v6;
	[tilespmem:v17+s20+$0x0] =	vst.idx.msk $0xffff, v20  }
0x3f9: {  	v58 =	vor.u32 v56, v3;
	v5 =	vadd.f32 v9, v5;
	v57 =	vld [tilespmem:s11+$0xFFFFFFD0]  }
0x3fa: {  	v8 =	vor.u32 v56, v4;
	v7 =	vadd.f32 v11, v55;
	v59 =	vld [tilespmem:s11+$0xFFFFFFE0]  }
0x3fb: {  	v5 =	vadd.f32 v12, v5  }
0x3fc: {  	v7 =	vadd.f32 v14, v7  }
0x3fd: {  	v5 =	vadd.f32 v10, v5  }
0x3fe: {  	v7 =	vadd.f32 v16, v7;
	[tilespmem:v58+s20+$0x0] =	vst.idx.msk $0xffff, v57  }
0x3ff: {  	v5 =	vadd.f32 v13, v5;
	[tilespmem:v8+s20+$0x0] =	vst.idx.msk $0xffff, v59  }
0x400: {  	v7 =	vadd.f32 v18, v7;
	v8 =	vld [tilespmem:s11+$0xFFFFFFF0]  }
0x401: {  	v6 =	vadd.s32 $0xC00, v6;
	v5 =	vadd.f32 v15, v5;
	v60 =	vld [tilespmem:s11+$0x0]  }
0x402: {  	v3 =	vor.u32 v6, v3;
	v7 =	vadd.f32 v20, v7  }
0x403: {  	v61 =	vor.u32 v6, v4;
	v5 =	vadd.f32 v57, v5  }
0x404: {  	v62 =	vadd.f32 v59, v7  }
0x405: {  	v5 =	vadd.f32 v8, v5  }
0x406: {  	p0 =	sgt.u32 s0, $0xFD;
	v6 =	vadd.f32 v60, v62  }
0x407: {  	s1 =	sshll.u32 s1, $0x7;
	s0 =	smul.u32 @!p0 $0x1C0, s0;
	[tilespmem:v3+s20+$0x0] =	vst.idx.msk $0xffff, v8;
	v3 =	vmul.f32 $1.999999960e-02, v5  }
0x408: {  	s1 =	sshra.s32 s1, $0x2;
	[tilespmem:v61+s20+$0x0] =	vst.idx.msk $0xffff, v60;
	v63 =	vmul.f32 $1.999999960e-02, v6  }
0x409: {  	s30 =	sadd.s32 $0x1, s30;
	s0 =	sshra.s32 @!p0 s0, $0x2;
	[tilespmem:s1+$0x1B500] =	vst v3  }
0x40a: {  	s0 =	sadd.s32 @!p0 $0x64E0, s0;
	s11 =	simm.s32 @!p0 $0xE080;
	[tilespmem:s1+$0x1B510] =	vst v63;
	s1 =	simm.s32 @!p0 $0x64  }
0x40b: {  	[tilespmem:s11], [sflag:$0x2] =	stream.indirect.gather @!p0 [hbm4b:s3+s1], $0x20, s0, s1, $0xb8;
	[tilespmem:$0x1F500] =	vst v63  }
0x40c: {  	p0 =	sne.s32 s30, $0x4  }
.Ltmp10:
0x40d: {  	_ = 	snop;
	(pc) =	sbr.rel @p0 .LBB2_15-.Ltmp10, $1  }
0x40e: {  	_ =	sdelay $0x3  }
0x40f: {  	s25 =	sadd.s32 $0x1, s25  }
0x410: {  	p0 =	sne.s32 s25, $0x10  }
.Ltmp11:
0x411: {  	s0 =	sadd.s32 s6, s26;
	(pc) =	sbr.rel @p0 .LBB2_4-.Ltmp11, $4  }
0x412: {  	s0 =	sshll.u32 s0, $0x1  }
0x413: {  	s0 =	sand.u32 $0x1FFFFFFE, s0  }
0x414: {  	s0 =	sadd.s32 s4, s0  }
0x415: {  	[hbm4b:s0+s18] =	stream.strided.scatter [tilespmem:s20], [sflag:$0x4], $0x6400, s19, s18, $0x38;
	[tilespmem:$0x1F500] =	vst v63  }
0x416: {  	_ =	swait.ge [sflag:s21], $0x6400  }
0x417: {  	[sflag:s21] =	ssyncset.done $0x0  }
0x418: {  	[sflag:s21] =	ssyncadd.s32 $0xFFFF9C00  }
0x419: {  	s24 =	sadd.s32 $0x1, s24;
	_ =	swait.ge [sflag:s22], $0x6400  }
0x41a: {  	p0 =	sne.s32 s24, s8;
	[sflag:s22] =	ssyncset.done $0x0  }
.Ltmp12:
0x41b: {  	[sflag:s22] =	ssyncadd.s32 $0xFFFF9C00;
	(pc) =	sbr.rel @p0 .LBB2_1-.Ltmp12, $4  }
0x41c: {  	[hbm4b:s7+s2] =	stream.linear.scatter [tilespmem:s23], [sflag:$0x5], $0x4000, $0x38;
	[tilespmem:$0x1F500] =	vst v63  }
0x41d: {  	_ =	swait.ge [sflag:s9], $0x4000  }
0x41e: {  	[sflag:s9] =	ssyncset.done $0x0  }
0x41f: {  	[sflag:s9] =	ssyncadd.s32 $0xFFFFC000  }
0x420: {  	_ =	sfence.sel $0x180000  }
0x421: {  	[bflag:$0x0] =	sbarrier.arrive $0xFFFF  }
0x422: {  	_ =	strace $0x90000047  }
0x423: {  	s0 =	stileid.u32;
	[bflag:$0x2] =	sbarrier.arrive $0xFFFF  }
0x424: {  	p0 =	sne.s32 s0, $0x0;
	s0 =	rddreg [dreg:$0x3]  }
0x425: {  	s0 =	sadd.s32 @!p0 $0x100000, s0  }
0x426: {  	[sflag:s0] =	ssyncadd.tile.s32 @!p0 $0x1;
	_ =	shalt  }
.Lfunc_end2:
_tile_overlayer_lowered:
.L_overlay_start_2:
0x427: {  	(tag) =	ssettag $0x2  }
0x428: {  	s0 =	rddreg [dreg:$0x0];
	s2 =	stileid.u32  }
0x429: {  	s1 =	rddreg [dreg:$0x1];
	p0 =	sne.s32 s2, $0x0  }
0x42a: {  	s3 =	rddreg [dreg:$0x2];
	[bflag:$0x3] =	sbarrier.arrive $0xFFFF;
	s2 =	simm.s32 @!p0 $0x1C05  }
0x42b: {  	[timem:s3], [sflag:s2] =	dma.local @!p0 [hbm:s0], s1  }
0x42c: {  	s0 =	simm.s32 @!p0 $0x5  }
0x42d: {  	_ =	swait.ge @!p0 [sflag:s0], s1  }
0x42e: {  	s1 =	ssub.s32 @!p0 $0x0, s1;
	[sflag:s0] =	ssyncset.done @!p0 $0x0  }
0x42f: {  	[sflag:s0] =	ssyncadd.s32 @!p0 s1  }
0x430: {  	[bflag:$0x3] =	sbarrier.arrive $0xFFFF  }
0x431: {  	_ =	shalt  }

</sc_bundles>
